<compile_context>
chip_gen: v7x
topology: tpu7x:2x2x1
jax: 0.10.2.dev20260603
libtpu: 0.0.44.dev20260713+nightly
codegen_flags: <defaults>
</compile_context>

<pallas_src>
import jax
import jax.numpy as jnp
from jax import lax
from jax.experimental import pallas as pl
from jax.experimental.pallas import tpu as pltpu
from jax.experimental.pallas import tpu_sc as plsc

_NC = 2
_NS = 16
_NW = _NC * _NS

_V = 1_000_000
_B = 16384 * 200
_D = 16
_CHUNK = 1024
_TPC = _CHUNK // 128 * 8
_NPH = 2
_BPW = _B // _NW
_BPP = _BPW // _NPH
_NCH = _BPP // _CHUNK


def _gather_body(table_hbm, idx_hbm, out_hbm,
                 ibuf, rows0, rows1, t0, t1,
                 gsem0, gsem1, wsem0, wsem1):
    row_bufs = (rows0, rows1)
    t_bufs = (t0, t1)
    gsems = (gsem0, gsem1)
    wsems = (wsem0, wsem1)
    wid = lax.axis_index("s") * _NC + lax.axis_index("c")
    base = wid * _BPW

    j16 = lax.iota(jnp.int32, 16)
    jrow_pat = (j16 >> 3) * _TPC + (j16 & 7)

    def start_gather(s, k):
        half = _CHUNK // 2
        for h in range(2):
            pltpu.async_copy(
                table_hbm.at[ibuf.at[pl.ds(k * _CHUNK + h * half, half)]],
                row_bufs[s].at[pl.ds(h * half, half), :], gsems[s])

    def wait_gather(s):
        half = _CHUNK // 2
        for h in range(2):
            pltpu.make_async_copy(
                table_hbm.at[pl.ds(0, half)],
                row_bufs[s].at[pl.ds(h * half, half), :], gsems[s]).wait()

    def wait_wb(s):
        for h in range(2):
            pltpu.make_async_copy(
                out_hbm.at[pl.ds(0, _TPC), :],
                t_bufs[s].at[pl.ds(h * _TPC, _TPC), :], wsems[s]).wait()

    @pl.loop(0, _NPH)
    def _phase(ph):
        pbase = base + ph * _BPP
        pltpu.sync_copy(idx_hbm.at[pl.ds(pbase, _BPP)], ibuf)
        start_gather(0, 0)
        start_gather(1, 1)

        @pl.loop(0, _NCH, step=2)
        def _pair(k0):
            for s in range(2):
                k = k0 + s
                wait_gather(s)

                @pl.when(k0 + s >= 2)
                def _():
                    wait_wb(s)

                rows = row_bufs[s]
                tbuf = t_bufs[s]

                @pl.loop(0, _CHUNK // 128)
                def _bt(bt):
                    rowvec = jrow_pat + bt * 8
                    for c0 in range(0, 128, 8):
                        vs = [rows[bt * 128 + c0 + i, :] for i in range(8)]
                        for i in range(8):
                            plsc.store_scatter(
                                tbuf,
                                [rowvec, jnp.full((16,), c0 + i, jnp.int32)],
                                vs[i])

                off = pbase + k * _CHUNK
                q0 = off // 128 * 8
                pltpu.async_copy(tbuf.at[pl.ds(0, _TPC), :],
                                 out_hbm.at[pl.ds(q0, _TPC), :], wsems[s])
                pltpu.async_copy(
                    tbuf.at[pl.ds(_TPC, _TPC), :],
                    out_hbm.at[pl.ds(_B // 128 * 8 + q0, _TPC), :], wsems[s])

                @pl.when(k + 2 < _NCH)
                def _():
                    start_gather(s, k + 2)

        wait_wb(0)
        wait_wb(1)


@jax.jit
def _gather(weights2d, idx):
    mesh = plsc.VectorSubcoreMesh(core_axis_name="c", subcore_axis_name="s")
    f = pl.kernel(
        _gather_body,
        out_type=jax.ShapeDtypeStruct((_B * _D // 128, 128), jnp.float32),
        mesh=mesh,
        scratch_types=[
            pltpu.VMEM((_BPP,), jnp.int32),
            pltpu.VMEM((_CHUNK, _D), jnp.float32),
            pltpu.VMEM((_CHUNK, _D), jnp.float32),
            pltpu.VMEM((2 * _TPC, 128), jnp.float32),
            pltpu.VMEM((2 * _TPC, 128), jnp.float32),
            pltpu.SemaphoreType.DMA,
            pltpu.SemaphoreType.DMA,
            pltpu.SemaphoreType.DMA,
            pltpu.SemaphoreType.DMA,
        ],
        compiler_params=pltpu.CompilerParams(
            use_tc_tiling_on_sc=False, needs_layout_passes=False),
    )
    return f(weights2d, idx)


def kernel(x, weights):
    idx = x[:, 2:].astype(jnp.int32).reshape(-1)
    out = _gather(weights, idx)
    mean = (out.reshape(2, _B // 128, 8, 128)
            .transpose(1, 3, 0, 2)
            .reshape(_B, _D))
    sigma = jnp.array([1.0], dtype=jnp.float32)
    return (mean, sigma)

# --- scband reference (transcript-rebuilt; emitter-appended) ---
"""Pipeline reference for scband-trjectory-42228118454319 (READ-ONLY COPY).

The authoritative reference and input builder live on the scoring server;
editing this copy changes nothing except your own understanding.
"""

import jax, jax.numpy as jnp
import numpy as np

N_ACTIONS = 1000000
ACTION_SPACE = 16
START_VALUES = 0.5
BATCH = 16384
COLS = 202  # 2 prefix columns + 200 index columns


def setup_inputs(seed: int = 0) -> dict:
    key = jax.random.key(seed)
    k1, _ = jax.random.split(key)
    # x is a float tensor whose columns [2:] hold integer-valued action ids
    x = jax.random.randint(k1, (BATCH, COLS), 0, N_ACTIONS, dtype=jnp.int32).astype(jnp.float32)
    # learned parameter: weights = ones(n_actions, action_space) * start_values
    weights = jnp.ones((N_ACTIONS, ACTION_SPACE), dtype=jnp.float32) * START_VALUES
    return {"x": x, "weights": weights}


def reference(x, weights):
    # t = x[:, 2:].type(long).flatten()
    t = x[:, 2:].astype(jnp.int32).flatten()
    # mean = self.weights[t, :]  -> embedding-style row gather
    mean = jnp.take(weights, t, axis=0)
    sigma = jnp.array([1.0], dtype=jnp.float32)
    return (mean, sigma)

if __name__ == "__main__":
    import jax
    _d = setup_inputs()
    print(jax.jit(kernel)(*tuple(_d.values())))

</pallas_src>

<mosaic_0001>
#map = affine_map<(d0, d1) -> (0, 0)>
#map1 = affine_map<(d0, d1) -> (0)>
module attributes {stable_mosaic.version = 14 : i64} {
  func.func @_gather_body(%arg0: i32, %arg1: i32, %arg2: memref<1000000x16xf32, #tpu.memory_space<hbm>>, %arg3: memref<3276800xi32, #tpu.memory_space<hbm>>, %arg4: memref<409600x128xf32, #tpu.memory_space<hbm>>, %arg5: memref<51200xi32, #tpu.memory_space<vmem>>, %arg6: memref<1024x16xf32, #tpu.memory_space<vmem>>, %arg7: memref<1024x16xf32, #tpu.memory_space<vmem>>, %arg8: memref<128x128xf32, #tpu.memory_space<vmem>>, %arg9: memref<128x128xf32, #tpu.memory_space<vmem>>, %arg10: memref<!tpu.dma_semaphore, #tpu.memory_space<semaphore_mem>>, %arg11: memref<!tpu.dma_semaphore, #tpu.memory_space<semaphore_mem>>, %arg12: memref<!tpu.dma_semaphore, #tpu.memory_space<semaphore_mem>>, %arg13: memref<!tpu.dma_semaphore, #tpu.memory_space<semaphore_mem>>) attributes {dimension_semantics = [#tpu.dimension_semantics<core_parallel>, #tpu.dimension_semantics<subcore_parallel>], iteration_bounds = array<i64: 2, 16>, scalar_prefetch = 0 : i64, scratch_operands = 9 : i64, tpu.core_type = #tpu.core_type<sc_vector_subcore>, window_params = [{transform_indices = #map}, {transform_indices = #map1}, {transform_indices = #map}]} {
    %mul3A = arith.constant 2 : i32
    %mul3A_0 = arith.muli %arg1, %mul3A : i32
    %add3A = arith.addi %mul3A_0, %arg0 : i32
    %mul3A_1 = arith.constant 102400 : i32
    %mul3A_2 = arith.muli %add3A, %mul3A_1 : i32
    %iota3A = tpu.iota {dimensions = array<i32: 0>} : vector<16xi32>
    %shift_right_arithmetic3A = arith.constant 3 : i32
    %shift_right_arithmetic3A_3 = vector.broadcast %shift_right_arithmetic3A : i32 to vector<16xi32>
    %shift_right_arithmetic3A_4 = arith.shrsi %iota3A, %shift_right_arithmetic3A_3 : vector<16xi32>
    %mul3A_5 = arith.constant 64 : i32
    %mul3A_6 = vector.broadcast %mul3A_5 : i32 to vector<16xi32>
    %mul3A_7 = arith.muli %shift_right_arithmetic3A_4, %mul3A_6 : vector<16xi32>
    %and3A = arith.constant 7 : i32
    %and3A_8 = vector.broadcast %and3A : i32 to vector<16xi32>
    %and3A_9 = arith.andi %iota3A, %and3A_8 : vector<16xi32>
    %add3A_10 = arith.addi %mul3A_7, %and3A_9 : vector<16xi32>
    %scan3A = arith.constant 0 : i32
    %scan3A_11 = arith.constant 2 : i32
    %scan3A_12 = arith.addi %scan3A, %scan3A_11 : i32
    %scan3A_13 = arith.constant 1 : i32
    scf.for %scan3A_15 = %scan3A to %scan3A_12 step %scan3A_13  : i32 {
      %mul3A_16 = arith.constant 1 : i32
      %mul3A_17 = arith.muli %scan3A_15, %mul3A_16 : i32
      %add3A_18 = arith.constant 0 : i32
      %add3A_19 = arith.addi %add3A_18, %mul3A_17 : i32
      %mul3A_20 = arith.constant 51200 : i32
      %mul3A_21 = arith.muli %add3A_19, %mul3A_20 : i32
      %add3A_22 = arith.addi %mul3A_2, %mul3A_21 : i32
      "tpu.region"() ({
        %run_scoped3A = tpu.sem_alloc : memref<!tpu.dma_semaphore, #tpu.memory_space<semaphore_mem>>
        %dma_start3A_106 = tpu.memref_slice %arg3[%add3A_22] : memref<3276800xi32, #tpu.memory_space<hbm>> -> memref<51200xi32, #tpu.memory_space<hbm>>
        %dma_start3A_107 = tpu.memref_slice %arg3[%add3A_22] : memref<3276800xi32, #tpu.memory_space<hbm>> -> memref<51200xi32, #tpu.memory_space<hbm>>
        tpu.enqueue_dma source(%dma_start3A_107 : memref<51200xi32, #tpu.memory_space<hbm>>) target(%arg5 : memref<51200xi32, #tpu.memory_space<vmem>>) target_semaphore(%run_scoped3A : memref<!tpu.dma_semaphore, #tpu.memory_space<semaphore_mem>>)
        %dma_wait3A_108 = tpu.memref_slice %arg3[%add3A_22] : memref<3276800xi32, #tpu.memory_space<hbm>> -> memref<51200xi32, #tpu.memory_space<hbm>>
        %dma_wait3A_109 = tpu.memref_slice %arg3[%add3A_22] : memref<3276800xi32, #tpu.memory_space<hbm>> -> memref<51200xi32, #tpu.memory_space<hbm>>
        tpu.wait_dma2 semaphore(%run_scoped3A : memref<!tpu.dma_semaphore, #tpu.memory_space<semaphore_mem>>) src(%dma_wait3A_109 : memref<51200xi32, #tpu.memory_space<hbm>>) dst(%arg5 : memref<51200xi32, #tpu.memory_space<vmem>>)
        tpu.yield
      }) : () -> ()
      %dma_start3A = arith.constant 0 : i32
      %dma_start3A_23 = arith.constant 0 : i32
      %dma_start3A_24 = tpu.memref_slice %arg6[%dma_start3A, %dma_start3A_23] : memref<1024x16xf32, #tpu.memory_space<vmem>> -> memref<512x16xf32, #tpu.memory_space<vmem>>
      %dma_start3A_25 = arith.constant 0 : i32
      %dma_start3A_26 = tpu.memref_slice %arg5[%dma_start3A_25] : memref<51200xi32, #tpu.memory_space<vmem>> -> memref<512xi32, #tpu.memory_space<vmem>>
      %dma_start3A_27 = arith.constant 0 : i32
      %dma_start3A_28 = arith.constant 0 : i32
      %dma_start3A_29 = tpu.memref_slice %arg2[%dma_start3A_27, %dma_start3A_28] : memref<1000000x16xf32, #tpu.memory_space<hbm>> -> memref<1000000x16xf32, #tpu.memory_space<hbm>>
      tpu.enqueue_indirect_dma source(%dma_start3A_29 : memref<1000000x16xf32, #tpu.memory_space<hbm>>) target(%dma_start3A_24 : memref<512x16xf32, #tpu.memory_space<vmem>>) offsets(%dma_start3A_26 : memref<512xi32, #tpu.memory_space<vmem>>) semaphore(%arg10 : memref<!tpu.dma_semaphore, #tpu.memory_space<semaphore_mem>>)
      %dma_start3A_30 = arith.constant 512 : i32
      %dma_start3A_31 = arith.constant 0 : i32
      %dma_start3A_32 = tpu.memref_slice %arg6[%dma_start3A_30, %dma_start3A_31] : memref<1024x16xf32, #tpu.memory_space<vmem>> -> memref<512x16xf32, #tpu.memory_space<vmem>>
      %dma_start3A_33 = arith.constant 512 : i32
      %dma_start3A_34 = tpu.memref_slice %arg5[%dma_start3A_33] : memref<51200xi32, #tpu.memory_space<vmem>> -> memref<512xi32, #tpu.memory_space<vmem>>
      %dma_start3A_35 = arith.constant 0 : i32
      %dma_start3A_36 = arith.constant 0 : i32
      %dma_start3A_37 = tpu.memref_slice %arg2[%dma_start3A_35, %dma_start3A_36] : memref<1000000x16xf32, #tpu.memory_space<hbm>> -> memref<1000000x16xf32, #tpu.memory_space<hbm>>
      tpu.enqueue_indirect_dma source(%dma_start3A_37 : memref<1000000x16xf32, #tpu.memory_space<hbm>>) target(%dma_start3A_32 : memref<512x16xf32, #tpu.memory_space<vmem>>) offsets(%dma_start3A_34 : memref<512xi32, #tpu.memory_space<vmem>>) semaphore(%arg10 : memref<!tpu.dma_semaphore, #tpu.memory_space<semaphore_mem>>)
      %dma_start3A_38 = arith.constant 0 : i32
      %dma_start3A_39 = arith.constant 0 : i32
      %dma_start3A_40 = tpu.memref_slice %arg7[%dma_start3A_38, %dma_start3A_39] : memref<1024x16xf32, #tpu.memory_space<vmem>> -> memref<512x16xf32, #tpu.memory_space<vmem>>
      %dma_start3A_41 = arith.constant 1024 : i32
      %dma_start3A_42 = tpu.memref_slice %arg5[%dma_start3A_41] : memref<51200xi32, #tpu.memory_space<vmem>> -> memref<512xi32, #tpu.memory_space<vmem>>
      %dma_start3A_43 = arith.constant 0 : i32
      %dma_start3A_44 = arith.constant 0 : i32
      %dma_start3A_45 = tpu.memref_slice %arg2[%dma_start3A_43, %dma_start3A_44] : memref<1000000x16xf32, #tpu.memory_space<hbm>> -> memref<1000000x16xf32, #tpu.memory_space<hbm>>
      tpu.enqueue_indirect_dma source(%dma_start3A_45 : memref<1000000x16xf32, #tpu.memory_space<hbm>>) target(%dma_start3A_40 : memref<512x16xf32, #tpu.memory_space<vmem>>) offsets(%dma_start3A_42 : memref<512xi32, #tpu.memory_space<vmem>>) semaphore(%arg11 : memref<!tpu.dma_semaphore, #tpu.memory_space<semaphore_mem>>)
      %dma_start3A_46 = arith.constant 512 : i32
      %dma_start3A_47 = arith.constant 0 : i32
      %dma_start3A_48 = tpu.memref_slice %arg7[%dma_start3A_46, %dma_start3A_47] : memref<1024x16xf32, #tpu.memory_space<vmem>> -> memref<512x16xf32, #tpu.memory_space<vmem>>
      %dma_start3A_49 = arith.constant 1536 : i32
      %dma_start3A_50 = tpu.memref_slice %arg5[%dma_start3A_49] : memref<51200xi32, #tpu.memory_space<vmem>> -> memref<512xi32, #tpu.memory_space<vmem>>
      %dma_start3A_51 = arith.constant 0 : i32
      %dma_start3A_52 = arith.constant 0 : i32
      %dma_start3A_53 = tpu.memref_slice %arg2[%dma_start3A_51, %dma_start3A_52] : memref<1000000x16xf32, #tpu.memory_space<hbm>> -> memref<1000000x16xf32, #tpu.memory_space<hbm>>
      tpu.enqueue_indirect_dma source(%dma_start3A_53 : memref<1000000x16xf32, #tpu.memory_space<hbm>>) target(%dma_start3A_48 : memref<512x16xf32, #tpu.memory_space<vmem>>) offsets(%dma_start3A_50 : memref<512xi32, #tpu.memory_space<vmem>>) semaphore(%arg11 : memref<!tpu.dma_semaphore, #tpu.memory_space<semaphore_mem>>)
      %scan3A_54 = arith.constant 0 : i32
      %scan3A_55 = arith.constant 25 : i32
      %scan3A_56 = arith.addi %scan3A_54, %scan3A_55 : i32
      %scan3A_57 = arith.constant 1 : i32
      scf.for %scan3A_106 = %scan3A_54 to %scan3A_56 step %scan3A_57  : i32 {
        %mul3A_107 = arith.constant 2 : i32
        %mul3A_108 = arith.muli %scan3A_106, %mul3A_107 : i32
        %add3A_109 = arith.constant 0 : i32
        %add3A_110 = arith.addi %add3A_109, %mul3A_108 : i32
        %add3A_111 = arith.constant 0 : i32
        %add3A_112 = arith.addi %add3A_110, %add3A_111 : i32
        %dma_wait3A_113 = arith.constant 0 : i32
        %dma_wait3A_114 = arith.constant 0 : i32
        %dma_wait3A_115 = tpu.memref_slice %arg6[%dma_wait3A_113, %dma_wait3A_114] : memref<1024x16xf32, #tpu.memory_space<vmem>> -> memref<512x16xf32, #tpu.memory_space<vmem>>
        %dma_wait3A_116 = arith.constant 0 : i32
        %dma_wait3A_117 = arith.constant 0 : i32
        %dma_wait3A_118 = tpu.memref_slice %arg2[%dma_wait3A_116, %dma_wait3A_117] : memref<1000000x16xf32, #tpu.memory_space<hbm>> -> memref<512x16xf32, #tpu.memory_space<hbm>>
        %dma_wait3A_119 = arith.constant 0 : i32
        %dma_wait3A_120 = arith.constant 0 : i32
        %dma_wait3A_121 = tpu.memref_slice %arg6[%dma_wait3A_119, %dma_wait3A_120] : memref<1024x16xf32, #tpu.memory_space<vmem>> -> memref<512x16xf32, #tpu.memory_space<vmem>>
        %dma_wait3A_122 = arith.constant 0 : i32
        %dma_wait3A_123 = arith.constant 0 : i32
        %dma_wait3A_124 = tpu.memref_slice %arg2[%dma_wait3A_122, %dma_wait3A_123] : memref<1000000x16xf32, #tpu.memory_space<hbm>> -> memref<512x16xf32, #tpu.memory_space<hbm>>
        tpu.wait_dma2 semaphore(%arg10 : memref<!tpu.dma_semaphore, #tpu.memory_space<semaphore_mem>>) src(%dma_wait3A_124 : memref<512x16xf32, #tpu.memory_space<hbm>>) dst(%dma_wait3A_121 : memref<512x16xf32, #tpu.memory_space<vmem>>)
        %dma_wait3A_125 = arith.constant 512 : i32
        %dma_wait3A_126 = arith.constant 0 : i32
        %dma_wait3A_127 = tpu.memref_slice %arg6[%dma_wait3A_125, %dma_wait3A_126] : memref<1024x16xf32, #tpu.memory_space<vmem>> -> memref<512x16xf32, #tpu.memory_space<vmem>>
        %dma_wait3A_128 = arith.constant 0 : i32
        %dma_wait3A_129 = arith.constant 0 : i32
        %dma_wait3A_130 = tpu.memref_slice %arg2[%dma_wait3A_128, %dma_wait3A_129] : memref<1000000x16xf32, #tpu.memory_space<hbm>> -> memref<512x16xf32, #tpu.memory_space<hbm>>
        %dma_wait3A_131 = arith.constant 512 : i32
        %dma_wait3A_132 = arith.constant 0 : i32
        %dma_wait3A_133 = tpu.memref_slice %arg6[%dma_wait3A_131, %dma_wait3A_132] : memref<1024x16xf32, #tpu.memory_space<vmem>> -> memref<512x16xf32, #tpu.memory_space<vmem>>
        %dma_wait3A_134 = arith.constant 0 : i32
        %dma_wait3A_135 = arith.constant 0 : i32
        %dma_wait3A_136 = tpu.memref_slice %arg2[%dma_wait3A_134, %dma_wait3A_135] : memref<1000000x16xf32, #tpu.memory_space<hbm>> -> memref<512x16xf32, #tpu.memory_space<hbm>>
        tpu.wait_dma2 semaphore(%arg10 : memref<!tpu.dma_semaphore, #tpu.memory_space<semaphore_mem>>) src(%dma_wait3A_136 : memref<512x16xf32, #tpu.memory_space<hbm>>) dst(%dma_wait3A_133 : memref<512x16xf32, #tpu.memory_space<vmem>>)
        %add3A_137 = arith.constant 0 : i32
        %add3A_138 = arith.addi %add3A_110, %add3A_137 : i32
        %ge3A = arith.constant 2 : i32
        %ge3A_139 = arith.cmpi sge, %add3A_138, %ge3A : i32
        %convert_element_type3A = arith.extui %ge3A_139 : i1 to i32
        %cond3A = arith.constant 0 : i32
        %cond3A_140 = arith.cmpi ne, %convert_element_type3A, %cond3A : i32
        scf.if %cond3A_140 {
          %dma_wait3A_292 = arith.constant 0 : i32
          %dma_wait3A_293 = arith.constant 0 : i32
          %dma_wait3A_294 = tpu.memref_slice %arg8[%dma_wait3A_292, %dma_wait3A_293] : memref<128x128xf32, #tpu.memory_space<vmem>> -> memref<64x128xf32, #tpu.memory_space<vmem>>
          %dma_wait3A_295 = arith.constant 0 : i32
          %dma_wait3A_296 = arith.constant 0 : i32
          %dma_wait3A_297 = tpu.memref_slice %arg4[%dma_wait3A_295, %dma_wait3A_296] : memref<409600x128xf32, #tpu.memory_space<hbm>> -> memref<64x128xf32, #tpu.memory_space<hbm>>
          %dma_wait3A_298 = arith.constant 0 : i32
          %dma_wait3A_299 = arith.constant 0 : i32
          %dma_wait3A_300 = tpu.memref_slice %arg8[%dma_wait3A_298, %dma_wait3A_299] : memref<128x128xf32, #tpu.memory_space<vmem>> -> memref<64x128xf32, #tpu.memory_space<vmem>>
          %dma_wait3A_301 = arith.constant 0 : i32
          %dma_wait3A_302 = arith.constant 0 : i32
          %dma_wait3A_303 = tpu.memref_slice %arg4[%dma_wait3A_301, %dma_wait3A_302] : memref<409600x128xf32, #tpu.memory_space<hbm>> -> memref<64x128xf32, #tpu.memory_space<hbm>>
          tpu.wait_dma2 semaphore(%arg12 : memref<!tpu.dma_semaphore, #tpu.memory_space<semaphore_mem>>) src(%dma_wait3A_303 : memref<64x128xf32, #tpu.memory_space<hbm>>) dst(%dma_wait3A_300 : memref<64x128xf32, #tpu.memory_space<vmem>>)
          %dma_wait3A_304 = arith.constant 64 : i32
          %dma_wait3A_305 = arith.constant 0 : i32
          %dma_wait3A_306 = tpu.memref_slice %arg8[%dma_wait3A_304, %dma_wait3A_305] : memref<128x128xf32, #tpu.memory_space<vmem>> -> memref<64x128xf32, #tpu.memory_space<vmem>>
          %dma_wait3A_307 = arith.constant 0 : i32
          %dma_wait3A_308 = arith.constant 0 : i32
          %dma_wait3A_309 = tpu.memref_slice %arg4[%dma_wait3A_307, %dma_wait3A_308] : memref<409600x128xf32, #tpu.memory_space<hbm>> -> memref<64x128xf32, #tpu.memory_space<hbm>>
          %dma_wait3A_310 = arith.constant 64 : i32
          %dma_wait3A_311 = arith.constant 0 : i32
          %dma_wait3A_312 = tpu.memref_slice %arg8[%dma_wait3A_310, %dma_wait3A_311] : memref<128x128xf32, #tpu.memory_space<vmem>> -> memref<64x128xf32, #tpu.memory_space<vmem>>
          %dma_wait3A_313 = arith.constant 0 : i32
          %dma_wait3A_314 = arith.constant 0 : i32
          %dma_wait3A_315 = tpu.memref_slice %arg4[%dma_wait3A_313, %dma_wait3A_314] : memref<409600x128xf32, #tpu.memory_space<hbm>> -> memref<64x128xf32, #tpu.memory_space<hbm>>
          tpu.wait_dma2 semaphore(%arg12 : memref<!tpu.dma_semaphore, #tpu.memory_space<semaphore_mem>>) src(%dma_wait3A_315 : memref<64x128xf32, #tpu.memory_space<hbm>>) dst(%dma_wait3A_312 : memref<64x128xf32, #tpu.memory_space<vmem>>)
        } else {
        }
        %scan3A_141 = arith.constant 0 : i32
        %scan3A_142 = arith.constant 8 : i32
        %scan3A_143 = arith.addi %scan3A_141, %scan3A_142 : i32
        %scan3A_144 = arith.constant 1 : i32
        scf.for %scan3A_292 = %scan3A_141 to %scan3A_143 step %scan3A_144  : i32 {
          %mul3A_293 = arith.constant 1 : i32
          %mul3A_294 = arith.muli %scan3A_292, %mul3A_293 : i32
          %add3A_295 = arith.constant 0 : i32
          %add3A_296 = arith.addi %add3A_295, %mul3A_294 : i32
          %mul3A_297 = arith.constant 8 : i32
          %mul3A_298 = arith.muli %add3A_296, %mul3A_297 : i32
          %add3A_299 = vector.broadcast %mul3A_298 : i32 to vector<16xi32>
          %add3A_300 = arith.addi %add3A_10, %add3A_299 : vector<16xi32>
          %mul3A_301 = arith.constant 128 : i32
          %mul3A_302 = arith.muli %add3A_296, %mul3A_301 : i32
          %add3A_303 = arith.constant 0 : i32
          %add3A_304 = arith.addi %mul3A_302, %add3A_303 : i32
          %add3A_305 = arith.constant 0 : i32
          %add3A_306 = arith.addi %add3A_304, %add3A_305 : i32
          %get3A = arith.index_cast %add3A_306 : i32 to index
          %get3A_307 = arith.constant 0 : index
          %get3A_308 = tpu.vector_load %arg6[%get3A, %get3A_307] {strides = array<i32>} : memref<1024x16xf32, #tpu.memory_space<vmem>>, vector<16xf32>,
          %mul3A_309 = arith.constant 128 : i32
          %mul3A_310 = arith.muli %add3A_296, %mul3A_309 : i32
          %add3A_311 = arith.constant 0 : i32
          %add3A_312 = arith.addi %mul3A_310, %add3A_311 : i32
          %add3A_313 = arith.constant 1 : i32
          %add3A_314 = arith.addi %add3A_312, %add3A_313 : i32
          %get3A_315 = arith.index_cast %add3A_314 : i32 to index
          %get3A_316 = arith.constant 0 : index
          %get3A_317 = tpu.vector_load %arg6[%get3A_315, %get3A_316] {strides = array<i32>} : memref<1024x16xf32, #tpu.memory_space<vmem>>, vector<16xf32>,
          %mul3A_318 = arith.constant 128 : i32
          %mul3A_319 = arith.muli %add3A_296, %mul3A_318 : i32
          %add3A_320 = arith.constant 0 : i32
          %add3A_321 = arith.addi %mul3A_319, %add3A_320 : i32
          %add3A_322 = arith.constant 2 : i32
          %add3A_323 = arith.addi %add3A_321, %add3A_322 : i32
          %get3A_324 = arith.index_cast %add3A_323 : i32 to index
          %get3A_325 = arith.constant 0 : index
          %get3A_326 = tpu.vector_load %arg6[%get3A_324, %get3A_325] {strides = array<i32>} : memref<1024x16xf32, #tpu.memory_space<vmem>>, vector<16xf32>,
          %mul3A_327 = arith.constant 128 : i32
          %mul3A_328 = arith.muli %add3A_296, %mul3A_327 : i32
          %add3A_329 = arith.constant 0 : i32
          %add3A_330 = arith.addi %mul3A_328, %add3A_329 : i32
          %add3A_331 = arith.constant 3 : i32
          %add3A_332 = arith.addi %add3A_330, %add3A_331 : i32
          %get3A_333 = arith.index_cast %add3A_332 : i32 to index
          %get3A_334 = arith.constant 0 : index
          %get3A_335 = tpu.vector_load %arg6[%get3A_333, %get3A_334] {strides = array<i32>} : memref<1024x16xf32, #tpu.memory_space<vmem>>, vector<16xf32>,
          %mul3A_336 = arith.constant 128 : i32
          %mul3A_337 = arith.muli %add3A_296, %mul3A_336 : i32
          %add3A_338 = arith.constant 0 : i32
          %add3A_339 = arith.addi %mul3A_337, %add3A_338 : i32
          %add3A_340 = arith.constant 4 : i32
          %add3A_341 = arith.addi %add3A_339, %add3A_340 : i32
          %get3A_342 = arith.index_cast %add3A_341 : i32 to index
          %get3A_343 = arith.constant 0 : index
          %get3A_344 = tpu.vector_load %arg6[%get3A_342, %get3A_343] {strides = array<i32>} : memref<1024x16xf32, #tpu.memory_space<vmem>>, vector<16xf32>,
          %mul3A_345 = arith.constant 128 : i32
          %mul3A_346 = arith.muli %add3A_296, %mul3A_345 : i32
          %add3A_347 = arith.constant 0 : i32
          %add3A_348 = arith.addi %mul3A_346, %add3A_347 : i32
          %add3A_349 = arith.constant 5 : i32
          %add3A_350 = arith.addi %add3A_348, %add3A_349 : i32
          %get3A_351 = arith.index_cast %add3A_350 : i32 to index
          %get3A_352 = arith.constant 0 : index
          %get3A_353 = tpu.vector_load %arg6[%get3A_351, %get3A_352] {strides = array<i32>} : memref<1024x16xf32, #tpu.memory_space<vmem>>, vector<16xf32>,
          %mul3A_354 = arith.constant 128 : i32
          %mul3A_355 = arith.muli %add3A_296, %mul3A_354 : i32
          %add3A_356 = arith.constant 0 : i32
          %add3A_357 = arith.addi %mul3A_355, %add3A_356 : i32
          %add3A_358 = arith.constant 6 : i32
          %add3A_359 = arith.addi %add3A_357, %add3A_358 : i32
          %get3A_360 = arith.index_cast %add3A_359 : i32 to index
          %get3A_361 = arith.constant 0 : index
          %get3A_362 = tpu.vector_load %arg6[%get3A_360, %get3A_361] {strides = array<i32>} : memref<1024x16xf32, #tpu.memory_space<vmem>>, vector<16xf32>,
          %mul3A_363 = arith.constant 128 : i32
          %mul3A_364 = arith.muli %add3A_296, %mul3A_363 : i32
          %add3A_365 = arith.constant 0 : i32
          %add3A_366 = arith.addi %mul3A_364, %add3A_365 : i32
          %add3A_367 = arith.constant 7 : i32
          %add3A_368 = arith.addi %add3A_366, %add3A_367 : i32
          %get3A_369 = arith.index_cast %add3A_368 : i32 to index
          %get3A_370 = arith.constant 0 : index
          %get3A_371 = tpu.vector_load %arg6[%get3A_369, %get3A_370] {strides = array<i32>} : memref<1024x16xf32, #tpu.memory_space<vmem>>, vector<16xf32>,
          %broadcast_in_dim3A = arith.constant 0 : i32
          %broadcast_in_dim3A_372 = vector.broadcast %broadcast_in_dim3A : i32 to vector<16xi32>
          tpu.vector_store_idx %arg8[%add3A_300, %broadcast_in_dim3A_372], %get3A_308 : memref<128x128xf32, #tpu.memory_space<vmem>>[vector<16xi32>, vector<16xi32>], vector<16xf32>,
          %broadcast_in_dim3A_373 = arith.constant 1 : i32
          %broadcast_in_dim3A_374 = vector.broadcast %broadcast_in_dim3A_373 : i32 to vector<16xi32>
          tpu.vector_store_idx %arg8[%add3A_300, %broadcast_in_dim3A_374], %get3A_317 : memref<128x128xf32, #tpu.memory_space<vmem>>[vector<16xi32>, vector<16xi32>], vector<16xf32>,
          %broadcast_in_dim3A_375 = arith.constant 2 : i32
          %broadcast_in_dim3A_376 = vector.broadcast %broadcast_in_dim3A_375 : i32 to vector<16xi32>
          tpu.vector_store_idx %arg8[%add3A_300, %broadcast_in_dim3A_376], %get3A_326 : memref<128x128xf32, #tpu.memory_space<vmem>>[vector<16xi32>, vector<16xi32>], vector<16xf32>,
          %broadcast_in_dim3A_377 = arith.constant 3 : i32
          %broadcast_in_dim3A_378 = vector.broadcast %broadcast_in_dim3A_377 : i32 to vector<16xi32>
          tpu.vector_store_idx %arg8[%add3A_300, %broadcast_in_dim3A_378], %get3A_335 : memref<128x128xf32, #tpu.memory_space<vmem>>[vector<16xi32>, vector<16xi32>], vector<16xf32>,
          %broadcast_in_dim3A_379 = arith.constant 4 : i32
          %broadcast_in_dim3A_380 = vector.broadcast %broadcast_in_dim3A_379 : i32 to vector<16xi32>
          tpu.vector_store_idx %arg8[%add3A_300, %broadcast_in_dim3A_380], %get3A_344 : memref<128x128xf32, #tpu.memory_space<vmem>>[vector<16xi32>, vector<16xi32>], vector<16xf32>,
          %broadcast_in_dim3A_381 = arith.constant 5 : i32
          %broadcast_in_dim3A_382 = vector.broadcast %broadcast_in_dim3A_381 : i32 to vector<16xi32>
          tpu.vector_store_idx %arg8[%add3A_300, %broadcast_in_dim3A_382], %get3A_353 : memref<128x128xf32, #tpu.memory_space<vmem>>[vector<16xi32>, vector<16xi32>], vector<16xf32>,
          %broadcast_in_dim3A_383 = arith.constant 6 : i32
          %broadcast_in_dim3A_384 = vector.broadcast %broadcast_in_dim3A_383 : i32 to vector<16xi32>
          tpu.vector_store_idx %arg8[%add3A_300, %broadcast_in_dim3A_384], %get3A_362 : memref<128x128xf32, #tpu.memory_space<vmem>>[vector<16xi32>, vector<16xi32>], vector<16xf32>,
          %broadcast_in_dim3A_385 = arith.constant 7 : i32
          %broadcast_in_dim3A_386 = vector.broadcast %broadcast_in_dim3A_385 : i32 to vector<16xi32>
          tpu.vector_store_idx %arg8[%add3A_300, %broadcast_in_dim3A_386], %get3A_371 : memref<128x128xf32, #tpu.memory_space<vmem>>[vector<16xi32>, vector<16xi32>], vector<16xf32>,
          %mul3A_387 = arith.constant 128 : i32
          %mul3A_388 = arith.muli %add3A_296, %mul3A_387 : i32
          %add3A_389 = arith.constant 8 : i32
          %add3A_390 = arith.addi %mul3A_388, %add3A_389 : i32
          %add3A_391 = arith.constant 0 : i32
          %add3A_392 = arith.addi %add3A_390, %add3A_391 : i32
          %get3A_393 = arith.index_cast %add3A_392 : i32 to index
          %get3A_394 = arith.constant 0 : index
          %get3A_395 = tpu.vector_load %arg6[%get3A_393, %get3A_394] {strides = array<i32>} : memref<1024x16xf32, #tpu.memory_space<vmem>>, vector<16xf32>,
          %mul3A_396 = arith.constant 128 : i32
          %mul3A_397 = arith.muli %add3A_296, %mul3A_396 : i32
          %add3A_398 = arith.constant 8 : i32
          %add3A_399 = arith.addi %mul3A_397, %add3A_398 : i32
          %add3A_400 = arith.constant 1 : i32
          %add3A_401 = arith.addi %add3A_399, %add3A_400 : i32
          %get3A_402 = arith.index_cast %add3A_401 : i32 to index
          %get3A_403 = arith.constant 0 : index
          %get3A_404 = tpu.vector_load %arg6[%get3A_402, %get3A_403] {strides = array<i32>} : memref<1024x16xf32, #tpu.memory_space<vmem>>, vector<16xf32>,
          %mul3A_405 = arith.constant 128 : i32
          %mul3A_406 = arith.muli %add3A_296, %mul3A_405 : i32
          %add3A_407 = arith.constant 8 : i32
          %add3A_408 = arith.addi %mul3A_406, %add3A_407 : i32
          %add3A_409 = arith.constant 2 : i32
          %add3A_410 = arith.addi %add3A_408, %add3A_409 : i32
          %get3A_411 = arith.index_cast %add3A_410 : i32 to index
          %get3A_412 = arith.constant 0 : index
          %get3A_413 = tpu.vector_load %arg6[%get3A_411, %get3A_412] {strides = array<i32>} : memref<1024x16xf32, #tpu.memory_space<vmem>>, vector<16xf32>,
          %mul3A_414 = arith.constant 128 : i32
          %mul3A_415 = arith.muli %add3A_296, %mul3A_414 : i32
          %add3A_416 = arith.constant 8 : i32
          %add3A_417 = arith.addi %mul3A_415, %add3A_416 : i32
          %add3A_418 = arith.constant 3 : i32
          %add3A_419 = arith.addi %add3A_417, %add3A_418 : i32
          %get3A_420 = arith.index_cast %add3A_419 : i32 to index
          %get3A_421 = arith.constant 0 : index
          %get3A_422 = tpu.vector_load %arg6[%get3A_420, %get3A_421] {strides = array<i32>} : memref<1024x16xf32, #tpu.memory_space<vmem>>, vector<16xf32>,
          %mul3A_423 = arith.constant 128 : i32
          %mul3A_424 = arith.muli %add3A_296, %mul3A_423 : i32
          %add3A_425 = arith.constant 8 : i32
          %add3A_426 = arith.addi %mul3A_424, %add3A_425 : i32
          %add3A_427 = arith.constant 4 : i32
          %add3A_428 = arith.addi %add3A_426, %add3A_427 : i32
          %get3A_429 = arith.index_cast %add3A_428 : i32 to index
          %get3A_430 = arith.constant 0 : index
          %get3A_431 = tpu.vector_load %arg6[%get3A_429, %get3A_430] {strides = array<i32>} : memref<1024x16xf32, #tpu.memory_space<vmem>>, vector<16xf32>,
          %mul3A_432 = arith.constant 128 : i32
          %mul3A_433 = arith.muli %add3A_296, %mul3A_432 : i32
          %add3A_434 = arith.constant 8 : i32
          %add3A_435 = arith.addi %mul3A_433, %add3A_434 : i32
          %add3A_436 = arith.constant 5 : i32
          %add3A_437 = arith.addi %add3A_435, %add3A_436 : i32
          %get3A_438 = arith.index_cast %add3A_437 : i32 to index
          %get3A_439 = arith.constant 0 : index
          %get3A_440 = tpu.vector_load %arg6[%get3A_438, %get3A_439] {strides = array<i32>} : memref<1024x16xf32, #tpu.memory_space<vmem>>, vector<16xf32>,
          %mul3A_441 = arith.constant 128 : i32
          %mul3A_442 = arith.muli %add3A_296, %mul3A_441 : i32
          %add3A_443 = arith.constant 8 : i32
          %add3A_444 = arith.addi %mul3A_442, %add3A_443 : i32
          %add3A_445 = arith.constant 6 : i32
          %add3A_446 = arith.addi %add3A_444, %add3A_445 : i32
          %get3A_447 = arith.index_cast %add3A_446 : i32 to index
          %get3A_448 = arith.constant 0 : index
          %get3A_449 = tpu.vector_load %arg6[%get3A_447, %get3A_448] {strides = array<i32>} : memref<1024x16xf32, #tpu.memory_space<vmem>>, vector<16xf32>,
          %mul3A_450 = arith.constant 128 : i32
          %mul3A_451 = arith.muli %add3A_296, %mul3A_450 : i32
          %add3A_452 = arith.constant 8 : i32
          %add3A_453 = arith.addi %mul3A_451, %add3A_452 : i32
          %add3A_454 = arith.constant 7 : i32
          %add3A_455 = arith.addi %add3A_453, %add3A_454 : i32
          %get3A_456 = arith.index_cast %add3A_455 : i32 to index
          %get3A_457 = arith.constant 0 : index
          %get3A_458 = tpu.vector_load %arg6[%get3A_456, %get3A_457] {strides = array<i32>} : memref<1024x16xf32, #tpu.memory_space<vmem>>, vector<16xf32>,
          %broadcast_in_dim3A_459 = arith.constant 8 : i32
          %broadcast_in_dim3A_460 = vector.broadcast %broadcast_in_dim3A_459 : i32 to vector<16xi32>
          tpu.vector_store_idx %arg8[%add3A_300, %broadcast_in_dim3A_460], %get3A_395 : memref<128x128xf32, #tpu.memory_space<vmem>>[vector<16xi32>, vector<16xi32>], vector<16xf32>,
          %broadcast_in_dim3A_461 = arith.constant 9 : i32
          %broadcast_in_dim3A_462 = vector.broadcast %broadcast_in_dim3A_461 : i32 to vector<16xi32>
          tpu.vector_store_idx %arg8[%add3A_300, %broadcast_in_dim3A_462], %get3A_404 : memref<128x128xf32, #tpu.memory_space<vmem>>[vector<16xi32>, vector<16xi32>], vector<16xf32>,
          %broadcast_in_dim3A_463 = arith.constant 10 : i32
          %broadcast_in_dim3A_464 = vector.broadcast %broadcast_in_dim3A_463 : i32 to vector<16xi32>
          tpu.vector_store_idx %arg8[%add3A_300, %broadcast_in_dim3A_464], %get3A_413 : memref<128x128xf32, #tpu.memory_space<vmem>>[vector<16xi32>, vector<16xi32>], vector<16xf32>,
          %broadcast_in_dim3A_465 = arith.constant 11 : i32
          %broadcast_in_dim3A_466 = vector.broadcast %broadcast_in_dim3A_465 : i32 to vector<16xi32>
          tpu.vector_store_idx %arg8[%add3A_300, %broadcast_in_dim3A_466], %get3A_422 : memref<128x128xf32, #tpu.memory_space<vmem>>[vector<16xi32>, vector<16xi32>], vector<16xf32>,
          %broadcast_in_dim3A_467 = arith.constant 12 : i32
          %broadcast_in_dim3A_468 = vector.broadcast %broadcast_in_dim3A_467 : i32 to vector<16xi32>
          tpu.vector_store_idx %arg8[%add3A_300, %broadcast_in_dim3A_468], %get3A_431 : memref<128x128xf32, #tpu.memory_space<vmem>>[vector<16xi32>, vector<16xi32>], vector<16xf32>,
          %broadcast_in_dim3A_469 = arith.constant 13 : i32
          %broadcast_in_dim3A_470 = vector.broadcast %broadcast_in_dim3A_469 : i32 to vector<16xi32>
          tpu.vector_store_idx %arg8[%add3A_300, %broadcast_in_dim3A_470], %get3A_440 : memref<128x128xf32, #tpu.memory_space<vmem>>[vector<16xi32>, vector<16xi32>], vector<16xf32>,
          %broadcast_in_dim3A_471 = arith.constant 14 : i32
          %broadcast_in_dim3A_472 = vector.broadcast %broadcast_in_dim3A_471 : i32 to vector<16xi32>
          tpu.vector_store_idx %arg8[%add3A_300, %broadcast_in_dim3A_472], %get3A_449 : memref<128x128xf32, #tpu.memory_space<vmem>>[vector<16xi32>, vector<16xi32>], vector<16xf32>,
          %broadcast_in_dim3A_473 = arith.constant 15 : i32
          %broadcast_in_dim3A_474 = vector.broadcast %broadcast_in_dim3A_473 : i32 to vector<16xi32>
          tpu.vector_store_idx %arg8[%add3A_300, %broadcast_in_dim3A_474], %get3A_458 : memref<128x128xf32, #tpu.memory_space<vmem>>[vector<16xi32>, vector<16xi32>], vector<16xf32>,
          %mul3A_475 = arith.constant 128 : i32
          %mul3A_476 = arith.muli %add3A_296, %mul3A_475 : i32
          %add3A_477 = arith.constant 16 : i32
          %add3A_478 = arith.addi %mul3A_476, %add3A_477 : i32
          %add3A_479 = arith.constant 0 : i32
          %add3A_480 = arith.addi %add3A_478, %add3A_479 : i32
          %get3A_481 = arith.index_cast %add3A_480 : i32 to index
          %get3A_482 = arith.constant 0 : index
          %get3A_483 = tpu.vector_load %arg6[%get3A_481, %get3A_482] {strides = array<i32>} : memref<1024x16xf32, #tpu.memory_space<vmem>>, vector<16xf32>,
          %mul3A_484 = arith.constant 128 : i32
          %mul3A_485 = arith.muli %add3A_296, %mul3A_484 : i32
          %add3A_486 = arith.constant 16 : i32
          %add3A_487 = arith.addi %mul3A_485, %add3A_486 : i32
          %add3A_488 = arith.constant 1 : i32
          %add3A_489 = arith.addi %add3A_487, %add3A_488 : i32
          %get3A_490 = arith.index_cast %add3A_489 : i32 to index
          %get3A_491 = arith.constant 0 : index
          %get3A_492 = tpu.vector_load %arg6[%get3A_490, %get3A_491] {strides = array<i32>} : memref<1024x16xf32, #tpu.memory_space<vmem>>, vector<16xf32>,
          %mul3A_493 = arith.constant 128 : i32
          %mul3A_494 = arith.muli %add3A_296, %mul3A_493 : i32
          %add3A_495 = arith.constant 16 : i32
          %add3A_496 = arith.addi %mul3A_494, %add3A_495 : i32
          %add3A_497 = arith.constant 2 : i32
          %add3A_498 = arith.addi %add3A_496, %add3A_497 : i32
          %get3A_499 = arith.index_cast %add3A_498 : i32 to index
          %get3A_500 = arith.constant 0 : index
          %get3A_501 = tpu.vector_load %arg6[%get3A_499, %get3A_500] {strides = array<i32>} : memref<1024x16xf32, #tpu.memory_space<vmem>>, vector<16xf32>,
          %mul3A_502 = arith.constant 128 : i32
          %mul3A_503 = arith.muli %add3A_296, %mul3A_502 : i32
          %add3A_504 = arith.constant 16 : i32
          %add3A_505 = arith.addi %mul3A_503, %add3A_504 : i32
          %add3A_506 = arith.constant 3 : i32
          %add3A_507 = arith.addi %add3A_505, %add3A_506 : i32
          %get3A_508 = arith.index_cast %add3A_507 : i32 to index
          %get3A_509 = arith.constant 0 : index
          %get3A_510 = tpu.vector_load %arg6[%get3A_508, %get3A_509] {strides = array<i32>} : memref<1024x16xf32, #tpu.memory_space<vmem>>, vector<16xf32>,
          %mul3A_511 = arith.constant 128 : i32
          %mul3A_512 = arith.muli %add3A_296, %mul3A_511 : i32
          %add3A_513 = arith.constant 16 : i32
          %add3A_514 = arith.addi %mul3A_512, %add3A_513 : i32
          %add3A_515 = arith.constant 4 : i32
          %add3A_516 = arith.addi %add3A_514, %add3A_515 : i32
          %get3A_517 = arith.index_cast %add3A_516 : i32 to index
          %get3A_518 = arith.constant 0 : index
          %get3A_519 = tpu.vector_load %arg6[%get3A_517, %get3A_518] {strides = array<i32>} : memref<1024x16xf32, #tpu.memory_space<vmem>>, vector<16xf32>,
          %mul3A_520 = arith.constant 128 : i32
          %mul3A_521 = arith.muli %add3A_296, %mul3A_520 : i32
          %add3A_522 = arith.constant 16 : i32
          %add3A_523 = arith.addi %mul3A_521, %add3A_522 : i32
          %add3A_524 = arith.constant 5 : i32
          %add3A_525 = arith.addi %add3A_523, %add3A_524 : i32
          %get3A_526 = arith.index_cast %add3A_525 : i32 to index
          %get3A_527 = arith.constant 0 : index
          %get3A_528 = tpu.vector_load %arg6[%get3A_526, %get3A_527] {strides = array<i32>} : memref<1024x16xf32, #tpu.memory_space<vmem>>, vector<16xf32>,
          %mul3A_529 = arith.constant 128 : i32
          %mul3A_530 = arith.muli %add3A_296, %mul3A_529 : i32
          %add3A_531 = arith.constant 16 : i32
          %add3A_532 = arith.addi %mul3A_530, %add3A_531 : i32
          %add3A_533 = arith.constant 6 : i32
          %add3A_534 = arith.addi %add3A_532, %add3A_533 : i32
          %get3A_535 = arith.index_cast %add3A_534 : i32 to index
          %get3A_536 = arith.constant 0 : index
          %get3A_537 = tpu.vector_load %arg6[%get3A_535, %get3A_536] {strides = array<i32>} : memref<1024x16xf32, #tpu.memory_space<vmem>>, vector<16xf32>,
          %mul3A_538 = arith.constant 128 : i32
          %mul3A_539 = arith.muli %add3A_296, %mul3A_538 : i32
          %add3A_540 = arith.constant 16 : i32
          %add3A_541 = arith.addi %mul3A_539, %add3A_540 : i32
          %add3A_542 = arith.constant 7 : i32
          %add3A_543 = arith.addi %add3A_541, %add3A_542 : i32
          %get3A_544 = arith.index_cast %add3A_543 : i32 to index
          %get3A_545 = arith.constant 0 : index
          %get3A_546 = tpu.vector_load %arg6[%get3A_544, %get3A_545] {strides = array<i32>} : memref<1024x16xf32, #tpu.memory_space<vmem>>, vector<16xf32>,
          %broadcast_in_dim3A_547 = arith.constant 16 : i32
          %broadcast_in_dim3A_548 = vector.broadcast %broadcast_in_dim3A_547 : i32 to vector<16xi32>
          tpu.vector_store_idx %arg8[%add3A_300, %broadcast_in_dim3A_548], %get3A_483 : memref<128x128xf32, #tpu.memory_space<vmem>>[vector<16xi32>, vector<16xi32>], vector<16xf32>,
          %broadcast_in_dim3A_549 = arith.constant 17 : i32
          %broadcast_in_dim3A_550 = vector.broadcast %broadcast_in_dim3A_549 : i32 to vector<16xi32>
          tpu.vector_store_idx %arg8[%add3A_300, %broadcast_in_dim3A_550], %get3A_492 : memref<128x128xf32, #tpu.memory_space<vmem>>[vector<16xi32>, vector<16xi32>], vector<16xf32>,
          %broadcast_in_dim3A_551 = arith.constant 18 : i32
          %broadcast_in_dim3A_552 = vector.broadcast %broadcast_in_dim3A_551 : i32 to vector<16xi32>
          tpu.vector_store_idx %arg8[%add3A_300, %broadcast_in_dim3A_552], %get3A_501 : memref<128x128xf32, #tpu.memory_space<vmem>>[vector<16xi32>, vector<16xi32>], vector<16xf32>,
          %broadcast_in_dim3A_553 = arith.constant 19 : i32
          %broadcast_in_dim3A_554 = vector.broadcast %broadcast_in_dim3A_553 : i32 to vector<16xi32>
          tpu.vector_store_idx %arg8[%add3A_300, %broadcast_in_dim3A_554], %get3A_510 : memref<128x128xf32, #tpu.memory_space<vmem>>[vector<16xi32>, vector<16xi32>], vector<16xf32>,
          %broadcast_in_dim3A_555 = arith.constant 20 : i32
          %broadcast_in_dim3A_556 = vector.broadcast %broadcast_in_dim3A_555 : i32 to vector<16xi32>
          tpu.vector_store_idx %arg8[%add3A_300, %broadcast_in_dim3A_556], %get3A_519 : memref<128x128xf32, #tpu.memory_space<vmem>>[vector<16xi32>, vector<16xi32>], vector<16xf32>,
          %broadcast_in_dim3A_557 = arith.constant 21 : i32
          %broadcast_in_dim3A_558 = vector.broadcast %broadcast_in_dim3A_557 : i32 to vector<16xi32>
          tpu.vector_store_idx %arg8[%add3A_300, %broadcast_in_dim3A_558], %get3A_528 : memref<128x128xf32, #tpu.memory_space<vmem>>[vector<16xi32>, vector<16xi32>], vector<16xf32>,
          %broadcast_in_dim3A_559 = arith.constant 22 : i32
          %broadcast_in_dim3A_560 = vector.broadcast %broadcast_in_dim3A_559 : i32 to vector<16xi32>
          tpu.vector_store_idx %arg8[%add3A_300, %broadcast_in_dim3A_560], %get3A_537 : memref<128x128xf32, #tpu.memory_space<vmem>>[vector<16xi32>, vector<16xi32>], vector<16xf32>,
          %broadcast_in_dim3A_561 = arith.constant 23 : i32
          %broadcast_in_dim3A_562 = vector.broadcast %broadcast_in_dim3A_561 : i32 to vector<16xi32>
          tpu.vector_store_idx %arg8[%add3A_300, %broadcast_in_dim3A_562], %get3A_546 : memref<128x128xf32, #tpu.memory_space<vmem>>[vector<16xi32>, vector<16xi32>], vector<16xf32>,
          %mul3A_563 = arith.constant 128 : i32
          %mul3A_564 = arith.muli %add3A_296, %mul3A_563 : i32
          %add3A_565 = arith.constant 24 : i32
          %add3A_566 = arith.addi %mul3A_564, %add3A_565 : i32
          %add3A_567 = arith.constant 0 : i32
          %add3A_568 = arith.addi %add3A_566, %add3A_567 : i32
          %get3A_569 = arith.index_cast %add3A_568 : i32 to index
          %get3A_570 = arith.constant 0 : index
          %get3A_571 = tpu.vector_load %arg6[%get3A_569, %get3A_570] {strides = array<i32>} : memref<1024x16xf32, #tpu.memory_space<vmem>>, vector<16xf32>,
          %mul3A_572 = arith.constant 128 : i32
          %mul3A_573 = arith.muli %add3A_296, %mul3A_572 : i32
          %add3A_574 = arith.constant 24 : i32
          %add3A_575 = arith.addi %mul3A_573, %add3A_574 : i32
          %add3A_576 = arith.constant 1 : i32
          %add3A_577 = arith.addi %add3A_575, %add3A_576 : i32
          %get3A_578 = arith.index_cast %add3A_577 : i32 to index
          %get3A_579 = arith.constant 0 : index
          %get3A_580 = tpu.vector_load %arg6[%get3A_578, %get3A_579] {strides = array<i32>} : memref<1024x16xf32, #tpu.memory_space<vmem>>, vector<16xf32>,
          %mul3A_581 = arith.constant 128 : i32
          %mul3A_582 = arith.muli %add3A_296, %mul3A_581 : i32
          %add3A_583 = arith.constant 24 : i32
          %add3A_584 = arith.addi %mul3A_582, %add3A_583 : i32
          %add3A_585 = arith.constant 2 : i32
          %add3A_586 = arith.addi %add3A_584, %add3A_585 : i32
          %get3A_587 = arith.index_cast %add3A_586 : i32 to index
          %get3A_588 = arith.constant 0 : index
          %get3A_589 = tpu.vector_load %arg6[%get3A_587, %get3A_588] {strides = array<i32>} : memref<1024x16xf32, #tpu.memory_space<vmem>>, vector<16xf32>,
          %mul3A_590 = arith.constant 128 : i32
          %mul3A_591 = arith.muli %add3A_296, %mul3A_590 : i32
          %add3A_592 = arith.constant 24 : i32
          %add3A_593 = arith.addi %mul3A_591, %add3A_592 : i32
          %add3A_594 = arith.constant 3 : i32
          %add3A_595 = arith.addi %add3A_593, %add3A_594 : i32
          %get3A_596 = arith.index_cast %add3A_595 : i32 to index
          %get3A_597 = arith.constant 0 : index
          %get3A_598 = tpu.vector_load %arg6[%get3A_596, %get3A_597] {strides = array<i32>} : memref<1024x16xf32, #tpu.memory_space<vmem>>, vector<16xf32>,
          %mul3A_599 = arith.constant 128 : i32
          %mul3A_600 = arith.muli %add3A_296, %mul3A_599 : i32
          %add3A_601 = arith.constant 24 : i32
          %add3A_602 = arith.addi %mul3A_600, %add3A_601 : i32
          %add3A_603 = arith.constant 4 : i32
          %add3A_604 = arith.addi %add3A_602, %add3A_603 : i32
          %get3A_605 = arith.index_cast %add3A_604 : i32 to index
          %get3A_606 = arith.constant 0 : index
          %get3A_607 = tpu.vector_load %arg6[%get3A_605, %get3A_606] {strides = array<i32>} : memref<1024x16xf32, #tpu.memory_space<vmem>>, vector<16xf32>,
          %mul3A_608 = arith.constant 128 : i32
          %mul3A_609 = arith.muli %add3A_296, %mul3A_608 : i32
          %add3A_610 = arith.constant 24 : i32
          %add3A_611 = arith.addi %mul3A_609, %add3A_610 : i32
          %add3A_612 = arith.constant 5 : i32
          %add3A_613 = arith.addi %add3A_611, %add3A_612 : i32
          %get3A_614 = arith.index_cast %add3A_613 : i32 to index
          %get3A_615 = arith.constant 0 : index
          %get3A_616 = tpu.vector_load %arg6[%get3A_614, %get3A_615] {strides = array<i32>} : memref<1024x16xf32, #tpu.memory_space<vmem>>, vector<16xf32>,
          %mul3A_617 = arith.constant 128 : i32
          %mul3A_618 = arith.muli %add3A_296, %mul3A_617 : i32
          %add3A_619 = arith.constant 24 : i32
          %add3A_620 = arith.addi %mul3A_618, %add3A_619 : i32
          %add3A_621 = arith.constant 6 : i32
          %add3A_622 = arith.addi %add3A_620, %add3A_621 : i32
          %get3A_623 = arith.index_cast %add3A_622 : i32 to index
          %get3A_624 = arith.constant 0 : index
          %get3A_625 = tpu.vector_load %arg6[%get3A_623, %get3A_624] {strides = array<i32>} : memref<1024x16xf32, #tpu.memory_space<vmem>>, vector<16xf32>,
          %mul3A_626 = arith.constant 128 : i32
          %mul3A_627 = arith.muli %add3A_296, %mul3A_626 : i32
          %add3A_628 = arith.constant 24 : i32
          %add3A_629 = arith.addi %mul3A_627, %add3A_628 : i32
          %add3A_630 = arith.constant 7 : i32
          %add3A_631 = arith.addi %add3A_629, %add3A_630 : i32
          %get3A_632 = arith.index_cast %add3A_631 : i32 to index
          %get3A_633 = arith.constant 0 : index
          %get3A_634 = tpu.vector_load %arg6[%get3A_632, %get3A_633] {strides = array<i32>} : memref<1024x16xf32, #tpu.memory_space<vmem>>, vector<16xf32>,
          %broadcast_in_dim3A_635 = arith.constant 24 : i32
          %broadcast_in_dim3A_636 = vector.broadcast %broadcast_in_dim3A_635 : i32 to vector<16xi32>
          tpu.vector_store_idx %arg8[%add3A_300, %broadcast_in_dim3A_636], %get3A_571 : memref<128x128xf32, #tpu.memory_space<vmem>>[vector<16xi32>, vector<16xi32>], vector<16xf32>,
          %broadcast_in_dim3A_637 = arith.constant 25 : i32
          %broadcast_in_dim3A_638 = vector.broadcast %broadcast_in_dim3A_637 : i32 to vector<16xi32>
          tpu.vector_store_idx %arg8[%add3A_300, %broadcast_in_dim3A_638], %get3A_580 : memref<128x128xf32, #tpu.memory_space<vmem>>[vector<16xi32>, vector<16xi32>], vector<16xf32>,
          %broadcast_in_dim3A_639 = arith.constant 26 : i32
          %broadcast_in_dim3A_640 = vector.broadcast %broadcast_in_dim3A_639 : i32 to vector<16xi32>
          tpu.vector_store_idx %arg8[%add3A_300, %broadcast_in_dim3A_640], %get3A_589 : memref<128x128xf32, #tpu.memory_space<vmem>>[vector<16xi32>, vector<16xi32>], vector<16xf32>,
          %broadcast_in_dim3A_641 = arith.constant 27 : i32
          %broadcast_in_dim3A_642 = vector.broadcast %broadcast_in_dim3A_641 : i32 to vector<16xi32>
          tpu.vector_store_idx %arg8[%add3A_300, %broadcast_in_dim3A_642], %get3A_598 : memref<128x128xf32, #tpu.memory_space<vmem>>[vector<16xi32>, vector<16xi32>], vector<16xf32>,
          %broadcast_in_dim3A_643 = arith.constant 28 : i32
          %broadcast_in_dim3A_644 = vector.broadcast %broadcast_in_dim3A_643 : i32 to vector<16xi32>
          tpu.vector_store_idx %arg8[%add3A_300, %broadcast_in_dim3A_644], %get3A_607 : memref<128x128xf32, #tpu.memory_space<vmem>>[vector<16xi32>, vector<16xi32>], vector<16xf32>,
          %broadcast_in_dim3A_645 = arith.constant 29 : i32
          %broadcast_in_dim3A_646 = vector.broadcast %broadcast_in_dim3A_645 : i32 to vector<16xi32>
          tpu.vector_store_idx %arg8[%add3A_300, %broadcast_in_dim3A_646], %get3A_616 : memref<128x128xf32, #tpu.memory_space<vmem>>[vector<16xi32>, vector<16xi32>], vector<16xf32>,
          %broadcast_in_dim3A_647 = arith.constant 30 : i32
          %broadcast_in_dim3A_648 = vector.broadcast %broadcast_in_dim3A_647 : i32 to vector<16xi32>
          tpu.vector_store_idx %arg8[%add3A_300, %broadcast_in_dim3A_648], %get3A_625 : memref<128x128xf32, #tpu.memory_space<vmem>>[vector<16xi32>, vector<16xi32>], vector<16xf32>,
          %broadcast_in_dim3A_649 = arith.constant 31 : i32
          %broadcast_in_dim3A_650 = vector.broadcast %broadcast_in_dim3A_649 : i32 to vector<16xi32>
          tpu.vector_store_idx %arg8[%add3A_300, %broadcast_in_dim3A_650], %get3A_634 : memref<128x128xf32, #tpu.memory_space<vmem>>[vector<16xi32>, vector<16xi32>], vector<16xf32>,
          %mul3A_651 = arith.constant 128 : i32
          %mul3A_652 = arith.muli %add3A_296, %mul3A_651 : i32
          %add3A_653 = arith.constant 32 : i32
          %add3A_654 = arith.addi %mul3A_652, %add3A_653 : i32
          %add3A_655 = arith.constant 0 : i32
          %add3A_656 = arith.addi %add3A_654, %add3A_655 : i32
          %get3A_657 = arith.index_cast %add3A_656 : i32 to index
          %get3A_658 = arith.constant 0 : index
          %get3A_659 = tpu.vector_load %arg6[%get3A_657, %get3A_658] {strides = array<i32>} : memref<1024x16xf32, #tpu.memory_space<vmem>>, vector<16xf32>,
          %mul3A_660 = arith.constant 128 : i32
          %mul3A_661 = arith.muli %add3A_296, %mul3A_660 : i32
          %add3A_662 = arith.constant 32 : i32
          %add3A_663 = arith.addi %mul3A_661, %add3A_662 : i32
          %add3A_664 = arith.constant 1 : i32
          %add3A_665 = arith.addi %add3A_663, %add3A_664 : i32
          %get3A_666 = arith.index_cast %add3A_665 : i32 to index
          %get3A_667 = arith.constant 0 : index
          %get3A_668 = tpu.vector_load %arg6[%get3A_666, %get3A_667] {strides = array<i32>} : memref<1024x16xf32, #tpu.memory_space<vmem>>, vector<16xf32>,
          %mul3A_669 = arith.constant 128 : i32
          %mul3A_670 = arith.muli %add3A_296, %mul3A_669 : i32
          %add3A_671 = arith.constant 32 : i32
          %add3A_672 = arith.addi %mul3A_670, %add3A_671 : i32
          %add3A_673 = arith.constant 2 : i32
          %add3A_674 = arith.addi %add3A_672, %add3A_673 : i32
          %get3A_675 = arith.index_cast %add3A_674 : i32 to index
          %get3A_676 = arith.constant 0 : index
          %get3A_677 = tpu.vector_load %arg6[%get3A_675, %get3A_676] {strides = array<i32>} : memref<1024x16xf32, #tpu.memory_space<vmem>>, vector<16xf32>,
          %mul3A_678 = arith.constant 128 : i32
          %mul3A_679 = arith.muli %add3A_296, %mul3A_678 : i32
          %add3A_680 = arith.constant 32 : i32
          %add3A_681 = arith.addi %mul3A_679, %add3A_680 : i32
          %add3A_682 = arith.constant 3 : i32
          %add3A_683 = arith.addi %add3A_681, %add3A_682 : i32
          %get3A_684 = arith.index_cast %add3A_683 : i32 to index
          %get3A_685 = arith.constant 0 : index
          %get3A_686 = tpu.vector_load %arg6[%get3A_684, %get3A_685] {strides = array<i32>} : memref<1024x16xf32, #tpu.memory_space<vmem>>, vector<16xf32>,
          %mul3A_687 = arith.constant 128 : i32
          %mul3A_688 = arith.muli %add3A_296, %mul3A_687 : i32
          %add3A_689 = arith.constant 32 : i32
          %add3A_690 = arith.addi %mul3A_688, %add3A_689 : i32
          %add3A_691 = arith.constant 4 : i32
          %add3A_692 = arith.addi %add3A_690, %add3A_691 : i32
          %get3A_693 = arith.index_cast %add3A_692 : i32 to index
          %get3A_694 = arith.constant 0 : index
          %get3A_695 = tpu.vector_load %arg6[%get3A_693, %get3A_694] {strides = array<i32>} : memref<1024x16xf32, #tpu.memory_space<vmem>>, vector<16xf32>,
          %mul3A_696 = arith.constant 128 : i32
          %mul3A_697 = arith.muli %add3A_296, %mul3A_696 : i32
          %add3A_698 = arith.constant 32 : i32
          %add3A_699 = arith.addi %mul3A_697, %add3A_698 : i32
          %add3A_700 = arith.constant 5 : i32
          %add3A_701 = arith.addi %add3A_699, %add3A_700 : i32
          %get3A_702 = arith.index_cast %add3A_701 : i32 to index
          %get3A_703 = arith.constant 0 : index
          %get3A_704 = tpu.vector_load %arg6[%get3A_702, %get3A_703] {strides = array<i32>} : memref<1024x16xf32, #tpu.memory_space<vmem>>, vector<16xf32>,
          %mul3A_705 = arith.constant 128 : i32
          %mul3A_706 = arith.muli %add3A_296, %mul3A_705 : i32
          %add3A_707 = arith.constant 32 : i32
          %add3A_708 = arith.addi %mul3A_706, %add3A_707 : i32
          %add3A_709 = arith.constant 6 : i32
          %add3A_710 = arith.addi %add3A_708, %add3A_709 : i32
          %get3A_711 = arith.index_cast %add3A_710 : i32 to index
          %get3A_712 = arith.constant 0 : index
          %get3A_713 = tpu.vector_load %arg6[%get3A_711, %get3A_712] {strides = array<i32>} : memref<1024x16xf32, #tpu.memory_space<vmem>>, vector<16xf32>,
          %mul3A_714 = arith.constant 128 : i32
          %mul3A_715 = arith.muli %add3A_296, %mul3A_714 : i32
          %add3A_716 = arith.constant 32 : i32
          %add3A_717 = arith.addi %mul3A_715, %add3A_716 : i32
          %add3A_718 = arith.constant 7 : i32
          %add3A_719 = arith.addi %add3A_717, %add3A_718 : i32
          %get3A_720 = arith.index_cast %add3A_719 : i32 to index
          %get3A_721 = arith.constant 0 : index
          %get3A_722 = tpu.vector_load %arg6[%get3A_720, %get3A_721] {strides = array<i32>} : memref<1024x16xf32, #tpu.memory_space<vmem>>, vector<16xf32>,
          %broadcast_in_dim3A_723 = arith.constant 32 : i32
          %broadcast_in_dim3A_724 = vector.broadcast %broadcast_in_dim3A_723 : i32 to vector<16xi32>
          tpu.vector_store_idx %arg8[%add3A_300, %broadcast_in_dim3A_724], %get3A_659 : memref<128x128xf32, #tpu.memory_space<vmem>>[vector<16xi32>, vector<16xi32>], vector<16xf32>,
          %broadcast_in_dim3A_725 = arith.constant 33 : i32
          %broadcast_in_dim3A_726 = vector.broadcast %broadcast_in_dim3A_725 : i32 to vector<16xi32>
          tpu.vector_store_idx %arg8[%add3A_300, %broadcast_in_dim3A_726], %get3A_668 : memref<128x128xf32, #tpu.memory_space<vmem>>[vector<16xi32>, vector<16xi32>], vector<16xf32>,
          %broadcast_in_dim3A_727 = arith.constant 34 : i32
          %broadcast_in_dim3A_728 = vector.broadcast %broadcast_in_dim3A_727 : i32 to vector<16xi32>
          tpu.vector_store_idx %arg8[%add3A_300, %broadcast_in_dim3A_728], %get3A_677 : memref<128x128xf32, #tpu.memory_space<vmem>>[vector<16xi32>, vector<16xi32>], vector<16xf32>,
          %broadcast_in_dim3A_729 = arith.constant 35 : i32
          %broadcast_in_dim3A_730 = vector.broadcast %broadcast_in_dim3A_729 : i32 to vector<16xi32>
          tpu.vector_store_idx %arg8[%add3A_300, %broadcast_in_dim3A_730], %get3A_686 : memref<128x128xf32, #tpu.memory_space<vmem>>[vector<16xi32>, vector<16xi32>], vector<16xf32>,
          %broadcast_in_dim3A_731 = arith.constant 36 : i32
          %broadcast_in_dim3A_732 = vector.broadcast %broadcast_in_dim3A_731 : i32 to vector<16xi32>
          tpu.vector_store_idx %arg8[%add3A_300, %broadcast_in_dim3A_732], %get3A_695 : memref<128x128xf32, #tpu.memory_space<vmem>>[vector<16xi32>, vector<16xi32>], vector<16xf32>,
          %broadcast_in_dim3A_733 = arith.constant 37 : i32
          %broadcast_in_dim3A_734 = vector.broadcast %broadcast_in_dim3A_733 : i32 to vector<16xi32>
          tpu.vector_store_idx %arg8[%add3A_300, %broadcast_in_dim3A_734], %get3A_704 : memref<128x128xf32, #tpu.memory_space<vmem>>[vector<16xi32>, vector<16xi32>], vector<16xf32>,
          %broadcast_in_dim3A_735 = arith.constant 38 : i32
          %broadcast_in_dim3A_736 = vector.broadcast %broadcast_in_dim3A_735 : i32 to vector<16xi32>
          tpu.vector_store_idx %arg8[%add3A_300, %broadcast_in_dim3A_736], %get3A_713 : memref<128x128xf32, #tpu.memory_space<vmem>>[vector<16xi32>, vector<16xi32>], vector<16xf32>,
          %broadcast_in_dim3A_737 = arith.constant 39 : i32
          %broadcast_in_dim3A_738 = vector.broadcast %broadcast_in_dim3A_737 : i32 to vector<16xi32>
          tpu.vector_store_idx %arg8[%add3A_300, %broadcast_in_dim3A_738], %get3A_722 : memref<128x128xf32, #tpu.memory_space<vmem>>[vector<16xi32>, vector<16xi32>], vector<16xf32>,
          %mul3A_739 = arith.constant 128 : i32
          %mul3A_740 = arith.muli %add3A_296, %mul3A_739 : i32
          %add3A_741 = arith.constant 40 : i32
          %add3A_742 = arith.addi %mul3A_740, %add3A_741 : i32
          %add3A_743 = arith.constant 0 : i32
          %add3A_744 = arith.addi %add3A_742, %add3A_743 : i32
          %get3A_745 = arith.index_cast %add3A_744 : i32 to index
          %get3A_746 = arith.constant 0 : index
          %get3A_747 = tpu.vector_load %arg6[%get3A_745, %get3A_746] {strides = array<i32>} : memref<1024x16xf32, #tpu.memory_space<vmem>>, vector<16xf32>,
          %mul3A_748 = arith.constant 128 : i32
          %mul3A_749 = arith.muli %add3A_296, %mul3A_748 : i32
          %add3A_750 = arith.constant 40 : i32
          %add3A_751 = arith.addi %mul3A_749, %add3A_750 : i32
          %add3A_752 = arith.constant 1 : i32
          %add3A_753 = arith.addi %add3A_751, %add3A_752 : i32
          %get3A_754 = arith.index_cast %add3A_753 : i32 to index
          %get3A_755 = arith.constant 0 : index
          %get3A_756 = tpu.vector_load %arg6[%get3A_754, %get3A_755] {strides = array<i32>} : memref<1024x16xf32, #tpu.memory_space<vmem>>, vector<16xf32>,
          %mul3A_757 = arith.constant 128 : i32
          %mul3A_758 = arith.muli %add3A_296, %mul3A_757 : i32
          %add3A_759 = arith.constant 40 : i32
          %add3A_760 = arith.addi %mul3A_758, %add3A_759 : i32
          %add3A_761 = arith.constant 2 : i32
          %add3A_762 = arith.addi %add3A_760, %add3A_761 : i32
          %get3A_763 = arith.index_cast %add3A_762 : i32 to index
          %get3A_764 = arith.constant 0 : index
          %get3A_765 = tpu.vector_load %arg6[%get3A_763, %get3A_764] {strides = array<i32>} : memref<1024x16xf32, #tpu.memory_space<vmem>>, vector<16xf32>,
          %mul3A_766 = arith.constant 128 : i32
          %mul3A_767 = arith.muli %add3A_296, %mul3A_766 : i32
          %add3A_768 = arith.constant 40 : i32
          %add3A_769 = arith.addi %mul3A_767, %add3A_768 : i32
          %add3A_770 = arith.constant 3 : i32
          %add3A_771 = arith.addi %add3A_769, %add3A_770 : i32
          %get3A_772 = arith.index_cast %add3A_771 : i32 to index
          %get3A_773 = arith.constant 0 : index
          %get3A_774 = tpu.vector_load %arg6[%get3A_772, %get3A_773] {strides = array<i32>} : memref<1024x16xf32, #tpu.memory_space<vmem>>, vector<16xf32>,
          %mul3A_775 = arith.constant 128 : i32
          %mul3A_776 = arith.muli %add3A_296, %mul3A_775 : i32
          %add3A_777 = arith.constant 40 : i32
          %add3A_778 = arith.addi %mul3A_776, %add3A_777 : i32
          %add3A_779 = arith.constant 4 : i32
          %add3A_780 = arith.addi %add3A_778, %add3A_779 : i32
          %get3A_781 = arith.index_cast %add3A_780 : i32 to index
          %get3A_782 = arith.constant 0 : index
          %get3A_783 = tpu.vector_load %arg6[%get3A_781, %get3A_782] {strides = array<i32>} : memref<1024x16xf32, #tpu.memory_space<vmem>>, vector<16xf32>,
          %mul3A_784 = arith.constant 128 : i32
          %mul3A_785 = arith.muli %add3A_296, %mul3A_784 : i32
          %add3A_786 = arith.constant 40 : i32
          %add3A_787 = arith.addi %mul3A_785, %add3A_786 : i32
          %add3A_788 = arith.constant 5 : i32
          %add3A_789 = arith.addi %add3A_787, %add3A_788 : i32
          %get3A_790 = arith.index_cast %add3A_789 : i32 to index
          %get3A_791 = arith.constant 0 : index
          %get3A_792 = tpu.vector_load %arg6[%get3A_790, %get3A_791] {strides = array<i32>} : memref<1024x16xf32, #tpu.memory_space<vmem>>, vector<16xf32>,
          %mul3A_793 = arith.constant 128 : i32
          %mul3A_794 = arith.muli %add3A_296, %mul3A_793 : i32
          %add3A_795 = arith.constant 40 : i32
          %add3A_796 = arith.addi %mul3A_794, %add3A_795 : i32
          %add3A_797 = arith.constant 6 : i32
          %add3A_798 = arith.addi %add3A_796, %add3A_797 : i32
          %get3A_799 = arith.index_cast %add3A_798 : i32 to index
          %get3A_800 = arith.constant 0 : index
          %get3A_801 = tpu.vector_load %arg6[%get3A_799, %get3A_800] {strides = array<i32>} : memref<1024x16xf32, #tpu.memory_space<vmem>>, vector<16xf32>,
          %mul3A_802 = arith.constant 128 : i32
          %mul3A_803 = arith.muli %add3A_296, %mul3A_802 : i32
          %add3A_804 = arith.constant 40 : i32
          %add3A_805 = arith.addi %mul3A_803, %add3A_804 : i32
          %add3A_806 = arith.constant 7 : i32
          %add3A_807 = arith.addi %add3A_805, %add3A_806 : i32
          %get3A_808 = arith.index_cast %add3A_807 : i32 to index
          %get3A_809 = arith.constant 0 : index
          %get3A_810 = tpu.vector_load %arg6[%get3A_808, %get3A_809] {strides = array<i32>} : memref<1024x16xf32, #tpu.memory_space<vmem>>, vector<16xf32>,
          %broadcast_in_dim3A_811 = arith.constant 40 : i32
          %broadcast_in_dim3A_812 = vector.broadcast %broadcast_in_dim3A_811 : i32 to vector<16xi32>
          tpu.vector_store_idx %arg8[%add3A_300, %broadcast_in_dim3A_812], %get3A_747 : memref<128x128xf32, #tpu.memory_space<vmem>>[vector<16xi32>, vector<16xi32>], vector<16xf32>,
          %broadcast_in_dim3A_813 = arith.constant 41 : i32
          %broadcast_in_dim3A_814 = vector.broadcast %broadcast_in_dim3A_813 : i32 to vector<16xi32>
          tpu.vector_store_idx %arg8[%add3A_300, %broadcast_in_dim3A_814], %get3A_756 : memref<128x128xf32, #tpu.memory_space<vmem>>[vector<16xi32>, vector<16xi32>], vector<16xf32>,
          %broadcast_in_dim3A_815 = arith.constant 42 : i32
          %broadcast_in_dim3A_816 = vector.broadcast %broadcast_in_dim3A_815 : i32 to vector<16xi32>
          tpu.vector_store_idx %arg8[%add3A_300, %broadcast_in_dim3A_816], %get3A_765 : memref<128x128xf32, #tpu.memory_space<vmem>>[vector<16xi32>, vector<16xi32>], vector<16xf32>,
          %broadcast_in_dim3A_817 = arith.constant 43 : i32
          %broadcast_in_dim3A_818 = vector.broadcast %broadcast_in_dim3A_817 : i32 to vector<16xi32>
          tpu.vector_store_idx %arg8[%add3A_300, %broadcast_in_dim3A_818], %get3A_774 : memref<128x128xf32, #tpu.memory_space<vmem>>[vector<16xi32>, vector<16xi32>], vector<16xf32>,
          %broadcast_in_dim3A_819 = arith.constant 44 : i32
          %broadcast_in_dim3A_820 = vector.broadcast %broadcast_in_dim3A_819 : i32 to vector<16xi32>
          tpu.vector_store_idx %arg8[%add3A_300, %broadcast_in_dim3A_820], %get3A_783 : memref<128x128xf32, #tpu.memory_space<vmem>>[vector<16xi32>, vector<16xi32>], vector<16xf32>,
          %broadcast_in_dim3A_821 = arith.constant 45 : i32
          %broadcast_in_dim3A_822 = vector.broadcast %broadcast_in_dim3A_821 : i32 to vector<16xi32>
          tpu.vector_store_idx %arg8[%add3A_300, %broadcast_in_dim3A_822], %get3A_792 : memref<128x128xf32, #tpu.memory_space<vmem>>[vector<16xi32>, vector<16xi32>], vector<16xf32>,
          %broadcast_in_dim3A_823 = arith.constant 46 : i32
          %broadcast_in_dim3A_824 = vector.broadcast %broadcast_in_dim3A_823 : i32 to vector<16xi32>
          tpu.vector_store_idx %arg8[%add3A_300, %broadcast_in_dim3A_824], %get3A_801 : memref<128x128xf32, #tpu.memory_space<vmem>>[vector<16xi32>, vector<16xi32>], vector<16xf32>,
          %broadcast_in_dim3A_825 = arith.constant 47 : i32
          %broadcast_in_dim3A_826 = vector.broadcast %broadcast_in_dim3A_825 : i32 to vector<16xi32>
          tpu.vector_store_idx %arg8[%add3A_300, %broadcast_in_dim3A_826], %get3A_810 : memref<128x128xf32, #tpu.memory_space<vmem>>[vector<16xi32>, vector<16xi32>], vector<16xf32>,
          %mul3A_827 = arith.constant 128 : i32
          %mul3A_828 = arith.muli %add3A_296, %mul3A_827 : i32
          %add3A_829 = arith.constant 48 : i32
          %add3A_830 = arith.addi %mul3A_828, %add3A_829 : i32
          %add3A_831 = arith.constant 0 : i32
          %add3A_832 = arith.addi %add3A_830, %add3A_831 : i32
          %get3A_833 = arith.index_cast %add3A_832 : i32 to index
          %get3A_834 = arith.constant 0 : index
          %get3A_835 = tpu.vector_load %arg6[%get3A_833, %get3A_834] {strides = array<i32>} : memref<1024x16xf32, #tpu.memory_space<vmem>>, vector<16xf32>,
          %mul3A_836 = arith.constant 128 : i32
          %mul3A_837 = arith.muli %add3A_296, %mul3A_836 : i32
          %add3A_838 = arith.constant 48 : i32
          %add3A_839 = arith.addi %mul3A_837, %add3A_838 : i32
          %add3A_840 = arith.constant 1 : i32
          %add3A_841 = arith.addi %add3A_839, %add3A_840 : i32
          %get3A_842 = arith.index_cast %add3A_841 : i32 to index
          %get3A_843 = arith.constant 0 : index
          %get3A_844 = tpu.vector_load %arg6[%get3A_842, %get3A_843] {strides = array<i32>} : memref<1024x16xf32, #tpu.memory_space<vmem>>, vector<16xf32>,
          %mul3A_845 = arith.constant 128 : i32
          %mul3A_846 = arith.muli %add3A_296, %mul3A_845 : i32
          %add3A_847 = arith.constant 48 : i32
          %add3A_848 = arith.addi %mul3A_846, %add3A_847 : i32
          %add3A_849 = arith.constant 2 : i32
          %add3A_850 = arith.addi %add3A_848, %add3A_849 : i32
          %get3A_851 = arith.index_cast %add3A_850 : i32 to index
          %get3A_852 = arith.constant 0 : index
          %get3A_853 = tpu.vector_load %arg6[%get3A_851, %get3A_852] {strides = array<i32>} : memref<1024x16xf32, #tpu.memory_space<vmem>>, vector<16xf32>,
          %mul3A_854 = arith.constant 128 : i32
          %mul3A_855 = arith.muli %add3A_296, %mul3A_854 : i32
          %add3A_856 = arith.constant 48 : i32
          %add3A_857 = arith.addi %mul3A_855, %add3A_856 : i32
          %add3A_858 = arith.constant 3 : i32
          %add3A_859 = arith.addi %add3A_857, %add3A_858 : i32
          %get3A_860 = arith.index_cast %add3A_859 : i32 to index
          %get3A_861 = arith.constant 0 : index
          %get3A_862 = tpu.vector_load %arg6[%get3A_860, %get3A_861] {strides = array<i32>} : memref<1024x16xf32, #tpu.memory_space<vmem>>, vector<16xf32>,
          %mul3A_863 = arith.constant 128 : i32
          %mul3A_864 = arith.muli %add3A_296, %mul3A_863 : i32
          %add3A_865 = arith.constant 48 : i32
          %add3A_866 = arith.addi %mul3A_864, %add3A_865 : i32
          %add3A_867 = arith.constant 4 : i32
          %add3A_868 = arith.addi %add3A_866, %add3A_867 : i32
          %get3A_869 = arith.index_cast %add3A_868 : i32 to index
          %get3A_870 = arith.constant 0 : index
          %get3A_871 = tpu.vector_load %arg6[%get3A_869, %get3A_870] {strides = array<i32>} : memref<1024x16xf32, #tpu.memory_space<vmem>>, vector<16xf32>,
          %mul3A_872 = arith.constant 128 : i32
          %mul3A_873 = arith.muli %add3A_296, %mul3A_872 : i32
          %add3A_874 = arith.constant 48 : i32
          %add3A_875 = arith.addi %mul3A_873, %add3A_874 : i32
          %add3A_876 = arith.constant 5 : i32
          %add3A_877 = arith.addi %add3A_875, %add3A_876 : i32
          %get3A_878 = arith.index_cast %add3A_877 : i32 to index
          %get3A_879 = arith.constant 0 : index
          %get3A_880 = tpu.vector_load %arg6[%get3A_878, %get3A_879] {strides = array<i32>} : memref<1024x16xf32, #tpu.memory_space<vmem>>, vector<16xf32>,
          %mul3A_881 = arith.constant 128 : i32
          %mul3A_882 = arith.muli %add3A_296, %mul3A_881 : i32
          %add3A_883 = arith.constant 48 : i32
          %add3A_884 = arith.addi %mul3A_882, %add3A_883 : i32
          %add3A_885 = arith.constant 6 : i32
          %add3A_886 = arith.addi %add3A_884, %add3A_885 : i32
          %get3A_887 = arith.index_cast %add3A_886 : i32 to index
          %get3A_888 = arith.constant 0 : index
          %get3A_889 = tpu.vector_load %arg6[%get3A_887, %get3A_888] {strides = array<i32>} : memref<1024x16xf32, #tpu.memory_space<vmem>>, vector<16xf32>,
          %mul3A_890 = arith.constant 128 : i32
          %mul3A_891 = arith.muli %add3A_296, %mul3A_890 : i32
          %add3A_892 = arith.constant 48 : i32
          %add3A_893 = arith.addi %mul3A_891, %add3A_892 : i32
          %add3A_894 = arith.constant 7 : i32
          %add3A_895 = arith.addi %add3A_893, %add3A_894 : i32
          %get3A_896 = arith.index_cast %add3A_895 : i32 to index
          %get3A_897 = arith.constant 0 : index
          %get3A_898 = tpu.vector_load %arg6[%get3A_896, %get3A_897] {strides = array<i32>} : memref<1024x16xf32, #tpu.memory_space<vmem>>, vector<16xf32>,
          %broadcast_in_dim3A_899 = arith.constant 48 : i32
          %broadcast_in_dim3A_900 = vector.broadcast %broadcast_in_dim3A_899 : i32 to vector<16xi32>
          tpu.vector_store_idx %arg8[%add3A_300, %broadcast_in_dim3A_900], %get3A_835 : memref<128x128xf32, #tpu.memory_space<vmem>>[vector<16xi32>, vector<16xi32>], vector<16xf32>,
          %broadcast_in_dim3A_901 = arith.constant 49 : i32
          %broadcast_in_dim3A_902 = vector.broadcast %broadcast_in_dim3A_901 : i32 to vector<16xi32>
          tpu.vector_store_idx %arg8[%add3A_300, %broadcast_in_dim3A_902], %get3A_844 : memref<128x128xf32, #tpu.memory_space<vmem>>[vector<16xi32>, vector<16xi32>], vector<16xf32>,
          %broadcast_in_dim3A_903 = arith.constant 50 : i32
          %broadcast_in_dim3A_904 = vector.broadcast %broadcast_in_dim3A_903 : i32 to vector<16xi32>
          tpu.vector_store_idx %arg8[%add3A_300, %broadcast_in_dim3A_904], %get3A_853 : memref<128x128xf32, #tpu.memory_space<vmem>>[vector<16xi32>, vector<16xi32>], vector<16xf32>,
          %broadcast_in_dim3A_905 = arith.constant 51 : i32
          %broadcast_in_dim3A_906 = vector.broadcast %broadcast_in_dim3A_905 : i32 to vector<16xi32>
          tpu.vector_store_idx %arg8[%add3A_300, %broadcast_in_dim3A_906], %get3A_862 : memref<128x128xf32, #tpu.memory_space<vmem>>[vector<16xi32>, vector<16xi32>], vector<16xf32>,
          %broadcast_in_dim3A_907 = arith.constant 52 : i32
          %broadcast_in_dim3A_908 = vector.broadcast %broadcast_in_dim3A_907 : i32 to vector<16xi32>
          tpu.vector_store_idx %arg8[%add3A_300, %broadcast_in_dim3A_908], %get3A_871 : memref<128x128xf32, #tpu.memory_space<vmem>>[vector<16xi32>, vector<16xi32>], vector<16xf32>,
          %broadcast_in_dim3A_909 = arith.constant 53 : i32
          %broadcast_in_dim3A_910 = vector.broadcast %broadcast_in_dim3A_909 : i32 to vector<16xi32>
          tpu.vector_store_idx %arg8[%add3A_300, %broadcast_in_dim3A_910], %get3A_880 : memref<128x128xf32, #tpu.memory_space<vmem>>[vector<16xi32>, vector<16xi32>], vector<16xf32>,
          %broadcast_in_dim3A_911 = arith.constant 54 : i32
          %broadcast_in_dim3A_912 = vector.broadcast %broadcast_in_dim3A_911 : i32 to vector<16xi32>
          tpu.vector_store_idx %arg8[%add3A_300, %broadcast_in_dim3A_912], %get3A_889 : memref<128x128xf32, #tpu.memory_space<vmem>>[vector<16xi32>, vector<16xi32>], vector<16xf32>,
          %broadcast_in_dim3A_913 = arith.constant 55 : i32
          %broadcast_in_dim3A_914 = vector.broadcast %broadcast_in_dim3A_913 : i32 to vector<16xi32>
          tpu.vector_store_idx %arg8[%add3A_300, %broadcast_in_dim3A_914], %get3A_898 : memref<128x128xf32, #tpu.memory_space<vmem>>[vector<16xi32>, vector<16xi32>], vector<16xf32>,
          %mul3A_915 = arith.constant 128 : i32
          %mul3A_916 = arith.muli %add3A_296, %mul3A_915 : i32
          %add3A_917 = arith.constant 56 : i32
          %add3A_918 = arith.addi %mul3A_916, %add3A_917 : i32
          %add3A_919 = arith.constant 0 : i32
          %add3A_920 = arith.addi %add3A_918, %add3A_919 : i32
          %get3A_921 = arith.index_cast %add3A_920 : i32 to index
          %get3A_922 = arith.constant 0 : index
          %get3A_923 = tpu.vector_load %arg6[%get3A_921, %get3A_922] {strides = array<i32>} : memref<1024x16xf32, #tpu.memory_space<vmem>>, vector<16xf32>,
          %mul3A_924 = arith.constant 128 : i32
          %mul3A_925 = arith.muli %add3A_296, %mul3A_924 : i32
          %add3A_926 = arith.constant 56 : i32
          %add3A_927 = arith.addi %mul3A_925, %add3A_926 : i32
          %add3A_928 = arith.constant 1 : i32
          %add3A_929 = arith.addi %add3A_927, %add3A_928 : i32
          %get3A_930 = arith.index_cast %add3A_929 : i32 to index
          %get3A_931 = arith.constant 0 : index
          %get3A_932 = tpu.vector_load %arg6[%get3A_930, %get3A_931] {strides = array<i32>} : memref<1024x16xf32, #tpu.memory_space<vmem>>, vector<16xf32>,
          %mul3A_933 = arith.constant 128 : i32
          %mul3A_934 = arith.muli %add3A_296, %mul3A_933 : i32
          %add3A_935 = arith.constant 56 : i32
          %add3A_936 = arith.addi %mul3A_934, %add3A_935 : i32
          %add3A_937 = arith.constant 2 : i32
          %add3A_938 = arith.addi %add3A_936, %add3A_937 : i32
          %get3A_939 = arith.index_cast %add3A_938 : i32 to index
          %get3A_940 = arith.constant 0 : index
          %get3A_941 = tpu.vector_load %arg6[%get3A_939, %get3A_940] {strides = array<i32>} : memref<1024x16xf32, #tpu.memory_space<vmem>>, vector<16xf32>,
          %mul3A_942 = arith.constant 128 : i32
          %mul3A_943 = arith.muli %add3A_296, %mul3A_942 : i32
          %add3A_944 = arith.constant 56 : i32
          %add3A_945 = arith.addi %mul3A_943, %add3A_944 : i32
          %add3A_946 = arith.constant 3 : i32
          %add3A_947 = arith.addi %add3A_945, %add3A_946 : i32
          %get3A_948 = arith.index_cast %add3A_947 : i32 to index
          %get3A_949 = arith.constant 0 : index
          %get3A_950 = tpu.vector_load %arg6[%get3A_948, %get3A_949] {strides = array<i32>} : memref<1024x16xf32, #tpu.memory_space<vmem>>, vector<16xf32>,
          %mul3A_951 = arith.constant 128 : i32
          %mul3A_952 = arith.muli %add3A_296, %mul3A_951 : i32
          %add3A_953 = arith.constant 56 : i32
          %add3A_954 = arith.addi %mul3A_952, %add3A_953 : i32
          %add3A_955 = arith.constant 4 : i32
          %add3A_956 = arith.addi %add3A_954, %add3A_955 : i32
          %get3A_957 = arith.index_cast %add3A_956 : i32 to index
          %get3A_958 = arith.constant 0 : index
          %get3A_959 = tpu.vector_load %arg6[%get3A_957, %get3A_958] {strides = array<i32>} : memref<1024x16xf32, #tpu.memory_space<vmem>>, vector<16xf32>,
          %mul3A_960 = arith.constant 128 : i32
          %mul3A_961 = arith.muli %add3A_296, %mul3A_960 : i32
          %add3A_962 = arith.constant 56 : i32
          %add3A_963 = arith.addi %mul3A_961, %add3A_962 : i32
          %add3A_964 = arith.constant 5 : i32
          %add3A_965 = arith.addi %add3A_963, %add3A_964 : i32
          %get3A_966 = arith.index_cast %add3A_965 : i32 to index
          %get3A_967 = arith.constant 0 : index
          %get3A_968 = tpu.vector_load %arg6[%get3A_966, %get3A_967] {strides = array<i32>} : memref<1024x16xf32, #tpu.memory_space<vmem>>, vector<16xf32>,
          %mul3A_969 = arith.constant 128 : i32
          %mul3A_970 = arith.muli %add3A_296, %mul3A_969 : i32
          %add3A_971 = arith.constant 56 : i32
          %add3A_972 = arith.addi %mul3A_970, %add3A_971 : i32
          %add3A_973 = arith.constant 6 : i32
          %add3A_974 = arith.addi %add3A_972, %add3A_973 : i32
          %get3A_975 = arith.index_cast %add3A_974 : i32 to index
          %get3A_976 = arith.constant 0 : index
          %get3A_977 = tpu.vector_load %arg6[%get3A_975, %get3A_976] {strides = array<i32>} : memref<1024x16xf32, #tpu.memory_space<vmem>>, vector<16xf32>,
          %mul3A_978 = arith.constant 128 : i32
          %mul3A_979 = arith.muli %add3A_296, %mul3A_978 : i32
          %add3A_980 = arith.constant 56 : i32
          %add3A_981 = arith.addi %mul3A_979, %add3A_980 : i32
          %add3A_982 = arith.constant 7 : i32
          %add3A_983 = arith.addi %add3A_981, %add3A_982 : i32
          %get3A_984 = arith.index_cast %add3A_983 : i32 to index
          %get3A_985 = arith.constant 0 : index
          %get3A_986 = tpu.vector_load %arg6[%get3A_984, %get3A_985] {strides = array<i32>} : memref<1024x16xf32, #tpu.memory_space<vmem>>, vector<16xf32>,
          %broadcast_in_dim3A_987 = arith.constant 56 : i32
          %broadcast_in_dim3A_988 = vector.broadcast %broadcast_in_dim3A_987 : i32 to vector<16xi32>
          tpu.vector_store_idx %arg8[%add3A_300, %broadcast_in_dim3A_988], %get3A_923 : memref<128x128xf32, #tpu.memory_space<vmem>>[vector<16xi32>, vector<16xi32>], vector<16xf32>,
          %broadcast_in_dim3A_989 = arith.constant 57 : i32
          %broadcast_in_dim3A_990 = vector.broadcast %broadcast_in_dim3A_989 : i32 to vector<16xi32>
          tpu.vector_store_idx %arg8[%add3A_300, %broadcast_in_dim3A_990], %get3A_932 : memref<128x128xf32, #tpu.memory_space<vmem>>[vector<16xi32>, vector<16xi32>], vector<16xf32>,
          %broadcast_in_dim3A_991 = arith.constant 58 : i32
          %broadcast_in_dim3A_992 = vector.broadcast %broadcast_in_dim3A_991 : i32 to vector<16xi32>
          tpu.vector_store_idx %arg8[%add3A_300, %broadcast_in_dim3A_992], %get3A_941 : memref<128x128xf32, #tpu.memory_space<vmem>>[vector<16xi32>, vector<16xi32>], vector<16xf32>,
          %broadcast_in_dim3A_993 = arith.constant 59 : i32
          %broadcast_in_dim3A_994 = vector.broadcast %broadcast_in_dim3A_993 : i32 to vector<16xi32>
          tpu.vector_store_idx %arg8[%add3A_300, %broadcast_in_dim3A_994], %get3A_950 : memref<128x128xf32, #tpu.memory_space<vmem>>[vector<16xi32>, vector<16xi32>], vector<16xf32>,
          %broadcast_in_dim3A_995 = arith.constant 60 : i32
          %broadcast_in_dim3A_996 = vector.broadcast %broadcast_in_dim3A_995 : i32 to vector<16xi32>
          tpu.vector_store_idx %arg8[%add3A_300, %broadcast_in_dim3A_996], %get3A_959 : memref<128x128xf32, #tpu.memory_space<vmem>>[vector<16xi32>, vector<16xi32>], vector<16xf32>,
          %broadcast_in_dim3A_997 = arith.constant 61 : i32
          %broadcast_in_dim3A_998 = vector.broadcast %broadcast_in_dim3A_997 : i32 to vector<16xi32>
          tpu.vector_store_idx %arg8[%add3A_300, %broadcast_in_dim3A_998], %get3A_968 : memref<128x128xf32, #tpu.memory_space<vmem>>[vector<16xi32>, vector<16xi32>], vector<16xf32>,
          %broadcast_in_dim3A_999 = arith.constant 62 : i32
          %broadcast_in_dim3A_1000 = vector.broadcast %broadcast_in_dim3A_999 : i32 to vector<16xi32>
          tpu.vector_store_idx %arg8[%add3A_300, %broadcast_in_dim3A_1000], %get3A_977 : memref<128x128xf32, #tpu.memory_space<vmem>>[vector<16xi32>, vector<16xi32>], vector<16xf32>,
          %broadcast_in_dim3A_1001 = arith.constant 63 : i32
          %broadcast_in_dim3A_1002 = vector.broadcast %broadcast_in_dim3A_1001 : i32 to vector<16xi32>
          tpu.vector_store_idx %arg8[%add3A_300, %broadcast_in_dim3A_1002], %get3A_986 : memref<128x128xf32, #tpu.memory_space<vmem>>[vector<16xi32>, vector<16xi32>], vector<16xf32>,
          %mul3A_1003 = arith.constant 128 : i32
          %mul3A_1004 = arith.muli %add3A_296, %mul3A_1003 : i32
          %add3A_1005 = arith.constant 64 : i32
          %add3A_1006 = arith.addi %mul3A_1004, %add3A_1005 : i32
          %add3A_1007 = arith.constant 0 : i32
          %add3A_1008 = arith.addi %add3A_1006, %add3A_1007 : i32
          %get3A_1009 = arith.index_cast %add3A_1008 : i32 to index
          %get3A_1010 = arith.constant 0 : index
          %get3A_1011 = tpu.vector_load %arg6[%get3A_1009, %get3A_1010] {strides = array<i32>} : memref<1024x16xf32, #tpu.memory_space<vmem>>, vector<16xf32>,
          %mul3A_1012 = arith.constant 128 : i32
          %mul3A_1013 = arith.muli %add3A_296, %mul3A_1012 : i32
          %add3A_1014 = arith.constant 64 : i32
          %add3A_1015 = arith.addi %mul3A_1013, %add3A_1014 : i32
          %add3A_1016 = arith.constant 1 : i32
          %add3A_1017 = arith.addi %add3A_1015, %add3A_1016 : i32
          %get3A_1018 = arith.index_cast %add3A_1017 : i32 to index
          %get3A_1019 = arith.constant 0 : index
          %get3A_1020 = tpu.vector_load %arg6[%get3A_1018, %get3A_1019] {strides = array<i32>} : memref<1024x16xf32, #tpu.memory_space<vmem>>, vector<16xf32>,
          %mul3A_1021 = arith.constant 128 : i32
          %mul3A_1022 = arith.muli %add3A_296, %mul3A_1021 : i32
          %add3A_1023 = arith.constant 64 : i32
          %add3A_1024 = arith.addi %mul3A_1022, %add3A_1023 : i32
          %add3A_1025 = arith.constant 2 : i32
          %add3A_1026 = arith.addi %add3A_1024, %add3A_1025 : i32
          %get3A_1027 = arith.index_cast %add3A_1026 : i32 to index
          %get3A_1028 = arith.constant 0 : index
          %get3A_1029 = tpu.vector_load %arg6[%get3A_1027, %get3A_1028] {strides = array<i32>} : memref<1024x16xf32, #tpu.memory_space<vmem>>, vector<16xf32>,
          %mul3A_1030 = arith.constant 128 : i32
          %mul3A_1031 = arith.muli %add3A_296, %mul3A_1030 : i32
          %add3A_1032 = arith.constant 64 : i32
          %add3A_1033 = arith.addi %mul3A_1031, %add3A_1032 : i32
          %add3A_1034 = arith.constant 3 : i32
          %add3A_1035 = arith.addi %add3A_1033, %add3A_1034 : i32
          %get3A_1036 = arith.index_cast %add3A_1035 : i32 to index
          %get3A_1037 = arith.constant 0 : index
          %get3A_1038 = tpu.vector_load %arg6[%get3A_1036, %get3A_1037] {strides = array<i32>} : memref<1024x16xf32, #tpu.memory_space<vmem>>, vector<16xf32>,
          %mul3A_1039 = arith.constant 128 : i32
          %mul3A_1040 = arith.muli %add3A_296, %mul3A_1039 : i32
          %add3A_1041 = arith.constant 64 : i32
          %add3A_1042 = arith.addi %mul3A_1040, %add3A_1041 : i32
          %add3A_1043 = arith.constant 4 : i32
          %add3A_1044 = arith.addi %add3A_1042, %add3A_1043 : i32
          %get3A_1045 = arith.index_cast %add3A_1044 : i32 to index
          %get3A_1046 = arith.constant 0 : index
          %get3A_1047 = tpu.vector_load %arg6[%get3A_1045, %get3A_1046] {strides = array<i32>} : memref<1024x16xf32, #tpu.memory_space<vmem>>, vector<16xf32>,
          %mul3A_1048 = arith.constant 128 : i32
          %mul3A_1049 = arith.muli %add3A_296, %mul3A_1048 : i32
          %add3A_1050 = arith.constant 64 : i32
          %add3A_1051 = arith.addi %mul3A_1049, %add3A_1050 : i32
          %add3A_1052 = arith.constant 5 : i32
          %add3A_1053 = arith.addi %add3A_1051, %add3A_1052 : i32
          %get3A_1054 = arith.index_cast %add3A_1053 : i32 to index
          %get3A_1055 = arith.constant 0 : index
          %get3A_1056 = tpu.vector_load %arg6[%get3A_1054, %get3A_1055] {strides = array<i32>} : memref<1024x16xf32, #tpu.memory_space<vmem>>, vector<16xf32>,
          %mul3A_1057 = arith.constant 128 : i32
          %mul3A_1058 = arith.muli %add3A_296, %mul3A_1057 : i32
          %add3A_1059 = arith.constant 64 : i32
          %add3A_1060 = arith.addi %mul3A_1058, %add3A_1059 : i32
          %add3A_1061 = arith.constant 6 : i32
          %add3A_1062 = arith.addi %add3A_1060, %add3A_1061 : i32
          %get3A_1063 = arith.index_cast %add3A_1062 : i32 to index
          %get3A_1064 = arith.constant 0 : index
          %get3A_1065 = tpu.vector_load %arg6[%get3A_1063, %get3A_1064] {strides = array<i32>} : memref<1024x16xf32, #tpu.memory_space<vmem>>, vector<16xf32>,
          %mul3A_1066 = arith.constant 128 : i32
          %mul3A_1067 = arith.muli %add3A_296, %mul3A_1066 : i32
          %add3A_1068 = arith.constant 64 : i32
          %add3A_1069 = arith.addi %mul3A_1067, %add3A_1068 : i32
          %add3A_1070 = arith.constant 7 : i32
          %add3A_1071 = arith.addi %add3A_1069, %add3A_1070 : i32
          %get3A_1072 = arith.index_cast %add3A_1071 : i32 to index
          %get3A_1073 = arith.constant 0 : index
          %get3A_1074 = tpu.vector_load %arg6[%get3A_1072, %get3A_1073] {strides = array<i32>} : memref<1024x16xf32, #tpu.memory_space<vmem>>, vector<16xf32>,
          %broadcast_in_dim3A_1075 = arith.constant 64 : i32
          %broadcast_in_dim3A_1076 = vector.broadcast %broadcast_in_dim3A_1075 : i32 to vector<16xi32>
          tpu.vector_store_idx %arg8[%add3A_300, %broadcast_in_dim3A_1076], %get3A_1011 : memref<128x128xf32, #tpu.memory_space<vmem>>[vector<16xi32>, vector<16xi32>], vector<16xf32>,
          %broadcast_in_dim3A_1077 = arith.constant 65 : i32
          %broadcast_in_dim3A_1078 = vector.broadcast %broadcast_in_dim3A_1077 : i32 to vector<16xi32>
          tpu.vector_store_idx %arg8[%add3A_300, %broadcast_in_dim3A_1078], %get3A_1020 : memref<128x128xf32, #tpu.memory_space<vmem>>[vector<16xi32>, vector<16xi32>], vector<16xf32>,
          %broadcast_in_dim3A_1079 = arith.constant 66 : i32
          %broadcast_in_dim3A_1080 = vector.broadcast %broadcast_in_dim3A_1079 : i32 to vector<16xi32>
          tpu.vector_store_idx %arg8[%add3A_300, %broadcast_in_dim3A_1080], %get3A_1029 : memref<128x128xf32, #tpu.memory_space<vmem>>[vector<16xi32>, vector<16xi32>], vector<16xf32>,
          %broadcast_in_dim3A_1081 = arith.constant 67 : i32
          %broadcast_in_dim3A_1082 = vector.broadcast %broadcast_in_dim3A_1081 : i32 to vector<16xi32>
          tpu.vector_store_idx %arg8[%add3A_300, %broadcast_in_dim3A_1082], %get3A_1038 : memref<128x128xf32, #tpu.memory_space<vmem>>[vector<16xi32>, vector<16xi32>], vector<16xf32>,
          %broadcast_in_dim3A_1083 = arith.constant 68 : i32
          %broadcast_in_dim3A_1084 = vector.broadcast %broadcast_in_dim3A_1083 : i32 to vector<16xi32>
          tpu.vector_store_idx %arg8[%add3A_300, %broadcast_in_dim3A_1084], %get3A_1047 : memref<128x128xf32, #tpu.memory_space<vmem>>[vector<16xi32>, vector<16xi32>], vector<16xf32>,
          %broadcast_in_dim3A_1085 = arith.constant 69 : i32
          %broadcast_in_dim3A_1086 = vector.broadcast %broadcast_in_dim3A_1085 : i32 to vector<16xi32>
          tpu.vector_store_idx %arg8[%add3A_300, %broadcast_in_dim3A_1086], %get3A_1056 : memref<128x128xf32, #tpu.memory_space<vmem>>[vector<16xi32>, vector<16xi32>], vector<16xf32>,
          %broadcast_in_dim3A_1087 = arith.constant 70 : i32
          %broadcast_in_dim3A_1088 = vector.broadcast %broadcast_in_dim3A_1087 : i32 to vector<16xi32>
          tpu.vector_store_idx %arg8[%add3A_300, %broadcast_in_dim3A_1088], %get3A_1065 : memref<128x128xf32, #tpu.memory_space<vmem>>[vector<16xi32>, vector<16xi32>], vector<16xf32>,
          %broadcast_in_dim3A_1089 = arith.constant 71 : i32
          %broadcast_in_dim3A_1090 = vector.broadcast %broadcast_in_dim3A_1089 : i32 to vector<16xi32>
          tpu.vector_store_idx %arg8[%add3A_300, %broadcast_in_dim3A_1090], %get3A_1074 : memref<128x128xf32, #tpu.memory_space<vmem>>[vector<16xi32>, vector<16xi32>], vector<16xf32>,
          %mul3A_1091 = arith.constant 128 : i32
          %mul3A_1092 = arith.muli %add3A_296, %mul3A_1091 : i32
          %add3A_1093 = arith.constant 72 : i32
          %add3A_1094 = arith.addi %mul3A_1092, %add3A_1093 : i32
          %add3A_1095 = arith.constant 0 : i32
          %add3A_1096 = arith.addi %add3A_1094, %add3A_1095 : i32
          %get3A_1097 = arith.index_cast %add3A_1096 : i32 to index
          %get3A_1098 = arith.constant 0 : index
          %get3A_1099 = tpu.vector_load %arg6[%get3A_1097, %get3A_1098] {strides = array<i32>} : memref<1024x16xf32, #tpu.memory_space<vmem>>, vector<16xf32>,
          %mul3A_1100 = arith.constant 128 : i32
          %mul3A_1101 = arith.muli %add3A_296, %mul3A_1100 : i32
          %add3A_1102 = arith.constant 72 : i32
          %add3A_1103 = arith.addi %mul3A_1101, %add3A_1102 : i32
          %add3A_1104 = arith.constant 1 : i32
          %add3A_1105 = arith.addi %add3A_1103, %add3A_1104 : i32
          %get3A_1106 = arith.index_cast %add3A_1105 : i32 to index
          %get3A_1107 = arith.constant 0 : index
          %get3A_1108 = tpu.vector_load %arg6[%get3A_1106, %get3A_1107] {strides = array<i32>} : memref<1024x16xf32, #tpu.memory_space<vmem>>, vector<16xf32>,
          %mul3A_1109 = arith.constant 128 : i32
          %mul3A_1110 = arith.muli %add3A_296, %mul3A_1109 : i32
          %add3A_1111 = arith.constant 72 : i32
          %add3A_1112 = arith.addi %mul3A_1110, %add3A_1111 : i32
          %add3A_1113 = arith.constant 2 : i32
          %add3A_1114 = arith.addi %add3A_1112, %add3A_1113 : i32
          %get3A_1115 = arith.index_cast %add3A_1114 : i32 to index
          %get3A_1116 = arith.constant 0 : index
          %get3A_1117 = tpu.vector_load %arg6[%get3A_1115, %get3A_1116] {strides = array<i32>} : memref<1024x16xf32, #tpu.memory_space<vmem>>, vector<16xf32>,
          %mul3A_1118 = arith.constant 128 : i32
          %mul3A_1119 = arith.muli %add3A_296, %mul3A_1118 : i32
          %add3A_1120 = arith.constant 72 : i32
          %add3A_1121 = arith.addi %mul3A_1119, %add3A_1120 : i32
          %add3A_1122 = arith.constant 3 : i32
          %add3A_1123 = arith.addi %add3A_1121, %add3A_1122 : i32
          %get3A_1124 = arith.index_cast %add3A_1123 : i32 to index
          %get3A_1125 = arith.constant 0 : index
          %get3A_1126 = tpu.vector_load %arg6[%get3A_1124, %get3A_1125] {strides = array<i32>} : memref<1024x16xf32, #tpu.memory_space<vmem>>, vector<16xf32>,
          %mul3A_1127 = arith.constant 128 : i32
          %mul3A_1128 = arith.muli %add3A_296, %mul3A_1127 : i32
          %add3A_1129 = arith.constant 72 : i32
          %add3A_1130 = arith.addi %mul3A_1128, %add3A_1129 : i32
          %add3A_1131 = arith.constant 4 : i32
          %add3A_1132 = arith.addi %add3A_1130, %add3A_1131 : i32
          %get3A_1133 = arith.index_cast %add3A_1132 : i32 to index
          %get3A_1134 = arith.constant 0 : index
          %get3A_1135 = tpu.vector_load %arg6[%get3A_1133, %get3A_1134] {strides = array<i32>} : memref<1024x16xf32, #tpu.memory_space<vmem>>, vector<16xf32>,
          %mul3A_1136 = arith.constant 128 : i32
          %mul3A_1137 = arith.muli %add3A_296, %mul3A_1136 : i32
          %add3A_1138 = arith.constant 72 : i32
          %add3A_1139 = arith.addi %mul3A_1137, %add3A_1138 : i32
          %add3A_1140 = arith.constant 5 : i32
          %add3A_1141 = arith.addi %add3A_1139, %add3A_1140 : i32
          %get3A_1142 = arith.index_cast %add3A_1141 : i32 to index
          %get3A_1143 = arith.constant 0 : index
          %get3A_1144 = tpu.vector_load %arg6[%get3A_1142, %get3A_1143] {strides = array<i32>} : memref<1024x16xf32, #tpu.memory_space<vmem>>, vector<16xf32>,
          %mul3A_1145 = arith.constant 128 : i32
          %mul3A_1146 = arith.muli %add3A_296, %mul3A_1145 : i32
          %add3A_1147 = arith.constant 72 : i32
          %add3A_1148 = arith.addi %mul3A_1146, %add3A_1147 : i32
          %add3A_1149 = arith.constant 6 : i32
          %add3A_1150 = arith.addi %add3A_1148, %add3A_1149 : i32
          %get3A_1151 = arith.index_cast %add3A_1150 : i32 to index
          %get3A_1152 = arith.constant 0 : index
          %get3A_1153 = tpu.vector_load %arg6[%get3A_1151, %get3A_1152] {strides = array<i32>} : memref<1024x16xf32, #tpu.memory_space<vmem>>, vector<16xf32>,
          %mul3A_1154 = arith.constant 128 : i32
          %mul3A_1155 = arith.muli %add3A_296, %mul3A_1154 : i32
          %add3A_1156 = arith.constant 72 : i32
          %add3A_1157 = arith.addi %mul3A_1155, %add3A_1156 : i32
          %add3A_1158 = arith.constant 7 : i32
          %add3A_1159 = arith.addi %add3A_1157, %add3A_1158 : i32
          %get3A_1160 = arith.index_cast %add3A_1159 : i32 to index
          %get3A_1161 = arith.constant 0 : index
          %get3A_1162 = tpu.vector_load %arg6[%get3A_1160, %get3A_1161] {strides = array<i32>} : memref<1024x16xf32, #tpu.memory_space<vmem>>, vector<16xf32>,
          %broadcast_in_dim3A_1163 = arith.constant 72 : i32
          %broadcast_in_dim3A_1164 = vector.broadcast %broadcast_in_dim3A_1163 : i32 to vector<16xi32>
          tpu.vector_store_idx %arg8[%add3A_300, %broadcast_in_dim3A_1164], %get3A_1099 : memref<128x128xf32, #tpu.memory_space<vmem>>[vector<16xi32>, vector<16xi32>], vector<16xf32>,
          %broadcast_in_dim3A_1165 = arith.constant 73 : i32
          %broadcast_in_dim3A_1166 = vector.broadcast %broadcast_in_dim3A_1165 : i32 to vector<16xi32>
          tpu.vector_store_idx %arg8[%add3A_300, %broadcast_in_dim3A_1166], %get3A_1108 : memref<128x128xf32, #tpu.memory_space<vmem>>[vector<16xi32>, vector<16xi32>], vector<16xf32>,
          %broadcast_in_dim3A_1167 = arith.constant 74 : i32
          %broadcast_in_dim3A_1168 = vector.broadcast %broadcast_in_dim3A_1167 : i32 to vector<16xi32>
          tpu.vector_store_idx %arg8[%add3A_300, %broadcast_in_dim3A_1168], %get3A_1117 : memref<128x128xf32, #tpu.memory_space<vmem>>[vector<16xi32>, vector<16xi32>], vector<16xf32>,
          %broadcast_in_dim3A_1169 = arith.constant 75 : i32
          %broadcast_in_dim3A_1170 = vector.broadcast %broadcast_in_dim3A_1169 : i32 to vector<16xi32>
          tpu.vector_store_idx %arg8[%add3A_300, %broadcast_in_dim3A_1170], %get3A_1126 : memref<128x128xf32, #tpu.memory_space<vmem>>[vector<16xi32>, vector<16xi32>], vector<16xf32>,
          %broadcast_in_dim3A_1171 = arith.constant 76 : i32
          %broadcast_in_dim3A_1172 = vector.broadcast %broadcast_in_dim3A_1171 : i32 to vector<16xi32>
          tpu.vector_store_idx %arg8[%add3A_300, %broadcast_in_dim3A_1172], %get3A_1135 : memref<128x128xf32, #tpu.memory_space<vmem>>[vector<16xi32>, vector<16xi32>], vector<16xf32>,
          %broadcast_in_dim3A_1173 = arith.constant 77 : i32
          %broadcast_in_dim3A_1174 = vector.broadcast %broadcast_in_dim3A_1173 : i32 to vector<16xi32>
          tpu.vector_store_idx %arg8[%add3A_300, %broadcast_in_dim3A_1174], %get3A_1144 : memref<128x128xf32, #tpu.memory_space<vmem>>[vector<16xi32>, vector<16xi32>], vector<16xf32>,
          %broadcast_in_dim3A_1175 = arith.constant 78 : i32
          %broadcast_in_dim3A_1176 = vector.broadcast %broadcast_in_dim3A_1175 : i32 to vector<16xi32>
          tpu.vector_store_idx %arg8[%add3A_300, %broadcast_in_dim3A_1176], %get3A_1153 : memref<128x128xf32, #tpu.memory_space<vmem>>[vector<16xi32>, vector<16xi32>], vector<16xf32>,
          %broadcast_in_dim3A_1177 = arith.constant 79 : i32
          %broadcast_in_dim3A_1178 = vector.broadcast %broadcast_in_dim3A_1177 : i32 to vector<16xi32>
          tpu.vector_store_idx %arg8[%add3A_300, %broadcast_in_dim3A_1178], %get3A_1162 : memref<128x128xf32, #tpu.memory_space<vmem>>[vector<16xi32>, vector<16xi32>], vector<16xf32>,
          %mul3A_1179 = arith.constant 128 : i32
          %mul3A_1180 = arith.muli %add3A_296, %mul3A_1179 : i32
          %add3A_1181 = arith.constant 80 : i32
          %add3A_1182 = arith.addi %mul3A_1180, %add3A_1181 : i32
          %add3A_1183 = arith.constant 0 : i32
          %add3A_1184 = arith.addi %add3A_1182, %add3A_1183 : i32
          %get3A_1185 = arith.index_cast %add3A_1184 : i32 to index
          %get3A_1186 = arith.constant 0 : index
          %get3A_1187 = tpu.vector_load %arg6[%get3A_1185, %get3A_1186] {strides = array<i32>} : memref<1024x16xf32, #tpu.memory_space<vmem>>, vector<16xf32>,
          %mul3A_1188 = arith.constant 128 : i32
          %mul3A_1189 = arith.muli %add3A_296, %mul3A_1188 : i32
          %add3A_1190 = arith.constant 80 : i32
          %add3A_1191 = arith.addi %mul3A_1189, %add3A_1190 : i32
          %add3A_1192 = arith.constant 1 : i32
          %add3A_1193 = arith.addi %add3A_1191, %add3A_1192 : i32
          %get3A_1194 = arith.index_cast %add3A_1193 : i32 to index
          %get3A_1195 = arith.constant 0 : index
          %get3A_1196 = tpu.vector_load %arg6[%get3A_1194, %get3A_1195] {strides = array<i32>} : memref<1024x16xf32, #tpu.memory_space<vmem>>, vector<16xf32>,
          %mul3A_1197 = arith.constant 128 : i32
          %mul3A_1198 = arith.muli %add3A_296, %mul3A_1197 : i32
          %add3A_1199 = arith.constant 80 : i32
          %add3A_1200 = arith.addi %mul3A_1198, %add3A_1199 : i32
          %add3A_1201 = arith.constant 2 : i32
          %add3A_1202 = arith.addi %add3A_1200, %add3A_1201 : i32
          %get3A_1203 = arith.index_cast %add3A_1202 : i32 to index
          %get3A_1204 = arith.constant 0 : index
          %get3A_1205 = tpu.vector_load %arg6[%get3A_1203, %get3A_1204] {strides = array<i32>} : memref<1024x16xf32, #tpu.memory_space<vmem>>, vector<16xf32>,
          %mul3A_1206 = arith.constant 128 : i32
          %mul3A_1207 = arith.muli %add3A_296, %mul3A_1206 : i32
          %add3A_1208 = arith.constant 80 : i32
          %add3A_1209 = arith.addi %mul3A_1207, %add3A_1208 : i32
          %add3A_1210 = arith.constant 3 : i32
          %add3A_1211 = arith.addi %add3A_1209, %add3A_1210 : i32
          %get3A_1212 = arith.index_cast %add3A_1211 : i32 to index
          %get3A_1213 = arith.constant 0 : index
          %get3A_1214 = tpu.vector_load %arg6[%get3A_1212, %get3A_1213] {strides = array<i32>} : memref<1024x16xf32, #tpu.memory_space<vmem>>, vector<16xf32>,
          %mul3A_1215 = arith.constant 128 : i32
          %mul3A_1216 = arith.muli %add3A_296, %mul3A_1215 : i32
          %add3A_1217 = arith.constant 80 : i32
          %add3A_1218 = arith.addi %mul3A_1216, %add3A_1217 : i32
          %add3A_1219 = arith.constant 4 : i32
          %add3A_1220 = arith.addi %add3A_1218, %add3A_1219 : i32
          %get3A_1221 = arith.index_cast %add3A_1220 : i32 to index
          %get3A_1222 = arith.constant 0 : index
          %get3A_1223 = tpu.vector_load %arg6[%get3A_1221, %get3A_1222] {strides = array<i32>} : memref<1024x16xf32, #tpu.memory_space<vmem>>, vector<16xf32>,
          %mul3A_1224 = arith.constant 128 : i32
          %mul3A_1225 = arith.muli %add3A_296, %mul3A_1224 : i32
          %add3A_1226 = arith.constant 80 : i32
          %add3A_1227 = arith.addi %mul3A_1225, %add3A_1226 : i32
          %add3A_1228 = arith.constant 5 : i32
          %add3A_1229 = arith.addi %add3A_1227, %add3A_1228 : i32
          %get3A_1230 = arith.index_cast %add3A_1229 : i32 to index
          %get3A_1231 = arith.constant 0 : index
          %get3A_1232 = tpu.vector_load %arg6[%get3A_1230, %get3A_1231] {strides = array<i32>} : memref<1024x16xf32, #tpu.memory_space<vmem>>, vector<16xf32>,
          %mul3A_1233 = arith.constant 128 : i32
          %mul3A_1234 = arith.muli %add3A_296, %mul3A_1233 : i32
          %add3A_1235 = arith.constant 80 : i32
          %add3A_1236 = arith.addi %mul3A_1234, %add3A_1235 : i32
          %add3A_1237 = arith.constant 6 : i32
          %add3A_1238 = arith.addi %add3A_1236, %add3A_1237 : i32
          %get3A_1239 = arith.index_cast %add3A_1238 : i32 to index
          %get3A_1240 = arith.constant 0 : index
          %get3A_1241 = tpu.vector_load %arg6[%get3A_1239, %get3A_1240] {strides = array<i32>} : memref<1024x16xf32, #tpu.memory_space<vmem>>, vector<16xf32>,
          %mul3A_1242 = arith.constant 128 : i32
          %mul3A_1243 = arith.muli %add3A_296, %mul3A_1242 : i32
          %add3A_1244 = arith.constant 80 : i32
          %add3A_1245 = arith.addi %mul3A_1243, %add3A_1244 : i32
          %add3A_1246 = arith.constant 7 : i32
          %add3A_1247 = arith.addi %add3A_1245, %add3A_1246 : i32
          %get3A_1248 = arith.index_cast %add3A_1247 : i32 to index
          %get3A_1249 = arith.constant 0 : index
          %get3A_1250 = tpu.vector_load %arg6[%get3A_1248, %get3A_1249] {strides = array<i32>} : memref<1024x16xf32, #tpu.memory_space<vmem>>, vector<16xf32>,
          %broadcast_in_dim3A_1251 = arith.constant 80 : i32
          %broadcast_in_dim3A_1252 = vector.broadcast %broadcast_in_dim3A_1251 : i32 to vector<16xi32>
          tpu.vector_store_idx %arg8[%add3A_300, %broadcast_in_dim3A_1252], %get3A_1187 : memref<128x128xf32, #tpu.memory_space<vmem>>[vector<16xi32>, vector<16xi32>], vector<16xf32>,
          %broadcast_in_dim3A_1253 = arith.constant 81 : i32
          %broadcast_in_dim3A_1254 = vector.broadcast %broadcast_in_dim3A_1253 : i32 to vector<16xi32>
          tpu.vector_store_idx %arg8[%add3A_300, %broadcast_in_dim3A_1254], %get3A_1196 : memref<128x128xf32, #tpu.memory_space<vmem>>[vector<16xi32>, vector<16xi32>], vector<16xf32>,
          %broadcast_in_dim3A_1255 = arith.constant 82 : i32
          %broadcast_in_dim3A_1256 = vector.broadcast %broadcast_in_dim3A_1255 : i32 to vector<16xi32>
          tpu.vector_store_idx %arg8[%add3A_300, %broadcast_in_dim3A_1256], %get3A_1205 : memref<128x128xf32, #tpu.memory_space<vmem>>[vector<16xi32>, vector<16xi32>], vector<16xf32>,
          %broadcast_in_dim3A_1257 = arith.constant 83 : i32
          %broadcast_in_dim3A_1258 = vector.broadcast %broadcast_in_dim3A_1257 : i32 to vector<16xi32>
          tpu.vector_store_idx %arg8[%add3A_300, %broadcast_in_dim3A_1258], %get3A_1214 : memref<128x128xf32, #tpu.memory_space<vmem>>[vector<16xi32>, vector<16xi32>], vector<16xf32>,
          %broadcast_in_dim3A_1259 = arith.constant 84 : i32
          %broadcast_in_dim3A_1260 = vector.broadcast %broadcast_in_dim3A_1259 : i32 to vector<16xi32>
          tpu.vector_store_idx %arg8[%add3A_300, %broadcast_in_dim3A_1260], %get3A_1223 : memref<128x128xf32, #tpu.memory_space<vmem>>[vector<16xi32>, vector<16xi32>], vector<16xf32>,
          %broadcast_in_dim3A_1261 = arith.constant 85 : i32
          %broadcast_in_dim3A_1262 = vector.broadcast %broadcast_in_dim3A_1261 : i32 to vector<16xi32>
          tpu.vector_store_idx %arg8[%add3A_300, %broadcast_in_dim3A_1262], %get3A_1232 : memref<128x128xf32, #tpu.memory_space<vmem>>[vector<16xi32>, vector<16xi32>], vector<16xf32>,
          %broadcast_in_dim3A_1263 = arith.constant 86 : i32
          %broadcast_in_dim3A_1264 = vector.broadcast %broadcast_in_dim3A_1263 : i32 to vector<16xi32>
          tpu.vector_store_idx %arg8[%add3A_300, %broadcast_in_dim3A_1264], %get3A_1241 : memref<128x128xf32, #tpu.memory_space<vmem>>[vector<16xi32>, vector<16xi32>], vector<16xf32>,
          %broadcast_in_dim3A_1265 = arith.constant 87 : i32
          %broadcast_in_dim3A_1266 = vector.broadcast %broadcast_in_dim3A_1265 : i32 to vector<16xi32>
          tpu.vector_store_idx %arg8[%add3A_300, %broadcast_in_dim3A_1266], %get3A_1250 : memref<128x128xf32, #tpu.memory_space<vmem>>[vector<16xi32>, vector<16xi32>], vector<16xf32>,
          %mul3A_1267 = arith.constant 128 : i32
          %mul3A_1268 = arith.muli %add3A_296, %mul3A_1267 : i32
          %add3A_1269 = arith.constant 88 : i32
          %add3A_1270 = arith.addi %mul3A_1268, %add3A_1269 : i32
          %add3A_1271 = arith.constant 0 : i32
          %add3A_1272 = arith.addi %add3A_1270, %add3A_1271 : i32
          %get3A_1273 = arith.index_cast %add3A_1272 : i32 to index
          %get3A_1274 = arith.constant 0 : index
          %get3A_1275 = tpu.vector_load %arg6[%get3A_1273, %get3A_1274] {strides = array<i32>} : memref<1024x16xf32, #tpu.memory_space<vmem>>, vector<16xf32>,
          %mul3A_1276 = arith.constant 128 : i32
          %mul3A_1277 = arith.muli %add3A_296, %mul3A_1276 : i32
          %add3A_1278 = arith.constant 88 : i32
          %add3A_1279 = arith.addi %mul3A_1277, %add3A_1278 : i32
          %add3A_1280 = arith.constant 1 : i32
          %add3A_1281 = arith.addi %add3A_1279, %add3A_1280 : i32
          %get3A_1282 = arith.index_cast %add3A_1281 : i32 to index
          %get3A_1283 = arith.constant 0 : index
          %get3A_1284 = tpu.vector_load %arg6[%get3A_1282, %get3A_1283] {strides = array<i32>} : memref<1024x16xf32, #tpu.memory_space<vmem>>, vector<16xf32>,
          %mul3A_1285 = arith.constant 128 : i32
          %mul3A_1286 = arith.muli %add3A_296, %mul3A_1285 : i32
          %add3A_1287 = arith.constant 88 : i32
          %add3A_1288 = arith.addi %mul3A_1286, %add3A_1287 : i32
          %add3A_1289 = arith.constant 2 : i32
          %add3A_1290 = arith.addi %add3A_1288, %add3A_1289 : i32
          %get3A_1291 = arith.index_cast %add3A_1290 : i32 to index
          %get3A_1292 = arith.constant 0 : index
          %get3A_1293 = tpu.vector_load %arg6[%get3A_1291, %get3A_1292] {strides = array<i32>} : memref<1024x16xf32, #tpu.memory_space<vmem>>, vector<16xf32>,
          %mul3A_1294 = arith.constant 128 : i32
          %mul3A_1295 = arith.muli %add3A_296, %mul3A_1294 : i32
          %add3A_1296 = arith.constant 88 : i32
          %add3A_1297 = arith.addi %mul3A_1295, %add3A_1296 : i32
          %add3A_1298 = arith.constant 3 : i32
          %add3A_1299 = arith.addi %add3A_1297, %add3A_1298 : i32
          %get3A_1300 = arith.index_cast %add3A_1299 : i32 to index
          %get3A_1301 = arith.constant 0 : index
          %get3A_1302 = tpu.vector_load %arg6[%get3A_1300, %get3A_1301] {strides = array<i32>} : memref<1024x16xf32, #tpu.memory_space<vmem>>, vector<16xf32>,
          %mul3A_1303 = arith.constant 128 : i32
          %mul3A_1304 = arith.muli %add3A_296, %mul3A_1303 : i32
          %add3A_1305 = arith.constant 88 : i32
          %add3A_1306 = arith.addi %mul3A_1304, %add3A_1305 : i32
          %add3A_1307 = arith.constant 4 : i32
          %add3A_1308 = arith.addi %add3A_1306, %add3A_1307 : i32
          %get3A_1309 = arith.index_cast %add3A_1308 : i32 to index
          %get3A_1310 = arith.constant 0 : index
          %get3A_1311 = tpu.vector_load %arg6[%get3A_1309, %get3A_1310] {strides = array<i32>} : memref<1024x16xf32, #tpu.memory_space<vmem>>, vector<16xf32>,
          %mul3A_1312 = arith.constant 128 : i32
          %mul3A_1313 = arith.muli %add3A_296, %mul3A_1312 : i32
          %add3A_1314 = arith.constant 88 : i32
          %add3A_1315 = arith.addi %mul3A_1313, %add3A_1314 : i32
          %add3A_1316 = arith.constant 5 : i32
          %add3A_1317 = arith.addi %add3A_1315, %add3A_1316 : i32
          %get3A_1318 = arith.index_cast %add3A_1317 : i32 to index
          %get3A_1319 = arith.constant 0 : index
          %get3A_1320 = tpu.vector_load %arg6[%get3A_1318, %get3A_1319] {strides = array<i32>} : memref<1024x16xf32, #tpu.memory_space<vmem>>, vector<16xf32>,
          %mul3A_1321 = arith.constant 128 : i32
          %mul3A_1322 = arith.muli %add3A_296, %mul3A_1321 : i32
          %add3A_1323 = arith.constant 88 : i32
          %add3A_1324 = arith.addi %mul3A_1322, %add3A_1323 : i32
          %add3A_1325 = arith.constant 6 : i32
          %add3A_1326 = arith.addi %add3A_1324, %add3A_1325 : i32
          %get3A_1327 = arith.index_cast %add3A_1326 : i32 to index
          %get3A_1328 = arith.constant 0 : index
          %get3A_1329 = tpu.vector_load %arg6[%get3A_1327, %get3A_1328] {strides = array<i32>} : memref<1024x16xf32, #tpu.memory_space<vmem>>, vector<16xf32>,
          %mul3A_1330 = arith.constant 128 : i32
          %mul3A_1331 = arith.muli %add3A_296, %mul3A_1330 : i32
          %add3A_1332 = arith.constant 88 : i32
          %add3A_1333 = arith.addi %mul3A_1331, %add3A_1332 : i32
          %add3A_1334 = arith.constant 7 : i32
          %add3A_1335 = arith.addi %add3A_1333, %add3A_1334 : i32
          %get3A_1336 = arith.index_cast %add3A_1335 : i32 to index
          %get3A_1337 = arith.constant 0 : index
          %get3A_1338 = tpu.vector_load %arg6[%get3A_1336, %get3A_1337] {strides = array<i32>} : memref<1024x16xf32, #tpu.memory_space<vmem>>, vector<16xf32>,
          %broadcast_in_dim3A_1339 = arith.constant 88 : i32
          %broadcast_in_dim3A_1340 = vector.broadcast %broadcast_in_dim3A_1339 : i32 to vector<16xi32>
          tpu.vector_store_idx %arg8[%add3A_300, %broadcast_in_dim3A_1340], %get3A_1275 : memref<128x128xf32, #tpu.memory_space<vmem>>[vector<16xi32>, vector<16xi32>], vector<16xf32>,
          %broadcast_in_dim3A_1341 = arith.constant 89 : i32
          %broadcast_in_dim3A_1342 = vector.broadcast %broadcast_in_dim3A_1341 : i32 to vector<16xi32>
          tpu.vector_store_idx %arg8[%add3A_300, %broadcast_in_dim3A_1342], %get3A_1284 : memref<128x128xf32, #tpu.memory_space<vmem>>[vector<16xi32>, vector<16xi32>], vector<16xf32>,
          %broadcast_in_dim3A_1343 = arith.constant 90 : i32
          %broadcast_in_dim3A_1344 = vector.broadcast %broadcast_in_dim3A_1343 : i32 to vector<16xi32>
          tpu.vector_store_idx %arg8[%add3A_300, %broadcast_in_dim3A_1344], %get3A_1293 : memref<128x128xf32, #tpu.memory_space<vmem>>[vector<16xi32>, vector<16xi32>], vector<16xf32>,
          %broadcast_in_dim3A_1345 = arith.constant 91 : i32
          %broadcast_in_dim3A_1346 = vector.broadcast %broadcast_in_dim3A_1345 : i32 to vector<16xi32>
          tpu.vector_store_idx %arg8[%add3A_300, %broadcast_in_dim3A_1346], %get3A_1302 : memref<128x128xf32, #tpu.memory_space<vmem>>[vector<16xi32>, vector<16xi32>], vector<16xf32>,
          %broadcast_in_dim3A_1347 = arith.constant 92 : i32
          %broadcast_in_dim3A_1348 = vector.broadcast %broadcast_in_dim3A_1347 : i32 to vector<16xi32>
          tpu.vector_store_idx %arg8[%add3A_300, %broadcast_in_dim3A_1348], %get3A_1311 : memref<128x128xf32, #tpu.memory_space<vmem>>[vector<16xi32>, vector<16xi32>], vector<16xf32>,
          %broadcast_in_dim3A_1349 = arith.constant 93 : i32
          %broadcast_in_dim3A_1350 = vector.broadcast %broadcast_in_dim3A_1349 : i32 to vector<16xi32>
          tpu.vector_store_idx %arg8[%add3A_300, %broadcast_in_dim3A_1350], %get3A_1320 : memref<128x128xf32, #tpu.memory_space<vmem>>[vector<16xi32>, vector<16xi32>], vector<16xf32>,
          %broadcast_in_dim3A_1351 = arith.constant 94 : i32
          %broadcast_in_dim3A_1352 = vector.broadcast %broadcast_in_dim3A_1351 : i32 to vector<16xi32>
          tpu.vector_store_idx %arg8[%add3A_300, %broadcast_in_dim3A_1352], %get3A_1329 : memref<128x128xf32, #tpu.memory_space<vmem>>[vector<16xi32>, vector<16xi32>], vector<16xf32>,
          %broadcast_in_dim3A_1353 = arith.constant 95 : i32
          %broadcast_in_dim3A_1354 = vector.broadcast %broadcast_in_dim3A_1353 : i32 to vector<16xi32>
          tpu.vector_store_idx %arg8[%add3A_300, %broadcast_in_dim3A_1354], %get3A_1338 : memref<128x128xf32, #tpu.memory_space<vmem>>[vector<16xi32>, vector<16xi32>], vector<16xf32>,
          %mul3A_1355 = arith.constant 128 : i32
          %mul3A_1356 = arith.muli %add3A_296, %mul3A_1355 : i32
          %add3A_1357 = arith.constant 96 : i32
          %add3A_1358 = arith.addi %mul3A_1356, %add3A_1357 : i32
          %add3A_1359 = arith.constant 0 : i32
          %add3A_1360 = arith.addi %add3A_1358, %add3A_1359 : i32
          %get3A_1361 = arith.index_cast %add3A_1360 : i32 to index
          %get3A_1362 = arith.constant 0 : index
          %get3A_1363 = tpu.vector_load %arg6[%get3A_1361, %get3A_1362] {strides = array<i32>} : memref<1024x16xf32, #tpu.memory_space<vmem>>, vector<16xf32>,
          %mul3A_1364 = arith.constant 128 : i32
          %mul3A_1365 = arith.muli %add3A_296, %mul3A_1364 : i32
          %add3A_1366 = arith.constant 96 : i32
          %add3A_1367 = arith.addi %mul3A_1365, %add3A_1366 : i32
          %add3A_1368 = arith.constant 1 : i32
          %add3A_1369 = arith.addi %add3A_1367, %add3A_1368 : i32
          %get3A_1370 = arith.index_cast %add3A_1369 : i32 to index
          %get3A_1371 = arith.constant 0 : index
          %get3A_1372 = tpu.vector_load %arg6[%get3A_1370, %get3A_1371] {strides = array<i32>} : memref<1024x16xf32, #tpu.memory_space<vmem>>, vector<16xf32>,
          %mul3A_1373 = arith.constant 128 : i32
          %mul3A_1374 = arith.muli %add3A_296, %mul3A_1373 : i32
          %add3A_1375 = arith.constant 96 : i32
          %add3A_1376 = arith.addi %mul3A_1374, %add3A_1375 : i32
          %add3A_1377 = arith.constant 2 : i32
          %add3A_1378 = arith.addi %add3A_1376, %add3A_1377 : i32
          %get3A_1379 = arith.index_cast %add3A_1378 : i32 to index
          %get3A_1380 = arith.constant 0 : index
          %get3A_1381 = tpu.vector_load %arg6[%get3A_1379, %get3A_1380] {strides = array<i32>} : memref<1024x16xf32, #tpu.memory_space<vmem>>, vector<16xf32>,
          %mul3A_1382 = arith.constant 128 : i32
          %mul3A_1383 = arith.muli %add3A_296, %mul3A_1382 : i32
          %add3A_1384 = arith.constant 96 : i32
          %add3A_1385 = arith.addi %mul3A_1383, %add3A_1384 : i32
          %add3A_1386 = arith.constant 3 : i32
          %add3A_1387 = arith.addi %add3A_1385, %add3A_1386 : i32
          %get3A_1388 = arith.index_cast %add3A_1387 : i32 to index
          %get3A_1389 = arith.constant 0 : index
          %get3A_1390 = tpu.vector_load %arg6[%get3A_1388, %get3A_1389] {strides = array<i32>} : memref<1024x16xf32, #tpu.memory_space<vmem>>, vector<16xf32>,
          %mul3A_1391 = arith.constant 128 : i32
          %mul3A_1392 = arith.muli %add3A_296, %mul3A_1391 : i32
          %add3A_1393 = arith.constant 96 : i32
          %add3A_1394 = arith.addi %mul3A_1392, %add3A_1393 : i32
          %add3A_1395 = arith.constant 4 : i32
          %add3A_1396 = arith.addi %add3A_1394, %add3A_1395 : i32
          %get3A_1397 = arith.index_cast %add3A_1396 : i32 to index
          %get3A_1398 = arith.constant 0 : index
          %get3A_1399 = tpu.vector_load %arg6[%get3A_1397, %get3A_1398] {strides = array<i32>} : memref<1024x16xf32, #tpu.memory_space<vmem>>, vector<16xf32>,
          %mul3A_1400 = arith.constant 128 : i32
          %mul3A_1401 = arith.muli %add3A_296, %mul3A_1400 : i32
          %add3A_1402 = arith.constant 96 : i32
          %add3A_1403 = arith.addi %mul3A_1401, %add3A_1402 : i32
          %add3A_1404 = arith.constant 5 : i32
          %add3A_1405 = arith.addi %add3A_1403, %add3A_1404 : i32
          %get3A_1406 = arith.index_cast %add3A_1405 : i32 to index
          %get3A_1407 = arith.constant 0 : index
          %get3A_1408 = tpu.vector_load %arg6[%get3A_1406, %get3A_1407] {strides = array<i32>} : memref<1024x16xf32, #tpu.memory_space<vmem>>, vector<16xf32>,
          %mul3A_1409 = arith.constant 128 : i32
          %mul3A_1410 = arith.muli %add3A_296, %mul3A_1409 : i32
          %add3A_1411 = arith.constant 96 : i32
          %add3A_1412 = arith.addi %mul3A_1410, %add3A_1411 : i32
          %add3A_1413 = arith.constant 6 : i32
          %add3A_1414 = arith.addi %add3A_1412, %add3A_1413 : i32
          %get3A_1415 = arith.index_cast %add3A_1414 : i32 to index
          %get3A_1416 = arith.constant 0 : index
          %get3A_1417 = tpu.vector_load %arg6[%get3A_1415, %get3A_1416] {strides = array<i32>} : memref<1024x16xf32, #tpu.memory_space<vmem>>, vector<16xf32>,
          %mul3A_1418 = arith.constant 128 : i32
          %mul3A_1419 = arith.muli %add3A_296, %mul3A_1418 : i32
          %add3A_1420 = arith.constant 96 : i32
          %add3A_1421 = arith.addi %mul3A_1419, %add3A_1420 : i32
          %add3A_1422 = arith.constant 7 : i32
          %add3A_1423 = arith.addi %add3A_1421, %add3A_1422 : i32
          %get3A_1424 = arith.index_cast %add3A_1423 : i32 to index
          %get3A_1425 = arith.constant 0 : index
          %get3A_1426 = tpu.vector_load %arg6[%get3A_1424, %get3A_1425] {strides = array<i32>} : memref<1024x16xf32, #tpu.memory_space<vmem>>, vector<16xf32>,
          %broadcast_in_dim3A_1427 = arith.constant 96 : i32
          %broadcast_in_dim3A_1428 = vector.broadcast %broadcast_in_dim3A_1427 : i32 to vector<16xi32>
          tpu.vector_store_idx %arg8[%add3A_300, %broadcast_in_dim3A_1428], %get3A_1363 : memref<128x128xf32, #tpu.memory_space<vmem>>[vector<16xi32>, vector<16xi32>], vector<16xf32>,
          %broadcast_in_dim3A_1429 = arith.constant 97 : i32
          %broadcast_in_dim3A_1430 = vector.broadcast %broadcast_in_dim3A_1429 : i32 to vector<16xi32>
          tpu.vector_store_idx %arg8[%add3A_300, %broadcast_in_dim3A_1430], %get3A_1372 : memref<128x128xf32, #tpu.memory_space<vmem>>[vector<16xi32>, vector<16xi32>], vector<16xf32>,
          %broadcast_in_dim3A_1431 = arith.constant 98 : i32
          %broadcast_in_dim3A_1432 = vector.broadcast %broadcast_in_dim3A_1431 : i32 to vector<16xi32>
          tpu.vector_store_idx %arg8[%add3A_300, %broadcast_in_dim3A_1432], %get3A_1381 : memref<128x128xf32, #tpu.memory_space<vmem>>[vector<16xi32>, vector<16xi32>], vector<16xf32>,
          %broadcast_in_dim3A_1433 = arith.constant 99 : i32
          %broadcast_in_dim3A_1434 = vector.broadcast %broadcast_in_dim3A_1433 : i32 to vector<16xi32>
          tpu.vector_store_idx %arg8[%add3A_300, %broadcast_in_dim3A_1434], %get3A_1390 : memref<128x128xf32, #tpu.memory_space<vmem>>[vector<16xi32>, vector<16xi32>], vector<16xf32>,
          %broadcast_in_dim3A_1435 = arith.constant 100 : i32
          %broadcast_in_dim3A_1436 = vector.broadcast %broadcast_in_dim3A_1435 : i32 to vector<16xi32>
          tpu.vector_store_idx %arg8[%add3A_300, %broadcast_in_dim3A_1436], %get3A_1399 : memref<128x128xf32, #tpu.memory_space<vmem>>[vector<16xi32>, vector<16xi32>], vector<16xf32>,
          %broadcast_in_dim3A_1437 = arith.constant 101 : i32
          %broadcast_in_dim3A_1438 = vector.broadcast %broadcast_in_dim3A_1437 : i32 to vector<16xi32>
          tpu.vector_store_idx %arg8[%add3A_300, %broadcast_in_dim3A_1438], %get3A_1408 : memref<128x128xf32, #tpu.memory_space<vmem>>[vector<16xi32>, vector<16xi32>], vector<16xf32>,
          %broadcast_in_dim3A_1439 = arith.constant 102 : i32
          %broadcast_in_dim3A_1440 = vector.broadcast %broadcast_in_dim3A_1439 : i32 to vector<16xi32>
          tpu.vector_store_idx %arg8[%add3A_300, %broadcast_in_dim3A_1440], %get3A_1417 : memref<128x128xf32, #tpu.memory_space<vmem>>[vector<16xi32>, vector<16xi32>], vector<16xf32>,
          %broadcast_in_dim3A_1441 = arith.constant 103 : i32
          %broadcast_in_dim3A_1442 = vector.broadcast %broadcast_in_dim3A_1441 : i32 to vector<16xi32>
          tpu.vector_store_idx %arg8[%add3A_300, %broadcast_in_dim3A_1442], %get3A_1426 : memref<128x128xf32, #tpu.memory_space<vmem>>[vector<16xi32>, vector<16xi32>], vector<16xf32>,
          %mul3A_1443 = arith.constant 128 : i32
          %mul3A_1444 = arith.muli %add3A_296, %mul3A_1443 : i32
          %add3A_1445 = arith.constant 104 : i32
          %add3A_1446 = arith.addi %mul3A_1444, %add3A_1445 : i32
          %add3A_1447 = arith.constant 0 : i32
          %add3A_1448 = arith.addi %add3A_1446, %add3A_1447 : i32
          %get3A_1449 = arith.index_cast %add3A_1448 : i32 to index
          %get3A_1450 = arith.constant 0 : index
          %get3A_1451 = tpu.vector_load %arg6[%get3A_1449, %get3A_1450] {strides = array<i32>} : memref<1024x16xf32, #tpu.memory_space<vmem>>, vector<16xf32>,
          %mul3A_1452 = arith.constant 128 : i32
          %mul3A_1453 = arith.muli %add3A_296, %mul3A_1452 : i32
          %add3A_1454 = arith.constant 104 : i32
          %add3A_1455 = arith.addi %mul3A_1453, %add3A_1454 : i32
          %add3A_1456 = arith.constant 1 : i32
          %add3A_1457 = arith.addi %add3A_1455, %add3A_1456 : i32
          %get3A_1458 = arith.index_cast %add3A_1457 : i32 to index
          %get3A_1459 = arith.constant 0 : index
          %get3A_1460 = tpu.vector_load %arg6[%get3A_1458, %get3A_1459] {strides = array<i32>} : memref<1024x16xf32, #tpu.memory_space<vmem>>, vector<16xf32>,
          %mul3A_1461 = arith.constant 128 : i32
          %mul3A_1462 = arith.muli %add3A_296, %mul3A_1461 : i32
          %add3A_1463 = arith.constant 104 : i32
          %add3A_1464 = arith.addi %mul3A_1462, %add3A_1463 : i32
          %add3A_1465 = arith.constant 2 : i32
          %add3A_1466 = arith.addi %add3A_1464, %add3A_1465 : i32
          %get3A_1467 = arith.index_cast %add3A_1466 : i32 to index
          %get3A_1468 = arith.constant 0 : index
          %get3A_1469 = tpu.vector_load %arg6[%get3A_1467, %get3A_1468] {strides = array<i32>} : memref<1024x16xf32, #tpu.memory_space<vmem>>, vector<16xf32>,
          %mul3A_1470 = arith.constant 128 : i32
          %mul3A_1471 = arith.muli %add3A_296, %mul3A_1470 : i32
          %add3A_1472 = arith.constant 104 : i32
          %add3A_1473 = arith.addi %mul3A_1471, %add3A_1472 : i32
          %add3A_1474 = arith.constant 3 : i32
          %add3A_1475 = arith.addi %add3A_1473, %add3A_1474 : i32
          %get3A_1476 = arith.index_cast %add3A_1475 : i32 to index
          %get3A_1477 = arith.constant 0 : index
          %get3A_1478 = tpu.vector_load %arg6[%get3A_1476, %get3A_1477] {strides = array<i32>} : memref<1024x16xf32, #tpu.memory_space<vmem>>, vector<16xf32>,
          %mul3A_1479 = arith.constant 128 : i32
          %mul3A_1480 = arith.muli %add3A_296, %mul3A_1479 : i32
          %add3A_1481 = arith.constant 104 : i32
          %add3A_1482 = arith.addi %mul3A_1480, %add3A_1481 : i32
          %add3A_1483 = arith.constant 4 : i32
          %add3A_1484 = arith.addi %add3A_1482, %add3A_1483 : i32
          %get3A_1485 = arith.index_cast %add3A_1484 : i32 to index
          %get3A_1486 = arith.constant 0 : index
          %get3A_1487 = tpu.vector_load %arg6[%get3A_1485, %get3A_1486] {strides = array<i32>} : memref<1024x16xf32, #tpu.memory_space<vmem>>, vector<16xf32>,
          %mul3A_1488 = arith.constant 128 : i32
          %mul3A_1489 = arith.muli %add3A_296, %mul3A_1488 : i32
          %add3A_1490 = arith.constant 104 : i32
          %add3A_1491 = arith.addi %mul3A_1489, %add3A_1490 : i32
          %add3A_1492 = arith.constant 5 : i32
          %add3A_1493 = arith.addi %add3A_1491, %add3A_1492 : i32
          %get3A_1494 = arith.index_cast %add3A_1493 : i32 to index
          %get3A_1495 = arith.constant 0 : index
          %get3A_1496 = tpu.vector_load %arg6[%get3A_1494, %get3A_1495] {strides = array<i32>} : memref<1024x16xf32, #tpu.memory_space<vmem>>, vector<16xf32>,
          %mul3A_1497 = arith.constant 128 : i32
          %mul3A_1498 = arith.muli %add3A_296, %mul3A_1497 : i32
          %add3A_1499 = arith.constant 104 : i32
          %add3A_1500 = arith.addi %mul3A_1498, %add3A_1499 : i32
          %add3A_1501 = arith.constant 6 : i32
          %add3A_1502 = arith.addi %add3A_1500, %add3A_1501 : i32
          %get3A_1503 = arith.index_cast %add3A_1502 : i32 to index
          %get3A_1504 = arith.constant 0 : index
          %get3A_1505 = tpu.vector_load %arg6[%get3A_1503, %get3A_1504] {strides = array<i32>} : memref<1024x16xf32, #tpu.memory_space<vmem>>, vector<16xf32>,
          %mul3A_1506 = arith.constant 128 : i32
          %mul3A_1507 = arith.muli %add3A_296, %mul3A_1506 : i32
          %add3A_1508 = arith.constant 104 : i32
          %add3A_1509 = arith.addi %mul3A_1507, %add3A_1508 : i32
          %add3A_1510 = arith.constant 7 : i32
          %add3A_1511 = arith.addi %add3A_1509, %add3A_1510 : i32
          %get3A_1512 = arith.index_cast %add3A_1511 : i32 to index
          %get3A_1513 = arith.constant 0 : index
          %get3A_1514 = tpu.vector_load %arg6[%get3A_1512, %get3A_1513] {strides = array<i32>} : memref<1024x16xf32, #tpu.memory_space<vmem>>, vector<16xf32>,
          %broadcast_in_dim3A_1515 = arith.constant 104 : i32
          %broadcast_in_dim3A_1516 = vector.broadcast %broadcast_in_dim3A_1515 : i32 to vector<16xi32>
          tpu.vector_store_idx %arg8[%add3A_300, %broadcast_in_dim3A_1516], %get3A_1451 : memref<128x128xf32, #tpu.memory_space<vmem>>[vector<16xi32>, vector<16xi32>], vector<16xf32>,
          %broadcast_in_dim3A_1517 = arith.constant 105 : i32
          %broadcast_in_dim3A_1518 = vector.broadcast %broadcast_in_dim3A_1517 : i32 to vector<16xi32>
          tpu.vector_store_idx %arg8[%add3A_300, %broadcast_in_dim3A_1518], %get3A_1460 : memref<128x128xf32, #tpu.memory_space<vmem>>[vector<16xi32>, vector<16xi32>], vector<16xf32>,
          %broadcast_in_dim3A_1519 = arith.constant 106 : i32
          %broadcast_in_dim3A_1520 = vector.broadcast %broadcast_in_dim3A_1519 : i32 to vector<16xi32>
          tpu.vector_store_idx %arg8[%add3A_300, %broadcast_in_dim3A_1520], %get3A_1469 : memref<128x128xf32, #tpu.memory_space<vmem>>[vector<16xi32>, vector<16xi32>], vector<16xf32>,
          %broadcast_in_dim3A_1521 = arith.constant 107 : i32
          %broadcast_in_dim3A_1522 = vector.broadcast %broadcast_in_dim3A_1521 : i32 to vector<16xi32>
          tpu.vector_store_idx %arg8[%add3A_300, %broadcast_in_dim3A_1522], %get3A_1478 : memref<128x128xf32, #tpu.memory_space<vmem>>[vector<16xi32>, vector<16xi32>], vector<16xf32>,
          %broadcast_in_dim3A_1523 = arith.constant 108 : i32
          %broadcast_in_dim3A_1524 = vector.broadcast %broadcast_in_dim3A_1523 : i32 to vector<16xi32>
          tpu.vector_store_idx %arg8[%add3A_300, %broadcast_in_dim3A_1524], %get3A_1487 : memref<128x128xf32, #tpu.memory_space<vmem>>[vector<16xi32>, vector<16xi32>], vector<16xf32>,
          %broadcast_in_dim3A_1525 = arith.constant 109 : i32
          %broadcast_in_dim3A_1526 = vector.broadcast %broadcast_in_dim3A_1525 : i32 to vector<16xi32>
          tpu.vector_store_idx %arg8[%add3A_300, %broadcast_in_dim3A_1526], %get3A_1496 : memref<128x128xf32, #tpu.memory_space<vmem>>[vector<16xi32>, vector<16xi32>], vector<16xf32>,
          %broadcast_in_dim3A_1527 = arith.constant 110 : i32
          %broadcast_in_dim3A_1528 = vector.broadcast %broadcast_in_dim3A_1527 : i32 to vector<16xi32>
          tpu.vector_store_idx %arg8[%add3A_300, %broadcast_in_dim3A_1528], %get3A_1505 : memref<128x128xf32, #tpu.memory_space<vmem>>[vector<16xi32>, vector<16xi32>], vector<16xf32>,
          %broadcast_in_dim3A_1529 = arith.constant 111 : i32
          %broadcast_in_dim3A_1530 = vector.broadcast %broadcast_in_dim3A_1529 : i32 to vector<16xi32>
          tpu.vector_store_idx %arg8[%add3A_300, %broadcast_in_dim3A_1530], %get3A_1514 : memref<128x128xf32, #tpu.memory_space<vmem>>[vector<16xi32>, vector<16xi32>], vector<16xf32>,
          %mul3A_1531 = arith.constant 128 : i32
          %mul3A_1532 = arith.muli %add3A_296, %mul3A_1531 : i32
          %add3A_1533 = arith.constant 112 : i32
          %add3A_1534 = arith.addi %mul3A_1532, %add3A_1533 : i32
          %add3A_1535 = arith.constant 0 : i32
          %add3A_1536 = arith.addi %add3A_1534, %add3A_1535 : i32
          %get3A_1537 = arith.index_cast %add3A_1536 : i32 to index
          %get3A_1538 = arith.constant 0 : index
          %get3A_1539 = tpu.vector_load %arg6[%get3A_1537, %get3A_1538] {strides = array<i32>} : memref<1024x16xf32, #tpu.memory_space<vmem>>, vector<16xf32>,
          %mul3A_1540 = arith.constant 128 : i32
          %mul3A_1541 = arith.muli %add3A_296, %mul3A_1540 : i32
          %add3A_1542 = arith.constant 112 : i32
          %add3A_1543 = arith.addi %mul3A_1541, %add3A_1542 : i32
          %add3A_1544 = arith.constant 1 : i32
          %add3A_1545 = arith.addi %add3A_1543, %add3A_1544 : i32
          %get3A_1546 = arith.index_cast %add3A_1545 : i32 to index
          %get3A_1547 = arith.constant 0 : index
          %get3A_1548 = tpu.vector_load %arg6[%get3A_1546, %get3A_1547] {strides = array<i32>} : memref<1024x16xf32, #tpu.memory_space<vmem>>, vector<16xf32>,
          %mul3A_1549 = arith.constant 128 : i32
          %mul3A_1550 = arith.muli %add3A_296, %mul3A_1549 : i32
          %add3A_1551 = arith.constant 112 : i32
          %add3A_1552 = arith.addi %mul3A_1550, %add3A_1551 : i32
          %add3A_1553 = arith.constant 2 : i32
          %add3A_1554 = arith.addi %add3A_1552, %add3A_1553 : i32
          %get3A_1555 = arith.index_cast %add3A_1554 : i32 to index
          %get3A_1556 = arith.constant 0 : index
          %get3A_1557 = tpu.vector_load %arg6[%get3A_1555, %get3A_1556] {strides = array<i32>} : memref<1024x16xf32, #tpu.memory_space<vmem>>, vector<16xf32>,
          %mul3A_1558 = arith.constant 128 : i32
          %mul3A_1559 = arith.muli %add3A_296, %mul3A_1558 : i32
          %add3A_1560 = arith.constant 112 : i32
          %add3A_1561 = arith.addi %mul3A_1559, %add3A_1560 : i32
          %add3A_1562 = arith.constant 3 : i32
          %add3A_1563 = arith.addi %add3A_1561, %add3A_1562 : i32
          %get3A_1564 = arith.index_cast %add3A_1563 : i32 to index
          %get3A_1565 = arith.constant 0 : index
          %get3A_1566 = tpu.vector_load %arg6[%get3A_1564, %get3A_1565] {strides = array<i32>} : memref<1024x16xf32, #tpu.memory_space<vmem>>, vector<16xf32>,
          %mul3A_1567 = arith.constant 128 : i32
          %mul3A_1568 = arith.muli %add3A_296, %mul3A_1567 : i32
          %add3A_1569 = arith.constant 112 : i32
          %add3A_1570 = arith.addi %mul3A_1568, %add3A_1569 : i32
          %add3A_1571 = arith.constant 4 : i32
          %add3A_1572 = arith.addi %add3A_1570, %add3A_1571 : i32
          %get3A_1573 = arith.index_cast %add3A_1572 : i32 to index
          %get3A_1574 = arith.constant 0 : index
          %get3A_1575 = tpu.vector_load %arg6[%get3A_1573, %get3A_1574] {strides = array<i32>} : memref<1024x16xf32, #tpu.memory_space<vmem>>, vector<16xf32>,
          %mul3A_1576 = arith.constant 128 : i32
          %mul3A_1577 = arith.muli %add3A_296, %mul3A_1576 : i32
          %add3A_1578 = arith.constant 112 : i32
          %add3A_1579 = arith.addi %mul3A_1577, %add3A_1578 : i32
          %add3A_1580 = arith.constant 5 : i32
          %add3A_1581 = arith.addi %add3A_1579, %add3A_1580 : i32
          %get3A_1582 = arith.index_cast %add3A_1581 : i32 to index
          %get3A_1583 = arith.constant 0 : index
          %get3A_1584 = tpu.vector_load %arg6[%get3A_1582, %get3A_1583] {strides = array<i32>} : memref<1024x16xf32, #tpu.memory_space<vmem>>, vector<16xf32>,
          %mul3A_1585 = arith.constant 128 : i32
          %mul3A_1586 = arith.muli %add3A_296, %mul3A_1585 : i32
          %add3A_1587 = arith.constant 112 : i32
          %add3A_1588 = arith.addi %mul3A_1586, %add3A_1587 : i32
          %add3A_1589 = arith.constant 6 : i32
          %add3A_1590 = arith.addi %add3A_1588, %add3A_1589 : i32
          %get3A_1591 = arith.index_cast %add3A_1590 : i32 to index
          %get3A_1592 = arith.constant 0 : index
          %get3A_1593 = tpu.vector_load %arg6[%get3A_1591, %get3A_1592] {strides = array<i32>} : memref<1024x16xf32, #tpu.memory_space<vmem>>, vector<16xf32>,
          %mul3A_1594 = arith.constant 128 : i32
          %mul3A_1595 = arith.muli %add3A_296, %mul3A_1594 : i32
          %add3A_1596 = arith.constant 112 : i32
          %add3A_1597 = arith.addi %mul3A_1595, %add3A_1596 : i32
          %add3A_1598 = arith.constant 7 : i32
          %add3A_1599 = arith.addi %add3A_1597, %add3A_1598 : i32
          %get3A_1600 = arith.index_cast %add3A_1599 : i32 to index
          %get3A_1601 = arith.constant 0 : index
          %get3A_1602 = tpu.vector_load %arg6[%get3A_1600, %get3A_1601] {strides = array<i32>} : memref<1024x16xf32, #tpu.memory_space<vmem>>, vector<16xf32>,
          %broadcast_in_dim3A_1603 = arith.constant 112 : i32
          %broadcast_in_dim3A_1604 = vector.broadcast %broadcast_in_dim3A_1603 : i32 to vector<16xi32>
          tpu.vector_store_idx %arg8[%add3A_300, %broadcast_in_dim3A_1604], %get3A_1539 : memref<128x128xf32, #tpu.memory_space<vmem>>[vector<16xi32>, vector<16xi32>], vector<16xf32>,
          %broadcast_in_dim3A_1605 = arith.constant 113 : i32
          %broadcast_in_dim3A_1606 = vector.broadcast %broadcast_in_dim3A_1605 : i32 to vector<16xi32>
          tpu.vector_store_idx %arg8[%add3A_300, %broadcast_in_dim3A_1606], %get3A_1548 : memref<128x128xf32, #tpu.memory_space<vmem>>[vector<16xi32>, vector<16xi32>], vector<16xf32>,
          %broadcast_in_dim3A_1607 = arith.constant 114 : i32
          %broadcast_in_dim3A_1608 = vector.broadcast %broadcast_in_dim3A_1607 : i32 to vector<16xi32>
          tpu.vector_store_idx %arg8[%add3A_300, %broadcast_in_dim3A_1608], %get3A_1557 : memref<128x128xf32, #tpu.memory_space<vmem>>[vector<16xi32>, vector<16xi32>], vector<16xf32>,
          %broadcast_in_dim3A_1609 = arith.constant 115 : i32
          %broadcast_in_dim3A_1610 = vector.broadcast %broadcast_in_dim3A_1609 : i32 to vector<16xi32>
          tpu.vector_store_idx %arg8[%add3A_300, %broadcast_in_dim3A_1610], %get3A_1566 : memref<128x128xf32, #tpu.memory_space<vmem>>[vector<16xi32>, vector<16xi32>], vector<16xf32>,
          %broadcast_in_dim3A_1611 = arith.constant 116 : i32
          %broadcast_in_dim3A_1612 = vector.broadcast %broadcast_in_dim3A_1611 : i32 to vector<16xi32>
          tpu.vector_store_idx %arg8[%add3A_300, %broadcast_in_dim3A_1612], %get3A_1575 : memref<128x128xf32, #tpu.memory_space<vmem>>[vector<16xi32>, vector<16xi32>], vector<16xf32>,
          %broadcast_in_dim3A_1613 = arith.constant 117 : i32
          %broadcast_in_dim3A_1614 = vector.broadcast %broadcast_in_dim3A_1613 : i32 to vector<16xi32>
          tpu.vector_store_idx %arg8[%add3A_300, %broadcast_in_dim3A_1614], %get3A_1584 : memref<128x128xf32, #tpu.memory_space<vmem>>[vector<16xi32>, vector<16xi32>], vector<16xf32>,
          %broadcast_in_dim3A_1615 = arith.constant 118 : i32
          %broadcast_in_dim3A_1616 = vector.broadcast %broadcast_in_dim3A_1615 : i32 to vector<16xi32>
          tpu.vector_store_idx %arg8[%add3A_300, %broadcast_in_dim3A_1616], %get3A_1593 : memref<128x128xf32, #tpu.memory_space<vmem>>[vector<16xi32>, vector<16xi32>], vector<16xf32>,
          %broadcast_in_dim3A_1617 = arith.constant 119 : i32
          %broadcast_in_dim3A_1618 = vector.broadcast %broadcast_in_dim3A_1617 : i32 to vector<16xi32>
          tpu.vector_store_idx %arg8[%add3A_300, %broadcast_in_dim3A_1618], %get3A_1602 : memref<128x128xf32, #tpu.memory_space<vmem>>[vector<16xi32>, vector<16xi32>], vector<16xf32>,
          %mul3A_1619 = arith.constant 128 : i32
          %mul3A_1620 = arith.muli %add3A_296, %mul3A_1619 : i32
          %add3A_1621 = arith.constant 120 : i32
          %add3A_1622 = arith.addi %mul3A_1620, %add3A_1621 : i32
          %add3A_1623 = arith.constant 0 : i32
          %add3A_1624 = arith.addi %add3A_1622, %add3A_1623 : i32
          %get3A_1625 = arith.index_cast %add3A_1624 : i32 to index
          %get3A_1626 = arith.constant 0 : index
          %get3A_1627 = tpu.vector_load %arg6[%get3A_1625, %get3A_1626] {strides = array<i32>} : memref<1024x16xf32, #tpu.memory_space<vmem>>, vector<16xf32>,
          %mul3A_1628 = arith.constant 128 : i32
          %mul3A_1629 = arith.muli %add3A_296, %mul3A_1628 : i32
          %add3A_1630 = arith.constant 120 : i32
          %add3A_1631 = arith.addi %mul3A_1629, %add3A_1630 : i32
          %add3A_1632 = arith.constant 1 : i32
          %add3A_1633 = arith.addi %add3A_1631, %add3A_1632 : i32
          %get3A_1634 = arith.index_cast %add3A_1633 : i32 to index
          %get3A_1635 = arith.constant 0 : index
          %get3A_1636 = tpu.vector_load %arg6[%get3A_1634, %get3A_1635] {strides = array<i32>} : memref<1024x16xf32, #tpu.memory_space<vmem>>, vector<16xf32>,
          %mul3A_1637 = arith.constant 128 : i32
          %mul3A_1638 = arith.muli %add3A_296, %mul3A_1637 : i32
          %add3A_1639 = arith.constant 120 : i32
          %add3A_1640 = arith.addi %mul3A_1638, %add3A_1639 : i32
          %add3A_1641 = arith.constant 2 : i32
          %add3A_1642 = arith.addi %add3A_1640, %add3A_1641 : i32
          %get3A_1643 = arith.index_cast %add3A_1642 : i32 to index
          %get3A_1644 = arith.constant 0 : index
          %get3A_1645 = tpu.vector_load %arg6[%get3A_1643, %get3A_1644] {strides = array<i32>} : memref<1024x16xf32, #tpu.memory_space<vmem>>, vector<16xf32>,
          %mul3A_1646 = arith.constant 128 : i32
          %mul3A_1647 = arith.muli %add3A_296, %mul3A_1646 : i32
          %add3A_1648 = arith.constant 120 : i32
          %add3A_1649 = arith.addi %mul3A_1647, %add3A_1648 : i32
          %add3A_1650 = arith.constant 3 : i32
          %add3A_1651 = arith.addi %add3A_1649, %add3A_1650 : i32
          %get3A_1652 = arith.index_cast %add3A_1651 : i32 to index
          %get3A_1653 = arith.constant 0 : index
          %get3A_1654 = tpu.vector_load %arg6[%get3A_1652, %get3A_1653] {strides = array<i32>} : memref<1024x16xf32, #tpu.memory_space<vmem>>, vector<16xf32>,
          %mul3A_1655 = arith.constant 128 : i32
          %mul3A_1656 = arith.muli %add3A_296, %mul3A_1655 : i32
          %add3A_1657 = arith.constant 120 : i32
          %add3A_1658 = arith.addi %mul3A_1656, %add3A_1657 : i32
          %add3A_1659 = arith.constant 4 : i32
          %add3A_1660 = arith.addi %add3A_1658, %add3A_1659 : i32
          %get3A_1661 = arith.index_cast %add3A_1660 : i32 to index
          %get3A_1662 = arith.constant 0 : index
          %get3A_1663 = tpu.vector_load %arg6[%get3A_1661, %get3A_1662] {strides = array<i32>} : memref<1024x16xf32, #tpu.memory_space<vmem>>, vector<16xf32>,
          %mul3A_1664 = arith.constant 128 : i32
          %mul3A_1665 = arith.muli %add3A_296, %mul3A_1664 : i32
          %add3A_1666 = arith.constant 120 : i32
          %add3A_1667 = arith.addi %mul3A_1665, %add3A_1666 : i32
          %add3A_1668 = arith.constant 5 : i32
          %add3A_1669 = arith.addi %add3A_1667, %add3A_1668 : i32
          %get3A_1670 = arith.index_cast %add3A_1669 : i32 to index
          %get3A_1671 = arith.constant 0 : index
          %get3A_1672 = tpu.vector_load %arg6[%get3A_1670, %get3A_1671] {strides = array<i32>} : memref<1024x16xf32, #tpu.memory_space<vmem>>, vector<16xf32>,
          %mul3A_1673 = arith.constant 128 : i32
          %mul3A_1674 = arith.muli %add3A_296, %mul3A_1673 : i32
          %add3A_1675 = arith.constant 120 : i32
          %add3A_1676 = arith.addi %mul3A_1674, %add3A_1675 : i32
          %add3A_1677 = arith.constant 6 : i32
          %add3A_1678 = arith.addi %add3A_1676, %add3A_1677 : i32
          %get3A_1679 = arith.index_cast %add3A_1678 : i32 to index
          %get3A_1680 = arith.constant 0 : index
          %get3A_1681 = tpu.vector_load %arg6[%get3A_1679, %get3A_1680] {strides = array<i32>} : memref<1024x16xf32, #tpu.memory_space<vmem>>, vector<16xf32>,
          %mul3A_1682 = arith.constant 128 : i32
          %mul3A_1683 = arith.muli %add3A_296, %mul3A_1682 : i32
          %add3A_1684 = arith.constant 120 : i32
          %add3A_1685 = arith.addi %mul3A_1683, %add3A_1684 : i32
          %add3A_1686 = arith.constant 7 : i32
          %add3A_1687 = arith.addi %add3A_1685, %add3A_1686 : i32
          %get3A_1688 = arith.index_cast %add3A_1687 : i32 to index
          %get3A_1689 = arith.constant 0 : index
          %get3A_1690 = tpu.vector_load %arg6[%get3A_1688, %get3A_1689] {strides = array<i32>} : memref<1024x16xf32, #tpu.memory_space<vmem>>, vector<16xf32>,
          %broadcast_in_dim3A_1691 = arith.constant 120 : i32
          %broadcast_in_dim3A_1692 = vector.broadcast %broadcast_in_dim3A_1691 : i32 to vector<16xi32>
          tpu.vector_store_idx %arg8[%add3A_300, %broadcast_in_dim3A_1692], %get3A_1627 : memref<128x128xf32, #tpu.memory_space<vmem>>[vector<16xi32>, vector<16xi32>], vector<16xf32>,
          %broadcast_in_dim3A_1693 = arith.constant 121 : i32
          %broadcast_in_dim3A_1694 = vector.broadcast %broadcast_in_dim3A_1693 : i32 to vector<16xi32>
          tpu.vector_store_idx %arg8[%add3A_300, %broadcast_in_dim3A_1694], %get3A_1636 : memref<128x128xf32, #tpu.memory_space<vmem>>[vector<16xi32>, vector<16xi32>], vector<16xf32>,
          %broadcast_in_dim3A_1695 = arith.constant 122 : i32
          %broadcast_in_dim3A_1696 = vector.broadcast %broadcast_in_dim3A_1695 : i32 to vector<16xi32>
          tpu.vector_store_idx %arg8[%add3A_300, %broadcast_in_dim3A_1696], %get3A_1645 : memref<128x128xf32, #tpu.memory_space<vmem>>[vector<16xi32>, vector<16xi32>], vector<16xf32>,
          %broadcast_in_dim3A_1697 = arith.constant 123 : i32
          %broadcast_in_dim3A_1698 = vector.broadcast %broadcast_in_dim3A_1697 : i32 to vector<16xi32>
          tpu.vector_store_idx %arg8[%add3A_300, %broadcast_in_dim3A_1698], %get3A_1654 : memref<128x128xf32, #tpu.memory_space<vmem>>[vector<16xi32>, vector<16xi32>], vector<16xf32>,
          %broadcast_in_dim3A_1699 = arith.constant 124 : i32
          %broadcast_in_dim3A_1700 = vector.broadcast %broadcast_in_dim3A_1699 : i32 to vector<16xi32>
          tpu.vector_store_idx %arg8[%add3A_300, %broadcast_in_dim3A_1700], %get3A_1663 : memref<128x128xf32, #tpu.memory_space<vmem>>[vector<16xi32>, vector<16xi32>], vector<16xf32>,
          %broadcast_in_dim3A_1701 = arith.constant 125 : i32
          %broadcast_in_dim3A_1702 = vector.broadcast %broadcast_in_dim3A_1701 : i32 to vector<16xi32>
          tpu.vector_store_idx %arg8[%add3A_300, %broadcast_in_dim3A_1702], %get3A_1672 : memref<128x128xf32, #tpu.memory_space<vmem>>[vector<16xi32>, vector<16xi32>], vector<16xf32>,
          %broadcast_in_dim3A_1703 = arith.constant 126 : i32
          %broadcast_in_dim3A_1704 = vector.broadcast %broadcast_in_dim3A_1703 : i32 to vector<16xi32>
          tpu.vector_store_idx %arg8[%add3A_300, %broadcast_in_dim3A_1704], %get3A_1681 : memref<128x128xf32, #tpu.memory_space<vmem>>[vector<16xi32>, vector<16xi32>], vector<16xf32>,
          %broadcast_in_dim3A_1705 = arith.constant 127 : i32
          %broadcast_in_dim3A_1706 = vector.broadcast %broadcast_in_dim3A_1705 : i32 to vector<16xi32>
          tpu.vector_store_idx %arg8[%add3A_300, %broadcast_in_dim3A_1706], %get3A_1690 : memref<128x128xf32, #tpu.memory_space<vmem>>[vector<16xi32>, vector<16xi32>], vector<16xf32>,
        }
        %scan3A_145 = arith.constant 8 : i32
        %mul3A_146 = arith.constant 1024 : i32
        %mul3A_147 = arith.muli %add3A_112, %mul3A_146 : i32
        %add3A_148 = arith.addi %add3A_22, %mul3A_147 : i32
        %jit3A = arith.constant 128 : i32
        %div3A = arith.divsi %add3A_148, %jit3A : i32
        %sign3A = arith.constant 0 : i32
        %sign3A_149 = arith.cmpi sgt, %add3A_148, %sign3A : i32
        %sign3A_150 = arith.extui %sign3A_149 : i1 to i32
        %sign3A_151 = arith.constant 0 : i32
        %sign3A_152 = arith.cmpi slt, %add3A_148, %sign3A_151 : i32
        %sign3A_153 = arith.extui %sign3A_152 : i1 to i32
        %sign3A_154 = arith.subi %sign3A_150, %sign3A_153 : i32
        %sign3A_155 = arith.constant 0 : i32
        %sign3A_156 = arith.cmpi sgt, %jit3A, %sign3A_155 : i32
        %sign3A_157 = arith.extui %sign3A_156 : i1 to i32
        %sign3A_158 = arith.constant 0 : i32
        %sign3A_159 = arith.cmpi slt, %jit3A, %sign3A_158 : i32
        %sign3A_160 = arith.extui %sign3A_159 : i1 to i32
        %sign3A_161 = arith.subi %sign3A_157, %sign3A_160 : i32
        %ne3A = arith.cmpi ne, %sign3A_154, %sign3A_161 : i32
        %rem3A = arith.remsi %add3A_148, %jit3A : i32
        %ne3A_162 = arith.constant 0 : i32
        %ne3A_163 = arith.cmpi ne, %rem3A, %ne3A_162 : i32
        %and3A_164 = arith.andi %ne3A, %ne3A_163 : i1
        %sub3A = arith.constant 1 : i32
        %sub3A_165 = arith.subi %div3A, %sub3A : i32
        %select_n3A = arith.select %and3A_164, %sub3A_165, %div3A : i32
        %mul3A_166 = arith.constant 8 : i32
        %mul3A_167 = arith.muli %select_n3A, %mul3A_166 : i32
        %dma_start3A_168 = arith.constant 0 : i32
        %dma_start3A_169 = arith.constant 0 : i32
        %dma_start3A_170 = tpu.memref_slice %arg8[%dma_start3A_168, %dma_start3A_169] : memref<128x128xf32, #tpu.memory_space<vmem>> -> memref<64x128xf32, #tpu.memory_space<vmem>>
        %dma_start3A_171 = arith.constant 0 : i32
        %dma_start3A_172 = tpu.memref_slice %arg4[%mul3A_167, %dma_start3A_171] : memref<409600x128xf32, #tpu.memory_space<hbm>> -> memref<64x128xf32, #tpu.memory_space<hbm>>
        %dma_start3A_173 = arith.constant 0 : i32
        %dma_start3A_174 = tpu.memref_slice %arg4[%mul3A_167, %dma_start3A_173] : memref<409600x128xf32, #tpu.memory_space<hbm>> -> memref<64x128xf32, #tpu.memory_space<hbm>>
        %dma_start3A_175 = arith.constant 0 : i32
        %dma_start3A_176 = arith.constant 0 : i32
        %dma_start3A_177 = tpu.memref_slice %arg8[%dma_start3A_175, %dma_start3A_176] : memref<128x128xf32, #tpu.memory_space<vmem>> -> memref<64x128xf32, #tpu.memory_space<vmem>>
        tpu.enqueue_dma source(%dma_start3A_177 : memref<64x128xf32, #tpu.memory_space<vmem>>) target(%dma_start3A_174 : memref<64x128xf32, #tpu.memory_space<hbm>>) target_semaphore(%arg12 : memref<!tpu.dma_semaphore, #tpu.memory_space<semaphore_mem>>)
        %add3A_178 = arith.constant 204800 : i32
        %add3A_179 = arith.addi %add3A_178, %mul3A_167 : i32
        %dma_start3A_180 = arith.constant 64 : i32
        %dma_start3A_181 = arith.constant 0 : i32
        %dma_start3A_182 = tpu.memref_slice %arg8[%dma_start3A_180, %dma_start3A_181] : memref<128x128xf32, #tpu.memory_space<vmem>> -> memref<64x128xf32, #tpu.memory_space<vmem>>
        %dma_start3A_183 = arith.constant 0 : i32
        %dma_start3A_184 = tpu.memref_slice %arg4[%add3A_179, %dma_start3A_183] : memref<409600x128xf32, #tpu.memory_space<hbm>> -> memref<64x128xf32, #tpu.memory_space<hbm>>
        %dma_start3A_185 = arith.constant 0 : i32
        %dma_start3A_186 = tpu.memref_slice %arg4[%add3A_179, %dma_start3A_185] : memref<409600x128xf32, #tpu.memory_space<hbm>> -> memref<64x128xf32, #tpu.memory_space<hbm>>
        %dma_start3A_187 = arith.constant 64 : i32
        %dma_start3A_188 = arith.constant 0 : i32
        %dma_start3A_189 = tpu.memref_slice %arg8[%dma_start3A_187, %dma_start3A_188] : memref<128x128xf32, #tpu.memory_space<vmem>> -> memref<64x128xf32, #tpu.memory_space<vmem>>
        tpu.enqueue_dma source(%dma_start3A_189 : memref<64x128xf32, #tpu.memory_space<vmem>>) target(%dma_start3A_186 : memref<64x128xf32, #tpu.memory_space<hbm>>) target_semaphore(%arg12 : memref<!tpu.dma_semaphore, #tpu.memory_space<semaphore_mem>>)
        %add3A_190 = arith.constant 2 : i32
        %add3A_191 = arith.addi %add3A_112, %add3A_190 : i32
        %lt3A = arith.constant 50 : i32
        %lt3A_192 = arith.cmpi slt, %add3A_191, %lt3A : i32
        %convert_element_type3A_193 = arith.extui %lt3A_192 : i1 to i32
        %cond3A_194 = arith.constant 0 : i32
        %cond3A_195 = arith.cmpi ne, %convert_element_type3A_193, %cond3A_194 : i32
        scf.if %cond3A_195 {
          %add3A_292 = arith.constant 2 : i32
          %add3A_293 = arith.addi %add3A_112, %add3A_292 : i32
          %mul3A_294 = arith.constant 1024 : i32
          %mul3A_295 = arith.muli %add3A_293, %mul3A_294 : i32
          %add3A_296 = arith.constant 0 : i32
          %add3A_297 = arith.addi %mul3A_295, %add3A_296 : i32
          %dma_start3A_298 = arith.constant 0 : i32
          %dma_start3A_299 = arith.constant 0 : i32
          %dma_start3A_300 = tpu.memref_slice %arg6[%dma_start3A_298, %dma_start3A_299] : memref<1024x16xf32, #tpu.memory_space<vmem>> -> memref<512x16xf32, #tpu.memory_space<vmem>>
          %dma_start3A_301 = tpu.memref_slice %arg5[%add3A_297] : memref<51200xi32, #tpu.memory_space<vmem>> -> memref<512xi32, #tpu.memory_space<vmem>>
          %dma_start3A_302 = arith.constant 0 : i32
          %dma_start3A_303 = arith.constant 0 : i32
          %dma_start3A_304 = tpu.memref_slice %arg2[%dma_start3A_302, %dma_start3A_303] : memref<1000000x16xf32, #tpu.memory_space<hbm>> -> memref<1000000x16xf32, #tpu.memory_space<hbm>>
          tpu.enqueue_indirect_dma source(%dma_start3A_304 : memref<1000000x16xf32, #tpu.memory_space<hbm>>) target(%dma_start3A_300 : memref<512x16xf32, #tpu.memory_space<vmem>>) offsets(%dma_start3A_301 : memref<512xi32, #tpu.memory_space<vmem>>) semaphore(%arg10 : memref<!tpu.dma_semaphore, #tpu.memory_space<semaphore_mem>>)
          %mul3A_305 = arith.constant 1024 : i32
          %mul3A_306 = arith.muli %add3A_293, %mul3A_305 : i32
          %add3A_307 = arith.constant 512 : i32
          %add3A_308 = arith.addi %mul3A_306, %add3A_307 : i32
          %dma_start3A_309 = arith.constant 512 : i32
          %dma_start3A_310 = arith.constant 0 : i32
          %dma_start3A_311 = tpu.memref_slice %arg6[%dma_start3A_309, %dma_start3A_310] : memref<1024x16xf32, #tpu.memory_space<vmem>> -> memref<512x16xf32, #tpu.memory_space<vmem>>
          %dma_start3A_312 = tpu.memref_slice %arg5[%add3A_308] : memref<51200xi32, #tpu.memory_space<vmem>> -> memref<512xi32, #tpu.memory_space<vmem>>
          %dma_start3A_313 = arith.constant 0 : i32
          %dma_start3A_314 = arith.constant 0 : i32
          %dma_start3A_315 = tpu.memref_slice %arg2[%dma_start3A_313, %dma_start3A_314] : memref<1000000x16xf32, #tpu.memory_space<hbm>> -> memref<1000000x16xf32, #tpu.memory_space<hbm>>
          tpu.enqueue_indirect_dma source(%dma_start3A_315 : memref<1000000x16xf32, #tpu.memory_space<hbm>>) target(%dma_start3A_311 : memref<512x16xf32, #tpu.memory_space<vmem>>) offsets(%dma_start3A_312 : memref<512xi32, #tpu.memory_space<vmem>>) semaphore(%arg10 : memref<!tpu.dma_semaphore, #tpu.memory_space<semaphore_mem>>)
        } else {
        }
        %add3A_196 = arith.constant 1 : i32
        %add3A_197 = arith.addi %add3A_110, %add3A_196 : i32
        %dma_wait3A_198 = arith.constant 0 : i32
        %dma_wait3A_199 = arith.constant 0 : i32
        %dma_wait3A_200 = tpu.memref_slice %arg7[%dma_wait3A_198, %dma_wait3A_199] : memref<1024x16xf32, #tpu.memory_space<vmem>> -> memref<512x16xf32, #tpu.memory_space<vmem>>
        %dma_wait3A_201 = arith.constant 0 : i32
        %dma_wait3A_202 = arith.constant 0 : i32
        %dma_wait3A_203 = tpu.memref_slice %arg2[%dma_wait3A_201, %dma_wait3A_202] : memref<1000000x16xf32, #tpu.memory_space<hbm>> -> memref<512x16xf32, #tpu.memory_space<hbm>>
        %dma_wait3A_204 = arith.constant 0 : i32
        %dma_wait3A_205 = arith.constant 0 : i32
        %dma_wait3A_206 = tpu.memref_slice %arg7[%dma_wait3A_204, %dma_wait3A_205] : memref<1024x16xf32, #tpu.memory_space<vmem>> -> memref<512x16xf32, #tpu.memory_space<vmem>>
        %dma_wait3A_207 = arith.constant 0 : i32
        %dma_wait3A_208 = arith.constant 0 : i32
        %dma_wait3A_209 = tpu.memref_slice %arg2[%dma_wait3A_207, %dma_wait3A_208] : memref<1000000x16xf32, #tpu.memory_space<hbm>> -> memref<512x16xf32, #tpu.memory_space<hbm>>
        tpu.wait_dma2 semaphore(%arg11 : memref<!tpu.dma_semaphore, #tpu.memory_space<semaphore_mem>>) src(%dma_wait3A_209 : memref<512x16xf32, #tpu.memory_space<hbm>>) dst(%dma_wait3A_206 : memref<512x16xf32, #tpu.memory_space<vmem>>)
        %dma_wait3A_210 = arith.constant 512 : i32
        %dma_wait3A_211 = arith.constant 0 : i32
        %dma_wait3A_212 = tpu.memref_slice %arg7[%dma_wait3A_210, %dma_wait3A_211] : memref<1024x16xf32, #tpu.memory_space<vmem>> -> memref<512x16xf32, #tpu.memory_space<vmem>>
        %dma_wait3A_213 = arith.constant 0 : i32
        %dma_wait3A_214 = arith.constant 0 : i32
        %dma_wait3A_215 = tpu.memref_slice %arg2[%dma_wait3A_213, %dma_wait3A_214] : memref<1000000x16xf32, #tpu.memory_space<hbm>> -> memref<512x16xf32, #tpu.memory_space<hbm>>
        %dma_wait3A_216 = arith.constant 512 : i32
        %dma_wait3A_217 = arith.constant 0 : i32
        %dma_wait3A_218 = tpu.memref_slice %arg7[%dma_wait3A_216, %dma_wait3A_217] : memref<1024x16xf32, #tpu.memory_space<vmem>> -> memref<512x16xf32, #tpu.memory_space<vmem>>
        %dma_wait3A_219 = arith.constant 0 : i32
        %dma_wait3A_220 = arith.constant 0 : i32
        %dma_wait3A_221 = tpu.memref_slice %arg2[%dma_wait3A_219, %dma_wait3A_220] : memref<1000000x16xf32, #tpu.memory_space<hbm>> -> memref<512x16xf32, #tpu.memory_space<hbm>>
        tpu.wait_dma2 semaphore(%arg11 : memref<!tpu.dma_semaphore, #tpu.memory_space<semaphore_mem>>) src(%dma_wait3A_221 : memref<512x16xf32, #tpu.memory_space<hbm>>) dst(%dma_wait3A_218 : memref<512x16xf32, #tpu.memory_space<vmem>>)
        %add3A_222 = arith.constant 1 : i32
        %add3A_223 = arith.addi %add3A_110, %add3A_222 : i32
        %ge3A_224 = arith.constant 2 : i32
        %ge3A_225 = arith.cmpi sge, %add3A_223, %ge3A_224 : i32
        %convert_element_type3A_226 = arith.extui %ge3A_225 : i1 to i32
        %cond3A_227 = arith.constant 0 : i32
        %cond3A_228 = arith.cmpi ne, %convert_element_type3A_226, %cond3A_227 : i32
        scf.if %cond3A_228 {
          %dma_wait3A_292 = arith.constant 0 : i32
          %dma_wait3A_293 = arith.constant 0 : i32
          %dma_wait3A_294 = tpu.memref_slice %arg9[%dma_wait3A_292, %dma_wait3A_293] : memref<128x128xf32, #tpu.memory_space<vmem>> -> memref<64x128xf32, #tpu.memory_space<vmem>>
          %dma_wait3A_295 = arith.constant 0 : i32
          %dma_wait3A_296 = arith.constant 0 : i32
          %dma_wait3A_297 = tpu.memref_slice %arg4[%dma_wait3A_295, %dma_wait3A_296] : memref<409600x128xf32, #tpu.memory_space<hbm>> -> memref<64x128xf32, #tpu.memory_space<hbm>>
          %dma_wait3A_298 = arith.constant 0 : i32
          %dma_wait3A_299 = arith.constant 0 : i32
          %dma_wait3A_300 = tpu.memref_slice %arg9[%dma_wait3A_298, %dma_wait3A_299] : memref<128x128xf32, #tpu.memory_space<vmem>> -> memref<64x128xf32, #tpu.memory_space<vmem>>
          %dma_wait3A_301 = arith.constant 0 : i32
          %dma_wait3A_302 = arith.constant 0 : i32
          %dma_wait3A_303 = tpu.memref_slice %arg4[%dma_wait3A_301, %dma_wait3A_302] : memref<409600x128xf32, #tpu.memory_space<hbm>> -> memref<64x128xf32, #tpu.memory_space<hbm>>
          tpu.wait_dma2 semaphore(%arg13 : memref<!tpu.dma_semaphore, #tpu.memory_space<semaphore_mem>>) src(%dma_wait3A_303 : memref<64x128xf32, #tpu.memory_space<hbm>>) dst(%dma_wait3A_300 : memref<64x128xf32, #tpu.memory_space<vmem>>)
          %dma_wait3A_304 = arith.constant 64 : i32
          %dma_wait3A_305 = arith.constant 0 : i32
          %dma_wait3A_306 = tpu.memref_slice %arg9[%dma_wait3A_304, %dma_wait3A_305] : memref<128x128xf32, #tpu.memory_space<vmem>> -> memref<64x128xf32, #tpu.memory_space<vmem>>
          %dma_wait3A_307 = arith.constant 0 : i32
          %dma_wait3A_308 = arith.constant 0 : i32
          %dma_wait3A_309 = tpu.memref_slice %arg4[%dma_wait3A_307, %dma_wait3A_308] : memref<409600x128xf32, #tpu.memory_space<hbm>> -> memref<64x128xf32, #tpu.memory_space<hbm>>
          %dma_wait3A_310 = arith.constant 64 : i32
          %dma_wait3A_311 = arith.constant 0 : i32
          %dma_wait3A_312 = tpu.memref_slice %arg9[%dma_wait3A_310, %dma_wait3A_311] : memref<128x128xf32, #tpu.memory_space<vmem>> -> memref<64x128xf32, #tpu.memory_space<vmem>>
          %dma_wait3A_313 = arith.constant 0 : i32
          %dma_wait3A_314 = arith.constant 0 : i32
          %dma_wait3A_315 = tpu.memref_slice %arg4[%dma_wait3A_313, %dma_wait3A_314] : memref<409600x128xf32, #tpu.memory_space<hbm>> -> memref<64x128xf32, #tpu.memory_space<hbm>>
          tpu.wait_dma2 semaphore(%arg13 : memref<!tpu.dma_semaphore, #tpu.memory_space<semaphore_mem>>) src(%dma_wait3A_315 : memref<64x128xf32, #tpu.memory_space<hbm>>) dst(%dma_wait3A_312 : memref<64x128xf32, #tpu.memory_space<vmem>>)
        } else {
        }
        %scan3A_229 = arith.constant 0 : i32
        %scan3A_230 = arith.constant 8 : i32
        %scan3A_231 = arith.addi %scan3A_229, %scan3A_230 : i32
        %scan3A_232 = arith.constant 1 : i32
        scf.for %scan3A_292 = %scan3A_229 to %scan3A_231 step %scan3A_232  : i32 {
          %mul3A_293 = arith.constant 1 : i32
          %mul3A_294 = arith.muli %scan3A_292, %mul3A_293 : i32
          %add3A_295 = arith.constant 0 : i32
          %add3A_296 = arith.addi %add3A_295, %mul3A_294 : i32
          %mul3A_297 = arith.constant 8 : i32
          %mul3A_298 = arith.muli %add3A_296, %mul3A_297 : i32
          %add3A_299 = vector.broadcast %mul3A_298 : i32 to vector<16xi32>
          %add3A_300 = arith.addi %add3A_10, %add3A_299 : vector<16xi32>
          %mul3A_301 = arith.constant 128 : i32
          %mul3A_302 = arith.muli %add3A_296, %mul3A_301 : i32
          %add3A_303 = arith.constant 0 : i32
          %add3A_304 = arith.addi %mul3A_302, %add3A_303 : i32
          %add3A_305 = arith.constant 0 : i32
          %add3A_306 = arith.addi %add3A_304, %add3A_305 : i32
          %get3A = arith.index_cast %add3A_306 : i32 to index
          %get3A_307 = arith.constant 0 : index
          %get3A_308 = tpu.vector_load %arg7[%get3A, %get3A_307] {strides = array<i32>} : memref<1024x16xf32, #tpu.memory_space<vmem>>, vector<16xf32>,
          %mul3A_309 = arith.constant 128 : i32
          %mul3A_310 = arith.muli %add3A_296, %mul3A_309 : i32
          %add3A_311 = arith.constant 0 : i32
          %add3A_312 = arith.addi %mul3A_310, %add3A_311 : i32
          %add3A_313 = arith.constant 1 : i32
          %add3A_314 = arith.addi %add3A_312, %add3A_313 : i32
          %get3A_315 = arith.index_cast %add3A_314 : i32 to index
          %get3A_316 = arith.constant 0 : index
          %get3A_317 = tpu.vector_load %arg7[%get3A_315, %get3A_316] {strides = array<i32>} : memref<1024x16xf32, #tpu.memory_space<vmem>>, vector<16xf32>,
          %mul3A_318 = arith.constant 128 : i32
          %mul3A_319 = arith.muli %add3A_296, %mul3A_318 : i32
          %add3A_320 = arith.constant 0 : i32
          %add3A_321 = arith.addi %mul3A_319, %add3A_320 : i32
          %add3A_322 = arith.constant 2 : i32
          %add3A_323 = arith.addi %add3A_321, %add3A_322 : i32
          %get3A_324 = arith.index_cast %add3A_323 : i32 to index
          %get3A_325 = arith.constant 0 : index
          %get3A_326 = tpu.vector_load %arg7[%get3A_324, %get3A_325] {strides = array<i32>} : memref<1024x16xf32, #tpu.memory_space<vmem>>, vector<16xf32>,
          %mul3A_327 = arith.constant 128 : i32
          %mul3A_328 = arith.muli %add3A_296, %mul3A_327 : i32
          %add3A_329 = arith.constant 0 : i32
          %add3A_330 = arith.addi %mul3A_328, %add3A_329 : i32
          %add3A_331 = arith.constant 3 : i32
          %add3A_332 = arith.addi %add3A_330, %add3A_331 : i32
          %get3A_333 = arith.index_cast %add3A_332 : i32 to index
          %get3A_334 = arith.constant 0 : index
          %get3A_335 = tpu.vector_load %arg7[%get3A_333, %get3A_334] {strides = array<i32>} : memref<1024x16xf32, #tpu.memory_space<vmem>>, vector<16xf32>,
          %mul3A_336 = arith.constant 128 : i32
          %mul3A_337 = arith.muli %add3A_296, %mul3A_336 : i32
          %add3A_338 = arith.constant 0 : i32
          %add3A_339 = arith.addi %mul3A_337, %add3A_338 : i32
          %add3A_340 = arith.constant 4 : i32
          %add3A_341 = arith.addi %add3A_339, %add3A_340 : i32
          %get3A_342 = arith.index_cast %add3A_341 : i32 to index
          %get3A_343 = arith.constant 0 : index
          %get3A_344 = tpu.vector_load %arg7[%get3A_342, %get3A_343] {strides = array<i32>} : memref<1024x16xf32, #tpu.memory_space<vmem>>, vector<16xf32>,
          %mul3A_345 = arith.constant 128 : i32
          %mul3A_346 = arith.muli %add3A_296, %mul3A_345 : i32
          %add3A_347 = arith.constant 0 : i32
          %add3A_348 = arith.addi %mul3A_346, %add3A_347 : i32
          %add3A_349 = arith.constant 5 : i32
          %add3A_350 = arith.addi %add3A_348, %add3A_349 : i32
          %get3A_351 = arith.index_cast %add3A_350 : i32 to index
          %get3A_352 = arith.constant 0 : index
          %get3A_353 = tpu.vector_load %arg7[%get3A_351, %get3A_352] {strides = array<i32>} : memref<1024x16xf32, #tpu.memory_space<vmem>>, vector<16xf32>,
          %mul3A_354 = arith.constant 128 : i32
          %mul3A_355 = arith.muli %add3A_296, %mul3A_354 : i32
          %add3A_356 = arith.constant 0 : i32
          %add3A_357 = arith.addi %mul3A_355, %add3A_356 : i32
          %add3A_358 = arith.constant 6 : i32
          %add3A_359 = arith.addi %add3A_357, %add3A_358 : i32
          %get3A_360 = arith.index_cast %add3A_359 : i32 to index
          %get3A_361 = arith.constant 0 : index
          %get3A_362 = tpu.vector_load %arg7[%get3A_360, %get3A_361] {strides = array<i32>} : memref<1024x16xf32, #tpu.memory_space<vmem>>, vector<16xf32>,
          %mul3A_363 = arith.constant 128 : i32
          %mul3A_364 = arith.muli %add3A_296, %mul3A_363 : i32
          %add3A_365 = arith.constant 0 : i32
          %add3A_366 = arith.addi %mul3A_364, %add3A_365 : i32
          %add3A_367 = arith.constant 7 : i32
          %add3A_368 = arith.addi %add3A_366, %add3A_367 : i32
          %get3A_369 = arith.index_cast %add3A_368 : i32 to index
          %get3A_370 = arith.constant 0 : index
          %get3A_371 = tpu.vector_load %arg7[%get3A_369, %get3A_370] {strides = array<i32>} : memref<1024x16xf32, #tpu.memory_space<vmem>>, vector<16xf32>,
          %broadcast_in_dim3A = arith.constant 0 : i32
          %broadcast_in_dim3A_372 = vector.broadcast %broadcast_in_dim3A : i32 to vector<16xi32>
          tpu.vector_store_idx %arg9[%add3A_300, %broadcast_in_dim3A_372], %get3A_308 : memref<128x128xf32, #tpu.memory_space<vmem>>[vector<16xi32>, vector<16xi32>], vector<16xf32>,
          %broadcast_in_dim3A_373 = arith.constant 1 : i32
          %broadcast_in_dim3A_374 = vector.broadcast %broadcast_in_dim3A_373 : i32 to vector<16xi32>
          tpu.vector_store_idx %arg9[%add3A_300, %broadcast_in_dim3A_374], %get3A_317 : memref<128x128xf32, #tpu.memory_space<vmem>>[vector<16xi32>, vector<16xi32>], vector<16xf32>,
          %broadcast_in_dim3A_375 = arith.constant 2 : i32
          %broadcast_in_dim3A_376 = vector.broadcast %broadcast_in_dim3A_375 : i32 to vector<16xi32>
          tpu.vector_store_idx %arg9[%add3A_300, %broadcast_in_dim3A_376], %get3A_326 : memref<128x128xf32, #tpu.memory_space<vmem>>[vector<16xi32>, vector<16xi32>], vector<16xf32>,
          %broadcast_in_dim3A_377 = arith.constant 3 : i32
          %broadcast_in_dim3A_378 = vector.broadcast %broadcast_in_dim3A_377 : i32 to vector<16xi32>
          tpu.vector_store_idx %arg9[%add3A_300, %broadcast_in_dim3A_378], %get3A_335 : memref<128x128xf32, #tpu.memory_space<vmem>>[vector<16xi32>, vector<16xi32>], vector<16xf32>,
          %broadcast_in_dim3A_379 = arith.constant 4 : i32
          %broadcast_in_dim3A_380 = vector.broadcast %broadcast_in_dim3A_379 : i32 to vector<16xi32>
          tpu.vector_store_idx %arg9[%add3A_300, %broadcast_in_dim3A_380], %get3A_344 : memref<128x128xf32, #tpu.memory_space<vmem>>[vector<16xi32>, vector<16xi32>], vector<16xf32>,
          %broadcast_in_dim3A_381 = arith.constant 5 : i32
          %broadcast_in_dim3A_382 = vector.broadcast %broadcast_in_dim3A_381 : i32 to vector<16xi32>
          tpu.vector_store_idx %arg9[%add3A_300, %broadcast_in_dim3A_382], %get3A_353 : memref<128x128xf32, #tpu.memory_space<vmem>>[vector<16xi32>, vector<16xi32>], vector<16xf32>,
          %broadcast_in_dim3A_383 = arith.constant 6 : i32
          %broadcast_in_dim3A_384 = vector.broadcast %broadcast_in_dim3A_383 : i32 to vector<16xi32>
          tpu.vector_store_idx %arg9[%add3A_300, %broadcast_in_dim3A_384], %get3A_362 : memref<128x128xf32, #tpu.memory_space<vmem>>[vector<16xi32>, vector<16xi32>], vector<16xf32>,
          %broadcast_in_dim3A_385 = arith.constant 7 : i32
          %broadcast_in_dim3A_386 = vector.broadcast %broadcast_in_dim3A_385 : i32 to vector<16xi32>
          tpu.vector_store_idx %arg9[%add3A_300, %broadcast_in_dim3A_386], %get3A_371 : memref<128x128xf32, #tpu.memory_space<vmem>>[vector<16xi32>, vector<16xi32>], vector<16xf32>,
          %mul3A_387 = arith.constant 128 : i32
          %mul3A_388 = arith.muli %add3A_296, %mul3A_387 : i32
          %add3A_389 = arith.constant 8 : i32
          %add3A_390 = arith.addi %mul3A_388, %add3A_389 : i32
          %add3A_391 = arith.constant 0 : i32
          %add3A_392 = arith.addi %add3A_390, %add3A_391 : i32
          %get3A_393 = arith.index_cast %add3A_392 : i32 to index
          %get3A_394 = arith.constant 0 : index
          %get3A_395 = tpu.vector_load %arg7[%get3A_393, %get3A_394] {strides = array<i32>} : memref<1024x16xf32, #tpu.memory_space<vmem>>, vector<16xf32>,
          %mul3A_396 = arith.constant 128 : i32
          %mul3A_397 = arith.muli %add3A_296, %mul3A_396 : i32
          %add3A_398 = arith.constant 8 : i32
          %add3A_399 = arith.addi %mul3A_397, %add3A_398 : i32
          %add3A_400 = arith.constant 1 : i32
          %add3A_401 = arith.addi %add3A_399, %add3A_400 : i32
          %get3A_402 = arith.index_cast %add3A_401 : i32 to index
          %get3A_403 = arith.constant 0 : index
          %get3A_404 = tpu.vector_load %arg7[%get3A_402, %get3A_403] {strides = array<i32>} : memref<1024x16xf32, #tpu.memory_space<vmem>>, vector<16xf32>,
          %mul3A_405 = arith.constant 128 : i32
          %mul3A_406 = arith.muli %add3A_296, %mul3A_405 : i32
          %add3A_407 = arith.constant 8 : i32
          %add3A_408 = arith.addi %mul3A_406, %add3A_407 : i32
          %add3A_409 = arith.constant 2 : i32
          %add3A_410 = arith.addi %add3A_408, %add3A_409 : i32
          %get3A_411 = arith.index_cast %add3A_410 : i32 to index
          %get3A_412 = arith.constant 0 : index
          %get3A_413 = tpu.vector_load %arg7[%get3A_411, %get3A_412] {strides = array<i32>} : memref<1024x16xf32, #tpu.memory_space<vmem>>, vector<16xf32>,
          %mul3A_414 = arith.constant 128 : i32
          %mul3A_415 = arith.muli %add3A_296, %mul3A_414 : i32
          %add3A_416 = arith.constant 8 : i32
          %add3A_417 = arith.addi %mul3A_415, %add3A_416 : i32
          %add3A_418 = arith.constant 3 : i32
          %add3A_419 = arith.addi %add3A_417, %add3A_418 : i32
          %get3A_420 = arith.index_cast %add3A_419 : i32 to index
          %get3A_421 = arith.constant 0 : index
          %get3A_422 = tpu.vector_load %arg7[%get3A_420, %get3A_421] {strides = array<i32>} : memref<1024x16xf32, #tpu.memory_space<vmem>>, vector<16xf32>,
          %mul3A_423 = arith.constant 128 : i32
          %mul3A_424 = arith.muli %add3A_296, %mul3A_423 : i32
          %add3A_425 = arith.constant 8 : i32
          %add3A_426 = arith.addi %mul3A_424, %add3A_425 : i32
          %add3A_427 = arith.constant 4 : i32
          %add3A_428 = arith.addi %add3A_426, %add3A_427 : i32
          %get3A_429 = arith.index_cast %add3A_428 : i32 to index
          %get3A_430 = arith.constant 0 : index
          %get3A_431 = tpu.vector_load %arg7[%get3A_429, %get3A_430] {strides = array<i32>} : memref<1024x16xf32, #tpu.memory_space<vmem>>, vector<16xf32>,
          %mul3A_432 = arith.constant 128 : i32
          %mul3A_433 = arith.muli %add3A_296, %mul3A_432 : i32
          %add3A_434 = arith.constant 8 : i32
          %add3A_435 = arith.addi %mul3A_433, %add3A_434 : i32
          %add3A_436 = arith.constant 5 : i32
          %add3A_437 = arith.addi %add3A_435, %add3A_436 : i32
          %get3A_438 = arith.index_cast %add3A_437 : i32 to index
          %get3A_439 = arith.constant 0 : index
          %get3A_440 = tpu.vector_load %arg7[%get3A_438, %get3A_439] {strides = array<i32>} : memref<1024x16xf32, #tpu.memory_space<vmem>>, vector<16xf32>,
          %mul3A_441 = arith.constant 128 : i32
          %mul3A_442 = arith.muli %add3A_296, %mul3A_441 : i32
          %add3A_443 = arith.constant 8 : i32
          %add3A_444 = arith.addi %mul3A_442, %add3A_443 : i32
          %add3A_445 = arith.constant 6 : i32
          %add3A_446 = arith.addi %add3A_444, %add3A_445 : i32
          %get3A_447 = arith.index_cast %add3A_446 : i32 to index
          %get3A_448 = arith.constant 0 : index
          %get3A_449 = tpu.vector_load %arg7[%get3A_447, %get3A_448] {strides = array<i32>} : memref<1024x16xf32, #tpu.memory_space<vmem>>, vector<16xf32>,
          %mul3A_450 = arith.constant 128 : i32
          %mul3A_451 = arith.muli %add3A_296, %mul3A_450 : i32
          %add3A_452 = arith.constant 8 : i32
          %add3A_453 = arith.addi %mul3A_451, %add3A_452 : i32
          %add3A_454 = arith.constant 7 : i32
          %add3A_455 = arith.addi %add3A_453, %add3A_454 : i32
          %get3A_456 = arith.index_cast %add3A_455 : i32 to index
          %get3A_457 = arith.constant 0 : index
          %get3A_458 = tpu.vector_load %arg7[%get3A_456, %get3A_457] {strides = array<i32>} : memref<1024x16xf32, #tpu.memory_space<vmem>>, vector<16xf32>,
          %broadcast_in_dim3A_459 = arith.constant 8 : i32
          %broadcast_in_dim3A_460 = vector.broadcast %broadcast_in_dim3A_459 : i32 to vector<16xi32>
          tpu.vector_store_idx %arg9[%add3A_300, %broadcast_in_dim3A_460], %get3A_395 : memref<128x128xf32, #tpu.memory_space<vmem>>[vector<16xi32>, vector<16xi32>], vector<16xf32>,
          %broadcast_in_dim3A_461 = arith.constant 9 : i32
          %broadcast_in_dim3A_462 = vector.broadcast %broadcast_in_dim3A_461 : i32 to vector<16xi32>
          tpu.vector_store_idx %arg9[%add3A_300, %broadcast_in_dim3A_462], %get3A_404 : memref<128x128xf32, #tpu.memory_space<vmem>>[vector<16xi32>, vector<16xi32>], vector<16xf32>,
          %broadcast_in_dim3A_463 = arith.constant 10 : i32
          %broadcast_in_dim3A_464 = vector.broadcast %broadcast_in_dim3A_463 : i32 to vector<16xi32>
          tpu.vector_store_idx %arg9[%add3A_300, %broadcast_in_dim3A_464], %get3A_413 : memref<128x128xf32, #tpu.memory_space<vmem>>[vector<16xi32>, vector<16xi32>], vector<16xf32>,
          %broadcast_in_dim3A_465 = arith.constant 11 : i32
          %broadcast_in_dim3A_466 = vector.broadcast %broadcast_in_dim3A_465 : i32 to vector<16xi32>
          tpu.vector_store_idx %arg9[%add3A_300, %broadcast_in_dim3A_466], %get3A_422 : memref<128x128xf32, #tpu.memory_space<vmem>>[vector<16xi32>, vector<16xi32>], vector<16xf32>,
          %broadcast_in_dim3A_467 = arith.constant 12 : i32
          %broadcast_in_dim3A_468 = vector.broadcast %broadcast_in_dim3A_467 : i32 to vector<16xi32>
          tpu.vector_store_idx %arg9[%add3A_300, %broadcast_in_dim3A_468], %get3A_431 : memref<128x128xf32, #tpu.memory_space<vmem>>[vector<16xi32>, vector<16xi32>], vector<16xf32>,
          %broadcast_in_dim3A_469 = arith.constant 13 : i32
          %broadcast_in_dim3A_470 = vector.broadcast %broadcast_in_dim3A_469 : i32 to vector<16xi32>
          tpu.vector_store_idx %arg9[%add3A_300, %broadcast_in_dim3A_470], %get3A_440 : memref<128x128xf32, #tpu.memory_space<vmem>>[vector<16xi32>, vector<16xi32>], vector<16xf32>,
          %broadcast_in_dim3A_471 = arith.constant 14 : i32
          %broadcast_in_dim3A_472 = vector.broadcast %broadcast_in_dim3A_471 : i32 to vector<16xi32>
          tpu.vector_store_idx %arg9[%add3A_300, %broadcast_in_dim3A_472], %get3A_449 : memref<128x128xf32, #tpu.memory_space<vmem>>[vector<16xi32>, vector<16xi32>], vector<16xf32>,
          %broadcast_in_dim3A_473 = arith.constant 15 : i32
          %broadcast_in_dim3A_474 = vector.broadcast %broadcast_in_dim3A_473 : i32 to vector<16xi32>
          tpu.vector_store_idx %arg9[%add3A_300, %broadcast_in_dim3A_474], %get3A_458 : memref<128x128xf32, #tpu.memory_space<vmem>>[vector<16xi32>, vector<16xi32>], vector<16xf32>,
          %mul3A_475 = arith.constant 128 : i32
          %mul3A_476 = arith.muli %add3A_296, %mul3A_475 : i32
          %add3A_477 = arith.constant 16 : i32
          %add3A_478 = arith.addi %mul3A_476, %add3A_477 : i32
          %add3A_479 = arith.constant 0 : i32
          %add3A_480 = arith.addi %add3A_478, %add3A_479 : i32
          %get3A_481 = arith.index_cast %add3A_480 : i32 to index
          %get3A_482 = arith.constant 0 : index
          %get3A_483 = tpu.vector_load %arg7[%get3A_481, %get3A_482] {strides = array<i32>} : memref<1024x16xf32, #tpu.memory_space<vmem>>, vector<16xf32>,
          %mul3A_484 = arith.constant 128 : i32
          %mul3A_485 = arith.muli %add3A_296, %mul3A_484 : i32
          %add3A_486 = arith.constant 16 : i32
          %add3A_487 = arith.addi %mul3A_485, %add3A_486 : i32
          %add3A_488 = arith.constant 1 : i32
          %add3A_489 = arith.addi %add3A_487, %add3A_488 : i32
          %get3A_490 = arith.index_cast %add3A_489 : i32 to index
          %get3A_491 = arith.constant 0 : index
          %get3A_492 = tpu.vector_load %arg7[%get3A_490, %get3A_491] {strides = array<i32>} : memref<1024x16xf32, #tpu.memory_space<vmem>>, vector<16xf32>,
          %mul3A_493 = arith.constant 128 : i32
          %mul3A_494 = arith.muli %add3A_296, %mul3A_493 : i32
          %add3A_495 = arith.constant 16 : i32
          %add3A_496 = arith.addi %mul3A_494, %add3A_495 : i32
          %add3A_497 = arith.constant 2 : i32
          %add3A_498 = arith.addi %add3A_496, %add3A_497 : i32
          %get3A_499 = arith.index_cast %add3A_498 : i32 to index
          %get3A_500 = arith.constant 0 : index
          %get3A_501 = tpu.vector_load %arg7[%get3A_499, %get3A_500] {strides = array<i32>} : memref<1024x16xf32, #tpu.memory_space<vmem>>, vector<16xf32>,
          %mul3A_502 = arith.constant 128 : i32
          %mul3A_503 = arith.muli %add3A_296, %mul3A_502 : i32
          %add3A_504 = arith.constant 16 : i32
          %add3A_505 = arith.addi %mul3A_503, %add3A_504 : i32
          %add3A_506 = arith.constant 3 : i32
          %add3A_507 = arith.addi %add3A_505, %add3A_506 : i32
          %get3A_508 = arith.index_cast %add3A_507 : i32 to index
          %get3A_509 = arith.constant 0 : index
          %get3A_510 = tpu.vector_load %arg7[%get3A_508, %get3A_509] {strides = array<i32>} : memref<1024x16xf32, #tpu.memory_space<vmem>>, vector<16xf32>,
          %mul3A_511 = arith.constant 128 : i32
          %mul3A_512 = arith.muli %add3A_296, %mul3A_511 : i32
          %add3A_513 = arith.constant 16 : i32
          %add3A_514 = arith.addi %mul3A_512, %add3A_513 : i32
          %add3A_515 = arith.constant 4 : i32
          %add3A_516 = arith.addi %add3A_514, %add3A_515 : i32
          %get3A_517 = arith.index_cast %add3A_516 : i32 to index
          %get3A_518 = arith.constant 0 : index
          %get3A_519 = tpu.vector_load %arg7[%get3A_517, %get3A_518] {strides = array<i32>} : memref<1024x16xf32, #tpu.memory_space<vmem>>, vector<16xf32>,
          %mul3A_520 = arith.constant 128 : i32
          %mul3A_521 = arith.muli %add3A_296, %mul3A_520 : i32
          %add3A_522 = arith.constant 16 : i32
          %add3A_523 = arith.addi %mul3A_521, %add3A_522 : i32
          %add3A_524 = arith.constant 5 : i32
          %add3A_525 = arith.addi %add3A_523, %add3A_524 : i32
          %get3A_526 = arith.index_cast %add3A_525 : i32 to index
          %get3A_527 = arith.constant 0 : index
          %get3A_528 = tpu.vector_load %arg7[%get3A_526, %get3A_527] {strides = array<i32>} : memref<1024x16xf32, #tpu.memory_space<vmem>>, vector<16xf32>,
          %mul3A_529 = arith.constant 128 : i32
          %mul3A_530 = arith.muli %add3A_296, %mul3A_529 : i32
          %add3A_531 = arith.constant 16 : i32
          %add3A_532 = arith.addi %mul3A_530, %add3A_531 : i32
          %add3A_533 = arith.constant 6 : i32
          %add3A_534 = arith.addi %add3A_532, %add3A_533 : i32
          %get3A_535 = arith.index_cast %add3A_534 : i32 to index
          %get3A_536 = arith.constant 0 : index
          %get3A_537 = tpu.vector_load %arg7[%get3A_535, %get3A_536] {strides = array<i32>} : memref<1024x16xf32, #tpu.memory_space<vmem>>, vector<16xf32>,
          %mul3A_538 = arith.constant 128 : i32
          %mul3A_539 = arith.muli %add3A_296, %mul3A_538 : i32
          %add3A_540 = arith.constant 16 : i32
          %add3A_541 = arith.addi %mul3A_539, %add3A_540 : i32
          %add3A_542 = arith.constant 7 : i32
          %add3A_543 = arith.addi %add3A_541, %add3A_542 : i32
          %get3A_544 = arith.index_cast %add3A_543 : i32 to index
          %get3A_545 = arith.constant 0 : index
          %get3A_546 = tpu.vector_load %arg7[%get3A_544, %get3A_545] {strides = array<i32>} : memref<1024x16xf32, #tpu.memory_space<vmem>>, vector<16xf32>,
          %broadcast_in_dim3A_547 = arith.constant 16 : i32
          %broadcast_in_dim3A_548 = vector.broadcast %broadcast_in_dim3A_547 : i32 to vector<16xi32>
          tpu.vector_store_idx %arg9[%add3A_300, %broadcast_in_dim3A_548], %get3A_483 : memref<128x128xf32, #tpu.memory_space<vmem>>[vector<16xi32>, vector<16xi32>], vector<16xf32>,
          %broadcast_in_dim3A_549 = arith.constant 17 : i32
          %broadcast_in_dim3A_550 = vector.broadcast %broadcast_in_dim3A_549 : i32 to vector<16xi32>
          tpu.vector_store_idx %arg9[%add3A_300, %broadcast_in_dim3A_550], %get3A_492 : memref<128x128xf32, #tpu.memory_space<vmem>>[vector<16xi32>, vector<16xi32>], vector<16xf32>,
          %broadcast_in_dim3A_551 = arith.constant 18 : i32
          %broadcast_in_dim3A_552 = vector.broadcast %broadcast_in_dim3A_551 : i32 to vector<16xi32>
          tpu.vector_store_idx %arg9[%add3A_300, %broadcast_in_dim3A_552], %get3A_501 : memref<128x128xf32, #tpu.memory_space<vmem>>[vector<16xi32>, vector<16xi32>], vector<16xf32>,
          %broadcast_in_dim3A_553 = arith.constant 19 : i32
          %broadcast_in_dim3A_554 = vector.broadcast %broadcast_in_dim3A_553 : i32 to vector<16xi32>
          tpu.vector_store_idx %arg9[%add3A_300, %broadcast_in_dim3A_554], %get3A_510 : memref<128x128xf32, #tpu.memory_space<vmem>>[vector<16xi32>, vector<16xi32>], vector<16xf32>,
          %broadcast_in_dim3A_555 = arith.constant 20 : i32
          %broadcast_in_dim3A_556 = vector.broadcast %broadcast_in_dim3A_555 : i32 to vector<16xi32>
          tpu.vector_store_idx %arg9[%add3A_300, %broadcast_in_dim3A_556], %get3A_519 : memref<128x128xf32, #tpu.memory_space<vmem>>[vector<16xi32>, vector<16xi32>], vector<16xf32>,
          %broadcast_in_dim3A_557 = arith.constant 21 : i32
          %broadcast_in_dim3A_558 = vector.broadcast %broadcast_in_dim3A_557 : i32 to vector<16xi32>
          tpu.vector_store_idx %arg9[%add3A_300, %broadcast_in_dim3A_558], %get3A_528 : memref<128x128xf32, #tpu.memory_space<vmem>>[vector<16xi32>, vector<16xi32>], vector<16xf32>,
          %broadcast_in_dim3A_559 = arith.constant 22 : i32
          %broadcast_in_dim3A_560 = vector.broadcast %broadcast_in_dim3A_559 : i32 to vector<16xi32>
          tpu.vector_store_idx %arg9[%add3A_300, %broadcast_in_dim3A_560], %get3A_537 : memref<128x128xf32, #tpu.memory_space<vmem>>[vector<16xi32>, vector<16xi32>], vector<16xf32>,
          %broadcast_in_dim3A_561 = arith.constant 23 : i32
          %broadcast_in_dim3A_562 = vector.broadcast %broadcast_in_dim3A_561 : i32 to vector<16xi32>
          tpu.vector_store_idx %arg9[%add3A_300, %broadcast_in_dim3A_562], %get3A_546 : memref<128x128xf32, #tpu.memory_space<vmem>>[vector<16xi32>, vector<16xi32>], vector<16xf32>,
          %mul3A_563 = arith.constant 128 : i32
          %mul3A_564 = arith.muli %add3A_296, %mul3A_563 : i32
          %add3A_565 = arith.constant 24 : i32
          %add3A_566 = arith.addi %mul3A_564, %add3A_565 : i32
          %add3A_567 = arith.constant 0 : i32
          %add3A_568 = arith.addi %add3A_566, %add3A_567 : i32
          %get3A_569 = arith.index_cast %add3A_568 : i32 to index
          %get3A_570 = arith.constant 0 : index
          %get3A_571 = tpu.vector_load %arg7[%get3A_569, %get3A_570] {strides = array<i32>} : memref<1024x16xf32, #tpu.memory_space<vmem>>, vector<16xf32>,
          %mul3A_572 = arith.constant 128 : i32
          %mul3A_573 = arith.muli %add3A_296, %mul3A_572 : i32
          %add3A_574 = arith.constant 24 : i32
          %add3A_575 = arith.addi %mul3A_573, %add3A_574 : i32
          %add3A_576 = arith.constant 1 : i32
          %add3A_577 = arith.addi %add3A_575, %add3A_576 : i32
          %get3A_578 = arith.index_cast %add3A_577 : i32 to index
          %get3A_579 = arith.constant 0 : index
          %get3A_580 = tpu.vector_load %arg7[%get3A_578, %get3A_579] {strides = array<i32>} : memref<1024x16xf32, #tpu.memory_space<vmem>>, vector<16xf32>,
          %mul3A_581 = arith.constant 128 : i32
          %mul3A_582 = arith.muli %add3A_296, %mul3A_581 : i32
          %add3A_583 = arith.constant 24 : i32
          %add3A_584 = arith.addi %mul3A_582, %add3A_583 : i32
          %add3A_585 = arith.constant 2 : i32
          %add3A_586 = arith.addi %add3A_584, %add3A_585 : i32
          %get3A_587 = arith.index_cast %add3A_586 : i32 to index
          %get3A_588 = arith.constant 0 : index
          %get3A_589 = tpu.vector_load %arg7[%get3A_587, %get3A_588] {strides = array<i32>} : memref<1024x16xf32, #tpu.memory_space<vmem>>, vector<16xf32>,
          %mul3A_590 = arith.constant 128 : i32
          %mul3A_591 = arith.muli %add3A_296, %mul3A_590 : i32
          %add3A_592 = arith.constant 24 : i32
          %add3A_593 = arith.addi %mul3A_591, %add3A_592 : i32
          %add3A_594 = arith.constant 3 : i32
          %add3A_595 = arith.addi %add3A_593, %add3A_594 : i32
          %get3A_596 = arith.index_cast %add3A_595 : i32 to index
          %get3A_597 = arith.constant 0 : index
          %get3A_598 = tpu.vector_load %arg7[%get3A_596, %get3A_597] {strides = array<i32>} : memref<1024x16xf32, #tpu.memory_space<vmem>>, vector<16xf32>,
          %mul3A_599 = arith.constant 128 : i32
          %mul3A_600 = arith.muli %add3A_296, %mul3A_599 : i32
          %add3A_601 = arith.constant 24 : i32
          %add3A_602 = arith.addi %mul3A_600, %add3A_601 : i32
          %add3A_603 = arith.constant 4 : i32
          %add3A_604 = arith.addi %add3A_602, %add3A_603 : i32
          %get3A_605 = arith.index_cast %add3A_604 : i32 to index
          %get3A_606 = arith.constant 0 : index
          %get3A_607 = tpu.vector_load %arg7[%get3A_605, %get3A_606] {strides = array<i32>} : memref<1024x16xf32, #tpu.memory_space<vmem>>, vector<16xf32>,
          %mul3A_608 = arith.constant 128 : i32
          %mul3A_609 = arith.muli %add3A_296, %mul3A_608 : i32
          %add3A_610 = arith.constant 24 : i32
          %add3A_611 = arith.addi %mul3A_609, %add3A_610 : i32
          %add3A_612 = arith.constant 5 : i32
          %add3A_613 = arith.addi %add3A_611, %add3A_612 : i32
          %get3A_614 = arith.index_cast %add3A_613 : i32 to index
          %get3A_615 = arith.constant 0 : index
          %get3A_616 = tpu.vector_load %arg7[%get3A_614, %get3A_615] {strides = array<i32>} : memref<1024x16xf32, #tpu.memory_space<vmem>>, vector<16xf32>,
          %mul3A_617 = arith.constant 128 : i32
          %mul3A_618 = arith.muli %add3A_296, %mul3A_617 : i32
          %add3A_619 = arith.constant 24 : i32
          %add3A_620 = arith.addi %mul3A_618, %add3A_619 : i32
          %add3A_621 = arith.constant 6 : i32
          %add3A_622 = arith.addi %add3A_620, %add3A_621 : i32
          %get3A_623 = arith.index_cast %add3A_622 : i32 to index
          %get3A_624 = arith.constant 0 : index
          %get3A_625 = tpu.vector_load %arg7[%get3A_623, %get3A_624] {strides = array<i32>} : memref<1024x16xf32, #tpu.memory_space<vmem>>, vector<16xf32>,
          %mul3A_626 = arith.constant 128 : i32
          %mul3A_627 = arith.muli %add3A_296, %mul3A_626 : i32
          %add3A_628 = arith.constant 24 : i32
          %add3A_629 = arith.addi %mul3A_627, %add3A_628 : i32
          %add3A_630 = arith.constant 7 : i32
          %add3A_631 = arith.addi %add3A_629, %add3A_630 : i32
          %get3A_632 = arith.index_cast %add3A_631 : i32 to index
          %get3A_633 = arith.constant 0 : index
          %get3A_634 = tpu.vector_load %arg7[%get3A_632, %get3A_633] {strides = array<i32>} : memref<1024x16xf32, #tpu.memory_space<vmem>>, vector<16xf32>,
          %broadcast_in_dim3A_635 = arith.constant 24 : i32
          %broadcast_in_dim3A_636 = vector.broadcast %broadcast_in_dim3A_635 : i32 to vector<16xi32>
          tpu.vector_store_idx %arg9[%add3A_300, %broadcast_in_dim3A_636], %get3A_571 : memref<128x128xf32, #tpu.memory_space<vmem>>[vector<16xi32>, vector<16xi32>], vector<16xf32>,
          %broadcast_in_dim3A_637 = arith.constant 25 : i32
          %broadcast_in_dim3A_638 = vector.broadcast %broadcast_in_dim3A_637 : i32 to vector<16xi32>
          tpu.vector_store_idx %arg9[%add3A_300, %broadcast_in_dim3A_638], %get3A_580 : memref<128x128xf32, #tpu.memory_space<vmem>>[vector<16xi32>, vector<16xi32>], vector<16xf32>,
          %broadcast_in_dim3A_639 = arith.constant 26 : i32
          %broadcast_in_dim3A_640 = vector.broadcast %broadcast_in_dim3A_639 : i32 to vector<16xi32>
          tpu.vector_store_idx %arg9[%add3A_300, %broadcast_in_dim3A_640], %get3A_589 : memref<128x128xf32, #tpu.memory_space<vmem>>[vector<16xi32>, vector<16xi32>], vector<16xf32>,
          %broadcast_in_dim3A_641 = arith.constant 27 : i32
          %broadcast_in_dim3A_642 = vector.broadcast %broadcast_in_dim3A_641 : i32 to vector<16xi32>
          tpu.vector_store_idx %arg9[%add3A_300, %broadcast_in_dim3A_642], %get3A_598 : memref<128x128xf32, #tpu.memory_space<vmem>>[vector<16xi32>, vector<16xi32>], vector<16xf32>,
          %broadcast_in_dim3A_643 = arith.constant 28 : i32
          %broadcast_in_dim3A_644 = vector.broadcast %broadcast_in_dim3A_643 : i32 to vector<16xi32>
          tpu.vector_store_idx %arg9[%add3A_300, %broadcast_in_dim3A_644], %get3A_607 : memref<128x128xf32, #tpu.memory_space<vmem>>[vector<16xi32>, vector<16xi32>], vector<16xf32>,
          %broadcast_in_dim3A_645 = arith.constant 29 : i32
          %broadcast_in_dim3A_646 = vector.broadcast %broadcast_in_dim3A_645 : i32 to vector<16xi32>
          tpu.vector_store_idx %arg9[%add3A_300, %broadcast_in_dim3A_646], %get3A_616 : memref<128x128xf32, #tpu.memory_space<vmem>>[vector<16xi32>, vector<16xi32>], vector<16xf32>,
          %broadcast_in_dim3A_647 = arith.constant 30 : i32
          %broadcast_in_dim3A_648 = vector.broadcast %broadcast_in_dim3A_647 : i32 to vector<16xi32>
          tpu.vector_store_idx %arg9[%add3A_300, %broadcast_in_dim3A_648], %get3A_625 : memref<128x128xf32, #tpu.memory_space<vmem>>[vector<16xi32>, vector<16xi32>], vector<16xf32>,
          %broadcast_in_dim3A_649 = arith.constant 31 : i32
          %broadcast_in_dim3A_650 = vector.broadcast %broadcast_in_dim3A_649 : i32 to vector<16xi32>
          tpu.vector_store_idx %arg9[%add3A_300, %broadcast_in_dim3A_650], %get3A_634 : memref<128x128xf32, #tpu.memory_space<vmem>>[vector<16xi32>, vector<16xi32>], vector<16xf32>,
          %mul3A_651 = arith.constant 128 : i32
          %mul3A_652 = arith.muli %add3A_296, %mul3A_651 : i32
          %add3A_653 = arith.constant 32 : i32
          %add3A_654 = arith.addi %mul3A_652, %add3A_653 : i32
          %add3A_655 = arith.constant 0 : i32
          %add3A_656 = arith.addi %add3A_654, %add3A_655 : i32
          %get3A_657 = arith.index_cast %add3A_656 : i32 to index
          %get3A_658 = arith.constant 0 : index
          %get3A_659 = tpu.vector_load %arg7[%get3A_657, %get3A_658] {strides = array<i32>} : memref<1024x16xf32, #tpu.memory_space<vmem>>, vector<16xf32>,
          %mul3A_660 = arith.constant 128 : i32
          %mul3A_661 = arith.muli %add3A_296, %mul3A_660 : i32
          %add3A_662 = arith.constant 32 : i32
          %add3A_663 = arith.addi %mul3A_661, %add3A_662 : i32
          %add3A_664 = arith.constant 1 : i32
          %add3A_665 = arith.addi %add3A_663, %add3A_664 : i32
          %get3A_666 = arith.index_cast %add3A_665 : i32 to index
          %get3A_667 = arith.constant 0 : index
          %get3A_668 = tpu.vector_load %arg7[%get3A_666, %get3A_667] {strides = array<i32>} : memref<1024x16xf32, #tpu.memory_space<vmem>>, vector<16xf32>,
          %mul3A_669 = arith.constant 128 : i32
          %mul3A_670 = arith.muli %add3A_296, %mul3A_669 : i32
          %add3A_671 = arith.constant 32 : i32
          %add3A_672 = arith.addi %mul3A_670, %add3A_671 : i32
          %add3A_673 = arith.constant 2 : i32
          %add3A_674 = arith.addi %add3A_672, %add3A_673 : i32
          %get3A_675 = arith.index_cast %add3A_674 : i32 to index
          %get3A_676 = arith.constant 0 : index
          %get3A_677 = tpu.vector_load %arg7[%get3A_675, %get3A_676] {strides = array<i32>} : memref<1024x16xf32, #tpu.memory_space<vmem>>, vector<16xf32>,
          %mul3A_678 = arith.constant 128 : i32
          %mul3A_679 = arith.muli %add3A_296, %mul3A_678 : i32
          %add3A_680 = arith.constant 32 : i32
          %add3A_681 = arith.addi %mul3A_679, %add3A_680 : i32
          %add3A_682 = arith.constant 3 : i32
          %add3A_683 = arith.addi %add3A_681, %add3A_682 : i32
          %get3A_684 = arith.index_cast %add3A_683 : i32 to index
          %get3A_685 = arith.constant 0 : index
          %get3A_686 = tpu.vector_load %arg7[%get3A_684, %get3A_685] {strides = array<i32>} : memref<1024x16xf32, #tpu.memory_space<vmem>>, vector<16xf32>,
          %mul3A_687 = arith.constant 128 : i32
          %mul3A_688 = arith.muli %add3A_296, %mul3A_687 : i32
          %add3A_689 = arith.constant 32 : i32
          %add3A_690 = arith.addi %mul3A_688, %add3A_689 : i32
          %add3A_691 = arith.constant 4 : i32
          %add3A_692 = arith.addi %add3A_690, %add3A_691 : i32
          %get3A_693 = arith.index_cast %add3A_692 : i32 to index
          %get3A_694 = arith.constant 0 : index
          %get3A_695 = tpu.vector_load %arg7[%get3A_693, %get3A_694] {strides = array<i32>} : memref<1024x16xf32, #tpu.memory_space<vmem>>, vector<16xf32>,
          %mul3A_696 = arith.constant 128 : i32
          %mul3A_697 = arith.muli %add3A_296, %mul3A_696 : i32
          %add3A_698 = arith.constant 32 : i32
          %add3A_699 = arith.addi %mul3A_697, %add3A_698 : i32
          %add3A_700 = arith.constant 5 : i32
          %add3A_701 = arith.addi %add3A_699, %add3A_700 : i32
          %get3A_702 = arith.index_cast %add3A_701 : i32 to index
          %get3A_703 = arith.constant 0 : index
          %get3A_704 = tpu.vector_load %arg7[%get3A_702, %get3A_703] {strides = array<i32>} : memref<1024x16xf32, #tpu.memory_space<vmem>>, vector<16xf32>,
          %mul3A_705 = arith.constant 128 : i32
          %mul3A_706 = arith.muli %add3A_296, %mul3A_705 : i32
          %add3A_707 = arith.constant 32 : i32
          %add3A_708 = arith.addi %mul3A_706, %add3A_707 : i32
          %add3A_709 = arith.constant 6 : i32
          %add3A_710 = arith.addi %add3A_708, %add3A_709 : i32
          %get3A_711 = arith.index_cast %add3A_710 : i32 to index
          %get3A_712 = arith.constant 0 : index
          %get3A_713 = tpu.vector_load %arg7[%get3A_711, %get3A_712] {strides = array<i32>} : memref<1024x16xf32, #tpu.memory_space<vmem>>, vector<16xf32>,
          %mul3A_714 = arith.constant 128 : i32
          %mul3A_715 = arith.muli %add3A_296, %mul3A_714 : i32
          %add3A_716 = arith.constant 32 : i32
          %add3A_717 = arith.addi %mul3A_715, %add3A_716 : i32
          %add3A_718 = arith.constant 7 : i32
          %add3A_719 = arith.addi %add3A_717, %add3A_718 : i32
          %get3A_720 = arith.index_cast %add3A_719 : i32 to index
          %get3A_721 = arith.constant 0 : index
          %get3A_722 = tpu.vector_load %arg7[%get3A_720, %get3A_721] {strides = array<i32>} : memref<1024x16xf32, #tpu.memory_space<vmem>>, vector<16xf32>,
          %broadcast_in_dim3A_723 = arith.constant 32 : i32
          %broadcast_in_dim3A_724 = vector.broadcast %broadcast_in_dim3A_723 : i32 to vector<16xi32>
          tpu.vector_store_idx %arg9[%add3A_300, %broadcast_in_dim3A_724], %get3A_659 : memref<128x128xf32, #tpu.memory_space<vmem>>[vector<16xi32>, vector<16xi32>], vector<16xf32>,
          %broadcast_in_dim3A_725 = arith.constant 33 : i32
          %broadcast_in_dim3A_726 = vector.broadcast %broadcast_in_dim3A_725 : i32 to vector<16xi32>
          tpu.vector_store_idx %arg9[%add3A_300, %broadcast_in_dim3A_726], %get3A_668 : memref<128x128xf32, #tpu.memory_space<vmem>>[vector<16xi32>, vector<16xi32>], vector<16xf32>,
          %broadcast_in_dim3A_727 = arith.constant 34 : i32
          %broadcast_in_dim3A_728 = vector.broadcast %broadcast_in_dim3A_727 : i32 to vector<16xi32>
          tpu.vector_store_idx %arg9[%add3A_300, %broadcast_in_dim3A_728], %get3A_677 : memref<128x128xf32, #tpu.memory_space<vmem>>[vector<16xi32>, vector<16xi32>], vector<16xf32>,
          %broadcast_in_dim3A_729 = arith.constant 35 : i32
          %broadcast_in_dim3A_730 = vector.broadcast %broadcast_in_dim3A_729 : i32 to vector<16xi32>
          tpu.vector_store_idx %arg9[%add3A_300, %broadcast_in_dim3A_730], %get3A_686 : memref<128x128xf32, #tpu.memory_space<vmem>>[vector<16xi32>, vector<16xi32>], vector<16xf32>,
          %broadcast_in_dim3A_731 = arith.constant 36 : i32
          %broadcast_in_dim3A_732 = vector.broadcast %broadcast_in_dim3A_731 : i32 to vector<16xi32>
          tpu.vector_store_idx %arg9[%add3A_300, %broadcast_in_dim3A_732], %get3A_695 : memref<128x128xf32, #tpu.memory_space<vmem>>[vector<16xi32>, vector<16xi32>], vector<16xf32>,
          %broadcast_in_dim3A_733 = arith.constant 37 : i32
          %broadcast_in_dim3A_734 = vector.broadcast %broadcast_in_dim3A_733 : i32 to vector<16xi32>
          tpu.vector_store_idx %arg9[%add3A_300, %broadcast_in_dim3A_734], %get3A_704 : memref<128x128xf32, #tpu.memory_space<vmem>>[vector<16xi32>, vector<16xi32>], vector<16xf32>,
          %broadcast_in_dim3A_735 = arith.constant 38 : i32
          %broadcast_in_dim3A_736 = vector.broadcast %broadcast_in_dim3A_735 : i32 to vector<16xi32>
          tpu.vector_store_idx %arg9[%add3A_300, %broadcast_in_dim3A_736], %get3A_713 : memref<128x128xf32, #tpu.memory_space<vmem>>[vector<16xi32>, vector<16xi32>], vector<16xf32>,
          %broadcast_in_dim3A_737 = arith.constant 39 : i32
          %broadcast_in_dim3A_738 = vector.broadcast %broadcast_in_dim3A_737 : i32 to vector<16xi32>
          tpu.vector_store_idx %arg9[%add3A_300, %broadcast_in_dim3A_738], %get3A_722 : memref<128x128xf32, #tpu.memory_space<vmem>>[vector<16xi32>, vector<16xi32>], vector<16xf32>,
          %mul3A_739 = arith.constant 128 : i32
          %mul3A_740 = arith.muli %add3A_296, %mul3A_739 : i32
          %add3A_741 = arith.constant 40 : i32
          %add3A_742 = arith.addi %mul3A_740, %add3A_741 : i32
          %add3A_743 = arith.constant 0 : i32
          %add3A_744 = arith.addi %add3A_742, %add3A_743 : i32
          %get3A_745 = arith.index_cast %add3A_744 : i32 to index
          %get3A_746 = arith.constant 0 : index
          %get3A_747 = tpu.vector_load %arg7[%get3A_745, %get3A_746] {strides = array<i32>} : memref<1024x16xf32, #tpu.memory_space<vmem>>, vector<16xf32>,
          %mul3A_748 = arith.constant 128 : i32
          %mul3A_749 = arith.muli %add3A_296, %mul3A_748 : i32
          %add3A_750 = arith.constant 40 : i32
          %add3A_751 = arith.addi %mul3A_749, %add3A_750 : i32
          %add3A_752 = arith.constant 1 : i32
          %add3A_753 = arith.addi %add3A_751, %add3A_752 : i32
          %get3A_754 = arith.index_cast %add3A_753 : i32 to index
          %get3A_755 = arith.constant 0 : index
          %get3A_756 = tpu.vector_load %arg7[%get3A_754, %get3A_755] {strides = array<i32>} : memref<1024x16xf32, #tpu.memory_space<vmem>>, vector<16xf32>,
          %mul3A_757 = arith.constant 128 : i32
          %mul3A_758 = arith.muli %add3A_296, %mul3A_757 : i32
          %add3A_759 = arith.constant 40 : i32
          %add3A_760 = arith.addi %mul3A_758, %add3A_759 : i32
          %add3A_761 = arith.constant 2 : i32
          %add3A_762 = arith.addi %add3A_760, %add3A_761 : i32
          %get3A_763 = arith.index_cast %add3A_762 : i32 to index
          %get3A_764 = arith.constant 0 : index
          %get3A_765 = tpu.vector_load %arg7[%get3A_763, %get3A_764] {strides = array<i32>} : memref<1024x16xf32, #tpu.memory_space<vmem>>, vector<16xf32>,
          %mul3A_766 = arith.constant 128 : i32
          %mul3A_767 = arith.muli %add3A_296, %mul3A_766 : i32
          %add3A_768 = arith.constant 40 : i32
          %add3A_769 = arith.addi %mul3A_767, %add3A_768 : i32
          %add3A_770 = arith.constant 3 : i32
          %add3A_771 = arith.addi %add3A_769, %add3A_770 : i32
          %get3A_772 = arith.index_cast %add3A_771 : i32 to index
          %get3A_773 = arith.constant 0 : index
          %get3A_774 = tpu.vector_load %arg7[%get3A_772, %get3A_773] {strides = array<i32>} : memref<1024x16xf32, #tpu.memory_space<vmem>>, vector<16xf32>,
          %mul3A_775 = arith.constant 128 : i32
          %mul3A_776 = arith.muli %add3A_296, %mul3A_775 : i32
          %add3A_777 = arith.constant 40 : i32
          %add3A_778 = arith.addi %mul3A_776, %add3A_777 : i32
          %add3A_779 = arith.constant 4 : i32
          %add3A_780 = arith.addi %add3A_778, %add3A_779 : i32
          %get3A_781 = arith.index_cast %add3A_780 : i32 to index
          %get3A_782 = arith.constant 0 : index
          %get3A_783 = tpu.vector_load %arg7[%get3A_781, %get3A_782] {strides = array<i32>} : memref<1024x16xf32, #tpu.memory_space<vmem>>, vector<16xf32>,
          %mul3A_784 = arith.constant 128 : i32
          %mul3A_785 = arith.muli %add3A_296, %mul3A_784 : i32
          %add3A_786 = arith.constant 40 : i32
          %add3A_787 = arith.addi %mul3A_785, %add3A_786 : i32
          %add3A_788 = arith.constant 5 : i32
          %add3A_789 = arith.addi %add3A_787, %add3A_788 : i32
          %get3A_790 = arith.index_cast %add3A_789 : i32 to index
          %get3A_791 = arith.constant 0 : index
          %get3A_792 = tpu.vector_load %arg7[%get3A_790, %get3A_791] {strides = array<i32>} : memref<1024x16xf32, #tpu.memory_space<vmem>>, vector<16xf32>,
          %mul3A_793 = arith.constant 128 : i32
          %mul3A_794 = arith.muli %add3A_296, %mul3A_793 : i32
          %add3A_795 = arith.constant 40 : i32
          %add3A_796 = arith.addi %mul3A_794, %add3A_795 : i32
          %add3A_797 = arith.constant 6 : i32
          %add3A_798 = arith.addi %add3A_796, %add3A_797 : i32
          %get3A_799 = arith.index_cast %add3A_798 : i32 to index
          %get3A_800 = arith.constant 0 : index
          %get3A_801 = tpu.vector_load %arg7[%get3A_799, %get3A_800] {strides = array<i32>} : memref<1024x16xf32, #tpu.memory_space<vmem>>, vector<16xf32>,
          %mul3A_802 = arith.constant 128 : i32
          %mul3A_803 = arith.muli %add3A_296, %mul3A_802 : i32
          %add3A_804 = arith.constant 40 : i32
          %add3A_805 = arith.addi %mul3A_803, %add3A_804 : i32
          %add3A_806 = arith.constant 7 : i32
          %add3A_807 = arith.addi %add3A_805, %add3A_806 : i32
          %get3A_808 = arith.index_cast %add3A_807 : i32 to index
          %get3A_809 = arith.constant 0 : index
          %get3A_810 = tpu.vector_load %arg7[%get3A_808, %get3A_809] {strides = array<i32>} : memref<1024x16xf32, #tpu.memory_space<vmem>>, vector<16xf32>,
          %broadcast_in_dim3A_811 = arith.constant 40 : i32
          %broadcast_in_dim3A_812 = vector.broadcast %broadcast_in_dim3A_811 : i32 to vector<16xi32>
          tpu.vector_store_idx %arg9[%add3A_300, %broadcast_in_dim3A_812], %get3A_747 : memref<128x128xf32, #tpu.memory_space<vmem>>[vector<16xi32>, vector<16xi32>], vector<16xf32>,
          %broadcast_in_dim3A_813 = arith.constant 41 : i32
          %broadcast_in_dim3A_814 = vector.broadcast %broadcast_in_dim3A_813 : i32 to vector<16xi32>
          tpu.vector_store_idx %arg9[%add3A_300, %broadcast_in_dim3A_814], %get3A_756 : memref<128x128xf32, #tpu.memory_space<vmem>>[vector<16xi32>, vector<16xi32>], vector<16xf32>,
          %broadcast_in_dim3A_815 = arith.constant 42 : i32
          %broadcast_in_dim3A_816 = vector.broadcast %broadcast_in_dim3A_815 : i32 to vector<16xi32>
          tpu.vector_store_idx %arg9[%add3A_300, %broadcast_in_dim3A_816], %get3A_765 : memref<128x128xf32, #tpu.memory_space<vmem>>[vector<16xi32>, vector<16xi32>], vector<16xf32>,
          %broadcast_in_dim3A_817 = arith.constant 43 : i32
          %broadcast_in_dim3A_818 = vector.broadcast %broadcast_in_dim3A_817 : i32 to vector<16xi32>
          tpu.vector_store_idx %arg9[%add3A_300, %broadcast_in_dim3A_818], %get3A_774 : memref<128x128xf32, #tpu.memory_space<vmem>>[vector<16xi32>, vector<16xi32>], vector<16xf32>,
          %broadcast_in_dim3A_819 = arith.constant 44 : i32
          %broadcast_in_dim3A_820 = vector.broadcast %broadcast_in_dim3A_819 : i32 to vector<16xi32>
          tpu.vector_store_idx %arg9[%add3A_300, %broadcast_in_dim3A_820], %get3A_783 : memref<128x128xf32, #tpu.memory_space<vmem>>[vector<16xi32>, vector<16xi32>], vector<16xf32>,
          %broadcast_in_dim3A_821 = arith.constant 45 : i32
          %broadcast_in_dim3A_822 = vector.broadcast %broadcast_in_dim3A_821 : i32 to vector<16xi32>
          tpu.vector_store_idx %arg9[%add3A_300, %broadcast_in_dim3A_822], %get3A_792 : memref<128x128xf32, #tpu.memory_space<vmem>>[vector<16xi32>, vector<16xi32>], vector<16xf32>,
          %broadcast_in_dim3A_823 = arith.constant 46 : i32
          %broadcast_in_dim3A_824 = vector.broadcast %broadcast_in_dim3A_823 : i32 to vector<16xi32>
          tpu.vector_store_idx %arg9[%add3A_300, %broadcast_in_dim3A_824], %get3A_801 : memref<128x128xf32, #tpu.memory_space<vmem>>[vector<16xi32>, vector<16xi32>], vector<16xf32>,
          %broadcast_in_dim3A_825 = arith.constant 47 : i32
          %broadcast_in_dim3A_826 = vector.broadcast %broadcast_in_dim3A_825 : i32 to vector<16xi32>
          tpu.vector_store_idx %arg9[%add3A_300, %broadcast_in_dim3A_826], %get3A_810 : memref<128x128xf32, #tpu.memory_space<vmem>>[vector<16xi32>, vector<16xi32>], vector<16xf32>,
          %mul3A_827 = arith.constant 128 : i32
          %mul3A_828 = arith.muli %add3A_296, %mul3A_827 : i32
          %add3A_829 = arith.constant 48 : i32
          %add3A_830 = arith.addi %mul3A_828, %add3A_829 : i32
          %add3A_831 = arith.constant 0 : i32
          %add3A_832 = arith.addi %add3A_830, %add3A_831 : i32
          %get3A_833 = arith.index_cast %add3A_832 : i32 to index
          %get3A_834 = arith.constant 0 : index
          %get3A_835 = tpu.vector_load %arg7[%get3A_833, %get3A_834] {strides = array<i32>} : memref<1024x16xf32, #tpu.memory_space<vmem>>, vector<16xf32>,
          %mul3A_836 = arith.constant 128 : i32
          %mul3A_837 = arith.muli %add3A_296, %mul3A_836 : i32
          %add3A_838 = arith.constant 48 : i32
          %add3A_839 = arith.addi %mul3A_837, %add3A_838 : i32
          %add3A_840 = arith.constant 1 : i32
          %add3A_841 = arith.addi %add3A_839, %add3A_840 : i32
          %get3A_842 = arith.index_cast %add3A_841 : i32 to index
          %get3A_843 = arith.constant 0 : index
          %get3A_844 = tpu.vector_load %arg7[%get3A_842, %get3A_843] {strides = array<i32>} : memref<1024x16xf32, #tpu.memory_space<vmem>>, vector<16xf32>,
          %mul3A_845 = arith.constant 128 : i32
          %mul3A_846 = arith.muli %add3A_296, %mul3A_845 : i32
          %add3A_847 = arith.constant 48 : i32
          %add3A_848 = arith.addi %mul3A_846, %add3A_847 : i32
          %add3A_849 = arith.constant 2 : i32
          %add3A_850 = arith.addi %add3A_848, %add3A_849 : i32
          %get3A_851 = arith.index_cast %add3A_850 : i32 to index
          %get3A_852 = arith.constant 0 : index
          %get3A_853 = tpu.vector_load %arg7[%get3A_851, %get3A_852] {strides = array<i32>} : memref<1024x16xf32, #tpu.memory_space<vmem>>, vector<16xf32>,
          %mul3A_854 = arith.constant 128 : i32
          %mul3A_855 = arith.muli %add3A_296, %mul3A_854 : i32
          %add3A_856 = arith.constant 48 : i32
          %add3A_857 = arith.addi %mul3A_855, %add3A_856 : i32
          %add3A_858 = arith.constant 3 : i32
          %add3A_859 = arith.addi %add3A_857, %add3A_858 : i32
          %get3A_860 = arith.index_cast %add3A_859 : i32 to index
          %get3A_861 = arith.constant 0 : index
          %get3A_862 = tpu.vector_load %arg7[%get3A_860, %get3A_861] {strides = array<i32>} : memref<1024x16xf32, #tpu.memory_space<vmem>>, vector<16xf32>,
          %mul3A_863 = arith.constant 128 : i32
          %mul3A_864 = arith.muli %add3A_296, %mul3A_863 : i32
          %add3A_865 = arith.constant 48 : i32
          %add3A_866 = arith.addi %mul3A_864, %add3A_865 : i32
          %add3A_867 = arith.constant 4 : i32
          %add3A_868 = arith.addi %add3A_866, %add3A_867 : i32
          %get3A_869 = arith.index_cast %add3A_868 : i32 to index
          %get3A_870 = arith.constant 0 : index
          %get3A_871 = tpu.vector_load %arg7[%get3A_869, %get3A_870] {strides = array<i32>} : memref<1024x16xf32, #tpu.memory_space<vmem>>, vector<16xf32>,
          %mul3A_872 = arith.constant 128 : i32
          %mul3A_873 = arith.muli %add3A_296, %mul3A_872 : i32
          %add3A_874 = arith.constant 48 : i32
          %add3A_875 = arith.addi %mul3A_873, %add3A_874 : i32
          %add3A_876 = arith.constant 5 : i32
          %add3A_877 = arith.addi %add3A_875, %add3A_876 : i32
          %get3A_878 = arith.index_cast %add3A_877 : i32 to index
          %get3A_879 = arith.constant 0 : index
          %get3A_880 = tpu.vector_load %arg7[%get3A_878, %get3A_879] {strides = array<i32>} : memref<1024x16xf32, #tpu.memory_space<vmem>>, vector<16xf32>,
          %mul3A_881 = arith.constant 128 : i32
          %mul3A_882 = arith.muli %add3A_296, %mul3A_881 : i32
          %add3A_883 = arith.constant 48 : i32
          %add3A_884 = arith.addi %mul3A_882, %add3A_883 : i32
          %add3A_885 = arith.constant 6 : i32
          %add3A_886 = arith.addi %add3A_884, %add3A_885 : i32
          %get3A_887 = arith.index_cast %add3A_886 : i32 to index
          %get3A_888 = arith.constant 0 : index
          %get3A_889 = tpu.vector_load %arg7[%get3A_887, %get3A_888] {strides = array<i32>} : memref<1024x16xf32, #tpu.memory_space<vmem>>, vector<16xf32>,
          %mul3A_890 = arith.constant 128 : i32
          %mul3A_891 = arith.muli %add3A_296, %mul3A_890 : i32
          %add3A_892 = arith.constant 48 : i32
          %add3A_893 = arith.addi %mul3A_891, %add3A_892 : i32
          %add3A_894 = arith.constant 7 : i32
          %add3A_895 = arith.addi %add3A_893, %add3A_894 : i32
          %get3A_896 = arith.index_cast %add3A_895 : i32 to index
          %get3A_897 = arith.constant 0 : index
          %get3A_898 = tpu.vector_load %arg7[%get3A_896, %get3A_897] {strides = array<i32>} : memref<1024x16xf32, #tpu.memory_space<vmem>>, vector<16xf32>,
          %broadcast_in_dim3A_899 = arith.constant 48 : i32
          %broadcast_in_dim3A_900 = vector.broadcast %broadcast_in_dim3A_899 : i32 to vector<16xi32>
          tpu.vector_store_idx %arg9[%add3A_300, %broadcast_in_dim3A_900], %get3A_835 : memref<128x128xf32, #tpu.memory_space<vmem>>[vector<16xi32>, vector<16xi32>], vector<16xf32>,
          %broadcast_in_dim3A_901 = arith.constant 49 : i32
          %broadcast_in_dim3A_902 = vector.broadcast %broadcast_in_dim3A_901 : i32 to vector<16xi32>
          tpu.vector_store_idx %arg9[%add3A_300, %broadcast_in_dim3A_902], %get3A_844 : memref<128x128xf32, #tpu.memory_space<vmem>>[vector<16xi32>, vector<16xi32>], vector<16xf32>,
          %broadcast_in_dim3A_903 = arith.constant 50 : i32
          %broadcast_in_dim3A_904 = vector.broadcast %broadcast_in_dim3A_903 : i32 to vector<16xi32>
          tpu.vector_store_idx %arg9[%add3A_300, %broadcast_in_dim3A_904], %get3A_853 : memref<128x128xf32, #tpu.memory_space<vmem>>[vector<16xi32>, vector<16xi32>], vector<16xf32>,
          %broadcast_in_dim3A_905 = arith.constant 51 : i32
          %broadcast_in_dim3A_906 = vector.broadcast %broadcast_in_dim3A_905 : i32 to vector<16xi32>
          tpu.vector_store_idx %arg9[%add3A_300, %broadcast_in_dim3A_906], %get3A_862 : memref<128x128xf32, #tpu.memory_space<vmem>>[vector<16xi32>, vector<16xi32>], vector<16xf32>,
          %broadcast_in_dim3A_907 = arith.constant 52 : i32
          %broadcast_in_dim3A_908 = vector.broadcast %broadcast_in_dim3A_907 : i32 to vector<16xi32>
          tpu.vector_store_idx %arg9[%add3A_300, %broadcast_in_dim3A_908], %get3A_871 : memref<128x128xf32, #tpu.memory_space<vmem>>[vector<16xi32>, vector<16xi32>], vector<16xf32>,
          %broadcast_in_dim3A_909 = arith.constant 53 : i32
          %broadcast_in_dim3A_910 = vector.broadcast %broadcast_in_dim3A_909 : i32 to vector<16xi32>
          tpu.vector_store_idx %arg9[%add3A_300, %broadcast_in_dim3A_910], %get3A_880 : memref<128x128xf32, #tpu.memory_space<vmem>>[vector<16xi32>, vector<16xi32>], vector<16xf32>,
          %broadcast_in_dim3A_911 = arith.constant 54 : i32
          %broadcast_in_dim3A_912 = vector.broadcast %broadcast_in_dim3A_911 : i32 to vector<16xi32>
          tpu.vector_store_idx %arg9[%add3A_300, %broadcast_in_dim3A_912], %get3A_889 : memref<128x128xf32, #tpu.memory_space<vmem>>[vector<16xi32>, vector<16xi32>], vector<16xf32>,
          %broadcast_in_dim3A_913 = arith.constant 55 : i32
          %broadcast_in_dim3A_914 = vector.broadcast %broadcast_in_dim3A_913 : i32 to vector<16xi32>
          tpu.vector_store_idx %arg9[%add3A_300, %broadcast_in_dim3A_914], %get3A_898 : memref<128x128xf32, #tpu.memory_space<vmem>>[vector<16xi32>, vector<16xi32>], vector<16xf32>,
          %mul3A_915 = arith.constant 128 : i32
          %mul3A_916 = arith.muli %add3A_296, %mul3A_915 : i32
          %add3A_917 = arith.constant 56 : i32
          %add3A_918 = arith.addi %mul3A_916, %add3A_917 : i32
          %add3A_919 = arith.constant 0 : i32
          %add3A_920 = arith.addi %add3A_918, %add3A_919 : i32
          %get3A_921 = arith.index_cast %add3A_920 : i32 to index
          %get3A_922 = arith.constant 0 : index
          %get3A_923 = tpu.vector_load %arg7[%get3A_921, %get3A_922] {strides = array<i32>} : memref<1024x16xf32, #tpu.memory_space<vmem>>, vector<16xf32>,
          %mul3A_924 = arith.constant 128 : i32
          %mul3A_925 = arith.muli %add3A_296, %mul3A_924 : i32
          %add3A_926 = arith.constant 56 : i32
          %add3A_927 = arith.addi %mul3A_925, %add3A_926 : i32
          %add3A_928 = arith.constant 1 : i32
          %add3A_929 = arith.addi %add3A_927, %add3A_928 : i32
          %get3A_930 = arith.index_cast %add3A_929 : i32 to index
          %get3A_931 = arith.constant 0 : index
          %get3A_932 = tpu.vector_load %arg7[%get3A_930, %get3A_931] {strides = array<i32>} : memref<1024x16xf32, #tpu.memory_space<vmem>>, vector<16xf32>,
          %mul3A_933 = arith.constant 128 : i32
          %mul3A_934 = arith.muli %add3A_296, %mul3A_933 : i32
          %add3A_935 = arith.constant 56 : i32
          %add3A_936 = arith.addi %mul3A_934, %add3A_935 : i32
          %add3A_937 = arith.constant 2 : i32
          %add3A_938 = arith.addi %add3A_936, %add3A_937 : i32
          %get3A_939 = arith.index_cast %add3A_938 : i32 to index
          %get3A_940 = arith.constant 0 : index
          %get3A_941 = tpu.vector_load %arg7[%get3A_939, %get3A_940] {strides = array<i32>} : memref<1024x16xf32, #tpu.memory_space<vmem>>, vector<16xf32>,
          %mul3A_942 = arith.constant 128 : i32
          %mul3A_943 = arith.muli %add3A_296, %mul3A_942 : i32
          %add3A_944 = arith.constant 56 : i32
          %add3A_945 = arith.addi %mul3A_943, %add3A_944 : i32
          %add3A_946 = arith.constant 3 : i32
          %add3A_947 = arith.addi %add3A_945, %add3A_946 : i32
          %get3A_948 = arith.index_cast %add3A_947 : i32 to index
          %get3A_949 = arith.constant 0 : index
          %get3A_950 = tpu.vector_load %arg7[%get3A_948, %get3A_949] {strides = array<i32>} : memref<1024x16xf32, #tpu.memory_space<vmem>>, vector<16xf32>,
          %mul3A_951 = arith.constant 128 : i32
          %mul3A_952 = arith.muli %add3A_296, %mul3A_951 : i32
          %add3A_953 = arith.constant 56 : i32
          %add3A_954 = arith.addi %mul3A_952, %add3A_953 : i32
          %add3A_955 = arith.constant 4 : i32
          %add3A_956 = arith.addi %add3A_954, %add3A_955 : i32
          %get3A_957 = arith.index_cast %add3A_956 : i32 to index
          %get3A_958 = arith.constant 0 : index
          %get3A_959 = tpu.vector_load %arg7[%get3A_957, %get3A_958] {strides = array<i32>} : memref<1024x16xf32, #tpu.memory_space<vmem>>, vector<16xf32>,
          %mul3A_960 = arith.constant 128 : i32
          %mul3A_961 = arith.muli %add3A_296, %mul3A_960 : i32
          %add3A_962 = arith.constant 56 : i32
          %add3A_963 = arith.addi %mul3A_961, %add3A_962 : i32
          %add3A_964 = arith.constant 5 : i32
          %add3A_965 = arith.addi %add3A_963, %add3A_964 : i32
          %get3A_966 = arith.index_cast %add3A_965 : i32 to index
          %get3A_967 = arith.constant 0 : index
          %get3A_968 = tpu.vector_load %arg7[%get3A_966, %get3A_967] {strides = array<i32>} : memref<1024x16xf32, #tpu.memory_space<vmem>>, vector<16xf32>,
          %mul3A_969 = arith.constant 128 : i32
          %mul3A_970 = arith.muli %add3A_296, %mul3A_969 : i32
          %add3A_971 = arith.constant 56 : i32
          %add3A_972 = arith.addi %mul3A_970, %add3A_971 : i32
          %add3A_973 = arith.constant 6 : i32
          %add3A_974 = arith.addi %add3A_972, %add3A_973 : i32
          %get3A_975 = arith.index_cast %add3A_974 : i32 to index
          %get3A_976 = arith.constant 0 : index
          %get3A_977 = tpu.vector_load %arg7[%get3A_975, %get3A_976] {strides = array<i32>} : memref<1024x16xf32, #tpu.memory_space<vmem>>, vector<16xf32>,
          %mul3A_978 = arith.constant 128 : i32
          %mul3A_979 = arith.muli %add3A_296, %mul3A_978 : i32
          %add3A_980 = arith.constant 56 : i32
          %add3A_981 = arith.addi %mul3A_979, %add3A_980 : i32
          %add3A_982 = arith.constant 7 : i32
          %add3A_983 = arith.addi %add3A_981, %add3A_982 : i32
          %get3A_984 = arith.index_cast %add3A_983 : i32 to index
          %get3A_985 = arith.constant 0 : index
          %get3A_986 = tpu.vector_load %arg7[%get3A_984, %get3A_985] {strides = array<i32>} : memref<1024x16xf32, #tpu.memory_space<vmem>>, vector<16xf32>,
          %broadcast_in_dim3A_987 = arith.constant 56 : i32
          %broadcast_in_dim3A_988 = vector.broadcast %broadcast_in_dim3A_987 : i32 to vector<16xi32>
          tpu.vector_store_idx %arg9[%add3A_300, %broadcast_in_dim3A_988], %get3A_923 : memref<128x128xf32, #tpu.memory_space<vmem>>[vector<16xi32>, vector<16xi32>], vector<16xf32>,
          %broadcast_in_dim3A_989 = arith.constant 57 : i32
          %broadcast_in_dim3A_990 = vector.broadcast %broadcast_in_dim3A_989 : i32 to vector<16xi32>
          tpu.vector_store_idx %arg9[%add3A_300, %broadcast_in_dim3A_990], %get3A_932 : memref<128x128xf32, #tpu.memory_space<vmem>>[vector<16xi32>, vector<16xi32>], vector<16xf32>,
          %broadcast_in_dim3A_991 = arith.constant 58 : i32
          %broadcast_in_dim3A_992 = vector.broadcast %broadcast_in_dim3A_991 : i32 to vector<16xi32>
          tpu.vector_store_idx %arg9[%add3A_300, %broadcast_in_dim3A_992], %get3A_941 : memref<128x128xf32, #tpu.memory_space<vmem>>[vector<16xi32>, vector<16xi32>], vector<16xf32>,
          %broadcast_in_dim3A_993 = arith.constant 59 : i32
          %broadcast_in_dim3A_994 = vector.broadcast %broadcast_in_dim3A_993 : i32 to vector<16xi32>
          tpu.vector_store_idx %arg9[%add3A_300, %broadcast_in_dim3A_994], %get3A_950 : memref<128x128xf32, #tpu.memory_space<vmem>>[vector<16xi32>, vector<16xi32>], vector<16xf32>,
          %broadcast_in_dim3A_995 = arith.constant 60 : i32
          %broadcast_in_dim3A_996 = vector.broadcast %broadcast_in_dim3A_995 : i32 to vector<16xi32>
          tpu.vector_store_idx %arg9[%add3A_300, %broadcast_in_dim3A_996], %get3A_959 : memref<128x128xf32, #tpu.memory_space<vmem>>[vector<16xi32>, vector<16xi32>], vector<16xf32>,
          %broadcast_in_dim3A_997 = arith.constant 61 : i32
          %broadcast_in_dim3A_998 = vector.broadcast %broadcast_in_dim3A_997 : i32 to vector<16xi32>
          tpu.vector_store_idx %arg9[%add3A_300, %broadcast_in_dim3A_998], %get3A_968 : memref<128x128xf32, #tpu.memory_space<vmem>>[vector<16xi32>, vector<16xi32>], vector<16xf32>,
          %broadcast_in_dim3A_999 = arith.constant 62 : i32
          %broadcast_in_dim3A_1000 = vector.broadcast %broadcast_in_dim3A_999 : i32 to vector<16xi32>
          tpu.vector_store_idx %arg9[%add3A_300, %broadcast_in_dim3A_1000], %get3A_977 : memref<128x128xf32, #tpu.memory_space<vmem>>[vector<16xi32>, vector<16xi32>], vector<16xf32>,
          %broadcast_in_dim3A_1001 = arith.constant 63 : i32
          %broadcast_in_dim3A_1002 = vector.broadcast %broadcast_in_dim3A_1001 : i32 to vector<16xi32>
          tpu.vector_store_idx %arg9[%add3A_300, %broadcast_in_dim3A_1002], %get3A_986 : memref<128x128xf32, #tpu.memory_space<vmem>>[vector<16xi32>, vector<16xi32>], vector<16xf32>,
          %mul3A_1003 = arith.constant 128 : i32
          %mul3A_1004 = arith.muli %add3A_296, %mul3A_1003 : i32
          %add3A_1005 = arith.constant 64 : i32
          %add3A_1006 = arith.addi %mul3A_1004, %add3A_1005 : i32
          %add3A_1007 = arith.constant 0 : i32
          %add3A_1008 = arith.addi %add3A_1006, %add3A_1007 : i32
          %get3A_1009 = arith.index_cast %add3A_1008 : i32 to index
          %get3A_1010 = arith.constant 0 : index
          %get3A_1011 = tpu.vector_load %arg7[%get3A_1009, %get3A_1010] {strides = array<i32>} : memref<1024x16xf32, #tpu.memory_space<vmem>>, vector<16xf32>,
          %mul3A_1012 = arith.constant 128 : i32
          %mul3A_1013 = arith.muli %add3A_296, %mul3A_1012 : i32
          %add3A_1014 = arith.constant 64 : i32
          %add3A_1015 = arith.addi %mul3A_1013, %add3A_1014 : i32
          %add3A_1016 = arith.constant 1 : i32
          %add3A_1017 = arith.addi %add3A_1015, %add3A_1016 : i32
          %get3A_1018 = arith.index_cast %add3A_1017 : i32 to index
          %get3A_1019 = arith.constant 0 : index
          %get3A_1020 = tpu.vector_load %arg7[%get3A_1018, %get3A_1019] {strides = array<i32>} : memref<1024x16xf32, #tpu.memory_space<vmem>>, vector<16xf32>,
          %mul3A_1021 = arith.constant 128 : i32
          %mul3A_1022 = arith.muli %add3A_296, %mul3A_1021 : i32
          %add3A_1023 = arith.constant 64 : i32
          %add3A_1024 = arith.addi %mul3A_1022, %add3A_1023 : i32
          %add3A_1025 = arith.constant 2 : i32
          %add3A_1026 = arith.addi %add3A_1024, %add3A_1025 : i32
          %get3A_1027 = arith.index_cast %add3A_1026 : i32 to index
          %get3A_1028 = arith.constant 0 : index
          %get3A_1029 = tpu.vector_load %arg7[%get3A_1027, %get3A_1028] {strides = array<i32>} : memref<1024x16xf32, #tpu.memory_space<vmem>>, vector<16xf32>,
          %mul3A_1030 = arith.constant 128 : i32
          %mul3A_1031 = arith.muli %add3A_296, %mul3A_1030 : i32
          %add3A_1032 = arith.constant 64 : i32
          %add3A_1033 = arith.addi %mul3A_1031, %add3A_1032 : i32
          %add3A_1034 = arith.constant 3 : i32
          %add3A_1035 = arith.addi %add3A_1033, %add3A_1034 : i32
          %get3A_1036 = arith.index_cast %add3A_1035 : i32 to index
          %get3A_1037 = arith.constant 0 : index
          %get3A_1038 = tpu.vector_load %arg7[%get3A_1036, %get3A_1037] {strides = array<i32>} : memref<1024x16xf32, #tpu.memory_space<vmem>>, vector<16xf32>,
          %mul3A_1039 = arith.constant 128 : i32
          %mul3A_1040 = arith.muli %add3A_296, %mul3A_1039 : i32
          %add3A_1041 = arith.constant 64 : i32
          %add3A_1042 = arith.addi %mul3A_1040, %add3A_1041 : i32
          %add3A_1043 = arith.constant 4 : i32
          %add3A_1044 = arith.addi %add3A_1042, %add3A_1043 : i32
          %get3A_1045 = arith.index_cast %add3A_1044 : i32 to index
          %get3A_1046 = arith.constant 0 : index
          %get3A_1047 = tpu.vector_load %arg7[%get3A_1045, %get3A_1046] {strides = array<i32>} : memref<1024x16xf32, #tpu.memory_space<vmem>>, vector<16xf32>,
          %mul3A_1048 = arith.constant 128 : i32
          %mul3A_1049 = arith.muli %add3A_296, %mul3A_1048 : i32
          %add3A_1050 = arith.constant 64 : i32
          %add3A_1051 = arith.addi %mul3A_1049, %add3A_1050 : i32
          %add3A_1052 = arith.constant 5 : i32
          %add3A_1053 = arith.addi %add3A_1051, %add3A_1052 : i32
          %get3A_1054 = arith.index_cast %add3A_1053 : i32 to index
          %get3A_1055 = arith.constant 0 : index
          %get3A_1056 = tpu.vector_load %arg7[%get3A_1054, %get3A_1055] {strides = array<i32>} : memref<1024x16xf32, #tpu.memory_space<vmem>>, vector<16xf32>,
          %mul3A_1057 = arith.constant 128 : i32
          %mul3A_1058 = arith.muli %add3A_296, %mul3A_1057 : i32
          %add3A_1059 = arith.constant 64 : i32
          %add3A_1060 = arith.addi %mul3A_1058, %add3A_1059 : i32
          %add3A_1061 = arith.constant 6 : i32
          %add3A_1062 = arith.addi %add3A_1060, %add3A_1061 : i32
          %get3A_1063 = arith.index_cast %add3A_1062 : i32 to index
          %get3A_1064 = arith.constant 0 : index
          %get3A_1065 = tpu.vector_load %arg7[%get3A_1063, %get3A_1064] {strides = array<i32>} : memref<1024x16xf32, #tpu.memory_space<vmem>>, vector<16xf32>,
          %mul3A_1066 = arith.constant 128 : i32
          %mul3A_1067 = arith.muli %add3A_296, %mul3A_1066 : i32
          %add3A_1068 = arith.constant 64 : i32
          %add3A_1069 = arith.addi %mul3A_1067, %add3A_1068 : i32
          %add3A_1070 = arith.constant 7 : i32
          %add3A_1071 = arith.addi %add3A_1069, %add3A_1070 : i32
          %get3A_1072 = arith.index_cast %add3A_1071 : i32 to index
          %get3A_1073 = arith.constant 0 : index
          %get3A_1074 = tpu.vector_load %arg7[%get3A_1072, %get3A_1073] {strides = array<i32>} : memref<1024x16xf32, #tpu.memory_space<vmem>>, vector<16xf32>,
          %broadcast_in_dim3A_1075 = arith.constant 64 : i32
          %broadcast_in_dim3A_1076 = vector.broadcast %broadcast_in_dim3A_1075 : i32 to vector<16xi32>
          tpu.vector_store_idx %arg9[%add3A_300, %broadcast_in_dim3A_1076], %get3A_1011 : memref<128x128xf32, #tpu.memory_space<vmem>>[vector<16xi32>, vector<16xi32>], vector<16xf32>,
          %broadcast_in_dim3A_1077 = arith.constant 65 : i32
          %broadcast_in_dim3A_1078 = vector.broadcast %broadcast_in_dim3A_1077 : i32 to vector<16xi32>
          tpu.vector_store_idx %arg9[%add3A_300, %broadcast_in_dim3A_1078], %get3A_1020 : memref<128x128xf32, #tpu.memory_space<vmem>>[vector<16xi32>, vector<16xi32>], vector<16xf32>,
          %broadcast_in_dim3A_1079 = arith.constant 66 : i32
          %broadcast_in_dim3A_1080 = vector.broadcast %broadcast_in_dim3A_1079 : i32 to vector<16xi32>
          tpu.vector_store_idx %arg9[%add3A_300, %broadcast_in_dim3A_1080], %get3A_1029 : memref<128x128xf32, #tpu.memory_space<vmem>>[vector<16xi32>, vector<16xi32>], vector<16xf32>,
          %broadcast_in_dim3A_1081 = arith.constant 67 : i32
          %broadcast_in_dim3A_1082 = vector.broadcast %broadcast_in_dim3A_1081 : i32 to vector<16xi32>
          tpu.vector_store_idx %arg9[%add3A_300, %broadcast_in_dim3A_1082], %get3A_1038 : memref<128x128xf32, #tpu.memory_space<vmem>>[vector<16xi32>, vector<16xi32>], vector<16xf32>,
          %broadcast_in_dim3A_1083 = arith.constant 68 : i32
          %broadcast_in_dim3A_1084 = vector.broadcast %broadcast_in_dim3A_1083 : i32 to vector<16xi32>
          tpu.vector_store_idx %arg9[%add3A_300, %broadcast_in_dim3A_1084], %get3A_1047 : memref<128x128xf32, #tpu.memory_space<vmem>>[vector<16xi32>, vector<16xi32>], vector<16xf32>,
          %broadcast_in_dim3A_1085 = arith.constant 69 : i32
          %broadcast_in_dim3A_1086 = vector.broadcast %broadcast_in_dim3A_1085 : i32 to vector<16xi32>
          tpu.vector_store_idx %arg9[%add3A_300, %broadcast_in_dim3A_1086], %get3A_1056 : memref<128x128xf32, #tpu.memory_space<vmem>>[vector<16xi32>, vector<16xi32>], vector<16xf32>,
          %broadcast_in_dim3A_1087 = arith.constant 70 : i32
          %broadcast_in_dim3A_1088 = vector.broadcast %broadcast_in_dim3A_1087 : i32 to vector<16xi32>
          tpu.vector_store_idx %arg9[%add3A_300, %broadcast_in_dim3A_1088], %get3A_1065 : memref<128x128xf32, #tpu.memory_space<vmem>>[vector<16xi32>, vector<16xi32>], vector<16xf32>,
          %broadcast_in_dim3A_1089 = arith.constant 71 : i32
          %broadcast_in_dim3A_1090 = vector.broadcast %broadcast_in_dim3A_1089 : i32 to vector<16xi32>
          tpu.vector_store_idx %arg9[%add3A_300, %broadcast_in_dim3A_1090], %get3A_1074 : memref<128x128xf32, #tpu.memory_space<vmem>>[vector<16xi32>, vector<16xi32>], vector<16xf32>,
          %mul3A_1091 = arith.constant 128 : i32
          %mul3A_1092 = arith.muli %add3A_296, %mul3A_1091 : i32
          %add3A_1093 = arith.constant 72 : i32
          %add3A_1094 = arith.addi %mul3A_1092, %add3A_1093 : i32
          %add3A_1095 = arith.constant 0 : i32
          %add3A_1096 = arith.addi %add3A_1094, %add3A_1095 : i32
          %get3A_1097 = arith.index_cast %add3A_1096 : i32 to index
          %get3A_1098 = arith.constant 0 : index
          %get3A_1099 = tpu.vector_load %arg7[%get3A_1097, %get3A_1098] {strides = array<i32>} : memref<1024x16xf32, #tpu.memory_space<vmem>>, vector<16xf32>,
          %mul3A_1100 = arith.constant 128 : i32
          %mul3A_1101 = arith.muli %add3A_296, %mul3A_1100 : i32
          %add3A_1102 = arith.constant 72 : i32
          %add3A_1103 = arith.addi %mul3A_1101, %add3A_1102 : i32
          %add3A_1104 = arith.constant 1 : i32
          %add3A_1105 = arith.addi %add3A_1103, %add3A_1104 : i32
          %get3A_1106 = arith.index_cast %add3A_1105 : i32 to index
          %get3A_1107 = arith.constant 0 : index
          %get3A_1108 = tpu.vector_load %arg7[%get3A_1106, %get3A_1107] {strides = array<i32>} : memref<1024x16xf32, #tpu.memory_space<vmem>>, vector<16xf32>,
          %mul3A_1109 = arith.constant 128 : i32
          %mul3A_1110 = arith.muli %add3A_296, %mul3A_1109 : i32
          %add3A_1111 = arith.constant 72 : i32
          %add3A_1112 = arith.addi %mul3A_1110, %add3A_1111 : i32
          %add3A_1113 = arith.constant 2 : i32
          %add3A_1114 = arith.addi %add3A_1112, %add3A_1113 : i32
          %get3A_1115 = arith.index_cast %add3A_1114 : i32 to index
          %get3A_1116 = arith.constant 0 : index
          %get3A_1117 = tpu.vector_load %arg7[%get3A_1115, %get3A_1116] {strides = array<i32>} : memref<1024x16xf32, #tpu.memory_space<vmem>>, vector<16xf32>,
          %mul3A_1118 = arith.constant 128 : i32
          %mul3A_1119 = arith.muli %add3A_296, %mul3A_1118 : i32
          %add3A_1120 = arith.constant 72 : i32
          %add3A_1121 = arith.addi %mul3A_1119, %add3A_1120 : i32
          %add3A_1122 = arith.constant 3 : i32
          %add3A_1123 = arith.addi %add3A_1121, %add3A_1122 : i32
          %get3A_1124 = arith.index_cast %add3A_1123 : i32 to index
          %get3A_1125 = arith.constant 0 : index
          %get3A_1126 = tpu.vector_load %arg7[%get3A_1124, %get3A_1125] {strides = array<i32>} : memref<1024x16xf32, #tpu.memory_space<vmem>>, vector<16xf32>,
          %mul3A_1127 = arith.constant 128 : i32
          %mul3A_1128 = arith.muli %add3A_296, %mul3A_1127 : i32
          %add3A_1129 = arith.constant 72 : i32
          %add3A_1130 = arith.addi %mul3A_1128, %add3A_1129 : i32
          %add3A_1131 = arith.constant 4 : i32
          %add3A_1132 = arith.addi %add3A_1130, %add3A_1131 : i32
          %get3A_1133 = arith.index_cast %add3A_1132 : i32 to index
          %get3A_1134 = arith.constant 0 : index
          %get3A_1135 = tpu.vector_load %arg7[%get3A_1133, %get3A_1134] {strides = array<i32>} : memref<1024x16xf32, #tpu.memory_space<vmem>>, vector<16xf32>,
          %mul3A_1136 = arith.constant 128 : i32
          %mul3A_1137 = arith.muli %add3A_296, %mul3A_1136 : i32
          %add3A_1138 = arith.constant 72 : i32
          %add3A_1139 = arith.addi %mul3A_1137, %add3A_1138 : i32
          %add3A_1140 = arith.constant 5 : i32
          %add3A_1141 = arith.addi %add3A_1139, %add3A_1140 : i32
          %get3A_1142 = arith.index_cast %add3A_1141 : i32 to index
          %get3A_1143 = arith.constant 0 : index
          %get3A_1144 = tpu.vector_load %arg7[%get3A_1142, %get3A_1143] {strides = array<i32>} : memref<1024x16xf32, #tpu.memory_space<vmem>>, vector<16xf32>,
          %mul3A_1145 = arith.constant 128 : i32
          %mul3A_1146 = arith.muli %add3A_296, %mul3A_1145 : i32
          %add3A_1147 = arith.constant 72 : i32
          %add3A_1148 = arith.addi %mul3A_1146, %add3A_1147 : i32
          %add3A_1149 = arith.constant 6 : i32
          %add3A_1150 = arith.addi %add3A_1148, %add3A_1149 : i32
          %get3A_1151 = arith.index_cast %add3A_1150 : i32 to index
          %get3A_1152 = arith.constant 0 : index
          %get3A_1153 = tpu.vector_load %arg7[%get3A_1151, %get3A_1152] {strides = array<i32>} : memref<1024x16xf32, #tpu.memory_space<vmem>>, vector<16xf32>,
          %mul3A_1154 = arith.constant 128 : i32
          %mul3A_1155 = arith.muli %add3A_296, %mul3A_1154 : i32
          %add3A_1156 = arith.constant 72 : i32
          %add3A_1157 = arith.addi %mul3A_1155, %add3A_1156 : i32
          %add3A_1158 = arith.constant 7 : i32
          %add3A_1159 = arith.addi %add3A_1157, %add3A_1158 : i32
          %get3A_1160 = arith.index_cast %add3A_1159 : i32 to index
          %get3A_1161 = arith.constant 0 : index
          %get3A_1162 = tpu.vector_load %arg7[%get3A_1160, %get3A_1161] {strides = array<i32>} : memref<1024x16xf32, #tpu.memory_space<vmem>>, vector<16xf32>,
          %broadcast_in_dim3A_1163 = arith.constant 72 : i32
          %broadcast_in_dim3A_1164 = vector.broadcast %broadcast_in_dim3A_1163 : i32 to vector<16xi32>
          tpu.vector_store_idx %arg9[%add3A_300, %broadcast_in_dim3A_1164], %get3A_1099 : memref<128x128xf32, #tpu.memory_space<vmem>>[vector<16xi32>, vector<16xi32>], vector<16xf32>,
          %broadcast_in_dim3A_1165 = arith.constant 73 : i32
          %broadcast_in_dim3A_1166 = vector.broadcast %broadcast_in_dim3A_1165 : i32 to vector<16xi32>
          tpu.vector_store_idx %arg9[%add3A_300, %broadcast_in_dim3A_1166], %get3A_1108 : memref<128x128xf32, #tpu.memory_space<vmem>>[vector<16xi32>, vector<16xi32>], vector<16xf32>,
          %broadcast_in_dim3A_1167 = arith.constant 74 : i32
          %broadcast_in_dim3A_1168 = vector.broadcast %broadcast_in_dim3A_1167 : i32 to vector<16xi32>
          tpu.vector_store_idx %arg9[%add3A_300, %broadcast_in_dim3A_1168], %get3A_1117 : memref<128x128xf32, #tpu.memory_space<vmem>>[vector<16xi32>, vector<16xi32>], vector<16xf32>,
          %broadcast_in_dim3A_1169 = arith.constant 75 : i32
          %broadcast_in_dim3A_1170 = vector.broadcast %broadcast_in_dim3A_1169 : i32 to vector<16xi32>
          tpu.vector_store_idx %arg9[%add3A_300, %broadcast_in_dim3A_1170], %get3A_1126 : memref<128x128xf32, #tpu.memory_space<vmem>>[vector<16xi32>, vector<16xi32>], vector<16xf32>,
          %broadcast_in_dim3A_1171 = arith.constant 76 : i32
          %broadcast_in_dim3A_1172 = vector.broadcast %broadcast_in_dim3A_1171 : i32 to vector<16xi32>
          tpu.vector_store_idx %arg9[%add3A_300, %broadcast_in_dim3A_1172], %get3A_1135 : memref<128x128xf32, #tpu.memory_space<vmem>>[vector<16xi32>, vector<16xi32>], vector<16xf32>,
          %broadcast_in_dim3A_1173 = arith.constant 77 : i32
          %broadcast_in_dim3A_1174 = vector.broadcast %broadcast_in_dim3A_1173 : i32 to vector<16xi32>
          tpu.vector_store_idx %arg9[%add3A_300, %broadcast_in_dim3A_1174], %get3A_1144 : memref<128x128xf32, #tpu.memory_space<vmem>>[vector<16xi32>, vector<16xi32>], vector<16xf32>,
          %broadcast_in_dim3A_1175 = arith.constant 78 : i32
          %broadcast_in_dim3A_1176 = vector.broadcast %broadcast_in_dim3A_1175 : i32 to vector<16xi32>
          tpu.vector_store_idx %arg9[%add3A_300, %broadcast_in_dim3A_1176], %get3A_1153 : memref<128x128xf32, #tpu.memory_space<vmem>>[vector<16xi32>, vector<16xi32>], vector<16xf32>,
          %broadcast_in_dim3A_1177 = arith.constant 79 : i32
          %broadcast_in_dim3A_1178 = vector.broadcast %broadcast_in_dim3A_1177 : i32 to vector<16xi32>
          tpu.vector_store_idx %arg9[%add3A_300, %broadcast_in_dim3A_1178], %get3A_1162 : memref<128x128xf32, #tpu.memory_space<vmem>>[vector<16xi32>, vector<16xi32>], vector<16xf32>,
          %mul3A_1179 = arith.constant 128 : i32
          %mul3A_1180 = arith.muli %add3A_296, %mul3A_1179 : i32
          %add3A_1181 = arith.constant 80 : i32
          %add3A_1182 = arith.addi %mul3A_1180, %add3A_1181 : i32
          %add3A_1183 = arith.constant 0 : i32
          %add3A_1184 = arith.addi %add3A_1182, %add3A_1183 : i32
          %get3A_1185 = arith.index_cast %add3A_1184 : i32 to index
          %get3A_1186 = arith.constant 0 : index
          %get3A_1187 = tpu.vector_load %arg7[%get3A_1185, %get3A_1186] {strides = array<i32>} : memref<1024x16xf32, #tpu.memory_space<vmem>>, vector<16xf32>,
          %mul3A_1188 = arith.constant 128 : i32
          %mul3A_1189 = arith.muli %add3A_296, %mul3A_1188 : i32
          %add3A_1190 = arith.constant 80 : i32
          %add3A_1191 = arith.addi %mul3A_1189, %add3A_1190 : i32
          %add3A_1192 = arith.constant 1 : i32
          %add3A_1193 = arith.addi %add3A_1191, %add3A_1192 : i32
          %get3A_1194 = arith.index_cast %add3A_1193 : i32 to index
          %get3A_1195 = arith.constant 0 : index
          %get3A_1196 = tpu.vector_load %arg7[%get3A_1194, %get3A_1195] {strides = array<i32>} : memref<1024x16xf32, #tpu.memory_space<vmem>>, vector<16xf32>,
          %mul3A_1197 = arith.constant 128 : i32
          %mul3A_1198 = arith.muli %add3A_296, %mul3A_1197 : i32
          %add3A_1199 = arith.constant 80 : i32
          %add3A_1200 = arith.addi %mul3A_1198, %add3A_1199 : i32
          %add3A_1201 = arith.constant 2 : i32
          %add3A_1202 = arith.addi %add3A_1200, %add3A_1201 : i32
          %get3A_1203 = arith.index_cast %add3A_1202 : i32 to index
          %get3A_1204 = arith.constant 0 : index
          %get3A_1205 = tpu.vector_load %arg7[%get3A_1203, %get3A_1204] {strides = array<i32>} : memref<1024x16xf32, #tpu.memory_space<vmem>>, vector<16xf32>,
          %mul3A_1206 = arith.constant 128 : i32
          %mul3A_1207 = arith.muli %add3A_296, %mul3A_1206 : i32
          %add3A_1208 = arith.constant 80 : i32
          %add3A_1209 = arith.addi %mul3A_1207, %add3A_1208 : i32
          %add3A_1210 = arith.constant 3 : i32
          %add3A_1211 = arith.addi %add3A_1209, %add3A_1210 : i32
          %get3A_1212 = arith.index_cast %add3A_1211 : i32 to index
          %get3A_1213 = arith.constant 0 : index
          %get3A_1214 = tpu.vector_load %arg7[%get3A_1212, %get3A_1213] {strides = array<i32>} : memref<1024x16xf32, #tpu.memory_space<vmem>>, vector<16xf32>,
          %mul3A_1215 = arith.constant 128 : i32
          %mul3A_1216 = arith.muli %add3A_296, %mul3A_1215 : i32
          %add3A_1217 = arith.constant 80 : i32
          %add3A_1218 = arith.addi %mul3A_1216, %add3A_1217 : i32
          %add3A_1219 = arith.constant 4 : i32
          %add3A_1220 = arith.addi %add3A_1218, %add3A_1219 : i32
          %get3A_1221 = arith.index_cast %add3A_1220 : i32 to index
          %get3A_1222 = arith.constant 0 : index
          %get3A_1223 = tpu.vector_load %arg7[%get3A_1221, %get3A_1222] {strides = array<i32>} : memref<1024x16xf32, #tpu.memory_space<vmem>>, vector<16xf32>,
          %mul3A_1224 = arith.constant 128 : i32
          %mul3A_1225 = arith.muli %add3A_296, %mul3A_1224 : i32
          %add3A_1226 = arith.constant 80 : i32
          %add3A_1227 = arith.addi %mul3A_1225, %add3A_1226 : i32
          %add3A_1228 = arith.constant 5 : i32
          %add3A_1229 = arith.addi %add3A_1227, %add3A_1228 : i32
          %get3A_1230 = arith.index_cast %add3A_1229 : i32 to index
          %get3A_1231 = arith.constant 0 : index
          %get3A_1232 = tpu.vector_load %arg7[%get3A_1230, %get3A_1231] {strides = array<i32>} : memref<1024x16xf32, #tpu.memory_space<vmem>>, vector<16xf32>,
          %mul3A_1233 = arith.constant 128 : i32
          %mul3A_1234 = arith.muli %add3A_296, %mul3A_1233 : i32
          %add3A_1235 = arith.constant 80 : i32
          %add3A_1236 = arith.addi %mul3A_1234, %add3A_1235 : i32
          %add3A_1237 = arith.constant 6 : i32
          %add3A_1238 = arith.addi %add3A_1236, %add3A_1237 : i32
          %get3A_1239 = arith.index_cast %add3A_1238 : i32 to index
          %get3A_1240 = arith.constant 0 : index
          %get3A_1241 = tpu.vector_load %arg7[%get3A_1239, %get3A_1240] {strides = array<i32>} : memref<1024x16xf32, #tpu.memory_space<vmem>>, vector<16xf32>,
          %mul3A_1242 = arith.constant 128 : i32
          %mul3A_1243 = arith.muli %add3A_296, %mul3A_1242 : i32
          %add3A_1244 = arith.constant 80 : i32
          %add3A_1245 = arith.addi %mul3A_1243, %add3A_1244 : i32
          %add3A_1246 = arith.constant 7 : i32
          %add3A_1247 = arith.addi %add3A_1245, %add3A_1246 : i32
          %get3A_1248 = arith.index_cast %add3A_1247 : i32 to index
          %get3A_1249 = arith.constant 0 : index
          %get3A_1250 = tpu.vector_load %arg7[%get3A_1248, %get3A_1249] {strides = array<i32>} : memref<1024x16xf32, #tpu.memory_space<vmem>>, vector<16xf32>,
          %broadcast_in_dim3A_1251 = arith.constant 80 : i32
          %broadcast_in_dim3A_1252 = vector.broadcast %broadcast_in_dim3A_1251 : i32 to vector<16xi32>
          tpu.vector_store_idx %arg9[%add3A_300, %broadcast_in_dim3A_1252], %get3A_1187 : memref<128x128xf32, #tpu.memory_space<vmem>>[vector<16xi32>, vector<16xi32>], vector<16xf32>,
          %broadcast_in_dim3A_1253 = arith.constant 81 : i32
          %broadcast_in_dim3A_1254 = vector.broadcast %broadcast_in_dim3A_1253 : i32 to vector<16xi32>
          tpu.vector_store_idx %arg9[%add3A_300, %broadcast_in_dim3A_1254], %get3A_1196 : memref<128x128xf32, #tpu.memory_space<vmem>>[vector<16xi32>, vector<16xi32>], vector<16xf32>,
          %broadcast_in_dim3A_1255 = arith.constant 82 : i32
          %broadcast_in_dim3A_1256 = vector.broadcast %broadcast_in_dim3A_1255 : i32 to vector<16xi32>
          tpu.vector_store_idx %arg9[%add3A_300, %broadcast_in_dim3A_1256], %get3A_1205 : memref<128x128xf32, #tpu.memory_space<vmem>>[vector<16xi32>, vector<16xi32>], vector<16xf32>,
          %broadcast_in_dim3A_1257 = arith.constant 83 : i32
          %broadcast_in_dim3A_1258 = vector.broadcast %broadcast_in_dim3A_1257 : i32 to vector<16xi32>
          tpu.vector_store_idx %arg9[%add3A_300, %broadcast_in_dim3A_1258], %get3A_1214 : memref<128x128xf32, #tpu.memory_space<vmem>>[vector<16xi32>, vector<16xi32>], vector<16xf32>,
          %broadcast_in_dim3A_1259 = arith.constant 84 : i32
          %broadcast_in_dim3A_1260 = vector.broadcast %broadcast_in_dim3A_1259 : i32 to vector<16xi32>
          tpu.vector_store_idx %arg9[%add3A_300, %broadcast_in_dim3A_1260], %get3A_1223 : memref<128x128xf32, #tpu.memory_space<vmem>>[vector<16xi32>, vector<16xi32>], vector<16xf32>,
          %broadcast_in_dim3A_1261 = arith.constant 85 : i32
          %broadcast_in_dim3A_1262 = vector.broadcast %broadcast_in_dim3A_1261 : i32 to vector<16xi32>
          tpu.vector_store_idx %arg9[%add3A_300, %broadcast_in_dim3A_1262], %get3A_1232 : memref<128x128xf32, #tpu.memory_space<vmem>>[vector<16xi32>, vector<16xi32>], vector<16xf32>,
          %broadcast_in_dim3A_1263 = arith.constant 86 : i32
          %broadcast_in_dim3A_1264 = vector.broadcast %broadcast_in_dim3A_1263 : i32 to vector<16xi32>
          tpu.vector_store_idx %arg9[%add3A_300, %broadcast_in_dim3A_1264], %get3A_1241 : memref<128x128xf32, #tpu.memory_space<vmem>>[vector<16xi32>, vector<16xi32>], vector<16xf32>,
          %broadcast_in_dim3A_1265 = arith.constant 87 : i32
          %broadcast_in_dim3A_1266 = vector.broadcast %broadcast_in_dim3A_1265 : i32 to vector<16xi32>
          tpu.vector_store_idx %arg9[%add3A_300, %broadcast_in_dim3A_1266], %get3A_1250 : memref<128x128xf32, #tpu.memory_space<vmem>>[vector<16xi32>, vector<16xi32>], vector<16xf32>,
          %mul3A_1267 = arith.constant 128 : i32
          %mul3A_1268 = arith.muli %add3A_296, %mul3A_1267 : i32
          %add3A_1269 = arith.constant 88 : i32
          %add3A_1270 = arith.addi %mul3A_1268, %add3A_1269 : i32
          %add3A_1271 = arith.constant 0 : i32
          %add3A_1272 = arith.addi %add3A_1270, %add3A_1271 : i32
          %get3A_1273 = arith.index_cast %add3A_1272 : i32 to index
          %get3A_1274 = arith.constant 0 : index
          %get3A_1275 = tpu.vector_load %arg7[%get3A_1273, %get3A_1274] {strides = array<i32>} : memref<1024x16xf32, #tpu.memory_space<vmem>>, vector<16xf32>,
          %mul3A_1276 = arith.constant 128 : i32
          %mul3A_1277 = arith.muli %add3A_296, %mul3A_1276 : i32
          %add3A_1278 = arith.constant 88 : i32
          %add3A_1279 = arith.addi %mul3A_1277, %add3A_1278 : i32
          %add3A_1280 = arith.constant 1 : i32
          %add3A_1281 = arith.addi %add3A_1279, %add3A_1280 : i32
          %get3A_1282 = arith.index_cast %add3A_1281 : i32 to index
          %get3A_1283 = arith.constant 0 : index
          %get3A_1284 = tpu.vector_load %arg7[%get3A_1282, %get3A_1283] {strides = array<i32>} : memref<1024x16xf32, #tpu.memory_space<vmem>>, vector<16xf32>,
          %mul3A_1285 = arith.constant 128 : i32
          %mul3A_1286 = arith.muli %add3A_296, %mul3A_1285 : i32
          %add3A_1287 = arith.constant 88 : i32
          %add3A_1288 = arith.addi %mul3A_1286, %add3A_1287 : i32
          %add3A_1289 = arith.constant 2 : i32
          %add3A_1290 = arith.addi %add3A_1288, %add3A_1289 : i32
          %get3A_1291 = arith.index_cast %add3A_1290 : i32 to index
          %get3A_1292 = arith.constant 0 : index
          %get3A_1293 = tpu.vector_load %arg7[%get3A_1291, %get3A_1292] {strides = array<i32>} : memref<1024x16xf32, #tpu.memory_space<vmem>>, vector<16xf32>,
          %mul3A_1294 = arith.constant 128 : i32
          %mul3A_1295 = arith.muli %add3A_296, %mul3A_1294 : i32
          %add3A_1296 = arith.constant 88 : i32
          %add3A_1297 = arith.addi %mul3A_1295, %add3A_1296 : i32
          %add3A_1298 = arith.constant 3 : i32
          %add3A_1299 = arith.addi %add3A_1297, %add3A_1298 : i32
          %get3A_1300 = arith.index_cast %add3A_1299 : i32 to index
          %get3A_1301 = arith.constant 0 : index
          %get3A_1302 = tpu.vector_load %arg7[%get3A_1300, %get3A_1301] {strides = array<i32>} : memref<1024x16xf32, #tpu.memory_space<vmem>>, vector<16xf32>,
          %mul3A_1303 = arith.constant 128 : i32
          %mul3A_1304 = arith.muli %add3A_296, %mul3A_1303 : i32
          %add3A_1305 = arith.constant 88 : i32
          %add3A_1306 = arith.addi %mul3A_1304, %add3A_1305 : i32
          %add3A_1307 = arith.constant 4 : i32
          %add3A_1308 = arith.addi %add3A_1306, %add3A_1307 : i32
          %get3A_1309 = arith.index_cast %add3A_1308 : i32 to index
          %get3A_1310 = arith.constant 0 : index
          %get3A_1311 = tpu.vector_load %arg7[%get3A_1309, %get3A_1310] {strides = array<i32>} : memref<1024x16xf32, #tpu.memory_space<vmem>>, vector<16xf32>,
          %mul3A_1312 = arith.constant 128 : i32
          %mul3A_1313 = arith.muli %add3A_296, %mul3A_1312 : i32
          %add3A_1314 = arith.constant 88 : i32
          %add3A_1315 = arith.addi %mul3A_1313, %add3A_1314 : i32
          %add3A_1316 = arith.constant 5 : i32
          %add3A_1317 = arith.addi %add3A_1315, %add3A_1316 : i32
          %get3A_1318 = arith.index_cast %add3A_1317 : i32 to index
          %get3A_1319 = arith.constant 0 : index
          %get3A_1320 = tpu.vector_load %arg7[%get3A_1318, %get3A_1319] {strides = array<i32>} : memref<1024x16xf32, #tpu.memory_space<vmem>>, vector<16xf32>,
          %mul3A_1321 = arith.constant 128 : i32
          %mul3A_1322 = arith.muli %add3A_296, %mul3A_1321 : i32
          %add3A_1323 = arith.constant 88 : i32
          %add3A_1324 = arith.addi %mul3A_1322, %add3A_1323 : i32
          %add3A_1325 = arith.constant 6 : i32
          %add3A_1326 = arith.addi %add3A_1324, %add3A_1325 : i32
          %get3A_1327 = arith.index_cast %add3A_1326 : i32 to index
          %get3A_1328 = arith.constant 0 : index
          %get3A_1329 = tpu.vector_load %arg7[%get3A_1327, %get3A_1328] {strides = array<i32>} : memref<1024x16xf32, #tpu.memory_space<vmem>>, vector<16xf32>,
          %mul3A_1330 = arith.constant 128 : i32
          %mul3A_1331 = arith.muli %add3A_296, %mul3A_1330 : i32
          %add3A_1332 = arith.constant 88 : i32
          %add3A_1333 = arith.addi %mul3A_1331, %add3A_1332 : i32
          %add3A_1334 = arith.constant 7 : i32
          %add3A_1335 = arith.addi %add3A_1333, %add3A_1334 : i32
          %get3A_1336 = arith.index_cast %add3A_1335 : i32 to index
          %get3A_1337 = arith.constant 0 : index
          %get3A_1338 = tpu.vector_load %arg7[%get3A_1336, %get3A_1337] {strides = array<i32>} : memref<1024x16xf32, #tpu.memory_space<vmem>>, vector<16xf32>,
          %broadcast_in_dim3A_1339 = arith.constant 88 : i32
          %broadcast_in_dim3A_1340 = vector.broadcast %broadcast_in_dim3A_1339 : i32 to vector<16xi32>
          tpu.vector_store_idx %arg9[%add3A_300, %broadcast_in_dim3A_1340], %get3A_1275 : memref<128x128xf32, #tpu.memory_space<vmem>>[vector<16xi32>, vector<16xi32>], vector<16xf32>,
          %broadcast_in_dim3A_1341 = arith.constant 89 : i32
          %broadcast_in_dim3A_1342 = vector.broadcast %broadcast_in_dim3A_1341 : i32 to vector<16xi32>
          tpu.vector_store_idx %arg9[%add3A_300, %broadcast_in_dim3A_1342], %get3A_1284 : memref<128x128xf32, #tpu.memory_space<vmem>>[vector<16xi32>, vector<16xi32>], vector<16xf32>,
          %broadcast_in_dim3A_1343 = arith.constant 90 : i32
          %broadcast_in_dim3A_1344 = vector.broadcast %broadcast_in_dim3A_1343 : i32 to vector<16xi32>
          tpu.vector_store_idx %arg9[%add3A_300, %broadcast_in_dim3A_1344], %get3A_1293 : memref<128x128xf32, #tpu.memory_space<vmem>>[vector<16xi32>, vector<16xi32>], vector<16xf32>,
          %broadcast_in_dim3A_1345 = arith.constant 91 : i32
          %broadcast_in_dim3A_1346 = vector.broadcast %broadcast_in_dim3A_1345 : i32 to vector<16xi32>
          tpu.vector_store_idx %arg9[%add3A_300, %broadcast_in_dim3A_1346], %get3A_1302 : memref<128x128xf32, #tpu.memory_space<vmem>>[vector<16xi32>, vector<16xi32>], vector<16xf32>,
          %broadcast_in_dim3A_1347 = arith.constant 92 : i32
          %broadcast_in_dim3A_1348 = vector.broadcast %broadcast_in_dim3A_1347 : i32 to vector<16xi32>
          tpu.vector_store_idx %arg9[%add3A_300, %broadcast_in_dim3A_1348], %get3A_1311 : memref<128x128xf32, #tpu.memory_space<vmem>>[vector<16xi32>, vector<16xi32>], vector<16xf32>,
          %broadcast_in_dim3A_1349 = arith.constant 93 : i32
          %broadcast_in_dim3A_1350 = vector.broadcast %broadcast_in_dim3A_1349 : i32 to vector<16xi32>
          tpu.vector_store_idx %arg9[%add3A_300, %broadcast_in_dim3A_1350], %get3A_1320 : memref<128x128xf32, #tpu.memory_space<vmem>>[vector<16xi32>, vector<16xi32>], vector<16xf32>,
          %broadcast_in_dim3A_1351 = arith.constant 94 : i32
          %broadcast_in_dim3A_1352 = vector.broadcast %broadcast_in_dim3A_1351 : i32 to vector<16xi32>
          tpu.vector_store_idx %arg9[%add3A_300, %broadcast_in_dim3A_1352], %get3A_1329 : memref<128x128xf32, #tpu.memory_space<vmem>>[vector<16xi32>, vector<16xi32>], vector<16xf32>,
          %broadcast_in_dim3A_1353 = arith.constant 95 : i32
          %broadcast_in_dim3A_1354 = vector.broadcast %broadcast_in_dim3A_1353 : i32 to vector<16xi32>
          tpu.vector_store_idx %arg9[%add3A_300, %broadcast_in_dim3A_1354], %get3A_1338 : memref<128x128xf32, #tpu.memory_space<vmem>>[vector<16xi32>, vector<16xi32>], vector<16xf32>,
          %mul3A_1355 = arith.constant 128 : i32
          %mul3A_1356 = arith.muli %add3A_296, %mul3A_1355 : i32
          %add3A_1357 = arith.constant 96 : i32
          %add3A_1358 = arith.addi %mul3A_1356, %add3A_1357 : i32
          %add3A_1359 = arith.constant 0 : i32
          %add3A_1360 = arith.addi %add3A_1358, %add3A_1359 : i32
          %get3A_1361 = arith.index_cast %add3A_1360 : i32 to index
          %get3A_1362 = arith.constant 0 : index
          %get3A_1363 = tpu.vector_load %arg7[%get3A_1361, %get3A_1362] {strides = array<i32>} : memref<1024x16xf32, #tpu.memory_space<vmem>>, vector<16xf32>,
          %mul3A_1364 = arith.constant 128 : i32
          %mul3A_1365 = arith.muli %add3A_296, %mul3A_1364 : i32
          %add3A_1366 = arith.constant 96 : i32
          %add3A_1367 = arith.addi %mul3A_1365, %add3A_1366 : i32
          %add3A_1368 = arith.constant 1 : i32
          %add3A_1369 = arith.addi %add3A_1367, %add3A_1368 : i32
          %get3A_1370 = arith.index_cast %add3A_1369 : i32 to index
          %get3A_1371 = arith.constant 0 : index
          %get3A_1372 = tpu.vector_load %arg7[%get3A_1370, %get3A_1371] {strides = array<i32>} : memref<1024x16xf32, #tpu.memory_space<vmem>>, vector<16xf32>,
          %mul3A_1373 = arith.constant 128 : i32
          %mul3A_1374 = arith.muli %add3A_296, %mul3A_1373 : i32
          %add3A_1375 = arith.constant 96 : i32
          %add3A_1376 = arith.addi %mul3A_1374, %add3A_1375 : i32
          %add3A_1377 = arith.constant 2 : i32
          %add3A_1378 = arith.addi %add3A_1376, %add3A_1377 : i32
          %get3A_1379 = arith.index_cast %add3A_1378 : i32 to index
          %get3A_1380 = arith.constant 0 : index
          %get3A_1381 = tpu.vector_load %arg7[%get3A_1379, %get3A_1380] {strides = array<i32>} : memref<1024x16xf32, #tpu.memory_space<vmem>>, vector<16xf32>,
          %mul3A_1382 = arith.constant 128 : i32
          %mul3A_1383 = arith.muli %add3A_296, %mul3A_1382 : i32
          %add3A_1384 = arith.constant 96 : i32
          %add3A_1385 = arith.addi %mul3A_1383, %add3A_1384 : i32
          %add3A_1386 = arith.constant 3 : i32
          %add3A_1387 = arith.addi %add3A_1385, %add3A_1386 : i32
          %get3A_1388 = arith.index_cast %add3A_1387 : i32 to index
          %get3A_1389 = arith.constant 0 : index
          %get3A_1390 = tpu.vector_load %arg7[%get3A_1388, %get3A_1389] {strides = array<i32>} : memref<1024x16xf32, #tpu.memory_space<vmem>>, vector<16xf32>,
          %mul3A_1391 = arith.constant 128 : i32
          %mul3A_1392 = arith.muli %add3A_296, %mul3A_1391 : i32
          %add3A_1393 = arith.constant 96 : i32
          %add3A_1394 = arith.addi %mul3A_1392, %add3A_1393 : i32
          %add3A_1395 = arith.constant 4 : i32
          %add3A_1396 = arith.addi %add3A_1394, %add3A_1395 : i32
          %get3A_1397 = arith.index_cast %add3A_1396 : i32 to index
          %get3A_1398 = arith.constant 0 : index
          %get3A_1399 = tpu.vector_load %arg7[%get3A_1397, %get3A_1398] {strides = array<i32>} : memref<1024x16xf32, #tpu.memory_space<vmem>>, vector<16xf32>,
          %mul3A_1400 = arith.constant 128 : i32
          %mul3A_1401 = arith.muli %add3A_296, %mul3A_1400 : i32
          %add3A_1402 = arith.constant 96 : i32
          %add3A_1403 = arith.addi %mul3A_1401, %add3A_1402 : i32
          %add3A_1404 = arith.constant 5 : i32
          %add3A_1405 = arith.addi %add3A_1403, %add3A_1404 : i32
          %get3A_1406 = arith.index_cast %add3A_1405 : i32 to index
          %get3A_1407 = arith.constant 0 : index
          %get3A_1408 = tpu.vector_load %arg7[%get3A_1406, %get3A_1407] {strides = array<i32>} : memref<1024x16xf32, #tpu.memory_space<vmem>>, vector<16xf32>,
          %mul3A_1409 = arith.constant 128 : i32
          %mul3A_1410 = arith.muli %add3A_296, %mul3A_1409 : i32
          %add3A_1411 = arith.constant 96 : i32
          %add3A_1412 = arith.addi %mul3A_1410, %add3A_1411 : i32
          %add3A_1413 = arith.constant 6 : i32
          %add3A_1414 = arith.addi %add3A_1412, %add3A_1413 : i32
          %get3A_1415 = arith.index_cast %add3A_1414 : i32 to index
          %get3A_1416 = arith.constant 0 : index
          %get3A_1417 = tpu.vector_load %arg7[%get3A_1415, %get3A_1416] {strides = array<i32>} : memref<1024x16xf32, #tpu.memory_space<vmem>>, vector<16xf32>,
          %mul3A_1418 = arith.constant 128 : i32
          %mul3A_1419 = arith.muli %add3A_296, %mul3A_1418 : i32
          %add3A_1420 = arith.constant 96 : i32
          %add3A_1421 = arith.addi %mul3A_1419, %add3A_1420 : i32
          %add3A_1422 = arith.constant 7 : i32
          %add3A_1423 = arith.addi %add3A_1421, %add3A_1422 : i32
          %get3A_1424 = arith.index_cast %add3A_1423 : i32 to index
          %get3A_1425 = arith.constant 0 : index
          %get3A_1426 = tpu.vector_load %arg7[%get3A_1424, %get3A_1425] {strides = array<i32>} : memref<1024x16xf32, #tpu.memory_space<vmem>>, vector<16xf32>,
          %broadcast_in_dim3A_1427 = arith.constant 96 : i32
          %broadcast_in_dim3A_1428 = vector.broadcast %broadcast_in_dim3A_1427 : i32 to vector<16xi32>
          tpu.vector_store_idx %arg9[%add3A_300, %broadcast_in_dim3A_1428], %get3A_1363 : memref<128x128xf32, #tpu.memory_space<vmem>>[vector<16xi32>, vector<16xi32>], vector<16xf32>,
          %broadcast_in_dim3A_1429 = arith.constant 97 : i32
          %broadcast_in_dim3A_1430 = vector.broadcast %broadcast_in_dim3A_1429 : i32 to vector<16xi32>
          tpu.vector_store_idx %arg9[%add3A_300, %broadcast_in_dim3A_1430], %get3A_1372 : memref<128x128xf32, #tpu.memory_space<vmem>>[vector<16xi32>, vector<16xi32>], vector<16xf32>,
          %broadcast_in_dim3A_1431 = arith.constant 98 : i32
          %broadcast_in_dim3A_1432 = vector.broadcast %broadcast_in_dim3A_1431 : i32 to vector<16xi32>
          tpu.vector_store_idx %arg9[%add3A_300, %broadcast_in_dim3A_1432], %get3A_1381 : memref<128x128xf32, #tpu.memory_space<vmem>>[vector<16xi32>, vector<16xi32>], vector<16xf32>,
          %broadcast_in_dim3A_1433 = arith.constant 99 : i32
          %broadcast_in_dim3A_1434 = vector.broadcast %broadcast_in_dim3A_1433 : i32 to vector<16xi32>
          tpu.vector_store_idx %arg9[%add3A_300, %broadcast_in_dim3A_1434], %get3A_1390 : memref<128x128xf32, #tpu.memory_space<vmem>>[vector<16xi32>, vector<16xi32>], vector<16xf32>,
          %broadcast_in_dim3A_1435 = arith.constant 100 : i32
          %broadcast_in_dim3A_1436 = vector.broadcast %broadcast_in_dim3A_1435 : i32 to vector<16xi32>
          tpu.vector_store_idx %arg9[%add3A_300, %broadcast_in_dim3A_1436], %get3A_1399 : memref<128x128xf32, #tpu.memory_space<vmem>>[vector<16xi32>, vector<16xi32>], vector<16xf32>,
          %broadcast_in_dim3A_1437 = arith.constant 101 : i32
          %broadcast_in_dim3A_1438 = vector.broadcast %broadcast_in_dim3A_1437 : i32 to vector<16xi32>
          tpu.vector_store_idx %arg9[%add3A_300, %broadcast_in_dim3A_1438], %get3A_1408 : memref<128x128xf32, #tpu.memory_space<vmem>>[vector<16xi32>, vector<16xi32>], vector<16xf32>,
          %broadcast_in_dim3A_1439 = arith.constant 102 : i32
          %broadcast_in_dim3A_1440 = vector.broadcast %broadcast_in_dim3A_1439 : i32 to vector<16xi32>
          tpu.vector_store_idx %arg9[%add3A_300, %broadcast_in_dim3A_1440], %get3A_1417 : memref<128x128xf32, #tpu.memory_space<vmem>>[vector<16xi32>, vector<16xi32>], vector<16xf32>,
          %broadcast_in_dim3A_1441 = arith.constant 103 : i32
          %broadcast_in_dim3A_1442 = vector.broadcast %broadcast_in_dim3A_1441 : i32 to vector<16xi32>
          tpu.vector_store_idx %arg9[%add3A_300, %broadcast_in_dim3A_1442], %get3A_1426 : memref<128x128xf32, #tpu.memory_space<vmem>>[vector<16xi32>, vector<16xi32>], vector<16xf32>,
          %mul3A_1443 = arith.constant 128 : i32
          %mul3A_1444 = arith.muli %add3A_296, %mul3A_1443 : i32
          %add3A_1445 = arith.constant 104 : i32
          %add3A_1446 = arith.addi %mul3A_1444, %add3A_1445 : i32
          %add3A_1447 = arith.constant 0 : i32
          %add3A_1448 = arith.addi %add3A_1446, %add3A_1447 : i32
          %get3A_1449 = arith.index_cast %add3A_1448 : i32 to index
          %get3A_1450 = arith.constant 0 : index
          %get3A_1451 = tpu.vector_load %arg7[%get3A_1449, %get3A_1450] {strides = array<i32>} : memref<1024x16xf32, #tpu.memory_space<vmem>>, vector<16xf32>,
          %mul3A_1452 = arith.constant 128 : i32
          %mul3A_1453 = arith.muli %add3A_296, %mul3A_1452 : i32
          %add3A_1454 = arith.constant 104 : i32
          %add3A_1455 = arith.addi %mul3A_1453, %add3A_1454 : i32
          %add3A_1456 = arith.constant 1 : i32
          %add3A_1457 = arith.addi %add3A_1455, %add3A_1456 : i32
          %get3A_1458 = arith.index_cast %add3A_1457 : i32 to index
          %get3A_1459 = arith.constant 0 : index
          %get3A_1460 = tpu.vector_load %arg7[%get3A_1458, %get3A_1459] {strides = array<i32>} : memref<1024x16xf32, #tpu.memory_space<vmem>>, vector<16xf32>,
          %mul3A_1461 = arith.constant 128 : i32
          %mul3A_1462 = arith.muli %add3A_296, %mul3A_1461 : i32
          %add3A_1463 = arith.constant 104 : i32
          %add3A_1464 = arith.addi %mul3A_1462, %add3A_1463 : i32
          %add3A_1465 = arith.constant 2 : i32
          %add3A_1466 = arith.addi %add3A_1464, %add3A_1465 : i32
          %get3A_1467 = arith.index_cast %add3A_1466 : i32 to index
          %get3A_1468 = arith.constant 0 : index
          %get3A_1469 = tpu.vector_load %arg7[%get3A_1467, %get3A_1468] {strides = array<i32>} : memref<1024x16xf32, #tpu.memory_space<vmem>>, vector<16xf32>,
          %mul3A_1470 = arith.constant 128 : i32
          %mul3A_1471 = arith.muli %add3A_296, %mul3A_1470 : i32
          %add3A_1472 = arith.constant 104 : i32
          %add3A_1473 = arith.addi %mul3A_1471, %add3A_1472 : i32
          %add3A_1474 = arith.constant 3 : i32
          %add3A_1475 = arith.addi %add3A_1473, %add3A_1474 : i32
          %get3A_1476 = arith.index_cast %add3A_1475 : i32 to index
          %get3A_1477 = arith.constant 0 : index
          %get3A_1478 = tpu.vector_load %arg7[%get3A_1476, %get3A_1477] {strides = array<i32>} : memref<1024x16xf32, #tpu.memory_space<vmem>>, vector<16xf32>,
          %mul3A_1479 = arith.constant 128 : i32
          %mul3A_1480 = arith.muli %add3A_296, %mul3A_1479 : i32
          %add3A_1481 = arith.constant 104 : i32
          %add3A_1482 = arith.addi %mul3A_1480, %add3A_1481 : i32
          %add3A_1483 = arith.constant 4 : i32
          %add3A_1484 = arith.addi %add3A_1482, %add3A_1483 : i32
          %get3A_1485 = arith.index_cast %add3A_1484 : i32 to index
          %get3A_1486 = arith.constant 0 : index
          %get3A_1487 = tpu.vector_load %arg7[%get3A_1485, %get3A_1486] {strides = array<i32>} : memref<1024x16xf32, #tpu.memory_space<vmem>>, vector<16xf32>,
          %mul3A_1488 = arith.constant 128 : i32
          %mul3A_1489 = arith.muli %add3A_296, %mul3A_1488 : i32
          %add3A_1490 = arith.constant 104 : i32
          %add3A_1491 = arith.addi %mul3A_1489, %add3A_1490 : i32
          %add3A_1492 = arith.constant 5 : i32
          %add3A_1493 = arith.addi %add3A_1491, %add3A_1492 : i32
          %get3A_1494 = arith.index_cast %add3A_1493 : i32 to index
          %get3A_1495 = arith.constant 0 : index
          %get3A_1496 = tpu.vector_load %arg7[%get3A_1494, %get3A_1495] {strides = array<i32>} : memref<1024x16xf32, #tpu.memory_space<vmem>>, vector<16xf32>,
          %mul3A_1497 = arith.constant 128 : i32
          %mul3A_1498 = arith.muli %add3A_296, %mul3A_1497 : i32
          %add3A_1499 = arith.constant 104 : i32
          %add3A_1500 = arith.addi %mul3A_1498, %add3A_1499 : i32
          %add3A_1501 = arith.constant 6 : i32
          %add3A_1502 = arith.addi %add3A_1500, %add3A_1501 : i32
          %get3A_1503 = arith.index_cast %add3A_1502 : i32 to index
          %get3A_1504 = arith.constant 0 : index
          %get3A_1505 = tpu.vector_load %arg7[%get3A_1503, %get3A_1504] {strides = array<i32>} : memref<1024x16xf32, #tpu.memory_space<vmem>>, vector<16xf32>,
          %mul3A_1506 = arith.constant 128 : i32
          %mul3A_1507 = arith.muli %add3A_296, %mul3A_1506 : i32
          %add3A_1508 = arith.constant 104 : i32
          %add3A_1509 = arith.addi %mul3A_1507, %add3A_1508 : i32
          %add3A_1510 = arith.constant 7 : i32
          %add3A_1511 = arith.addi %add3A_1509, %add3A_1510 : i32
          %get3A_1512 = arith.index_cast %add3A_1511 : i32 to index
          %get3A_1513 = arith.constant 0 : index
          %get3A_1514 = tpu.vector_load %arg7[%get3A_1512, %get3A_1513] {strides = array<i32>} : memref<1024x16xf32, #tpu.memory_space<vmem>>, vector<16xf32>,
          %broadcast_in_dim3A_1515 = arith.constant 104 : i32
          %broadcast_in_dim3A_1516 = vector.broadcast %broadcast_in_dim3A_1515 : i32 to vector<16xi32>
          tpu.vector_store_idx %arg9[%add3A_300, %broadcast_in_dim3A_1516], %get3A_1451 : memref<128x128xf32, #tpu.memory_space<vmem>>[vector<16xi32>, vector<16xi32>], vector<16xf32>,
          %broadcast_in_dim3A_1517 = arith.constant 105 : i32
          %broadcast_in_dim3A_1518 = vector.broadcast %broadcast_in_dim3A_1517 : i32 to vector<16xi32>
          tpu.vector_store_idx %arg9[%add3A_300, %broadcast_in_dim3A_1518], %get3A_1460 : memref<128x128xf32, #tpu.memory_space<vmem>>[vector<16xi32>, vector<16xi32>], vector<16xf32>,
          %broadcast_in_dim3A_1519 = arith.constant 106 : i32
          %broadcast_in_dim3A_1520 = vector.broadcast %broadcast_in_dim3A_1519 : i32 to vector<16xi32>
          tpu.vector_store_idx %arg9[%add3A_300, %broadcast_in_dim3A_1520], %get3A_1469 : memref<128x128xf32, #tpu.memory_space<vmem>>[vector<16xi32>, vector<16xi32>], vector<16xf32>,
          %broadcast_in_dim3A_1521 = arith.constant 107 : i32
          %broadcast_in_dim3A_1522 = vector.broadcast %broadcast_in_dim3A_1521 : i32 to vector<16xi32>
          tpu.vector_store_idx %arg9[%add3A_300, %broadcast_in_dim3A_1522], %get3A_1478 : memref<128x128xf32, #tpu.memory_space<vmem>>[vector<16xi32>, vector<16xi32>], vector<16xf32>,
          %broadcast_in_dim3A_1523 = arith.constant 108 : i32
          %broadcast_in_dim3A_1524 = vector.broadcast %broadcast_in_dim3A_1523 : i32 to vector<16xi32>
          tpu.vector_store_idx %arg9[%add3A_300, %broadcast_in_dim3A_1524], %get3A_1487 : memref<128x128xf32, #tpu.memory_space<vmem>>[vector<16xi32>, vector<16xi32>], vector<16xf32>,
          %broadcast_in_dim3A_1525 = arith.constant 109 : i32
          %broadcast_in_dim3A_1526 = vector.broadcast %broadcast_in_dim3A_1525 : i32 to vector<16xi32>
          tpu.vector_store_idx %arg9[%add3A_300, %broadcast_in_dim3A_1526], %get3A_1496 : memref<128x128xf32, #tpu.memory_space<vmem>>[vector<16xi32>, vector<16xi32>], vector<16xf32>,
          %broadcast_in_dim3A_1527 = arith.constant 110 : i32
          %broadcast_in_dim3A_1528 = vector.broadcast %broadcast_in_dim3A_1527 : i32 to vector<16xi32>
          tpu.vector_store_idx %arg9[%add3A_300, %broadcast_in_dim3A_1528], %get3A_1505 : memref<128x128xf32, #tpu.memory_space<vmem>>[vector<16xi32>, vector<16xi32>], vector<16xf32>,
          %broadcast_in_dim3A_1529 = arith.constant 111 : i32
          %broadcast_in_dim3A_1530 = vector.broadcast %broadcast_in_dim3A_1529 : i32 to vector<16xi32>
          tpu.vector_store_idx %arg9[%add3A_300, %broadcast_in_dim3A_1530], %get3A_1514 : memref<128x128xf32, #tpu.memory_space<vmem>>[vector<16xi32>, vector<16xi32>], vector<16xf32>,
          %mul3A_1531 = arith.constant 128 : i32
          %mul3A_1532 = arith.muli %add3A_296, %mul3A_1531 : i32
          %add3A_1533 = arith.constant 112 : i32
          %add3A_1534 = arith.addi %mul3A_1532, %add3A_1533 : i32
          %add3A_1535 = arith.constant 0 : i32
          %add3A_1536 = arith.addi %add3A_1534, %add3A_1535 : i32
          %get3A_1537 = arith.index_cast %add3A_1536 : i32 to index
          %get3A_1538 = arith.constant 0 : index
          %get3A_1539 = tpu.vector_load %arg7[%get3A_1537, %get3A_1538] {strides = array<i32>} : memref<1024x16xf32, #tpu.memory_space<vmem>>, vector<16xf32>,
          %mul3A_1540 = arith.constant 128 : i32
          %mul3A_1541 = arith.muli %add3A_296, %mul3A_1540 : i32
          %add3A_1542 = arith.constant 112 : i32
          %add3A_1543 = arith.addi %mul3A_1541, %add3A_1542 : i32
          %add3A_1544 = arith.constant 1 : i32
          %add3A_1545 = arith.addi %add3A_1543, %add3A_1544 : i32
          %get3A_1546 = arith.index_cast %add3A_1545 : i32 to index
          %get3A_1547 = arith.constant 0 : index
          %get3A_1548 = tpu.vector_load %arg7[%get3A_1546, %get3A_1547] {strides = array<i32>} : memref<1024x16xf32, #tpu.memory_space<vmem>>, vector<16xf32>,
          %mul3A_1549 = arith.constant 128 : i32
          %mul3A_1550 = arith.muli %add3A_296, %mul3A_1549 : i32
          %add3A_1551 = arith.constant 112 : i32
          %add3A_1552 = arith.addi %mul3A_1550, %add3A_1551 : i32
          %add3A_1553 = arith.constant 2 : i32
          %add3A_1554 = arith.addi %add3A_1552, %add3A_1553 : i32
          %get3A_1555 = arith.index_cast %add3A_1554 : i32 to index
          %get3A_1556 = arith.constant 0 : index
          %get3A_1557 = tpu.vector_load %arg7[%get3A_1555, %get3A_1556] {strides = array<i32>} : memref<1024x16xf32, #tpu.memory_space<vmem>>, vector<16xf32>,
          %mul3A_1558 = arith.constant 128 : i32
          %mul3A_1559 = arith.muli %add3A_296, %mul3A_1558 : i32
          %add3A_1560 = arith.constant 112 : i32
          %add3A_1561 = arith.addi %mul3A_1559, %add3A_1560 : i32
          %add3A_1562 = arith.constant 3 : i32
          %add3A_1563 = arith.addi %add3A_1561, %add3A_1562 : i32
          %get3A_1564 = arith.index_cast %add3A_1563 : i32 to index
          %get3A_1565 = arith.constant 0 : index
          %get3A_1566 = tpu.vector_load %arg7[%get3A_1564, %get3A_1565] {strides = array<i32>} : memref<1024x16xf32, #tpu.memory_space<vmem>>, vector<16xf32>,
          %mul3A_1567 = arith.constant 128 : i32
          %mul3A_1568 = arith.muli %add3A_296, %mul3A_1567 : i32
          %add3A_1569 = arith.constant 112 : i32
          %add3A_1570 = arith.addi %mul3A_1568, %add3A_1569 : i32
          %add3A_1571 = arith.constant 4 : i32
          %add3A_1572 = arith.addi %add3A_1570, %add3A_1571 : i32
          %get3A_1573 = arith.index_cast %add3A_1572 : i32 to index
          %get3A_1574 = arith.constant 0 : index
          %get3A_1575 = tpu.vector_load %arg7[%get3A_1573, %get3A_1574] {strides = array<i32>} : memref<1024x16xf32, #tpu.memory_space<vmem>>, vector<16xf32>,
          %mul3A_1576 = arith.constant 128 : i32
          %mul3A_1577 = arith.muli %add3A_296, %mul3A_1576 : i32
          %add3A_1578 = arith.constant 112 : i32
          %add3A_1579 = arith.addi %mul3A_1577, %add3A_1578 : i32
          %add3A_1580 = arith.constant 5 : i32
          %add3A_1581 = arith.addi %add3A_1579, %add3A_1580 : i32
          %get3A_1582 = arith.index_cast %add3A_1581 : i32 to index
          %get3A_1583 = arith.constant 0 : index
          %get3A_1584 = tpu.vector_load %arg7[%get3A_1582, %get3A_1583] {strides = array<i32>} : memref<1024x16xf32, #tpu.memory_space<vmem>>, vector<16xf32>,
          %mul3A_1585 = arith.constant 128 : i32
          %mul3A_1586 = arith.muli %add3A_296, %mul3A_1585 : i32
          %add3A_1587 = arith.constant 112 : i32
          %add3A_1588 = arith.addi %mul3A_1586, %add3A_1587 : i32
          %add3A_1589 = arith.constant 6 : i32
          %add3A_1590 = arith.addi %add3A_1588, %add3A_1589 : i32
          %get3A_1591 = arith.index_cast %add3A_1590 : i32 to index
          %get3A_1592 = arith.constant 0 : index
          %get3A_1593 = tpu.vector_load %arg7[%get3A_1591, %get3A_1592] {strides = array<i32>} : memref<1024x16xf32, #tpu.memory_space<vmem>>, vector<16xf32>,
          %mul3A_1594 = arith.constant 128 : i32
          %mul3A_1595 = arith.muli %add3A_296, %mul3A_1594 : i32
          %add3A_1596 = arith.constant 112 : i32
          %add3A_1597 = arith.addi %mul3A_1595, %add3A_1596 : i32
          %add3A_1598 = arith.constant 7 : i32
          %add3A_1599 = arith.addi %add3A_1597, %add3A_1598 : i32
          %get3A_1600 = arith.index_cast %add3A_1599 : i32 to index
          %get3A_1601 = arith.constant 0 : index
          %get3A_1602 = tpu.vector_load %arg7[%get3A_1600, %get3A_1601] {strides = array<i32>} : memref<1024x16xf32, #tpu.memory_space<vmem>>, vector<16xf32>,
          %broadcast_in_dim3A_1603 = arith.constant 112 : i32
          %broadcast_in_dim3A_1604 = vector.broadcast %broadcast_in_dim3A_1603 : i32 to vector<16xi32>
          tpu.vector_store_idx %arg9[%add3A_300, %broadcast_in_dim3A_1604], %get3A_1539 : memref<128x128xf32, #tpu.memory_space<vmem>>[vector<16xi32>, vector<16xi32>], vector<16xf32>,
          %broadcast_in_dim3A_1605 = arith.constant 113 : i32
          %broadcast_in_dim3A_1606 = vector.broadcast %broadcast_in_dim3A_1605 : i32 to vector<16xi32>
          tpu.vector_store_idx %arg9[%add3A_300, %broadcast_in_dim3A_1606], %get3A_1548 : memref<128x128xf32, #tpu.memory_space<vmem>>[vector<16xi32>, vector<16xi32>], vector<16xf32>,
          %broadcast_in_dim3A_1607 = arith.constant 114 : i32
          %broadcast_in_dim3A_1608 = vector.broadcast %broadcast_in_dim3A_1607 : i32 to vector<16xi32>
          tpu.vector_store_idx %arg9[%add3A_300, %broadcast_in_dim3A_1608], %get3A_1557 : memref<128x128xf32, #tpu.memory_space<vmem>>[vector<16xi32>, vector<16xi32>], vector<16xf32>,
          %broadcast_in_dim3A_1609 = arith.constant 115 : i32
          %broadcast_in_dim3A_1610 = vector.broadcast %broadcast_in_dim3A_1609 : i32 to vector<16xi32>
          tpu.vector_store_idx %arg9[%add3A_300, %broadcast_in_dim3A_1610], %get3A_1566 : memref<128x128xf32, #tpu.memory_space<vmem>>[vector<16xi32>, vector<16xi32>], vector<16xf32>,
          %broadcast_in_dim3A_1611 = arith.constant 116 : i32
          %broadcast_in_dim3A_1612 = vector.broadcast %broadcast_in_dim3A_1611 : i32 to vector<16xi32>
          tpu.vector_store_idx %arg9[%add3A_300, %broadcast_in_dim3A_1612], %get3A_1575 : memref<128x128xf32, #tpu.memory_space<vmem>>[vector<16xi32>, vector<16xi32>], vector<16xf32>,
          %broadcast_in_dim3A_1613 = arith.constant 117 : i32
          %broadcast_in_dim3A_1614 = vector.broadcast %broadcast_in_dim3A_1613 : i32 to vector<16xi32>
          tpu.vector_store_idx %arg9[%add3A_300, %broadcast_in_dim3A_1614], %get3A_1584 : memref<128x128xf32, #tpu.memory_space<vmem>>[vector<16xi32>, vector<16xi32>], vector<16xf32>,
          %broadcast_in_dim3A_1615 = arith.constant 118 : i32
          %broadcast_in_dim3A_1616 = vector.broadcast %broadcast_in_dim3A_1615 : i32 to vector<16xi32>
          tpu.vector_store_idx %arg9[%add3A_300, %broadcast_in_dim3A_1616], %get3A_1593 : memref<128x128xf32, #tpu.memory_space<vmem>>[vector<16xi32>, vector<16xi32>], vector<16xf32>,
          %broadcast_in_dim3A_1617 = arith.constant 119 : i32
          %broadcast_in_dim3A_1618 = vector.broadcast %broadcast_in_dim3A_1617 : i32 to vector<16xi32>
          tpu.vector_store_idx %arg9[%add3A_300, %broadcast_in_dim3A_1618], %get3A_1602 : memref<128x128xf32, #tpu.memory_space<vmem>>[vector<16xi32>, vector<16xi32>], vector<16xf32>,
          %mul3A_1619 = arith.constant 128 : i32
          %mul3A_1620 = arith.muli %add3A_296, %mul3A_1619 : i32
          %add3A_1621 = arith.constant 120 : i32
          %add3A_1622 = arith.addi %mul3A_1620, %add3A_1621 : i32
          %add3A_1623 = arith.constant 0 : i32
          %add3A_1624 = arith.addi %add3A_1622, %add3A_1623 : i32
          %get3A_1625 = arith.index_cast %add3A_1624 : i32 to index
          %get3A_1626 = arith.constant 0 : index
          %get3A_1627 = tpu.vector_load %arg7[%get3A_1625, %get3A_1626] {strides = array<i32>} : memref<1024x16xf32, #tpu.memory_space<vmem>>, vector<16xf32>,
          %mul3A_1628 = arith.constant 128 : i32
          %mul3A_1629 = arith.muli %add3A_296, %mul3A_1628 : i32
          %add3A_1630 = arith.constant 120 : i32
          %add3A_1631 = arith.addi %mul3A_1629, %add3A_1630 : i32
          %add3A_1632 = arith.constant 1 : i32
          %add3A_1633 = arith.addi %add3A_1631, %add3A_1632 : i32
          %get3A_1634 = arith.index_cast %add3A_1633 : i32 to index
          %get3A_1635 = arith.constant 0 : index
          %get3A_1636 = tpu.vector_load %arg7[%get3A_1634, %get3A_1635] {strides = array<i32>} : memref<1024x16xf32, #tpu.memory_space<vmem>>, vector<16xf32>,
          %mul3A_1637 = arith.constant 128 : i32
          %mul3A_1638 = arith.muli %add3A_296, %mul3A_1637 : i32
          %add3A_1639 = arith.constant 120 : i32
          %add3A_1640 = arith.addi %mul3A_1638, %add3A_1639 : i32
          %add3A_1641 = arith.constant 2 : i32
          %add3A_1642 = arith.addi %add3A_1640, %add3A_1641 : i32
          %get3A_1643 = arith.index_cast %add3A_1642 : i32 to index
          %get3A_1644 = arith.constant 0 : index
          %get3A_1645 = tpu.vector_load %arg7[%get3A_1643, %get3A_1644] {strides = array<i32>} : memref<1024x16xf32, #tpu.memory_space<vmem>>, vector<16xf32>,
          %mul3A_1646 = arith.constant 128 : i32
          %mul3A_1647 = arith.muli %add3A_296, %mul3A_1646 : i32
          %add3A_1648 = arith.constant 120 : i32
          %add3A_1649 = arith.addi %mul3A_1647, %add3A_1648 : i32
          %add3A_1650 = arith.constant 3 : i32
          %add3A_1651 = arith.addi %add3A_1649, %add3A_1650 : i32
          %get3A_1652 = arith.index_cast %add3A_1651 : i32 to index
          %get3A_1653 = arith.constant 0 : index
          %get3A_1654 = tpu.vector_load %arg7[%get3A_1652, %get3A_1653] {strides = array<i32>} : memref<1024x16xf32, #tpu.memory_space<vmem>>, vector<16xf32>,
          %mul3A_1655 = arith.constant 128 : i32
          %mul3A_1656 = arith.muli %add3A_296, %mul3A_1655 : i32
          %add3A_1657 = arith.constant 120 : i32
          %add3A_1658 = arith.addi %mul3A_1656, %add3A_1657 : i32
          %add3A_1659 = arith.constant 4 : i32
          %add3A_1660 = arith.addi %add3A_1658, %add3A_1659 : i32
          %get3A_1661 = arith.index_cast %add3A_1660 : i32 to index
          %get3A_1662 = arith.constant 0 : index
          %get3A_1663 = tpu.vector_load %arg7[%get3A_1661, %get3A_1662] {strides = array<i32>} : memref<1024x16xf32, #tpu.memory_space<vmem>>, vector<16xf32>,
          %mul3A_1664 = arith.constant 128 : i32
          %mul3A_1665 = arith.muli %add3A_296, %mul3A_1664 : i32
          %add3A_1666 = arith.constant 120 : i32
          %add3A_1667 = arith.addi %mul3A_1665, %add3A_1666 : i32
          %add3A_1668 = arith.constant 5 : i32
          %add3A_1669 = arith.addi %add3A_1667, %add3A_1668 : i32
          %get3A_1670 = arith.index_cast %add3A_1669 : i32 to index
          %get3A_1671 = arith.constant 0 : index
          %get3A_1672 = tpu.vector_load %arg7[%get3A_1670, %get3A_1671] {strides = array<i32>} : memref<1024x16xf32, #tpu.memory_space<vmem>>, vector<16xf32>,
          %mul3A_1673 = arith.constant 128 : i32
          %mul3A_1674 = arith.muli %add3A_296, %mul3A_1673 : i32
          %add3A_1675 = arith.constant 120 : i32
          %add3A_1676 = arith.addi %mul3A_1674, %add3A_1675 : i32
          %add3A_1677 = arith.constant 6 : i32
          %add3A_1678 = arith.addi %add3A_1676, %add3A_1677 : i32
          %get3A_1679 = arith.index_cast %add3A_1678 : i32 to index
          %get3A_1680 = arith.constant 0 : index
          %get3A_1681 = tpu.vector_load %arg7[%get3A_1679, %get3A_1680] {strides = array<i32>} : memref<1024x16xf32, #tpu.memory_space<vmem>>, vector<16xf32>,
          %mul3A_1682 = arith.constant 128 : i32
          %mul3A_1683 = arith.muli %add3A_296, %mul3A_1682 : i32
          %add3A_1684 = arith.constant 120 : i32
          %add3A_1685 = arith.addi %mul3A_1683, %add3A_1684 : i32
          %add3A_1686 = arith.constant 7 : i32
          %add3A_1687 = arith.addi %add3A_1685, %add3A_1686 : i32
          %get3A_1688 = arith.index_cast %add3A_1687 : i32 to index
          %get3A_1689 = arith.constant 0 : index
          %get3A_1690 = tpu.vector_load %arg7[%get3A_1688, %get3A_1689] {strides = array<i32>} : memref<1024x16xf32, #tpu.memory_space<vmem>>, vector<16xf32>,
          %broadcast_in_dim3A_1691 = arith.constant 120 : i32
          %broadcast_in_dim3A_1692 = vector.broadcast %broadcast_in_dim3A_1691 : i32 to vector<16xi32>
          tpu.vector_store_idx %arg9[%add3A_300, %broadcast_in_dim3A_1692], %get3A_1627 : memref<128x128xf32, #tpu.memory_space<vmem>>[vector<16xi32>, vector<16xi32>], vector<16xf32>,
          %broadcast_in_dim3A_1693 = arith.constant 121 : i32
          %broadcast_in_dim3A_1694 = vector.broadcast %broadcast_in_dim3A_1693 : i32 to vector<16xi32>
          tpu.vector_store_idx %arg9[%add3A_300, %broadcast_in_dim3A_1694], %get3A_1636 : memref<128x128xf32, #tpu.memory_space<vmem>>[vector<16xi32>, vector<16xi32>], vector<16xf32>,
          %broadcast_in_dim3A_1695 = arith.constant 122 : i32
          %broadcast_in_dim3A_1696 = vector.broadcast %broadcast_in_dim3A_1695 : i32 to vector<16xi32>
          tpu.vector_store_idx %arg9[%add3A_300, %broadcast_in_dim3A_1696], %get3A_1645 : memref<128x128xf32, #tpu.memory_space<vmem>>[vector<16xi32>, vector<16xi32>], vector<16xf32>,
          %broadcast_in_dim3A_1697 = arith.constant 123 : i32
          %broadcast_in_dim3A_1698 = vector.broadcast %broadcast_in_dim3A_1697 : i32 to vector<16xi32>
          tpu.vector_store_idx %arg9[%add3A_300, %broadcast_in_dim3A_1698], %get3A_1654 : memref<128x128xf32, #tpu.memory_space<vmem>>[vector<16xi32>, vector<16xi32>], vector<16xf32>,
          %broadcast_in_dim3A_1699 = arith.constant 124 : i32
          %broadcast_in_dim3A_1700 = vector.broadcast %broadcast_in_dim3A_1699 : i32 to vector<16xi32>
          tpu.vector_store_idx %arg9[%add3A_300, %broadcast_in_dim3A_1700], %get3A_1663 : memref<128x128xf32, #tpu.memory_space<vmem>>[vector<16xi32>, vector<16xi32>], vector<16xf32>,
          %broadcast_in_dim3A_1701 = arith.constant 125 : i32
          %broadcast_in_dim3A_1702 = vector.broadcast %broadcast_in_dim3A_1701 : i32 to vector<16xi32>
          tpu.vector_store_idx %arg9[%add3A_300, %broadcast_in_dim3A_1702], %get3A_1672 : memref<128x128xf32, #tpu.memory_space<vmem>>[vector<16xi32>, vector<16xi32>], vector<16xf32>,
          %broadcast_in_dim3A_1703 = arith.constant 126 : i32
          %broadcast_in_dim3A_1704 = vector.broadcast %broadcast_in_dim3A_1703 : i32 to vector<16xi32>
          tpu.vector_store_idx %arg9[%add3A_300, %broadcast_in_dim3A_1704], %get3A_1681 : memref<128x128xf32, #tpu.memory_space<vmem>>[vector<16xi32>, vector<16xi32>], vector<16xf32>,
          %broadcast_in_dim3A_1705 = arith.constant 127 : i32
          %broadcast_in_dim3A_1706 = vector.broadcast %broadcast_in_dim3A_1705 : i32 to vector<16xi32>
          tpu.vector_store_idx %arg9[%add3A_300, %broadcast_in_dim3A_1706], %get3A_1690 : memref<128x128xf32, #tpu.memory_space<vmem>>[vector<16xi32>, vector<16xi32>], vector<16xf32>,
        }
        %scan3A_233 = arith.constant 8 : i32
        %mul3A_234 = arith.constant 1024 : i32
        %mul3A_235 = arith.muli %add3A_197, %mul3A_234 : i32
        %add3A_236 = arith.addi %add3A_22, %mul3A_235 : i32
        %jit3A_237 = arith.constant 128 : i32
        %div3A_238 = arith.divsi %add3A_236, %jit3A_237 : i32
        %sign3A_239 = arith.constant 0 : i32
        %sign3A_240 = arith.cmpi sgt, %add3A_236, %sign3A_239 : i32
        %sign3A_241 = arith.extui %sign3A_240 : i1 to i32
        %sign3A_242 = arith.constant 0 : i32
        %sign3A_243 = arith.cmpi slt, %add3A_236, %sign3A_242 : i32
        %sign3A_244 = arith.extui %sign3A_243 : i1 to i32
        %sign3A_245 = arith.subi %sign3A_241, %sign3A_244 : i32
        %sign3A_246 = arith.constant 0 : i32
        %sign3A_247 = arith.cmpi sgt, %jit3A_237, %sign3A_246 : i32
        %sign3A_248 = arith.extui %sign3A_247 : i1 to i32
        %sign3A_249 = arith.constant 0 : i32
        %sign3A_250 = arith.cmpi slt, %jit3A_237, %sign3A_249 : i32
        %sign3A_251 = arith.extui %sign3A_250 : i1 to i32
        %sign3A_252 = arith.subi %sign3A_248, %sign3A_251 : i32
        %ne3A_253 = arith.cmpi ne, %sign3A_245, %sign3A_252 : i32
        %rem3A_254 = arith.remsi %add3A_236, %jit3A_237 : i32
        %ne3A_255 = arith.constant 0 : i32
        %ne3A_256 = arith.cmpi ne, %rem3A_254, %ne3A_255 : i32
        %and3A_257 = arith.andi %ne3A_253, %ne3A_256 : i1
        %sub3A_258 = arith.constant 1 : i32
        %sub3A_259 = arith.subi %div3A_238, %sub3A_258 : i32
        %select_n3A_260 = arith.select %and3A_257, %sub3A_259, %div3A_238 : i32
        %mul3A_261 = arith.constant 8 : i32
        %mul3A_262 = arith.muli %select_n3A_260, %mul3A_261 : i32
        %dma_start3A_263 = arith.constant 0 : i32
        %dma_start3A_264 = arith.constant 0 : i32
        %dma_start3A_265 = tpu.memref_slice %arg9[%dma_start3A_263, %dma_start3A_264] : memref<128x128xf32, #tpu.memory_space<vmem>> -> memref<64x128xf32, #tpu.memory_space<vmem>>
        %dma_start3A_266 = arith.constant 0 : i32
        %dma_start3A_267 = tpu.memref_slice %arg4[%mul3A_262, %dma_start3A_266] : memref<409600x128xf32, #tpu.memory_space<hbm>> -> memref<64x128xf32, #tpu.memory_space<hbm>>
        %dma_start3A_268 = arith.constant 0 : i32
        %dma_start3A_269 = tpu.memref_slice %arg4[%mul3A_262, %dma_start3A_268] : memref<409600x128xf32, #tpu.memory_space<hbm>> -> memref<64x128xf32, #tpu.memory_space<hbm>>
        %dma_start3A_270 = arith.constant 0 : i32
        %dma_start3A_271 = arith.constant 0 : i32
        %dma_start3A_272 = tpu.memref_slice %arg9[%dma_start3A_270, %dma_start3A_271] : memref<128x128xf32, #tpu.memory_space<vmem>> -> memref<64x128xf32, #tpu.memory_space<vmem>>
        tpu.enqueue_dma source(%dma_start3A_272 : memref<64x128xf32, #tpu.memory_space<vmem>>) target(%dma_start3A_269 : memref<64x128xf32, #tpu.memory_space<hbm>>) target_semaphore(%arg13 : memref<!tpu.dma_semaphore, #tpu.memory_space<semaphore_mem>>)
        %add3A_273 = arith.constant 204800 : i32
        %add3A_274 = arith.addi %add3A_273, %mul3A_262 : i32
        %dma_start3A_275 = arith.constant 64 : i32
        %dma_start3A_276 = arith.constant 0 : i32
        %dma_start3A_277 = tpu.memref_slice %arg9[%dma_start3A_275, %dma_start3A_276] : memref<128x128xf32, #tpu.memory_space<vmem>> -> memref<64x128xf32, #tpu.memory_space<vmem>>
        %dma_start3A_278 = arith.constant 0 : i32
        %dma_start3A_279 = tpu.memref_slice %arg4[%add3A_274, %dma_start3A_278] : memref<409600x128xf32, #tpu.memory_space<hbm>> -> memref<64x128xf32, #tpu.memory_space<hbm>>
        %dma_start3A_280 = arith.constant 0 : i32
        %dma_start3A_281 = tpu.memref_slice %arg4[%add3A_274, %dma_start3A_280] : memref<409600x128xf32, #tpu.memory_space<hbm>> -> memref<64x128xf32, #tpu.memory_space<hbm>>
        %dma_start3A_282 = arith.constant 64 : i32
        %dma_start3A_283 = arith.constant 0 : i32
        %dma_start3A_284 = tpu.memref_slice %arg9[%dma_start3A_282, %dma_start3A_283] : memref<128x128xf32, #tpu.memory_space<vmem>> -> memref<64x128xf32, #tpu.memory_space<vmem>>
        tpu.enqueue_dma source(%dma_start3A_284 : memref<64x128xf32, #tpu.memory_space<vmem>>) target(%dma_start3A_281 : memref<64x128xf32, #tpu.memory_space<hbm>>) target_semaphore(%arg13 : memref<!tpu.dma_semaphore, #tpu.memory_space<semaphore_mem>>)
        %add3A_285 = arith.constant 2 : i32
        %add3A_286 = arith.addi %add3A_197, %add3A_285 : i32
        %lt3A_287 = arith.constant 50 : i32
        %lt3A_288 = arith.cmpi slt, %add3A_286, %lt3A_287 : i32
        %convert_element_type3A_289 = arith.extui %lt3A_288 : i1 to i32
        %cond3A_290 = arith.constant 0 : i32
        %cond3A_291 = arith.cmpi ne, %convert_element_type3A_289, %cond3A_290 : i32
        scf.if %cond3A_291 {
          %add3A_292 = arith.constant 2 : i32
          %add3A_293 = arith.addi %add3A_197, %add3A_292 : i32
          %mul3A_294 = arith.constant 1024 : i32
          %mul3A_295 = arith.muli %add3A_293, %mul3A_294 : i32
          %add3A_296 = arith.constant 0 : i32
          %add3A_297 = arith.addi %mul3A_295, %add3A_296 : i32
          %dma_start3A_298 = arith.constant 0 : i32
          %dma_start3A_299 = arith.constant 0 : i32
          %dma_start3A_300 = tpu.memref_slice %arg7[%dma_start3A_298, %dma_start3A_299] : memref<1024x16xf32, #tpu.memory_space<vmem>> -> memref<512x16xf32, #tpu.memory_space<vmem>>
          %dma_start3A_301 = tpu.memref_slice %arg5[%add3A_297] : memref<51200xi32, #tpu.memory_space<vmem>> -> memref<512xi32, #tpu.memory_space<vmem>>
          %dma_start3A_302 = arith.constant 0 : i32
          %dma_start3A_303 = arith.constant 0 : i32
          %dma_start3A_304 = tpu.memref_slice %arg2[%dma_start3A_302, %dma_start3A_303] : memref<1000000x16xf32, #tpu.memory_space<hbm>> -> memref<1000000x16xf32, #tpu.memory_space<hbm>>
          tpu.enqueue_indirect_dma source(%dma_start3A_304 : memref<1000000x16xf32, #tpu.memory_space<hbm>>) target(%dma_start3A_300 : memref<512x16xf32, #tpu.memory_space<vmem>>) offsets(%dma_start3A_301 : memref<512xi32, #tpu.memory_space<vmem>>) semaphore(%arg11 : memref<!tpu.dma_semaphore, #tpu.memory_space<semaphore_mem>>)
          %mul3A_305 = arith.constant 1024 : i32
          %mul3A_306 = arith.muli %add3A_293, %mul3A_305 : i32
          %add3A_307 = arith.constant 512 : i32
          %add3A_308 = arith.addi %mul3A_306, %add3A_307 : i32
          %dma_start3A_309 = arith.constant 512 : i32
          %dma_start3A_310 = arith.constant 0 : i32
          %dma_start3A_311 = tpu.memref_slice %arg7[%dma_start3A_309, %dma_start3A_310] : memref<1024x16xf32, #tpu.memory_space<vmem>> -> memref<512x16xf32, #tpu.memory_space<vmem>>
          %dma_start3A_312 = tpu.memref_slice %arg5[%add3A_308] : memref<51200xi32, #tpu.memory_space<vmem>> -> memref<512xi32, #tpu.memory_space<vmem>>
          %dma_start3A_313 = arith.constant 0 : i32
          %dma_start3A_314 = arith.constant 0 : i32
          %dma_start3A_315 = tpu.memref_slice %arg2[%dma_start3A_313, %dma_start3A_314] : memref<1000000x16xf32, #tpu.memory_space<hbm>> -> memref<1000000x16xf32, #tpu.memory_space<hbm>>
          tpu.enqueue_indirect_dma source(%dma_start3A_315 : memref<1000000x16xf32, #tpu.memory_space<hbm>>) target(%dma_start3A_311 : memref<512x16xf32, #tpu.memory_space<vmem>>) offsets(%dma_start3A_312 : memref<512xi32, #tpu.memory_space<vmem>>) semaphore(%arg11 : memref<!tpu.dma_semaphore, #tpu.memory_space<semaphore_mem>>)
        } else {
        }
      }
      %scan3A_58 = arith.constant 25 : i32
      %dma_wait3A = arith.constant 0 : i32
      %dma_wait3A_59 = arith.constant 0 : i32
      %dma_wait3A_60 = tpu.memref_slice %arg8[%dma_wait3A, %dma_wait3A_59] : memref<128x128xf32, #tpu.memory_space<vmem>> -> memref<64x128xf32, #tpu.memory_space<vmem>>
      %dma_wait3A_61 = arith.constant 0 : i32
      %dma_wait3A_62 = arith.constant 0 : i32
      %dma_wait3A_63 = tpu.memref_slice %arg4[%dma_wait3A_61, %dma_wait3A_62] : memref<409600x128xf32, #tpu.memory_space<hbm>> -> memref<64x128xf32, #tpu.memory_space<hbm>>
      %dma_wait3A_64 = arith.constant 0 : i32
      %dma_wait3A_65 = arith.constant 0 : i32
      %dma_wait3A_66 = tpu.memref_slice %arg8[%dma_wait3A_64, %dma_wait3A_65] : memref<128x128xf32, #tpu.memory_space<vmem>> -> memref<64x128xf32, #tpu.memory_space<vmem>>
      %dma_wait3A_67 = arith.constant 0 : i32
      %dma_wait3A_68 = arith.constant 0 : i32
      %dma_wait3A_69 = tpu.memref_slice %arg4[%dma_wait3A_67, %dma_wait3A_68] : memref<409600x128xf32, #tpu.memory_space<hbm>> -> memref<64x128xf32, #tpu.memory_space<hbm>>
      tpu.wait_dma2 semaphore(%arg12 : memref<!tpu.dma_semaphore, #tpu.memory_space<semaphore_mem>>) src(%dma_wait3A_69 : memref<64x128xf32, #tpu.memory_space<hbm>>) dst(%dma_wait3A_66 : memref<64x128xf32, #tpu.memory_space<vmem>>)
      %dma_wait3A_70 = arith.constant 64 : i32
      %dma_wait3A_71 = arith.constant 0 : i32
      %dma_wait3A_72 = tpu.memref_slice %arg8[%dma_wait3A_70, %dma_wait3A_71] : memref<128x128xf32, #tpu.memory_space<vmem>> -> memref<64x128xf32, #tpu.memory_space<vmem>>
      %dma_wait3A_73 = arith.constant 0 : i32
      %dma_wait3A_74 = arith.constant 0 : i32
      %dma_wait3A_75 = tpu.memref_slice %arg4[%dma_wait3A_73, %dma_wait3A_74] : memref<409600x128xf32, #tpu.memory_space<hbm>> -> memref<64x128xf32, #tpu.memory_space<hbm>>
      %dma_wait3A_76 = arith.constant 64 : i32
      %dma_wait3A_77 = arith.constant 0 : i32
      %dma_wait3A_78 = tpu.memref_slice %arg8[%dma_wait3A_76, %dma_wait3A_77] : memref<128x128xf32, #tpu.memory_space<vmem>> -> memref<64x128xf32, #tpu.memory_space<vmem>>
      %dma_wait3A_79 = arith.constant 0 : i32
      %dma_wait3A_80 = arith.constant 0 : i32
      %dma_wait3A_81 = tpu.memref_slice %arg4[%dma_wait3A_79, %dma_wait3A_80] : memref<409600x128xf32, #tpu.memory_space<hbm>> -> memref<64x128xf32, #tpu.memory_space<hbm>>
      tpu.wait_dma2 semaphore(%arg12 : memref<!tpu.dma_semaphore, #tpu.memory_space<semaphore_mem>>) src(%dma_wait3A_81 : memref<64x128xf32, #tpu.memory_space<hbm>>) dst(%dma_wait3A_78 : memref<64x128xf32, #tpu.memory_space<vmem>>)
      %dma_wait3A_82 = arith.constant 0 : i32
      %dma_wait3A_83 = arith.constant 0 : i32
      %dma_wait3A_84 = tpu.memref_slice %arg9[%dma_wait3A_82, %dma_wait3A_83] : memref<128x128xf32, #tpu.memory_space<vmem>> -> memref<64x128xf32, #tpu.memory_space<vmem>>
      %dma_wait3A_85 = arith.constant 0 : i32
      %dma_wait3A_86 = arith.constant 0 : i32
      %dma_wait3A_87 = tpu.memref_slice %arg4[%dma_wait3A_85, %dma_wait3A_86] : memref<409600x128xf32, #tpu.memory_space<hbm>> -> memref<64x128xf32, #tpu.memory_space<hbm>>
      %dma_wait3A_88 = arith.constant 0 : i32
      %dma_wait3A_89 = arith.constant 0 : i32
      %dma_wait3A_90 = tpu.memref_slice %arg9[%dma_wait3A_88, %dma_wait3A_89] : memref<128x128xf32, #tpu.memory_space<vmem>> -> memref<64x128xf32, #tpu.memory_space<vmem>>
      %dma_wait3A_91 = arith.constant 0 : i32
      %dma_wait3A_92 = arith.constant 0 : i32
      %dma_wait3A_93 = tpu.memref_slice %arg4[%dma_wait3A_91, %dma_wait3A_92] : memref<409600x128xf32, #tpu.memory_space<hbm>> -> memref<64x128xf32, #tpu.memory_space<hbm>>
      tpu.wait_dma2 semaphore(%arg13 : memref<!tpu.dma_semaphore, #tpu.memory_space<semaphore_mem>>) src(%dma_wait3A_93 : memref<64x128xf32, #tpu.memory_space<hbm>>) dst(%dma_wait3A_90 : memref<64x128xf32, #tpu.memory_space<vmem>>)
      %dma_wait3A_94 = arith.constant 64 : i32
      %dma_wait3A_95 = arith.constant 0 : i32
      %dma_wait3A_96 = tpu.memref_slice %arg9[%dma_wait3A_94, %dma_wait3A_95] : memref<128x128xf32, #tpu.memory_space<vmem>> -> memref<64x128xf32, #tpu.memory_space<vmem>>
      %dma_wait3A_97 = arith.constant 0 : i32
      %dma_wait3A_98 = arith.constant 0 : i32
      %dma_wait3A_99 = tpu.memref_slice %arg4[%dma_wait3A_97, %dma_wait3A_98] : memref<409600x128xf32, #tpu.memory_space<hbm>> -> memref<64x128xf32, #tpu.memory_space<hbm>>
      %dma_wait3A_100 = arith.constant 64 : i32
      %dma_wait3A_101 = arith.constant 0 : i32
      %dma_wait3A_102 = tpu.memref_slice %arg9[%dma_wait3A_100, %dma_wait3A_101] : memref<128x128xf32, #tpu.memory_space<vmem>> -> memref<64x128xf32, #tpu.memory_space<vmem>>
      %dma_wait3A_103 = arith.constant 0 : i32
      %dma_wait3A_104 = arith.constant 0 : i32
      %dma_wait3A_105 = tpu.memref_slice %arg4[%dma_wait3A_103, %dma_wait3A_104] : memref<409600x128xf32, #tpu.memory_space<hbm>> -> memref<64x128xf32, #tpu.memory_space<hbm>>
      tpu.wait_dma2 semaphore(%arg13 : memref<!tpu.dma_semaphore, #tpu.memory_space<semaphore_mem>>) src(%dma_wait3A_105 : memref<64x128xf32, #tpu.memory_space<hbm>>) dst(%dma_wait3A_102 : memref<64x128xf32, #tpu.memory_space<vmem>>)
    }
    %scan3A_14 = arith.constant 2 : i32
    return
  }
}

</mosaic_0001>

<sc_bundles>
// kernel: _gather.3.cloned.1.call-start
scs
__scs_entry_jumppad:
0x0: {  	(pc) =	sbr.rel $0x88, $3  }
0x1: {  	(tag) =	ssettag $0x0;
	lr =	simm.s32 $0x1  }
0x2: {  	[smem:$0x3F9F] =	sst lr;
	_ =	strace $0xD0000000  }
0x3: {  	_ = 	snop  }
0x4: {  	_ = 	snop  }
0x5: {  	_ = 	snop  }
0x6: {  	_ = 	snop  }
0x7: {  	_ = 	snop  }
__scs_overlays_trampoline_lowered:
0x8: {  	[smem:$0x3FAE] =	sst s0  }
0x9: {  	[smem:$0x3FAF] =	sst s1  }
0xa: {  	[smem:$0x3FB0] =	sst s2  }
0xb: {  	[smem:$0x3FB1] =	sst s3  }
0xc: {  	[smem:$0x3FB2] =	sst s4  }
0xd: {  	[smem:$0x3FB3] =	sst s5  }
0xe: {  	[smem:$0x3FB4] =	sst s6  }
0xf: {  	[smem:$0x3FB5] =	sst s7  }
0x10: {  	[smem:$0x3FB6] =	sst s8  }
0x11: {  	[smem:$0x3FB7] =	sst s9;
	s0 =	simm.s32 @!p0 $0x0  }
0x12: {  	s1 =	sld [smem:$0x3F9D];
	s0 =	simm.s32 @p0 $0x1  }
0x13: {  	[smem:$0x3FB8] =	sst s0;
	s0 =	simm.s32 @!p1 $0x0  }
0x14: {  	s2 =	sld [smem:$0x3F9C];
	s0 =	simm.s32 @p1 $0x1  }
0x15: {  	[smem:$0x3FB9] =	sst s0;
	s0 =	simm.s32 @!p2 $0x0  }
0x16: {  	s3 =	sld [smem:$0x3FDB];
	s0 =	simm.s32 @p2 $0x1  }
0x17: {  	s4 =	simm.s32 $0x1BF5;
	[smem:$0x3FBB] =	sst s0  }
0x18: {  	s0 =	sld [smem:$0x3F9E];
	_ =	swait.ge [sflag:s4], $0x0  }
0x19: {  	s7 =	sld [smem:$0x3F9F]  }
0x1a: {  	s8 =	sadd.s32 $0xFFFFE003, lr  }
0x1b: {  	s9 =	sadd.s32 $0xFFFFFEF7, lr;
	s5 =	simm.s32 $0xFFFFFFFF;
	p2 =	slt.u32 s8, $0xFFFFF086  }
0x1c: {  	p1 =	slt.u32 s9, $0xF7A;
	s5 =	simm.s32 @!p2 $0x0  }
0x1d: {  	s5 =	simm.s32 @p1 $0x1;
	p0 =	seq.s32 s7, s2  }
0x1e: {  	s7 =	smul.u32 @!p0 $0xF7A, s2;
	p2 =	seq.s32 @!p0 s5, $0x0  }
0x1f: {  	s9 =	smul.u32 $0xF7A, s1;
	s8 =	simm.s32 @!p0 $0x1BF5;
	p2 =	por !p2, p0  }
0x20: {  	[sflag:s8] =	ssyncset.s32 @!p0 $0xFFFFF086;
	s6 =	sadd.s32 @!p0 s3, s7;
	s7 =	simm.s32 @!p0 $0x108  }
0x21: {  	s3 =	sadd.s32 s3, s9;
	s6 =	sadd.s32 @!p0 $0x88, s6;
	s7 =	simm.s32 @p2 $0x1082  }
0x22: {  	[simem:s7], [sflag:s8] =	dma.local @!p0 [hbm:s6], $0xF7A  }
0x23: {  	s9 =	sor.u32 $0xD0000000, s2;
	s6 =	simm.s32 $0x108;
	_ =	swait.ge @!p0 [sflag:s8], $0x0  }
0x24: {  	s3 =	sadd.s32 $0x88, s3;
	s6 =	simm.s32 @!p1 $0x1082;
	[sflag:s4] =	ssyncset.s32 $0xFFFFF086  }
0x25: {  	[simem:s6], [sflag:s4] =	dma.local [hbm:s3], $0xF7A  }
0x26: {  	[smem:$0x3F9F] =	sst s1;
	(tag) =	ssettag s2;
	_ =	strace s9  }
0x27: {  	s1 =	sld [smem:$0x3FAF]  }
0x28: {  	s2 =	sld [smem:$0x3FB0]  }
0x29: {  	s4 =	sld [smem:$0x3FB2]  }
0x2a: {  	p0 =	seq.s32 s5, $0x0;
	s5 =	sld [smem:$0x3FB3]  }
0x2b: {  	s6 =	sld [smem:$0x3FB4]  }
0x2c: {  	s7 =	sld [smem:$0x3FB5]  }
0x2d: {  	s3 =	simm.s32 $0x108;
	s8 =	sld [smem:$0x3FB6]  }
0x2e: {  	s3 =	simm.s32 @!p0 $0x1082;
	s9 =	sld [smem:$0x3FB7]  }
0x2f: {  	lr =	sadd.s32 s0, s3;
	s0 =	sld [smem:$0x3FAE]  }
0x30: {  	s3 =	sld [smem:$0x3FB1]  }
0x31: {  	[smem:$0x3FBA] =	sst s10  }
0x32: {  	s10 =	sld [smem:$0x3FB8];
	_ =	sdelay $0x3  }
0x33: {  	p0 =	seq.s32 s10, $0x1;
	s10 =	sld [smem:$0x3FBA];
	_ =	sdelay $0x3  }
0x34: {  	[smem:$0x3FBA] =	sst s10  }
0x35: {  	s10 =	sld [smem:$0x3FB9];
	_ =	sdelay $0x3  }
0x36: {  	p1 =	seq.s32 s10, $0x1;
	s10 =	sld [smem:$0x3FBA];
	_ =	sdelay $0x3  }
0x37: {  	[smem:$0x3FBA] =	sst s10  }
0x38: {  	s10 =	sld [smem:$0x3FBB]  }
0x39: {  	_ = 	snop;
	(pc) =	sbr.ind lr, $3  }
0x3a: {  	_ = 	snop  }
0x3b: {  	_ = 	snop  }
0x3c: {  	p2 =	seq.s32 s10, $0x1;
	s10 =	sld [smem:$0x3FBA]  }
0x3d: {  	_ =	shalt  }
0x3e: {  	_ =	shalt  }
0x3f: {  	_ =	shalt  }
0x40: {  	_ =	shalt  }
0x41: {  	_ =	shalt  }
0x42: {  	_ =	shalt  }
0x43: {  	_ =	shalt  }
0x44: {  	_ =	shalt  }
0x45: {  	_ =	shalt  }
0x46: {  	_ =	shalt  }
0x47: {  	_ =	shalt  }
0x48: {  	_ =	shalt  }
0x49: {  	_ =	shalt  }
0x4a: {  	_ =	shalt  }
0x4b: {  	_ =	shalt  }
0x4c: {  	_ =	shalt  }
0x4d: {  	_ =	shalt  }
0x4e: {  	_ =	shalt  }
0x4f: {  	_ =	shalt  }
0x50: {  	_ =	shalt  }
0x51: {  	_ =	shalt  }
0x52: {  	_ =	shalt  }
0x53: {  	_ =	shalt  }
0x54: {  	_ =	shalt  }
0x55: {  	_ =	shalt  }
0x56: {  	_ =	shalt  }
0x57: {  	_ =	shalt  }
0x58: {  	_ =	shalt  }
0x59: {  	_ =	shalt  }
0x5a: {  	_ =	shalt  }
0x5b: {  	_ =	shalt  }
0x5c: {  	_ =	shalt  }
0x5d: {  	_ =	shalt  }
0x5e: {  	_ =	shalt  }
0x5f: {  	_ =	shalt  }
0x60: {  	_ =	shalt  }
0x61: {  	_ =	shalt  }
0x62: {  	_ =	shalt  }
0x63: {  	_ =	shalt  }
0x64: {  	_ =	shalt  }
0x65: {  	_ =	shalt  }
0x66: {  	_ =	shalt  }
0x67: {  	_ =	shalt  }
0x68: {  	_ =	shalt  }
0x69: {  	_ =	shalt  }
0x6a: {  	_ =	shalt  }
0x6b: {  	_ =	shalt  }
0x6c: {  	_ =	shalt  }
0x6d: {  	_ =	shalt  }
0x6e: {  	_ =	shalt  }
0x6f: {  	_ =	shalt  }
0x70: {  	_ =	shalt  }
0x71: {  	_ =	shalt  }
0x72: {  	_ =	shalt  }
0x73: {  	_ =	shalt  }
0x74: {  	_ =	shalt  }
0x75: {  	_ =	shalt  }
0x76: {  	_ =	shalt  }
0x77: {  	_ =	shalt  }
0x78: {  	_ =	shalt  }
0x79: {  	_ =	shalt  }
0x7a: {  	_ =	shalt  }
0x7b: {  	_ =	shalt  }
0x7c: {  	_ =	shalt  }
0x7d: {  	_ =	shalt  }
0x7e: {  	_ =	shalt  }
0x7f: {  	_ =	shalt  }
0x80: {  	_ =	shalt  }
0x81: {  	_ =	shalt  }
0x82: {  	_ =	shalt  }
0x83: {  	_ =	shalt  }
0x84: {  	_ =	shalt  }
0x85: {  	_ =	shalt  }
0x86: {  	_ =	shalt  }
0x87: {  	_ =	shalt  }
.Lfunc_end0:
.L_simem_size_0:
called_computation_lowered:
.L_overlay_start_0:
0x88: {  	s2 =	sld [smem:$0x3FD9]  }
0x89: {  	s3 =	sld [smem:$0x3FFE];
	_ =	sdelay $0x1  }
0x8a: {  	s1 =	srdreg.scid  }
0x8b: {  	s0 =	sand.u32 $0x1, s1  }
0x8c: {  	s17 =	sshll.u32 s0, $0xA;
	s2 =	sadd.s32 s3, s2  }
0x8d: {  	s2 =	sadd.s32 s2, s17  }
0x8e: {  	[smem:$0x3FC6] =	sst s2  }
0x8f: {  	_ = 	snop  }
0x90: {  	s2 =	sld [smem:$0x3FC8]  }
0x91: {  	s18 =	sld [smem:$0x3FD0];
	(tm) =	ssettm $0x1  }
0x92: {  	s4 =	sld [smem:$0x3FFB];
	_ =	sdelay $0x3  }
0x93: {  	_ =	strace s4  }
0x94: {  	s4 =	sld [smem:$0x3FFC];
	_ =	sdelay $0x3  }
0x95: {  	_ =	strace s4  }
0x96: {  	s4 =	sld [smem:$0x3FFD];
	_ =	sdelay $0x3  }
0x97: {  	_ =	strace s4  }
0x98: {  	_ =	strace $0x8FFFFFFF  }
0x99: {  	s19 =	sld [smem:$0x3FDB];
	_ =	sdelay $0x1  }
0x9a: {  	s5 =	simm.s32 $_scs_section_size  }
0x9b: {  	s6 =	simm.s32 $_size__tile_overlayer_lowered;
	s7 =	simm.s32 $_tile_overlayer_lowered  }
0x9c: {  	s22 =	simm.s32 $0x1BFF;
	s21 =	sshll.u32 s7, $0x1;
	s4 =	sadd.s32 s5, s19  }
0x9d: {  	s8 =	simm.s32 $0x0;
	s20 =	sshll.u32 s6, $0x1;
	s6 =	sadd.s32 s21, s4  }
0x9e: {  	[timem:s8], [sflag:s22] =	dma.local [hbm:s6], s20  }
0x9f: {  	_ =	swait.ge [sflag:s22], s20  }
0xa0: {  	s5 =	ssub.s32 $0x0, s20;
	[sflag:s22] =	ssyncset.done $0x0  }
0xa1: {  	[sflag:s22] =	ssyncadd.s32 s5;
	_ =	sdelay $0x1  }
0xa2: {  	s23 =	simm.s32 $0x1B8B  }
0xa3: {  	_ =	swait.ge [sflag:s23], $0x1  }
0xa4: {  	[sflag:s23] =	ssyncset.done $0x0  }
0xa5: {  	s25 =	simm.s32 $0x1B8E;
	s24 =	sld [smem:$0x3FFE];
	[sflag:s23] =	ssyncadd.s32 $0xFFFFFFFF  }
0xa6: {  	s26 =	simm.s32 $execute0_lowered;
	[smem:$0x3FD2] =	sst s25  }
0xa7: {  	s6 =	sshll.u32 s26, $0x1;
	_ =	strace $0x80000046;
	[dreg:$0x1] =	wrdreg $0xFFFFFFFF  }
0xa8: {  	s28 =	simm.s32 $_size_execute0_lowered;
	s4 =	sadd.s32 s4, s6;
	[dreg:$0x0] =	wrdreg $0x0  }
0xa9: {  	s6 =	sshll.u32 s28, $0x1;
	[dreg:$0x2] =	wrdreg s4  }
0xaa: {  	[dreg:$0x3] =	wrdreg s6  }
0xab: {  	[dreg:$0x4] =	wrdreg $0xC0  }
0xac: {  	_ =	task [dreg:s8], $0x5FFFF  }
0xad: {  	[dreg:$0x1] =	wrdreg $0xFFFFFFFF  }
0xae: {  	[dreg:$0x0] =	wrdreg $0x60  }
0xaf: {  	[dreg:$0x2] =	wrdreg s24  }
0xb0: {  	[dreg:$0x3] =	wrdreg s2  }
0xb1: {  	[dreg:$0x4] =	wrdreg s18  }
0xb2: {  	[dreg:$0x5] =	wrdreg $0x9  }
0xb3: {  	_ =	task.clear_ibuf [dreg:s8], $0x6FFFF;
	_ =	strace $0x90000046  }
0xb4: {  	s29 =	simm.s32 $0x9;
	_ =	strace $0x80000048  }
0xb5: {  	_ =	swait.ge [sflag:s29], $0x1  }
0xb6: {  	[sflag:s29] =	ssyncadd.s32 $0xFFFFFFFF  }
0xb7: {  	_ =	strace $0x90000048  }
0xb8: {  	_ =	sfence  }
0xb9: {  	s30 =	sld [smem:$0x0];
	_ =	sdelay $0x2  }
0xba: {  	s31 =	sshll.u32 s1, $0xD;
	s1 =	sshrl.u32 s1, $0x2  }
0xbb: {  	s3 =	sand.u32 $0x4000, s31;
	s1 =	sadd.s32 s1, s30  }
0xbc: {  	s0 =	sor.u32 s3, s0;
	s1 =	sshll.u32 s1, $0x11  }
0xbd: {  	s0 =	sor.u32 s1, s0  }
0xbe: {  	s0 =	sadd.s32 $0x8F2B, s0  }
0xbf: {  	[sflag:s0] =	ssyncadd.remote.s32 $0x1  }
0xc0: {  	_ =	sfence.sel $0xFFFF  }
0xc1: {  	[dreg:$0x0] =	wrdreg $0xFFFFFFFF;
	(pc) =	sbr.abs _section_cstart, $3  }
0xc2: {  	[dreg:$0x1] =	wrdreg $0xFFFFFFFF  }
0xc3: {  	_ =	task.clear_ibuf [dreg:s8], $0x2FFFF;
	_ =	strace $0x9FFFFFFF  }
0xc4: {  	(tm) =	ssettm $0x7FFFFFFF  }
0xc5: {  	_ =	shalt  }
tec
execute0_lowered:
.L_overlay_start_1:
0x0: {  	(tag) =	ssettag $0x1  }
0x1: {  	v0 =	vimm.s32 $0x2380;
	vm0 =	vcmask $0x300  }
0x2: {  	vm14 =	vcmask $0x704;
	v0 =	vsel vm0, $0x0, v0  }
0x3: {  	s5 =	rddreg [dreg:$0x0];
	vm15 =	vcmask $0xB08;
	v0 =	vsel vm14, $0x80, v0  }
0x4: {  	s0 =	rddreg [dreg:$0x1];
	vm4 =	vcmask $0xF0C;
	v0 =	vsel vm15, $0x100, v0  }
0x5: {  	s2 =	rddreg [dreg:$0x2];
	vm5 =	vcmask $0x1310;
	v0 =	vsel vm4, $0x180, v0  }
0x6: {  	s3 =	srdreg.scid;
	vm6 =	vcmask $0x1714;
	s4 =	simm.s32 $0x0;
	s10 =	simm.s32 $0x200;
	v0 =	vsel vm5, $0x200, v0  }
0x7: {  	vm7 =	vcmask $0x1B18;
	s11 =	simm.s32 $0xC800;
	s12 =	simm.s32 $0xE800;
	s13 =	simm.s32 $0x400;
	v0 =	vsel vm6, $0x280, v0  }
0x8: {  	vm8 =	vcmask $0x1F1C;
	s14 =	simm.s32 $0x10800;
	s15 =	simm.s32 $0x600;
	s16 =	simm.s32 $0x12800;
	v0 =	vsel vm7, $0x300, v0  }
0x9: {  	vm9 =	vcmask $0x2320;
	s17 =	simm.s32 $0x1;
	s18 =	simm.s32 $0x14800;
	s19 =	simm.s32 $0x16800;
	v0 =	vsel vm8, $0x380, v0  }
0xa: {  	vm10 =	vcmask $0x2724;
	s20 =	simm.s32 $0x2;
	s21 =	simm.s32 $0x18800;
	s22 =	simm.s32 $0x1A800;
	v0 =	vsel vm9, $0x2000, v0  }
0xb: {  	vm11 =	vcmask $0x2B28;
	s23 =	simm.s32 $0x3;
	s24 =	simm.s32 $0x4;
	s25 =	simm.s32 $0x0;
	v0 =	vsel vm10, $0x2080, v0  }
.Ltmp0:
0xc: {  	vm12 =	vcmask $0x2F2C;
	s6 =	sand.u32 $0x1, s3;
	s3 =	stileid.u32;
	v0 =	vsel vm11, $0x2100, v0;
	(pc) =	sbr.rel .LBB2_1-.Ltmp0, $4  }
0xd: {  	vm13 =	vcmask $0x3330;
	[smem:$0x7FF] =	sst s4;
	s5 =	sadd.s32 $0xF42800, s5;
	s7 =	ssub.s32 $0x2, s6;
	v0 =	vsel vm12, $0x2180, v0  }
0xe: {  	s9 =	sshll.u32 s3, $0x1;
	_ =	strace $0x80000047;
	vm14 =	vcmask $0x3734;
	s8 =	sshrl.u32 s7, $0x1;
	v0 =	vsel vm13, $0x2200, v0  }
0xf: {  	s6 =	sor.u32 s6, s9;
	s9 =	simm.s32 $0x5;
	vm15 =	vcmask $0x3B38;
	s7 =	ssub.s32 s7, s8;
	v0 =	vsel vm14, $0x2280, v0  }
0x10: {  	s6 =	smul.u32 $0x19000, s6;
	s8 =	sadd.s32 $0x320000, s2;
	s7 =	smax.u32 s7, $0x1;
	v0 =	vsel vm15, $0x2300, v0  }
.LBB2_10:
0x11: {  	s25 =	sadd.s32 $0x1, s25  }
0x12: {  	p0 =	sne.s32 s25, s7  }
.Ltmp1:
0x13: {  	_ = 	snop;
	(pc) =	sbr.rel @!p0 .LBB2_11-.Ltmp1, $1  }
0x14: {  	_ =	sdelay $0x3  }
.LBB2_1:
.Ltmp2:
0x15: {  	(pc) =	sbr.rel .LBB2_2-.Ltmp2, $2  }
0x16: {  	_ =	sdelay $0x2  }
0x17: {  	p1 =	por $0x1, $0x1;
	s26 =	simm.s32 $0x0  }
.LBB2_9:
0x18: {  	_ =	swait.ge [sflag:s23], $0x2000  }
0x19: {  	[sflag:s23] =	ssyncset.done $0x0  }
0x1a: {  	[sflag:s23] =	ssyncadd.s32 $0xFFFFE000  }
0x1b: {  	_ =	swait.ge [sflag:s23], $0x2000  }
0x1c: {  	[sflag:s23] =	ssyncset.done $0x0  }
0x1d: {  	[sflag:s23] =	ssyncadd.s32 $0xFFFFE000  }
0x1e: {  	_ =	swait.ge [sflag:s24], $0x2000  }
.Ltmp3:
0x1f: {  	[sflag:s24] =	ssyncset.done $0x0;
	(pc) =	sbr.rel @!p0 .LBB2_10-.Ltmp3, $4  }
0x20: {  	[sflag:s24] =	ssyncadd.s32 $0xFFFFE000  }
0x21: {  	_ =	swait.ge [sflag:s24], $0x2000  }
0x22: {  	[sflag:s24] =	ssyncset.done $0x0  }
0x23: {  	s26 =	simm.s32 $0xC800;
	p1 =	por $0x0, $0x0;
	[sflag:s24] =	ssyncadd.s32 $0xFFFFE000  }
.LBB2_2:
0x24: {  	s26 =	sadd.s32 s6, s26  }
0x25: {  	s28 =	sshrl.u32 s26, $0x3  }
0x26: {  	s29 =	sadd.s32 s0, s28;
	s28 =	simm.s32 $0x0  }
0x27: {  	[tilespmem:s28], [sflag:$0x5] =	stream.linear.gather [hbm4b:s29+s28], $0xC800, $0x38;
	[tilespmem:$0x1C800] =	vst v63  }
0x28: {  	_ =	swait.ge [sflag:s9], $0xC800  }
0x29: {  	[sflag:s9] =	ssyncset.done $0x0  }
0x2a: {  	[sflag:s9] =	ssyncadd.s32 $0xFFFF3800  }
0x2b: {  	[tilespmem:s11], [sflag:$0x1] =	stream.indirect.gather [hbm4b:s5+s10], $0x10, s28, s10, $0xb8;
	[tilespmem:$0x1C800] =	vst v63  }
0x2c: {  	_ = 	snop  }
0x2d: {  	[tilespmem:s12], [sflag:$0x1] =	stream.indirect.gather [hbm4b:s5+s10], $0x10, s10, s10, $0xb8;
	[tilespmem:$0x1C800] =	vst v63  }
0x2e: {  	_ = 	snop  }
0x2f: {  	[tilespmem:s14], [sflag:$0x2] =	stream.indirect.gather [hbm4b:s5+s10], $0x10, s13, s10, $0xb8;
	[tilespmem:$0x1C800] =	vst v63  }
0x30: {  	p0 =	por p1, p1  }
0x31: {  	[tilespmem:s16], [sflag:$0x2] =	stream.indirect.gather [hbm4b:s5+s10], $0x10, s15, s10, $0xb8;
	[tilespmem:$0x1C800] =	vst v63  }
.LBB2_3:
0x32: {  	_ =	swait.ge [sflag:s17], $0x2000  }
0x33: {  	[sflag:s17] =	ssyncset.done $0x0  }
0x34: {  	[sflag:s17] =	ssyncadd.s32 $0xFFFFE000  }
0x35: {  	_ =	swait.ge [sflag:s17], $0x2000  }
0x36: {  	p1 =	seq.s32 s28, $0x0;
	[sflag:s17] =	ssyncset.done $0x0  }
0x37: {  	s30 =	simm.s32 @!p1 $0x3;
	[sflag:s17] =	ssyncadd.s32 $0xFFFFE000  }
0x38: {  	_ =	swait.ge @!p1 [sflag:s30], $0x2000  }
0x39: {  	[sflag:s30] =	ssyncset.done @!p1 $0x0  }
0x3a: {  	[sflag:s30] =	ssyncadd.s32 @!p1 $0xFFFFE000  }
0x3b: {  	_ =	swait.ge @!p1 [sflag:s30], $0x2000  }
0x3c: {  	s29 =	sshll.u32 s28, $0xB;
	[sflag:s30] =	ssyncset.done @!p1 $0x0  }
0x3d: {  	s31 =	simm.s32 $0x0;
	[sflag:s30] =	ssyncadd.s32 @!p1 $0xFFFFE000;
	s30 =	simm.s32 $0xCC00  }
.LBB2_4:
0x3e: {  	v2 =	vld [tilespmem:s30+$0xFFFFFC00];
	v1 =	vmov s31  }
0x3f: {  	v3 =	vld [tilespmem:s30+$0xFFFFFC10];
	v1 =	vshll.u32 v1, $0x7  }
0x40: {  	v4 =	vld [tilespmem:s30+$0xFFFFFC20];
	v1 =	vor.u32 v0, v1  }
0x41: {  	v5 =	vld [tilespmem:s30+$0xFFFFFC30];
	v7 =	vor.u32 $0x1, v1  }
0x42: {  	v6 =	vld [tilespmem:s30+$0xFFFFFC40];
	v9 =	vor.u32 $0x2, v1  }
0x43: {  	v8 =	vld [tilespmem:s30+$0xFFFFFC50];
	v11 =	vor.u32 $0x3, v1  }
0x44: {  	v10 =	vld [tilespmem:s30+$0xFFFFFC60];
	v13 =	vor.u32 $0x4, v1  }
0x45: {  	v12 =	vld [tilespmem:s30+$0xFFFFFC70];
	[tilespmem:v1+s18+$0x0] =	vst.idx.msk $0xffff, v2;
	v2 =	vor.u32 $0x5, v1  }
0x46: {  	[tilespmem:v7+s18+$0x0] =	vst.idx.msk $0xffff, v3;
	v3 =	vor.u32 $0x6, v1  }
0x47: {  	v23 =	vor.u32 $0x7, v1;
	[tilespmem:v9+s18+$0x0] =	vst.idx.msk $0xffff, v4  }
0x48: {  	[tilespmem:v11+s18+$0x0] =	vst.idx.msk $0xffff, v5  }
0x49: {  	[tilespmem:v13+s18+$0x0] =	vst.idx.msk $0xffff, v6  }
0x4a: {  	[tilespmem:v2+s18+$0x0] =	vst.idx.msk $0xffff, v8  }
0x4b: {  	[tilespmem:v3+s18+$0x0] =	vst.idx.msk $0xffff, v10  }
0x4c: {  	[tilespmem:v23+s18+$0x0] =	vst.idx.msk $0xffff, v12  }
0x4d: {  	v2 =	vld [tilespmem:s30+$0xFFFFFC80]  }
0x4e: {  	v3 =	vld [tilespmem:s30+$0xFFFFFC90]  }
0x4f: {  	v24 =	vor.u32 $0x8, v1;
	v4 =	vld [tilespmem:s30+$0xFFFFFCA0]  }
0x50: {  	v25 =	vor.u32 $0x9, v1;
	v5 =	vld [tilespmem:s30+$0xFFFFFCB0]  }
0x51: {  	v26 =	vor.u32 $0xA, v1;
	v7 =	vld [tilespmem:s30+$0xFFFFFCC0]  }
0x52: {  	v27 =	vor.u32 $0xB, v1;
	v9 =	vld [tilespmem:s30+$0xFFFFFCD0]  }
0x53: {  	v14 =	vor.u32 $0xC, v1;
	v11 =	vld [tilespmem:s30+$0xFFFFFCE0]  }
0x54: {  	v13 =	vld [tilespmem:s30+$0xFFFFFCF0];
	[tilespmem:v24+s18+$0x0] =	vst.idx.msk $0xffff, v2;
	v2 =	vor.u32 $0xD, v1  }
0x55: {  	[tilespmem:v25+s18+$0x0] =	vst.idx.msk $0xffff, v3;
	v3 =	vor.u32 $0xE, v1  }
0x56: {  	v28 =	vor.u32 $0xF, v1;
	[tilespmem:v26+s18+$0x0] =	vst.idx.msk $0xffff, v4  }
0x57: {  	[tilespmem:v27+s18+$0x0] =	vst.idx.msk $0xffff, v5  }
0x58: {  	[tilespmem:v14+s18+$0x0] =	vst.idx.msk $0xffff, v7  }
0x59: {  	[tilespmem:v2+s18+$0x0] =	vst.idx.msk $0xffff, v9  }
0x5a: {  	[tilespmem:v3+s18+$0x0] =	vst.idx.msk $0xffff, v11  }
0x5b: {  	[tilespmem:v28+s18+$0x0] =	vst.idx.msk $0xffff, v13  }
0x5c: {  	v2 =	vld [tilespmem:s30+$0xFFFFFD00]  }
0x5d: {  	v3 =	vld [tilespmem:s30+$0xFFFFFD10]  }
0x5e: {  	v29 =	vor.u32 $0x10, v1;
	v4 =	vld [tilespmem:s30+$0xFFFFFD20]  }
0x5f: {  	v30 =	vor.u32 $0x11, v1;
	v5 =	vld [tilespmem:s30+$0xFFFFFD30]  }
0x60: {  	v31 =	vor.u32 $0x12, v1;
	v7 =	vld [tilespmem:s30+$0xFFFFFD40]  }
0x61: {  	v32 =	vor.u32 $0x13, v1;
	v9 =	vld [tilespmem:s30+$0xFFFFFD50]  }
0x62: {  	v33 =	vor.u32 $0x14, v1;
	v11 =	vld [tilespmem:s30+$0xFFFFFD60]  }
0x63: {  	v13 =	vld [tilespmem:s30+$0xFFFFFD70];
	[tilespmem:v29+s18+$0x0] =	vst.idx.msk $0xffff, v2;
	v2 =	vor.u32 $0x15, v1  }
0x64: {  	[tilespmem:v30+s18+$0x0] =	vst.idx.msk $0xffff, v3;
	v3 =	vor.u32 $0x16, v1  }
0x65: {  	v34 =	vor.u32 $0x17, v1;
	[tilespmem:v31+s18+$0x0] =	vst.idx.msk $0xffff, v4  }
0x66: {  	[tilespmem:v32+s18+$0x0] =	vst.idx.msk $0xffff, v5  }
0x67: {  	[tilespmem:v33+s18+$0x0] =	vst.idx.msk $0xffff, v7  }
0x68: {  	[tilespmem:v2+s18+$0x0] =	vst.idx.msk $0xffff, v9  }
0x69: {  	[tilespmem:v3+s18+$0x0] =	vst.idx.msk $0xffff, v11  }
0x6a: {  	[tilespmem:v34+s18+$0x0] =	vst.idx.msk $0xffff, v13  }
0x6b: {  	v2 =	vld [tilespmem:s30+$0xFFFFFD80]  }
0x6c: {  	v3 =	vld [tilespmem:s30+$0xFFFFFD90]  }
0x6d: {  	v35 =	vor.u32 $0x18, v1;
	v4 =	vld [tilespmem:s30+$0xFFFFFDA0]  }
0x6e: {  	v36 =	vor.u32 $0x19, v1;
	v5 =	vld [tilespmem:s30+$0xFFFFFDB0]  }
0x6f: {  	v37 =	vor.u32 $0x1A, v1;
	v7 =	vld [tilespmem:s30+$0xFFFFFDC0]  }
0x70: {  	v38 =	vor.u32 $0x1B, v1;
	v9 =	vld [tilespmem:s30+$0xFFFFFDD0]  }
0x71: {  	v39 =	vor.u32 $0x1C, v1;
	v11 =	vld [tilespmem:s30+$0xFFFFFDE0]  }
0x72: {  	v13 =	vld [tilespmem:s30+$0xFFFFFDF0];
	[tilespmem:v35+s18+$0x0] =	vst.idx.msk $0xffff, v2;
	v2 =	vor.u32 $0x1D, v1  }
0x73: {  	[tilespmem:v36+s18+$0x0] =	vst.idx.msk $0xffff, v3;
	v3 =	vor.u32 $0x1E, v1  }
0x74: {  	v40 =	vor.u32 $0x1F, v1;
	[tilespmem:v37+s18+$0x0] =	vst.idx.msk $0xffff, v4  }
0x75: {  	[tilespmem:v38+s18+$0x0] =	vst.idx.msk $0xffff, v5  }
0x76: {  	[tilespmem:v39+s18+$0x0] =	vst.idx.msk $0xffff, v7  }
0x77: {  	[tilespmem:v2+s18+$0x0] =	vst.idx.msk $0xffff, v9  }
0x78: {  	[tilespmem:v3+s18+$0x0] =	vst.idx.msk $0xffff, v11  }
0x79: {  	[tilespmem:v40+s18+$0x0] =	vst.idx.msk $0xffff, v13  }
0x7a: {  	v2 =	vld [tilespmem:s30+$0xFFFFFE00]  }
0x7b: {  	v3 =	vld [tilespmem:s30+$0xFFFFFE10]  }
0x7c: {  	v41 =	vor.u32 $0x20, v1;
	v4 =	vld [tilespmem:s30+$0xFFFFFE20]  }
0x7d: {  	v42 =	vor.u32 $0x21, v1;
	v5 =	vld [tilespmem:s30+$0xFFFFFE30]  }
0x7e: {  	v43 =	vor.u32 $0x22, v1;
	v7 =	vld [tilespmem:s30+$0xFFFFFE40]  }
0x7f: {  	v44 =	vor.u32 $0x23, v1;
	v9 =	vld [tilespmem:s30+$0xFFFFFE50]  }
0x80: {  	v45 =	vor.u32 $0x24, v1;
	v11 =	vld [tilespmem:s30+$0xFFFFFE60]  }
0x81: {  	v13 =	vld [tilespmem:s30+$0xFFFFFE70];
	[tilespmem:v41+s18+$0x0] =	vst.idx.msk $0xffff, v2;
	v2 =	vor.u32 $0x25, v1  }
0x82: {  	[tilespmem:v42+s18+$0x0] =	vst.idx.msk $0xffff, v3;
	v3 =	vor.u32 $0x26, v1  }
0x83: {  	v46 =	vor.u32 $0x27, v1;
	[tilespmem:v43+s18+$0x0] =	vst.idx.msk $0xffff, v4  }
0x84: {  	[tilespmem:v44+s18+$0x0] =	vst.idx.msk $0xffff, v5  }
0x85: {  	[tilespmem:v45+s18+$0x0] =	vst.idx.msk $0xffff, v7  }
0x86: {  	[tilespmem:v2+s18+$0x0] =	vst.idx.msk $0xffff, v9  }
0x87: {  	[tilespmem:v3+s18+$0x0] =	vst.idx.msk $0xffff, v11  }
0x88: {  	[tilespmem:v46+s18+$0x0] =	vst.idx.msk $0xffff, v13  }
0x89: {  	v2 =	vld [tilespmem:s30+$0xFFFFFE80]  }
0x8a: {  	v3 =	vld [tilespmem:s30+$0xFFFFFE90]  }
0x8b: {  	v47 =	vor.u32 $0x28, v1;
	v4 =	vld [tilespmem:s30+$0xFFFFFEA0]  }
0x8c: {  	v48 =	vor.u32 $0x29, v1;
	v5 =	vld [tilespmem:s30+$0xFFFFFEB0]  }
0x8d: {  	v49 =	vor.u32 $0x2A, v1;
	v7 =	vld [tilespmem:s30+$0xFFFFFEC0]  }
0x8e: {  	v50 =	vor.u32 $0x2B, v1;
	v9 =	vld [tilespmem:s30+$0xFFFFFED0]  }
0x8f: {  	v51 =	vor.u32 $0x2C, v1;
	v11 =	vld [tilespmem:s30+$0xFFFFFEE0]  }
0x90: {  	v13 =	vld [tilespmem:s30+$0xFFFFFEF0];
	[tilespmem:v47+s18+$0x0] =	vst.idx.msk $0xffff, v2;
	v2 =	vor.u32 $0x2D, v1  }
0x91: {  	[tilespmem:v48+s18+$0x0] =	vst.idx.msk $0xffff, v3;
	v3 =	vor.u32 $0x2E, v1  }
0x92: {  	v52 =	vor.u32 $0x2F, v1;
	[tilespmem:v49+s18+$0x0] =	vst.idx.msk $0xffff, v4  }
0x93: {  	[tilespmem:v50+s18+$0x0] =	vst.idx.msk $0xffff, v5  }
0x94: {  	[tilespmem:v51+s18+$0x0] =	vst.idx.msk $0xffff, v7  }
0x95: {  	[tilespmem:v2+s18+$0x0] =	vst.idx.msk $0xffff, v9  }
0x96: {  	[tilespmem:v3+s18+$0x0] =	vst.idx.msk $0xffff, v11  }
0x97: {  	[tilespmem:v52+s18+$0x0] =	vst.idx.msk $0xffff, v13  }
0x98: {  	v2 =	vld [tilespmem:s30+$0xFFFFFF00]  }
0x99: {  	v3 =	vld [tilespmem:s30+$0xFFFFFF10]  }
0x9a: {  	v53 =	vor.u32 $0x30, v1;
	v4 =	vld [tilespmem:s30+$0xFFFFFF20]  }
0x9b: {  	v54 =	vor.u32 $0x31, v1;
	v5 =	vld [tilespmem:s30+$0xFFFFFF30]  }
0x9c: {  	v55 =	vor.u32 $0x32, v1;
	v7 =	vld [tilespmem:s30+$0xFFFFFF40]  }
0x9d: {  	v56 =	vor.u32 $0x33, v1;
	v9 =	vld [tilespmem:s30+$0xFFFFFF50]  }
0x9e: {  	v57 =	vor.u32 $0x34, v1;
	v11 =	vld [tilespmem:s30+$0xFFFFFF60]  }
0x9f: {  	v13 =	vld [tilespmem:s30+$0xFFFFFF70];
	[tilespmem:v53+s18+$0x0] =	vst.idx.msk $0xffff, v2;
	v2 =	vor.u32 $0x35, v1  }
0xa0: {  	[tilespmem:v54+s18+$0x0] =	vst.idx.msk $0xffff, v3;
	v3 =	vor.u32 $0x36, v1  }
0xa1: {  	v58 =	vor.u32 $0x37, v1;
	[tilespmem:v55+s18+$0x0] =	vst.idx.msk $0xffff, v4  }
0xa2: {  	[tilespmem:v56+s18+$0x0] =	vst.idx.msk $0xffff, v5  }
0xa3: {  	[tilespmem:v57+s18+$0x0] =	vst.idx.msk $0xffff, v7  }
0xa4: {  	[tilespmem:v2+s18+$0x0] =	vst.idx.msk $0xffff, v9  }
0xa5: {  	[tilespmem:v3+s18+$0x0] =	vst.idx.msk $0xffff, v11  }
0xa6: {  	[tilespmem:v58+s18+$0x0] =	vst.idx.msk $0xffff, v13  }
0xa7: {  	v2 =	vld [tilespmem:s30+$0xFFFFFF80]  }
0xa8: {  	v3 =	vld [tilespmem:s30+$0xFFFFFF90]  }
0xa9: {  	v59 =	vor.u32 $0x38, v1;
	v4 =	vld [tilespmem:s30+$0xFFFFFFA0]  }
0xaa: {  	v60 =	vor.u32 $0x39, v1;
	v5 =	vld [tilespmem:s30+$0xFFFFFFB0]  }
0xab: {  	v61 =	vor.u32 $0x3A, v1;
	v7 =	vld [tilespmem:s30+$0xFFFFFFC0]  }
0xac: {  	v62 =	vor.u32 $0x3B, v1;
	v9 =	vld [tilespmem:s30+$0xFFFFFFD0]  }
0xad: {  	v63 =	vor.u32 $0x3C, v1;
	v11 =	vld [tilespmem:s30+$0xFFFFFFE0]  }
0xae: {  	v13 =	vld [tilespmem:s30+$0xFFFFFFF0];
	[tilespmem:v59+s18+$0x0] =	vst.idx.msk $0xffff, v2;
	v2 =	vor.u32 $0x3D, v1  }
0xaf: {  	[tilespmem:v60+s18+$0x0] =	vst.idx.msk $0xffff, v3;
	v3 =	vor.u32 $0x3E, v1  }
0xb0: {  	v16 =	vor.u32 $0x3F, v1;
	[tilespmem:v61+s18+$0x0] =	vst.idx.msk $0xffff, v4  }
0xb1: {  	[tilespmem:v62+s18+$0x0] =	vst.idx.msk $0xffff, v5  }
0xb2: {  	[tilespmem:v63+s18+$0x0] =	vst.idx.msk $0xffff, v7  }
0xb3: {  	[tilespmem:v2+s18+$0x0] =	vst.idx.msk $0xffff, v9  }
0xb4: {  	[tilespmem:v3+s18+$0x0] =	vst.idx.msk $0xffff, v11  }
0xb5: {  	[tilespmem:v16+s18+$0x0] =	vst.idx.msk $0xffff, v13  }
0xb6: {  	v2 =	vld [tilespmem:s30+$0x0]  }
0xb7: {  	v3 =	vld [tilespmem:s30+$0x10]  }
0xb8: {  	v17 =	vor.u32 $0x40, v1;
	v4 =	vld [tilespmem:s30+$0x20]  }
0xb9: {  	v18 =	vor.u32 $0x41, v1;
	v5 =	vld [tilespmem:s30+$0x30]  }
0xba: {  	v19 =	vor.u32 $0x42, v1;
	v7 =	vld [tilespmem:s30+$0x40]  }
0xbb: {  	v20 =	vor.u32 $0x43, v1;
	v9 =	vld [tilespmem:s30+$0x50]  }
0xbc: {  	v21 =	vor.u32 $0x44, v1;
	v11 =	vld [tilespmem:s30+$0x60]  }
0xbd: {  	v13 =	vld [tilespmem:s30+$0x70];
	[tilespmem:v17+s18+$0x0] =	vst.idx.msk $0xffff, v2;
	v2 =	vor.u32 $0x45, v1  }
0xbe: {  	[tilespmem:v18+s18+$0x0] =	vst.idx.msk $0xffff, v3;
	v3 =	vor.u32 $0x46, v1  }
0xbf: {  	v22 =	vor.u32 $0x47, v1;
	[tilespmem:v19+s18+$0x0] =	vst.idx.msk $0xffff, v4  }
0xc0: {  	[tilespmem:v20+s18+$0x0] =	vst.idx.msk $0xffff, v5  }
0xc1: {  	[tilespmem:v21+s18+$0x0] =	vst.idx.msk $0xffff, v7  }
0xc2: {  	[tilespmem:v2+s18+$0x0] =	vst.idx.msk $0xffff, v9  }
0xc3: {  	[tilespmem:v3+s18+$0x0] =	vst.idx.msk $0xffff, v11  }
0xc4: {  	[tilespmem:v22+s18+$0x0] =	vst.idx.msk $0xffff, v13  }
0xc5: {  	v2 =	vld [tilespmem:s30+$0x80]  }
0xc6: {  	v3 =	vld [tilespmem:s30+$0x90]  }
0xc7: {  	v23 =	vor.u32 $0x48, v1;
	v4 =	vld [tilespmem:s30+$0xA0]  }
0xc8: {  	v24 =	vor.u32 $0x49, v1;
	v5 =	vld [tilespmem:s30+$0xB0]  }
0xc9: {  	v25 =	vor.u32 $0x4A, v1;
	v7 =	vld [tilespmem:s30+$0xC0]  }
0xca: {  	v26 =	vor.u32 $0x4B, v1;
	v9 =	vld [tilespmem:s30+$0xD0]  }
0xcb: {  	v27 =	vor.u32 $0x4C, v1;
	v11 =	vld [tilespmem:s30+$0xE0]  }
0xcc: {  	v13 =	vld [tilespmem:s30+$0xF0];
	[tilespmem:v23+s18+$0x0] =	vst.idx.msk $0xffff, v2;
	v2 =	vor.u32 $0x4D, v1  }
0xcd: {  	[tilespmem:v24+s18+$0x0] =	vst.idx.msk $0xffff, v3;
	v3 =	vor.u32 $0x4E, v1  }
0xce: {  	v28 =	vor.u32 $0x4F, v1;
	[tilespmem:v25+s18+$0x0] =	vst.idx.msk $0xffff, v4  }
0xcf: {  	[tilespmem:v26+s18+$0x0] =	vst.idx.msk $0xffff, v5  }
0xd0: {  	[tilespmem:v27+s18+$0x0] =	vst.idx.msk $0xffff, v7  }
0xd1: {  	[tilespmem:v2+s18+$0x0] =	vst.idx.msk $0xffff, v9  }
0xd2: {  	[tilespmem:v3+s18+$0x0] =	vst.idx.msk $0xffff, v11  }
0xd3: {  	[tilespmem:v28+s18+$0x0] =	vst.idx.msk $0xffff, v13  }
0xd4: {  	v2 =	vld [tilespmem:s30+$0x100]  }
0xd5: {  	v3 =	vld [tilespmem:s30+$0x110]  }
0xd6: {  	v29 =	vor.u32 $0x50, v1;
	v4 =	vld [tilespmem:s30+$0x120]  }
0xd7: {  	v30 =	vor.u32 $0x51, v1;
	v5 =	vld [tilespmem:s30+$0x130]  }
0xd8: {  	v31 =	vor.u32 $0x52, v1;
	v7 =	vld [tilespmem:s30+$0x140]  }
0xd9: {  	v32 =	vor.u32 $0x53, v1;
	v9 =	vld [tilespmem:s30+$0x150]  }
0xda: {  	v33 =	vor.u32 $0x54, v1;
	v11 =	vld [tilespmem:s30+$0x160]  }
0xdb: {  	v13 =	vld [tilespmem:s30+$0x170];
	[tilespmem:v29+s18+$0x0] =	vst.idx.msk $0xffff, v2;
	v2 =	vor.u32 $0x55, v1  }
0xdc: {  	[tilespmem:v30+s18+$0x0] =	vst.idx.msk $0xffff, v3;
	v3 =	vor.u32 $0x56, v1  }
0xdd: {  	v34 =	vor.u32 $0x57, v1;
	[tilespmem:v31+s18+$0x0] =	vst.idx.msk $0xffff, v4  }
0xde: {  	[tilespmem:v32+s18+$0x0] =	vst.idx.msk $0xffff, v5  }
0xdf: {  	[tilespmem:v33+s18+$0x0] =	vst.idx.msk $0xffff, v7  }
0xe0: {  	[tilespmem:v2+s18+$0x0] =	vst.idx.msk $0xffff, v9  }
0xe1: {  	[tilespmem:v3+s18+$0x0] =	vst.idx.msk $0xffff, v11  }
0xe2: {  	[tilespmem:v34+s18+$0x0] =	vst.idx.msk $0xffff, v13  }
0xe3: {  	v2 =	vld [tilespmem:s30+$0x180]  }
0xe4: {  	v3 =	vld [tilespmem:s30+$0x190]  }
0xe5: {  	v35 =	vor.u32 $0x58, v1;
	v4 =	vld [tilespmem:s30+$0x1A0]  }
0xe6: {  	v36 =	vor.u32 $0x59, v1;
	v5 =	vld [tilespmem:s30+$0x1B0]  }
0xe7: {  	v37 =	vor.u32 $0x5A, v1;
	v7 =	vld [tilespmem:s30+$0x1C0]  }
0xe8: {  	v38 =	vor.u32 $0x5B, v1;
	v9 =	vld [tilespmem:s30+$0x1D0]  }
0xe9: {  	v39 =	vor.u32 $0x5C, v1;
	v11 =	vld [tilespmem:s30+$0x1E0]  }
0xea: {  	v13 =	vld [tilespmem:s30+$0x1F0];
	[tilespmem:v35+s18+$0x0] =	vst.idx.msk $0xffff, v2;
	v2 =	vor.u32 $0x5D, v1  }
0xeb: {  	[tilespmem:v36+s18+$0x0] =	vst.idx.msk $0xffff, v3;
	v3 =	vor.u32 $0x5E, v1  }
0xec: {  	v40 =	vor.u32 $0x5F, v1;
	[tilespmem:v37+s18+$0x0] =	vst.idx.msk $0xffff, v4  }
0xed: {  	[tilespmem:v38+s18+$0x0] =	vst.idx.msk $0xffff, v5  }
0xee: {  	[tilespmem:v39+s18+$0x0] =	vst.idx.msk $0xffff, v7  }
0xef: {  	[tilespmem:v2+s18+$0x0] =	vst.idx.msk $0xffff, v9  }
0xf0: {  	[tilespmem:v3+s18+$0x0] =	vst.idx.msk $0xffff, v11  }
0xf1: {  	[tilespmem:v40+s18+$0x0] =	vst.idx.msk $0xffff, v13  }
0xf2: {  	v2 =	vld [tilespmem:s30+$0x200]  }
0xf3: {  	v3 =	vld [tilespmem:s30+$0x210]  }
0xf4: {  	v41 =	vor.u32 $0x60, v1;
	v4 =	vld [tilespmem:s30+$0x220]  }
0xf5: {  	v42 =	vor.u32 $0x61, v1;
	v5 =	vld [tilespmem:s30+$0x230]  }
0xf6: {  	v43 =	vor.u32 $0x62, v1;
	v7 =	vld [tilespmem:s30+$0x240]  }
0xf7: {  	v44 =	vor.u32 $0x63, v1;
	v9 =	vld [tilespmem:s30+$0x250]  }
0xf8: {  	v45 =	vor.u32 $0x64, v1;
	v11 =	vld [tilespmem:s30+$0x260]  }
0xf9: {  	v13 =	vld [tilespmem:s30+$0x270];
	[tilespmem:v41+s18+$0x0] =	vst.idx.msk $0xffff, v2;
	v2 =	vor.u32 $0x65, v1  }
0xfa: {  	[tilespmem:v42+s18+$0x0] =	vst.idx.msk $0xffff, v3;
	v3 =	vor.u32 $0x66, v1  }
0xfb: {  	v46 =	vor.u32 $0x67, v1;
	[tilespmem:v43+s18+$0x0] =	vst.idx.msk $0xffff, v4  }
0xfc: {  	[tilespmem:v44+s18+$0x0] =	vst.idx.msk $0xffff, v5  }
0xfd: {  	[tilespmem:v45+s18+$0x0] =	vst.idx.msk $0xffff, v7  }
0xfe: {  	[tilespmem:v2+s18+$0x0] =	vst.idx.msk $0xffff, v9  }
0xff: {  	[tilespmem:v3+s18+$0x0] =	vst.idx.msk $0xffff, v11  }
0x100: {  	[tilespmem:v46+s18+$0x0] =	vst.idx.msk $0xffff, v13  }
0x101: {  	v2 =	vld [tilespmem:s30+$0x280]  }
0x102: {  	v3 =	vld [tilespmem:s30+$0x290]  }
0x103: {  	v47 =	vor.u32 $0x68, v1;
	v4 =	vld [tilespmem:s30+$0x2A0]  }
0x104: {  	v48 =	vor.u32 $0x69, v1;
	v5 =	vld [tilespmem:s30+$0x2B0]  }
0x105: {  	v49 =	vor.u32 $0x6A, v1;
	v7 =	vld [tilespmem:s30+$0x2C0]  }
0x106: {  	v50 =	vor.u32 $0x6B, v1;
	v9 =	vld [tilespmem:s30+$0x2D0]  }
0x107: {  	v51 =	vor.u32 $0x6C, v1;
	v11 =	vld [tilespmem:s30+$0x2E0]  }
0x108: {  	v13 =	vld [tilespmem:s30+$0x2F0];
	[tilespmem:v47+s18+$0x0] =	vst.idx.msk $0xffff, v2;
	v2 =	vor.u32 $0x6D, v1  }
0x109: {  	[tilespmem:v48+s18+$0x0] =	vst.idx.msk $0xffff, v3;
	v3 =	vor.u32 $0x6E, v1  }
0x10a: {  	v52 =	vor.u32 $0x6F, v1;
	[tilespmem:v49+s18+$0x0] =	vst.idx.msk $0xffff, v4  }
0x10b: {  	[tilespmem:v50+s18+$0x0] =	vst.idx.msk $0xffff, v5  }
0x10c: {  	[tilespmem:v51+s18+$0x0] =	vst.idx.msk $0xffff, v7  }
0x10d: {  	[tilespmem:v2+s18+$0x0] =	vst.idx.msk $0xffff, v9  }
0x10e: {  	[tilespmem:v3+s18+$0x0] =	vst.idx.msk $0xffff, v11  }
0x10f: {  	[tilespmem:v52+s18+$0x0] =	vst.idx.msk $0xffff, v13  }
0x110: {  	v2 =	vld [tilespmem:s30+$0x300]  }
0x111: {  	v3 =	vld [tilespmem:s30+$0x310]  }
0x112: {  	v53 =	vor.u32 $0x70, v1;
	v4 =	vld [tilespmem:s30+$0x320]  }
0x113: {  	v54 =	vor.u32 $0x71, v1;
	v5 =	vld [tilespmem:s30+$0x330]  }
0x114: {  	v55 =	vor.u32 $0x72, v1;
	v7 =	vld [tilespmem:s30+$0x340]  }
0x115: {  	v56 =	vor.u32 $0x73, v1;
	v9 =	vld [tilespmem:s30+$0x350]  }
0x116: {  	v57 =	vor.u32 $0x74, v1;
	v11 =	vld [tilespmem:s30+$0x360]  }
0x117: {  	v13 =	vld [tilespmem:s30+$0x370];
	[tilespmem:v53+s18+$0x0] =	vst.idx.msk $0xffff, v2;
	v2 =	vor.u32 $0x75, v1  }
0x118: {  	[tilespmem:v54+s18+$0x0] =	vst.idx.msk $0xffff, v3;
	v3 =	vor.u32 $0x76, v1  }
0x119: {  	v58 =	vor.u32 $0x77, v1;
	[tilespmem:v55+s18+$0x0] =	vst.idx.msk $0xffff, v4  }
0x11a: {  	[tilespmem:v56+s18+$0x0] =	vst.idx.msk $0xffff, v5  }
0x11b: {  	[tilespmem:v57+s18+$0x0] =	vst.idx.msk $0xffff, v7  }
0x11c: {  	[tilespmem:v2+s18+$0x0] =	vst.idx.msk $0xffff, v9  }
0x11d: {  	[tilespmem:v3+s18+$0x0] =	vst.idx.msk $0xffff, v11  }
0x11e: {  	[tilespmem:v58+s18+$0x0] =	vst.idx.msk $0xffff, v13  }
0x11f: {  	v2 =	vld [tilespmem:s30+$0x380]  }
0x120: {  	v3 =	vld [tilespmem:s30+$0x390]  }
0x121: {  	v59 =	vor.u32 $0x78, v1;
	v4 =	vld [tilespmem:s30+$0x3A0]  }
0x122: {  	v60 =	vor.u32 $0x79, v1;
	v5 =	vld [tilespmem:s30+$0x3B0]  }
0x123: {  	v61 =	vor.u32 $0x7A, v1;
	v7 =	vld [tilespmem:s30+$0x3C0]  }
0x124: {  	v62 =	vor.u32 $0x7B, v1;
	v9 =	vld [tilespmem:s30+$0x3D0]  }
0x125: {  	v63 =	vor.u32 $0x7C, v1;
	v11 =	vld [tilespmem:s30+$0x3E0]  }
0x126: {  	v13 =	vld [tilespmem:s30+$0x3F0];
	[tilespmem:v59+s18+$0x0] =	vst.idx.msk $0xffff, v2;
	v2 =	vor.u32 $0x7D, v1  }
0x127: {  	[tilespmem:v60+s18+$0x0] =	vst.idx.msk $0xffff, v3;
	v3 =	vor.u32 $0x7E, v1  }
0x128: {  	p2 =	sne.s32 s31, $0x38;
	v1 =	vor.u32 $0x7F, v1;
	[tilespmem:v61+s18+$0x0] =	vst.idx.msk $0xffff, v4  }
.Ltmp4:
0x129: {  	[tilespmem:v62+s18+$0x0] =	vst.idx.msk $0xffff, v5;
	(pc) =	sbr.rel @p2 .LBB2_4-.Ltmp4, $4  }
0x12a: {  	[tilespmem:v63+s18+$0x0] =	vst.idx.msk $0xffff, v7  }
0x12b: {  	[tilespmem:v2+s18+$0x0] =	vst.idx.msk $0xffff, v9  }
0x12c: {  	[tilespmem:v3+s18+$0x0] =	vst.idx.msk $0xffff, v11  }
0x12d: {  	s31 =	sadd.s32 $0x8, s31;
	s30 =	sadd.s32 $0x800, s30;
	[tilespmem:v1+s18+$0x0] =	vst.idx.msk $0xffff, v13  }
0x12e: {  	s30 =	sadd.s32 s26, s29  }
0x12f: {  	s31 =	sadd.s32 s2, s30  }
0x130: {  	[hbm4b:s31+s4] =	stream.linear.scatter [tilespmem:s18], [sflag:$0x3], $0x2000, $0x38;
	[tilespmem:$0x1C800] =	vst v63  }
0x131: {  	p2 =	seq.s32 s28, $0x18;
	s30 =	sadd.s32 s8, s30  }
0x132: {  	[hbm4b:s30+s4] =	stream.linear.scatter [tilespmem:s19], [sflag:$0x3], $0x2000, $0x38;
	[tilespmem:$0x1C800] =	vst v63  }
0x133: {  	s1 =	simm.s32 @!p2 $0xC800;
	s31 =	simm.s32 @!p2 $0x200;
	s30 =	sadd.s32 @!p2 $0x800, s29  }
0x134: {  	[tilespmem:s1], [sflag:$0x1] =	stream.indirect.gather @!p2 [hbm4b:s5+s31], $0x10, s30, s31, $0xb8;
	[tilespmem:$0x1C800] =	vst v63  }
0x135: {  	s1 =	sadd.s32 @!p2 $0xA00, s29;
	s30 =	simm.s32 @!p2 $0xE800  }
0x136: {  	[tilespmem:s30], [sflag:$0x1] =	stream.indirect.gather @!p2 [hbm4b:s5+s31], $0x10, s1, s31, $0xb8;
	[tilespmem:$0x1C800] =	vst v63  }
0x137: {  	_ =	swait.ge [sflag:s20], $0x2000  }
0x138: {  	[sflag:s20] =	ssyncset.done $0x0  }
0x139: {  	[sflag:s20] =	ssyncadd.s32 $0xFFFFE000  }
0x13a: {  	_ =	swait.ge [sflag:s20], $0x2000  }
0x13b: {  	[sflag:s20] =	ssyncset.done $0x0  }
0x13c: {  	s1 =	simm.s32 @!p1 $0x4;
	[sflag:s20] =	ssyncadd.s32 $0xFFFFE000  }
0x13d: {  	_ =	swait.ge @!p1 [sflag:s1], $0x2000  }
0x13e: {  	[sflag:s1] =	ssyncset.done @!p1 $0x0  }
0x13f: {  	[sflag:s1] =	ssyncadd.s32 @!p1 $0xFFFFE000  }
0x140: {  	_ =	swait.ge @!p1 [sflag:s1], $0x2000  }
0x141: {  	[sflag:s1] =	ssyncset.done @!p1 $0x0  }
0x142: {  	s30 =	simm.s32 $0x0;
	s31 =	simm.s32 $0x10C00;
	[sflag:s1] =	ssyncadd.s32 @!p1 $0xFFFFE000  }
.LBB2_6:
0x143: {  	v2 =	vld [tilespmem:s31+$0xFFFFFC00];
	v1 =	vmov s30  }
0x144: {  	v3 =	vld [tilespmem:s31+$0xFFFFFC10];
	v1 =	vshll.u32 v1, $0x7  }
0x145: {  	v4 =	vld [tilespmem:s31+$0xFFFFFC20];
	v1 =	vor.u32 v0, v1  }
0x146: {  	v5 =	vld [tilespmem:s31+$0xFFFFFC30];
	v7 =	vor.u32 $0x1, v1  }
0x147: {  	v6 =	vld [tilespmem:s31+$0xFFFFFC40];
	v9 =	vor.u32 $0x2, v1  }
0x148: {  	v8 =	vld [tilespmem:s31+$0xFFFFFC50];
	v11 =	vor.u32 $0x3, v1  }
0x149: {  	v10 =	vld [tilespmem:s31+$0xFFFFFC60];
	v13 =	vor.u32 $0x4, v1  }
0x14a: {  	v12 =	vld [tilespmem:s31+$0xFFFFFC70];
	[tilespmem:v1+s21+$0x0] =	vst.idx.msk $0xffff, v2;
	v2 =	vor.u32 $0x5, v1  }
0x14b: {  	[tilespmem:v7+s21+$0x0] =	vst.idx.msk $0xffff, v3;
	v3 =	vor.u32 $0x6, v1  }
0x14c: {  	v23 =	vor.u32 $0x7, v1;
	[tilespmem:v9+s21+$0x0] =	vst.idx.msk $0xffff, v4  }
0x14d: {  	[tilespmem:v11+s21+$0x0] =	vst.idx.msk $0xffff, v5  }
0x14e: {  	[tilespmem:v13+s21+$0x0] =	vst.idx.msk $0xffff, v6  }
0x14f: {  	[tilespmem:v2+s21+$0x0] =	vst.idx.msk $0xffff, v8  }
0x150: {  	[tilespmem:v3+s21+$0x0] =	vst.idx.msk $0xffff, v10  }
0x151: {  	[tilespmem:v23+s21+$0x0] =	vst.idx.msk $0xffff, v12  }
0x152: {  	v2 =	vld [tilespmem:s31+$0xFFFFFC80]  }
0x153: {  	v3 =	vld [tilespmem:s31+$0xFFFFFC90]  }
0x154: {  	v24 =	vor.u32 $0x8, v1;
	v4 =	vld [tilespmem:s31+$0xFFFFFCA0]  }
0x155: {  	v25 =	vor.u32 $0x9, v1;
	v5 =	vld [tilespmem:s31+$0xFFFFFCB0]  }
0x156: {  	v26 =	vor.u32 $0xA, v1;
	v7 =	vld [tilespmem:s31+$0xFFFFFCC0]  }
0x157: {  	v27 =	vor.u32 $0xB, v1;
	v9 =	vld [tilespmem:s31+$0xFFFFFCD0]  }
0x158: {  	v14 =	vor.u32 $0xC, v1;
	v11 =	vld [tilespmem:s31+$0xFFFFFCE0]  }
0x159: {  	v13 =	vld [tilespmem:s31+$0xFFFFFCF0];
	[tilespmem:v24+s21+$0x0] =	vst.idx.msk $0xffff, v2;
	v2 =	vor.u32 $0xD, v1  }
0x15a: {  	[tilespmem:v25+s21+$0x0] =	vst.idx.msk $0xffff, v3;
	v3 =	vor.u32 $0xE, v1  }
0x15b: {  	v28 =	vor.u32 $0xF, v1;
	[tilespmem:v26+s21+$0x0] =	vst.idx.msk $0xffff, v4  }
0x15c: {  	[tilespmem:v27+s21+$0x0] =	vst.idx.msk $0xffff, v5  }
0x15d: {  	[tilespmem:v14+s21+$0x0] =	vst.idx.msk $0xffff, v7  }
0x15e: {  	[tilespmem:v2+s21+$0x0] =	vst.idx.msk $0xffff, v9  }
0x15f: {  	[tilespmem:v3+s21+$0x0] =	vst.idx.msk $0xffff, v11  }
0x160: {  	[tilespmem:v28+s21+$0x0] =	vst.idx.msk $0xffff, v13  }
0x161: {  	v2 =	vld [tilespmem:s31+$0xFFFFFD00]  }
0x162: {  	v3 =	vld [tilespmem:s31+$0xFFFFFD10]  }
0x163: {  	v29 =	vor.u32 $0x10, v1;
	v4 =	vld [tilespmem:s31+$0xFFFFFD20]  }
0x164: {  	v30 =	vor.u32 $0x11, v1;
	v5 =	vld [tilespmem:s31+$0xFFFFFD30]  }
0x165: {  	v31 =	vor.u32 $0x12, v1;
	v7 =	vld [tilespmem:s31+$0xFFFFFD40]  }
0x166: {  	v32 =	vor.u32 $0x13, v1;
	v9 =	vld [tilespmem:s31+$0xFFFFFD50]  }
0x167: {  	v33 =	vor.u32 $0x14, v1;
	v11 =	vld [tilespmem:s31+$0xFFFFFD60]  }
0x168: {  	v13 =	vld [tilespmem:s31+$0xFFFFFD70];
	[tilespmem:v29+s21+$0x0] =	vst.idx.msk $0xffff, v2;
	v2 =	vor.u32 $0x15, v1  }
0x169: {  	[tilespmem:v30+s21+$0x0] =	vst.idx.msk $0xffff, v3;
	v3 =	vor.u32 $0x16, v1  }
0x16a: {  	v34 =	vor.u32 $0x17, v1;
	[tilespmem:v31+s21+$0x0] =	vst.idx.msk $0xffff, v4  }
0x16b: {  	[tilespmem:v32+s21+$0x0] =	vst.idx.msk $0xffff, v5  }
0x16c: {  	[tilespmem:v33+s21+$0x0] =	vst.idx.msk $0xffff, v7  }
0x16d: {  	[tilespmem:v2+s21+$0x0] =	vst.idx.msk $0xffff, v9  }
0x16e: {  	[tilespmem:v3+s21+$0x0] =	vst.idx.msk $0xffff, v11  }
0x16f: {  	[tilespmem:v34+s21+$0x0] =	vst.idx.msk $0xffff, v13  }
0x170: {  	v2 =	vld [tilespmem:s31+$0xFFFFFD80]  }
0x171: {  	v3 =	vld [tilespmem:s31+$0xFFFFFD90]  }
0x172: {  	v35 =	vor.u32 $0x18, v1;
	v4 =	vld [tilespmem:s31+$0xFFFFFDA0]  }
0x173: {  	v36 =	vor.u32 $0x19, v1;
	v5 =	vld [tilespmem:s31+$0xFFFFFDB0]  }
0x174: {  	v37 =	vor.u32 $0x1A, v1;
	v7 =	vld [tilespmem:s31+$0xFFFFFDC0]  }
0x175: {  	v38 =	vor.u32 $0x1B, v1;
	v9 =	vld [tilespmem:s31+$0xFFFFFDD0]  }
0x176: {  	v39 =	vor.u32 $0x1C, v1;
	v11 =	vld [tilespmem:s31+$0xFFFFFDE0]  }
0x177: {  	v13 =	vld [tilespmem:s31+$0xFFFFFDF0];
	[tilespmem:v35+s21+$0x0] =	vst.idx.msk $0xffff, v2;
	v2 =	vor.u32 $0x1D, v1  }
0x178: {  	[tilespmem:v36+s21+$0x0] =	vst.idx.msk $0xffff, v3;
	v3 =	vor.u32 $0x1E, v1  }
0x179: {  	v40 =	vor.u32 $0x1F, v1;
	[tilespmem:v37+s21+$0x0] =	vst.idx.msk $0xffff, v4  }
0x17a: {  	[tilespmem:v38+s21+$0x0] =	vst.idx.msk $0xffff, v5  }
0x17b: {  	[tilespmem:v39+s21+$0x0] =	vst.idx.msk $0xffff, v7  }
0x17c: {  	[tilespmem:v2+s21+$0x0] =	vst.idx.msk $0xffff, v9  }
0x17d: {  	[tilespmem:v3+s21+$0x0] =	vst.idx.msk $0xffff, v11  }
0x17e: {  	[tilespmem:v40+s21+$0x0] =	vst.idx.msk $0xffff, v13  }
0x17f: {  	v2 =	vld [tilespmem:s31+$0xFFFFFE00]  }
0x180: {  	v3 =	vld [tilespmem:s31+$0xFFFFFE10]  }
0x181: {  	v41 =	vor.u32 $0x20, v1;
	v4 =	vld [tilespmem:s31+$0xFFFFFE20]  }
0x182: {  	v42 =	vor.u32 $0x21, v1;
	v5 =	vld [tilespmem:s31+$0xFFFFFE30]  }
0x183: {  	v43 =	vor.u32 $0x22, v1;
	v7 =	vld [tilespmem:s31+$0xFFFFFE40]  }
0x184: {  	v44 =	vor.u32 $0x23, v1;
	v9 =	vld [tilespmem:s31+$0xFFFFFE50]  }
0x185: {  	v45 =	vor.u32 $0x24, v1;
	v11 =	vld [tilespmem:s31+$0xFFFFFE60]  }
0x186: {  	v13 =	vld [tilespmem:s31+$0xFFFFFE70];
	[tilespmem:v41+s21+$0x0] =	vst.idx.msk $0xffff, v2;
	v2 =	vor.u32 $0x25, v1  }
0x187: {  	[tilespmem:v42+s21+$0x0] =	vst.idx.msk $0xffff, v3;
	v3 =	vor.u32 $0x26, v1  }
0x188: {  	v46 =	vor.u32 $0x27, v1;
	[tilespmem:v43+s21+$0x0] =	vst.idx.msk $0xffff, v4  }
0x189: {  	[tilespmem:v44+s21+$0x0] =	vst.idx.msk $0xffff, v5  }
0x18a: {  	[tilespmem:v45+s21+$0x0] =	vst.idx.msk $0xffff, v7  }
0x18b: {  	[tilespmem:v2+s21+$0x0] =	vst.idx.msk $0xffff, v9  }
0x18c: {  	[tilespmem:v3+s21+$0x0] =	vst.idx.msk $0xffff, v11  }
0x18d: {  	[tilespmem:v46+s21+$0x0] =	vst.idx.msk $0xffff, v13  }
0x18e: {  	v2 =	vld [tilespmem:s31+$0xFFFFFE80]  }
0x18f: {  	v3 =	vld [tilespmem:s31+$0xFFFFFE90]  }
0x190: {  	v47 =	vor.u32 $0x28, v1;
	v4 =	vld [tilespmem:s31+$0xFFFFFEA0]  }
0x191: {  	v48 =	vor.u32 $0x29, v1;
	v5 =	vld [tilespmem:s31+$0xFFFFFEB0]  }
0x192: {  	v49 =	vor.u32 $0x2A, v1;
	v7 =	vld [tilespmem:s31+$0xFFFFFEC0]  }
0x193: {  	v50 =	vor.u32 $0x2B, v1;
	v9 =	vld [tilespmem:s31+$0xFFFFFED0]  }
0x194: {  	v51 =	vor.u32 $0x2C, v1;
	v11 =	vld [tilespmem:s31+$0xFFFFFEE0]  }
0x195: {  	v13 =	vld [tilespmem:s31+$0xFFFFFEF0];
	[tilespmem:v47+s21+$0x0] =	vst.idx.msk $0xffff, v2;
	v2 =	vor.u32 $0x2D, v1  }
0x196: {  	[tilespmem:v48+s21+$0x0] =	vst.idx.msk $0xffff, v3;
	v3 =	vor.u32 $0x2E, v1  }
0x197: {  	v52 =	vor.u32 $0x2F, v1;
	[tilespmem:v49+s21+$0x0] =	vst.idx.msk $0xffff, v4  }
0x198: {  	[tilespmem:v50+s21+$0x0] =	vst.idx.msk $0xffff, v5  }
0x199: {  	[tilespmem:v51+s21+$0x0] =	vst.idx.msk $0xffff, v7  }
0x19a: {  	[tilespmem:v2+s21+$0x0] =	vst.idx.msk $0xffff, v9  }
0x19b: {  	[tilespmem:v3+s21+$0x0] =	vst.idx.msk $0xffff, v11  }
0x19c: {  	[tilespmem:v52+s21+$0x0] =	vst.idx.msk $0xffff, v13  }
0x19d: {  	v2 =	vld [tilespmem:s31+$0xFFFFFF00]  }
0x19e: {  	v3 =	vld [tilespmem:s31+$0xFFFFFF10]  }
0x19f: {  	v53 =	vor.u32 $0x30, v1;
	v4 =	vld [tilespmem:s31+$0xFFFFFF20]  }
0x1a0: {  	v54 =	vor.u32 $0x31, v1;
	v5 =	vld [tilespmem:s31+$0xFFFFFF30]  }
0x1a1: {  	v55 =	vor.u32 $0x32, v1;
	v7 =	vld [tilespmem:s31+$0xFFFFFF40]  }
0x1a2: {  	v56 =	vor.u32 $0x33, v1;
	v9 =	vld [tilespmem:s31+$0xFFFFFF50]  }
0x1a3: {  	v57 =	vor.u32 $0x34, v1;
	v11 =	vld [tilespmem:s31+$0xFFFFFF60]  }
0x1a4: {  	v13 =	vld [tilespmem:s31+$0xFFFFFF70];
	[tilespmem:v53+s21+$0x0] =	vst.idx.msk $0xffff, v2;
	v2 =	vor.u32 $0x35, v1  }
0x1a5: {  	[tilespmem:v54+s21+$0x0] =	vst.idx.msk $0xffff, v3;
	v3 =	vor.u32 $0x36, v1  }
0x1a6: {  	v58 =	vor.u32 $0x37, v1;
	[tilespmem:v55+s21+$0x0] =	vst.idx.msk $0xffff, v4  }
0x1a7: {  	[tilespmem:v56+s21+$0x0] =	vst.idx.msk $0xffff, v5  }
0x1a8: {  	[tilespmem:v57+s21+$0x0] =	vst.idx.msk $0xffff, v7  }
0x1a9: {  	[tilespmem:v2+s21+$0x0] =	vst.idx.msk $0xffff, v9  }
0x1aa: {  	[tilespmem:v3+s21+$0x0] =	vst.idx.msk $0xffff, v11  }
0x1ab: {  	[tilespmem:v58+s21+$0x0] =	vst.idx.msk $0xffff, v13  }
0x1ac: {  	v2 =	vld [tilespmem:s31+$0xFFFFFF80]  }
0x1ad: {  	v3 =	vld [tilespmem:s31+$0xFFFFFF90]  }
0x1ae: {  	v59 =	vor.u32 $0x38, v1;
	v4 =	vld [tilespmem:s31+$0xFFFFFFA0]  }
0x1af: {  	v60 =	vor.u32 $0x39, v1;
	v5 =	vld [tilespmem:s31+$0xFFFFFFB0]  }
0x1b0: {  	v61 =	vor.u32 $0x3A, v1;
	v7 =	vld [tilespmem:s31+$0xFFFFFFC0]  }
0x1b1: {  	v62 =	vor.u32 $0x3B, v1;
	v9 =	vld [tilespmem:s31+$0xFFFFFFD0]  }
0x1b2: {  	v63 =	vor.u32 $0x3C, v1;
	v11 =	vld [tilespmem:s31+$0xFFFFFFE0]  }
0x1b3: {  	v13 =	vld [tilespmem:s31+$0xFFFFFFF0];
	[tilespmem:v59+s21+$0x0] =	vst.idx.msk $0xffff, v2;
	v2 =	vor.u32 $0x3D, v1  }
0x1b4: {  	[tilespmem:v60+s21+$0x0] =	vst.idx.msk $0xffff, v3;
	v3 =	vor.u32 $0x3E, v1  }
0x1b5: {  	v16 =	vor.u32 $0x3F, v1;
	[tilespmem:v61+s21+$0x0] =	vst.idx.msk $0xffff, v4  }
0x1b6: {  	[tilespmem:v62+s21+$0x0] =	vst.idx.msk $0xffff, v5  }
0x1b7: {  	[tilespmem:v63+s21+$0x0] =	vst.idx.msk $0xffff, v7  }
0x1b8: {  	[tilespmem:v2+s21+$0x0] =	vst.idx.msk $0xffff, v9  }
0x1b9: {  	[tilespmem:v3+s21+$0x0] =	vst.idx.msk $0xffff, v11  }
0x1ba: {  	[tilespmem:v16+s21+$0x0] =	vst.idx.msk $0xffff, v13  }
0x1bb: {  	v2 =	vld [tilespmem:s31+$0x0]  }
0x1bc: {  	v3 =	vld [tilespmem:s31+$0x10]  }
0x1bd: {  	v17 =	vor.u32 $0x40, v1;
	v4 =	vld [tilespmem:s31+$0x20]  }
0x1be: {  	v18 =	vor.u32 $0x41, v1;
	v5 =	vld [tilespmem:s31+$0x30]  }
0x1bf: {  	v19 =	vor.u32 $0x42, v1;
	v7 =	vld [tilespmem:s31+$0x40]  }
0x1c0: {  	v20 =	vor.u32 $0x43, v1;
	v9 =	vld [tilespmem:s31+$0x50]  }
0x1c1: {  	v21 =	vor.u32 $0x44, v1;
	v11 =	vld [tilespmem:s31+$0x60]  }
0x1c2: {  	v13 =	vld [tilespmem:s31+$0x70];
	[tilespmem:v17+s21+$0x0] =	vst.idx.msk $0xffff, v2;
	v2 =	vor.u32 $0x45, v1  }
0x1c3: {  	[tilespmem:v18+s21+$0x0] =	vst.idx.msk $0xffff, v3;
	v3 =	vor.u32 $0x46, v1  }
0x1c4: {  	v22 =	vor.u32 $0x47, v1;
	[tilespmem:v19+s21+$0x0] =	vst.idx.msk $0xffff, v4  }
0x1c5: {  	[tilespmem:v20+s21+$0x0] =	vst.idx.msk $0xffff, v5  }
0x1c6: {  	[tilespmem:v21+s21+$0x0] =	vst.idx.msk $0xffff, v7  }
0x1c7: {  	[tilespmem:v2+s21+$0x0] =	vst.idx.msk $0xffff, v9  }
0x1c8: {  	[tilespmem:v3+s21+$0x0] =	vst.idx.msk $0xffff, v11  }
0x1c9: {  	[tilespmem:v22+s21+$0x0] =	vst.idx.msk $0xffff, v13  }
0x1ca: {  	v2 =	vld [tilespmem:s31+$0x80]  }
0x1cb: {  	v3 =	vld [tilespmem:s31+$0x90]  }
0x1cc: {  	v23 =	vor.u32 $0x48, v1;
	v4 =	vld [tilespmem:s31+$0xA0]  }
0x1cd: {  	v24 =	vor.u32 $0x49, v1;
	v5 =	vld [tilespmem:s31+$0xB0]  }
0x1ce: {  	v25 =	vor.u32 $0x4A, v1;
	v7 =	vld [tilespmem:s31+$0xC0]  }
0x1cf: {  	v26 =	vor.u32 $0x4B, v1;
	v9 =	vld [tilespmem:s31+$0xD0]  }
0x1d0: {  	v27 =	vor.u32 $0x4C, v1;
	v11 =	vld [tilespmem:s31+$0xE0]  }
0x1d1: {  	v13 =	vld [tilespmem:s31+$0xF0];
	[tilespmem:v23+s21+$0x0] =	vst.idx.msk $0xffff, v2;
	v2 =	vor.u32 $0x4D, v1  }
0x1d2: {  	[tilespmem:v24+s21+$0x0] =	vst.idx.msk $0xffff, v3;
	v3 =	vor.u32 $0x4E, v1  }
0x1d3: {  	v28 =	vor.u32 $0x4F, v1;
	[tilespmem:v25+s21+$0x0] =	vst.idx.msk $0xffff, v4  }
0x1d4: {  	[tilespmem:v26+s21+$0x0] =	vst.idx.msk $0xffff, v5  }
0x1d5: {  	[tilespmem:v27+s21+$0x0] =	vst.idx.msk $0xffff, v7  }
0x1d6: {  	[tilespmem:v2+s21+$0x0] =	vst.idx.msk $0xffff, v9  }
0x1d7: {  	[tilespmem:v3+s21+$0x0] =	vst.idx.msk $0xffff, v11  }
0x1d8: {  	[tilespmem:v28+s21+$0x0] =	vst.idx.msk $0xffff, v13  }
0x1d9: {  	v2 =	vld [tilespmem:s31+$0x100]  }
0x1da: {  	v3 =	vld [tilespmem:s31+$0x110]  }
0x1db: {  	v29 =	vor.u32 $0x50, v1;
	v4 =	vld [tilespmem:s31+$0x120]  }
0x1dc: {  	v30 =	vor.u32 $0x51, v1;
	v5 =	vld [tilespmem:s31+$0x130]  }
0x1dd: {  	v31 =	vor.u32 $0x52, v1;
	v7 =	vld [tilespmem:s31+$0x140]  }
0x1de: {  	v32 =	vor.u32 $0x53, v1;
	v9 =	vld [tilespmem:s31+$0x150]  }
0x1df: {  	v33 =	vor.u32 $0x54, v1;
	v11 =	vld [tilespmem:s31+$0x160]  }
0x1e0: {  	v13 =	vld [tilespmem:s31+$0x170];
	[tilespmem:v29+s21+$0x0] =	vst.idx.msk $0xffff, v2;
	v2 =	vor.u32 $0x55, v1  }
0x1e1: {  	[tilespmem:v30+s21+$0x0] =	vst.idx.msk $0xffff, v3;
	v3 =	vor.u32 $0x56, v1  }
0x1e2: {  	v34 =	vor.u32 $0x57, v1;
	[tilespmem:v31+s21+$0x0] =	vst.idx.msk $0xffff, v4  }
0x1e3: {  	[tilespmem:v32+s21+$0x0] =	vst.idx.msk $0xffff, v5  }
0x1e4: {  	[tilespmem:v33+s21+$0x0] =	vst.idx.msk $0xffff, v7  }
0x1e5: {  	[tilespmem:v2+s21+$0x0] =	vst.idx.msk $0xffff, v9  }
0x1e6: {  	[tilespmem:v3+s21+$0x0] =	vst.idx.msk $0xffff, v11  }
0x1e7: {  	[tilespmem:v34+s21+$0x0] =	vst.idx.msk $0xffff, v13  }
0x1e8: {  	v2 =	vld [tilespmem:s31+$0x180]  }
0x1e9: {  	v3 =	vld [tilespmem:s31+$0x190]  }
0x1ea: {  	v35 =	vor.u32 $0x58, v1;
	v4 =	vld [tilespmem:s31+$0x1A0]  }
0x1eb: {  	v36 =	vor.u32 $0x59, v1;
	v5 =	vld [tilespmem:s31+$0x1B0]  }
0x1ec: {  	v37 =	vor.u32 $0x5A, v1;
	v7 =	vld [tilespmem:s31+$0x1C0]  }
0x1ed: {  	v38 =	vor.u32 $0x5B, v1;
	v9 =	vld [tilespmem:s31+$0x1D0]  }
0x1ee: {  	v39 =	vor.u32 $0x5C, v1;
	v11 =	vld [tilespmem:s31+$0x1E0]  }
0x1ef: {  	v13 =	vld [tilespmem:s31+$0x1F0];
	[tilespmem:v35+s21+$0x0] =	vst.idx.msk $0xffff, v2;
	v2 =	vor.u32 $0x5D, v1  }
0x1f0: {  	[tilespmem:v36+s21+$0x0] =	vst.idx.msk $0xffff, v3;
	v3 =	vor.u32 $0x5E, v1  }
0x1f1: {  	v40 =	vor.u32 $0x5F, v1;
	[tilespmem:v37+s21+$0x0] =	vst.idx.msk $0xffff, v4  }
0x1f2: {  	[tilespmem:v38+s21+$0x0] =	vst.idx.msk $0xffff, v5  }
0x1f3: {  	[tilespmem:v39+s21+$0x0] =	vst.idx.msk $0xffff, v7  }
0x1f4: {  	[tilespmem:v2+s21+$0x0] =	vst.idx.msk $0xffff, v9  }
0x1f5: {  	[tilespmem:v3+s21+$0x0] =	vst.idx.msk $0xffff, v11  }
0x1f6: {  	[tilespmem:v40+s21+$0x0] =	vst.idx.msk $0xffff, v13  }
0x1f7: {  	v2 =	vld [tilespmem:s31+$0x200]  }
0x1f8: {  	v3 =	vld [tilespmem:s31+$0x210]  }
0x1f9: {  	v41 =	vor.u32 $0x60, v1;
	v4 =	vld [tilespmem:s31+$0x220]  }
0x1fa: {  	v42 =	vor.u32 $0x61, v1;
	v5 =	vld [tilespmem:s31+$0x230]  }
0x1fb: {  	v43 =	vor.u32 $0x62, v1;
	v7 =	vld [tilespmem:s31+$0x240]  }
0x1fc: {  	v44 =	vor.u32 $0x63, v1;
	v9 =	vld [tilespmem:s31+$0x250]  }
0x1fd: {  	v45 =	vor.u32 $0x64, v1;
	v11 =	vld [tilespmem:s31+$0x260]  }
0x1fe: {  	v13 =	vld [tilespmem:s31+$0x270];
	[tilespmem:v41+s21+$0x0] =	vst.idx.msk $0xffff, v2;
	v2 =	vor.u32 $0x65, v1  }
0x1ff: {  	[tilespmem:v42+s21+$0x0] =	vst.idx.msk $0xffff, v3;
	v3 =	vor.u32 $0x66, v1  }
0x200: {  	v46 =	vor.u32 $0x67, v1;
	[tilespmem:v43+s21+$0x0] =	vst.idx.msk $0xffff, v4  }
0x201: {  	[tilespmem:v44+s21+$0x0] =	vst.idx.msk $0xffff, v5  }
0x202: {  	[tilespmem:v45+s21+$0x0] =	vst.idx.msk $0xffff, v7  }
0x203: {  	[tilespmem:v2+s21+$0x0] =	vst.idx.msk $0xffff, v9  }
0x204: {  	[tilespmem:v3+s21+$0x0] =	vst.idx.msk $0xffff, v11  }
0x205: {  	[tilespmem:v46+s21+$0x0] =	vst.idx.msk $0xffff, v13  }
0x206: {  	v2 =	vld [tilespmem:s31+$0x280]  }
0x207: {  	v3 =	vld [tilespmem:s31+$0x290]  }
0x208: {  	v47 =	vor.u32 $0x68, v1;
	v4 =	vld [tilespmem:s31+$0x2A0]  }
0x209: {  	v48 =	vor.u32 $0x69, v1;
	v5 =	vld [tilespmem:s31+$0x2B0]  }
0x20a: {  	v49 =	vor.u32 $0x6A, v1;
	v7 =	vld [tilespmem:s31+$0x2C0]  }
0x20b: {  	v50 =	vor.u32 $0x6B, v1;
	v9 =	vld [tilespmem:s31+$0x2D0]  }
0x20c: {  	v51 =	vor.u32 $0x6C, v1;
	v11 =	vld [tilespmem:s31+$0x2E0]  }
0x20d: {  	v13 =	vld [tilespmem:s31+$0x2F0];
	[tilespmem:v47+s21+$0x0] =	vst.idx.msk $0xffff, v2;
	v2 =	vor.u32 $0x6D, v1  }
0x20e: {  	[tilespmem:v48+s21+$0x0] =	vst.idx.msk $0xffff, v3;
	v3 =	vor.u32 $0x6E, v1  }
0x20f: {  	v52 =	vor.u32 $0x6F, v1;
	[tilespmem:v49+s21+$0x0] =	vst.idx.msk $0xffff, v4  }
0x210: {  	[tilespmem:v50+s21+$0x0] =	vst.idx.msk $0xffff, v5  }
0x211: {  	[tilespmem:v51+s21+$0x0] =	vst.idx.msk $0xffff, v7  }
0x212: {  	[tilespmem:v2+s21+$0x0] =	vst.idx.msk $0xffff, v9  }
0x213: {  	[tilespmem:v3+s21+$0x0] =	vst.idx.msk $0xffff, v11  }
0x214: {  	[tilespmem:v52+s21+$0x0] =	vst.idx.msk $0xffff, v13  }
0x215: {  	v2 =	vld [tilespmem:s31+$0x300]  }
0x216: {  	v3 =	vld [tilespmem:s31+$0x310]  }
0x217: {  	v53 =	vor.u32 $0x70, v1;
	v4 =	vld [tilespmem:s31+$0x320]  }
0x218: {  	v54 =	vor.u32 $0x71, v1;
	v5 =	vld [tilespmem:s31+$0x330]  }
0x219: {  	v55 =	vor.u32 $0x72, v1;
	v7 =	vld [tilespmem:s31+$0x340]  }
0x21a: {  	v56 =	vor.u32 $0x73, v1;
	v9 =	vld [tilespmem:s31+$0x350]  }
0x21b: {  	v57 =	vor.u32 $0x74, v1;
	v11 =	vld [tilespmem:s31+$0x360]  }
0x21c: {  	v13 =	vld [tilespmem:s31+$0x370];
	[tilespmem:v53+s21+$0x0] =	vst.idx.msk $0xffff, v2;
	v2 =	vor.u32 $0x75, v1  }
0x21d: {  	[tilespmem:v54+s21+$0x0] =	vst.idx.msk $0xffff, v3;
	v3 =	vor.u32 $0x76, v1  }
0x21e: {  	v58 =	vor.u32 $0x77, v1;
	[tilespmem:v55+s21+$0x0] =	vst.idx.msk $0xffff, v4  }
0x21f: {  	[tilespmem:v56+s21+$0x0] =	vst.idx.msk $0xffff, v5  }
0x220: {  	[tilespmem:v57+s21+$0x0] =	vst.idx.msk $0xffff, v7  }
0x221: {  	[tilespmem:v2+s21+$0x0] =	vst.idx.msk $0xffff, v9  }
0x222: {  	[tilespmem:v3+s21+$0x0] =	vst.idx.msk $0xffff, v11  }
0x223: {  	[tilespmem:v58+s21+$0x0] =	vst.idx.msk $0xffff, v13  }
0x224: {  	v2 =	vld [tilespmem:s31+$0x380]  }
0x225: {  	v3 =	vld [tilespmem:s31+$0x390]  }
0x226: {  	v59 =	vor.u32 $0x78, v1;
	v4 =	vld [tilespmem:s31+$0x3A0]  }
0x227: {  	v60 =	vor.u32 $0x79, v1;
	v5 =	vld [tilespmem:s31+$0x3B0]  }
0x228: {  	v61 =	vor.u32 $0x7A, v1;
	v7 =	vld [tilespmem:s31+$0x3C0]  }
0x229: {  	v62 =	vor.u32 $0x7B, v1;
	v9 =	vld [tilespmem:s31+$0x3D0]  }
0x22a: {  	v63 =	vor.u32 $0x7C, v1;
	v11 =	vld [tilespmem:s31+$0x3E0]  }
0x22b: {  	v13 =	vld [tilespmem:s31+$0x3F0];
	[tilespmem:v59+s21+$0x0] =	vst.idx.msk $0xffff, v2;
	v2 =	vor.u32 $0x7D, v1  }
0x22c: {  	[tilespmem:v60+s21+$0x0] =	vst.idx.msk $0xffff, v3;
	v3 =	vor.u32 $0x7E, v1  }
0x22d: {  	p1 =	sne.s32 s30, $0x38;
	v1 =	vor.u32 $0x7F, v1;
	[tilespmem:v61+s21+$0x0] =	vst.idx.msk $0xffff, v4  }
.Ltmp5:
0x22e: {  	[tilespmem:v62+s21+$0x0] =	vst.idx.msk $0xffff, v5;
	(pc) =	sbr.rel @p1 .LBB2_6-.Ltmp5, $4  }
0x22f: {  	[tilespmem:v63+s21+$0x0] =	vst.idx.msk $0xffff, v7  }
0x230: {  	[tilespmem:v2+s21+$0x0] =	vst.idx.msk $0xffff, v9  }
0x231: {  	[tilespmem:v3+s21+$0x0] =	vst.idx.msk $0xffff, v11  }
0x232: {  	s30 =	sadd.s32 $0x8, s30;
	s31 =	sadd.s32 $0x800, s31;
	[tilespmem:v1+s21+$0x0] =	vst.idx.msk $0xffff, v13  }
0x233: {  	s1 =	sadd.s32 s29, s26  }
.Ltmp6:
0x234: {  	s1 =	sadd.s32 $0x400, s1;
	(pc) =	sbr.rel @p2 .LBB2_9-.Ltmp6, $4  }
0x235: {  	s30 =	sadd.s32 s2, s1  }
0x236: {  	[hbm4b:s30+s4] =	stream.linear.scatter [tilespmem:s21], [sflag:$0x4], $0x2000, $0x38;
	[tilespmem:$0x1C800] =	vst v63  }
0x237: {  	s1 =	sadd.s32 s8, s1  }
0x238: {  	[hbm4b:s1+s4] =	stream.linear.scatter [tilespmem:s22], [sflag:$0x4], $0x2000, $0x38;
	[tilespmem:$0x1C800] =	vst v63  }
.Ltmp7:
0x239: {  	(pc) =	sbr.rel .LBB2_3-.Ltmp7, $4  }
0x23a: {  	s1 =	sadd.s32 $0xC00, s29  }
0x23b: {  	[tilespmem:s14], [sflag:$0x2] =	stream.indirect.gather [hbm4b:s5+s10], $0x10, s1, s10, $0xb8;
	[tilespmem:$0x1C800] =	vst v63  }
0x23c: {  	s31 =	sadd.s32 $0xE00, s29;
	s28 =	sadd.s32 $0x1, s28  }
0x23d: {  	[tilespmem:s16], [sflag:$0x2] =	stream.indirect.gather [hbm4b:s5+s10], $0x10, s31, s10, $0xb8;
	[tilespmem:$0x1C800] =	vst v63  }
.LBB2_11:
0x23e: {  	_ =	sfence.sel $0x180000  }
0x23f: {  	[bflag:$0x0] =	sbarrier.arrive $0xFFFF  }
0x240: {  	_ =	strace $0x90000047  }
0x241: {  	[bflag:$0x2] =	sbarrier.arrive $0xFFFF  }
0x242: {  	p0 =	sne.s32 s3, $0x0;
	s0 =	rddreg [dreg:$0x3]  }
0x243: {  	s0 =	sadd.s32 @!p0 $0x100000, s0  }
0x244: {  	[sflag:s0] =	ssyncadd.tile.s32 @!p0 $0x1;
	_ =	shalt  }
.Lfunc_end2:
_tile_overlayer_lowered:
.L_overlay_start_2:
0x245: {  	(tag) =	ssettag $0x2  }
0x246: {  	s0 =	rddreg [dreg:$0x0];
	s2 =	stileid.u32  }
0x247: {  	s1 =	rddreg [dreg:$0x1];
	p0 =	sne.s32 s2, $0x0  }
0x248: {  	s3 =	rddreg [dreg:$0x2];
	[bflag:$0x3] =	sbarrier.arrive $0xFFFF;
	s2 =	simm.s32 @!p0 $0x1C05  }
0x249: {  	[timem:s3], [sflag:s2] =	dma.local @!p0 [hbm:s0], s1  }
0x24a: {  	s0 =	simm.s32 @!p0 $0x5  }
0x24b: {  	_ =	swait.ge @!p0 [sflag:s0], s1  }
0x24c: {  	s1 =	ssub.s32 @!p0 $0x0, s1;
	[sflag:s0] =	ssyncset.done @!p0 $0x0  }
0x24d: {  	[sflag:s0] =	ssyncadd.s32 @!p0 s1  }
0x24e: {  	[bflag:$0x3] =	sbarrier.arrive $0xFFFF  }
0x24f: {  	_ =	shalt  }

</sc_bundles>
